<compile_context>
chip_gen: v7x
topology: tpu7x:2x2x1
jax: 0.10.2.dev20260603
libtpu: 0.0.44.dev20260713+nightly
codegen_flags: <defaults>
</compile_context>

<pallas_src>
import functools

import jax
import jax.numpy as jnp
from jax import lax
from jax.experimental import pallas as pl
from jax.experimental.pallas import tpu as pltpu
from jax.experimental.pallas import tpu_sc as plsc

N = 10000
E = 160000
D = 256
H = 128
NC = 2
NS = 16
EPW = E // NS
CH = 128
CHC = 128
EPP = 10240
NCHP = EPP // CH
NCHC = EPP // CHC
CPP = 40
NPASS = NCHP // CPP
NBUF = 2
LAG = NBUF // 2
ZB = 32
ACC_R = 10008
DUMMY = 10000
RO = 624
RMM = 1000


def _mm_body(x_ref, wts_ref, wt1_ref, wt2_ref, bs_ref, base_ref, h1_ref, h2_ref):
    x = x_ref[...]
    base_ref[...] = (
        jnp.dot(x, wts_ref[...], preferred_element_type=jnp.float32) + bs_ref[...]
    )
    p1 = jnp.dot(x, wt1_ref[...], preferred_element_type=jnp.float32)
    h1_ref[0] = p1[:, :H]
    h1_ref[1] = p1[:, H:]
    p2 = jnp.dot(x, wt2_ref[...], preferred_element_type=jnp.float32)
    h2_ref[0] = p2[:, :H]
    h2_ref[1] = p2[:, H:]


def _tc_matmuls(x, wts, wt1, wt2, bs):
    grid = (N // RMM,)
    return pl.pallas_call(
        _mm_body,
        grid=grid,
        in_specs=[
            pl.BlockSpec((RMM, D), lambda i: (i, 0)),
            pl.BlockSpec((D, D), lambda i: (0, 0)),
            pl.BlockSpec((D, D), lambda i: (0, 0)),
            pl.BlockSpec((D, D), lambda i: (0, 0)),
            pl.BlockSpec((1, D), lambda i: (0, 0)),
        ],
        out_specs=[
            pl.BlockSpec((RMM, D), lambda i: (i, 0)),
            pl.BlockSpec((2, RMM, H), lambda i: (0, i, 0)),
            pl.BlockSpec((2, RMM, H), lambda i: (0, i, 0)),
        ],
        out_shape=[
            jax.ShapeDtypeStruct((N, D), jnp.float32),
            jax.ShapeDtypeStruct((2, N, H), jnp.float32),
            jax.ShapeDtypeStruct((2, N, H), jnp.float32),
        ],
    )(x, wts, wt1, wt2, bs)


def _zero_fill(buf):
    @pl.loop(0, ZB)
    def _(i):
        @pl.loop(0, H, step=16)
        def _(j):
            buf[i, pl.ds(j, 16)] = jnp.zeros((16,), jnp.float32)


def _zero_own_slice(acc, zsrc, s, sem):
    base = s * RO

    @pl.loop(0, 19)
    def _(k):
        pltpu.async_copy(zsrc.at[pl.ds(0, ZB)], acc.at[pl.ds(base + k * ZB, ZB)], sem)

    pltpu.async_copy(zsrc.at[pl.ds(0, 16)], acc.at[pl.ds(base + 608, 16)], sem)

    @pl.when(s == 0)
    def _():
        pltpu.async_copy(zsrc.at[pl.ds(0, 16)], acc.at[pl.ds(NS * RO, 16)], sem)

    @pl.loop(0, 19)
    def _(k):
        pltpu.make_async_copy(
            zsrc.at[pl.ds(0, ZB)], acc.at[pl.ds(base + k * ZB, ZB)], sem
        ).wait()

    pltpu.make_async_copy(
        zsrc.at[pl.ds(0, 16)], acc.at[pl.ds(base + 608, 16)], sem
    ).wait()

    @pl.when(s == 0)
    def _():
        pltpu.make_async_copy(
            zsrc.at[pl.ds(0, 16)], acc.at[pl.ds(NS * RO, 16)], sem
        ).wait()


def _read_out_slice(acc, out_hbm, c, s):
    pltpu.sync_copy(
        acc.at[pl.ds(s * RO, RO)], out_hbm.at[pl.ds(c * N + s * RO, RO)]
    )

    @pl.when(s == 0)
    def _():
        pltpu.sync_copy(
            acc.at[pl.ds(NS * RO, 16)], out_hbm.at[pl.ds(c * N + NS * RO, 16)]
        )


def _sc_counts(src_s, dst_s):
    mesh = plsc.VectorSubcoreMesh(core_axis_name="c", subcore_axis_name="s")

    @functools.partial(
        pl.kernel,
        out_type=jax.ShapeDtypeStruct((NC * N, H), jnp.float32),
        mesh=mesh,
        scratch_types=[
            pltpu.VMEM_SHARED((ACC_R, H), jnp.float32),
            pltpu.VMEM((CHC, H), jnp.float32),
            pltpu.VMEM((NCHC, CHC), jnp.int32),
            pltpu.VMEM((ZB, H), jnp.float32),
            pltpu.SemaphoreType.DMA,
        ],
    )
    def body(src_hbm, dst_hbm, cnt_hbm, cacc, ones_v, cidx, zsrc, csem):
        c = lax.axis_index("c")
        s = lax.axis_index("s")

        @pl.loop(0, CHC)
        def _(i):
            @pl.loop(0, H, step=16)
            def _(j):
                ones_v[i, pl.ds(j, 16)] = jnp.ones((16,), jnp.float32)

        _zero_fill(zsrc)
        _zero_own_slice(cacc, zsrc, s, csem)

        @pl.when(c == 0)
        def _():
            pltpu.sync_copy(dst_hbm.at[s], cidx)

        @pl.when(c == 1)
        def _():
            pltpu.sync_copy(src_hbm.at[s], cidx)

        plsc.subcore_barrier()

        @pl.loop(0, NCHC // 8)
        def _(r):
            for b in range(8):
                k = r * 8 + b
                pltpu.async_copy(ones_v, cacc.at[cidx.at[k]], csem, add=True)

        @pl.loop(0, NCHC // 8)
        def _(r):
            for b in range(8):
                k = r * 8 + b
                pltpu.make_async_copy(ones_v, cacc.at[cidx.at[k]], csem).wait()

        plsc.subcore_barrier()
        _read_out_slice(cacc, cnt_hbm, c, s)

    return body(src_s, dst_s)


def _sc_aggregate(h1f, h2f, src_g, src_s, dst_g, dst_s):
    mesh = plsc.VectorSubcoreMesh(core_axis_name="c", subcore_axis_name="s")

    @functools.partial(
        pl.kernel,
        out_type=[
            jax.ShapeDtypeStruct((NC * N, H), jnp.float32),
            jax.ShapeDtypeStruct((NC * N, H), jnp.float32),
        ],
        mesh=mesh,
        scratch_types=[
            pltpu.VMEM_SHARED((ACC_R, H), jnp.float32),
            pltpu.VMEM((CPP, CH), jnp.int32),
            pltpu.VMEM((CPP, CH), jnp.int32),
            pltpu.VMEM((NBUF, CH, H), jnp.float32),
            pltpu.SemaphoreType.DMA,
            pltpu.SemaphoreType.DMA,
        ],
    )
    def body(h1_hbm, h2_hbm, sg_hbm, ss_hbm, dg_hbm, ds_hbm, s1_hbm, s2_hbm,
             acc, gidx, sidx, rows, gsem, ssem):
        c = lax.axis_index("c")
        s = lax.axis_index("s")
        rowoff = c * N
        zsrc = rows.at[0]

        _zero_fill(zsrc)
        _zero_own_slice(acc, zsrc, s, gsem)
        plsc.subcore_barrier()

        def run_pass(g_hbm, s_hbm, h_hbm, p):
            pltpu.sync_copy(g_hbm.at[s, pl.ds(p * CPP, CPP)], gidx)
            pltpu.sync_copy(s_hbm.at[s, pl.ds(p * CPP, CPP)], sidx)

            @pl.loop(0, CPP)
            def _(k):
                for j in range(CH // 16):
                    gidx[k, pl.ds(j * 16, 16)] = gidx[k, pl.ds(j * 16, 16)] + rowoff

            for b in range(NBUF):
                pltpu.async_copy(h_hbm.at[gidx.at[b]], rows.at[b], gsem)

            @pl.loop(0, CPP // NBUF)
            def _(r):
                for b in range(NBUF):
                    k = r * NBUF + b
                    pltpu.make_async_copy(
                        h_hbm.at[gidx.at[k]], rows.at[b], gsem
                    ).wait()
                    pltpu.async_copy(
                        rows.at[b], acc.at[sidx.at[k]], ssem, add=True
                    )

                    @pl.when(r < CPP // NBUF - 1)
                    def _():
                        pltpu.make_async_copy(
                            rows.at[b], acc.at[sidx.at[k]], ssem
                        ).wait()
                        pltpu.async_copy(
                            h_hbm.at[gidx.at[k + NBUF]], rows.at[b], gsem
                        )

            for b in range(NBUF):
                k = CPP - NBUF + b
                pltpu.make_async_copy(rows.at[b], acc.at[sidx.at[k]], ssem).wait()

        def run_direction(g_hbm, s_hbm, h_hbm, out_hbm):
            for p in range(NPASS):
                run_pass(g_hbm, s_hbm, h_hbm, p)
            plsc.subcore_barrier()
            _read_out_slice(acc, out_hbm, c, s)
            _zero_fill(zsrc)
            _zero_own_slice(acc, zsrc, s, gsem)
            plsc.subcore_barrier()

        run_direction(sg_hbm, ds_hbm, h1_hbm, s1_hbm)
        run_direction(dg_hbm, ss_hbm, h2_hbm, s2_hbm)

    return body(h1f, h2f, src_g, src_s, dst_g, dst_s)


def _combine_body(base_ref, s1_ref, s2_ref, cnt_ref, b1_ref, b2_ref, a_ref, out_ref):
    a = a_ref[0, 0]
    cin = jnp.maximum(cnt_ref[0, :, 0:1], 1.0)
    cout = jnp.maximum(cnt_ref[1, :, 0:1], 1.0)
    m1 = jnp.concatenate([s1_ref[0], s1_ref[1]], axis=1) / cin
    m2 = jnp.concatenate([s2_ref[0], s2_ref[1]], axis=1) / cout
    out_ref[...] = (
        base_ref[...]
        + (1.0 - a) * (m1 + b1_ref[...])
        + a * (m2 + b2_ref[...])
    )


def _tc_combine(base, s1, s2, cnt, b1, b2, a_arr):
    grid = (N // RMM,)
    return pl.pallas_call(
        _combine_body,
        grid=grid,
        in_specs=[
            pl.BlockSpec((RMM, D), lambda i: (i, 0)),
            pl.BlockSpec((2, RMM, H), lambda i: (0, i, 0)),
            pl.BlockSpec((2, RMM, H), lambda i: (0, i, 0)),
            pl.BlockSpec((2, RMM, H), lambda i: (0, i, 0)),
            pl.BlockSpec((1, D), lambda i: (0, 0)),
            pl.BlockSpec((1, D), lambda i: (0, 0)),
            pl.BlockSpec((1, 1), lambda i: (0, 0)),
        ],
        out_specs=pl.BlockSpec((RMM, D), lambda i: (i, 0)),
        out_shape=jax.ShapeDtypeStruct((N, D), jnp.float32),
    )(base, s1, s2, cnt, b1, b2, a_arr)


def _pad_idx(idx, fill, ch):
    rows = idx.reshape(NS, EPW)
    pad = jnp.full((NS, EPP - EPW), fill, jnp.int32)
    return jnp.concatenate([rows, pad], axis=1).reshape(NS, EPP // ch, ch)


def kernel(x, edge_index, W_s2d, b_s2d, W_d2s, b_d2s, W_self, b_self, alpha):
    edges = edge_index.astype(jnp.int32)
    src = edges[0]
    dst = edges[1]
    src_g = _pad_idx(src, 0, CH)
    src_s = _pad_idx(src, DUMMY, CH)
    dst_g = _pad_idx(dst, 0, CH)
    dst_s = _pad_idx(dst, DUMMY, CH)
    src_sc = _pad_idx(src, DUMMY, CHC)
    dst_sc = _pad_idx(dst, DUMMY, CHC)
    base, h1, h2 = _tc_matmuls(
        x, W_self.T, W_s2d.T, W_d2s.T, b_self.reshape(1, D)
    )
    cnt = _sc_counts(src_sc, dst_sc)
    s1, s2 = _sc_aggregate(
        h1.reshape(NC * N, H), h2.reshape(NC * N, H), src_g, src_s, dst_g, dst_s
    )
    return _tc_combine(
        base,
        s1.reshape(NC, N, H),
        s2.reshape(NC, N, H),
        cnt.reshape(NC, N, H),
        b_s2d.reshape(1, D),
        b_d2s.reshape(1, D),
        alpha.reshape(1, 1),
    )

# --- scband reference (transcript-rebuilt; emitter-appended) ---
"""Pipeline reference for scband-dir-sage-conv-73658689127078 (READ-ONLY COPY).

The authoritative reference and input builder live on the scoring server;
editing this copy changes nothing except your own understanding.
"""

import jax, jax.numpy as jnp
import numpy as np

N = 10000
E = 160000
D_IN = 256
D_OUT = 256


def setup_inputs(seed: int = 0) -> dict:
    key = jax.random.key(seed)
    ks = jax.random.split(key, 10)
    x = jax.random.normal(ks[0], (N, D_IN), dtype=jnp.float32)
    edge_index = jax.random.randint(ks[1], (2, E), 0, N, dtype=jnp.int64)
    s = 1.0 / np.sqrt(D_IN)
    # SAGEConv lin_l weights (src->dst and dst->src), each Linear(D_IN, D_OUT) with bias
    W_s2d = jax.random.uniform(ks[2], (D_OUT, D_IN), minval=-s, maxval=s, dtype=jnp.float32)
    b_s2d = jax.random.uniform(ks[3], (D_OUT,), minval=-s, maxval=s, dtype=jnp.float32)
    W_d2s = jax.random.uniform(ks[4], (D_OUT, D_IN), minval=-s, maxval=s, dtype=jnp.float32)
    b_d2s = jax.random.uniform(ks[5], (D_OUT,), minval=-s, maxval=s, dtype=jnp.float32)
    W_self = jax.random.uniform(ks[6], (D_OUT, D_IN), minval=-s, maxval=s, dtype=jnp.float32)
    b_self = jax.random.uniform(ks[7], (D_OUT,), minval=-s, maxval=s, dtype=jnp.float32)
    alpha = jnp.ones((1,), dtype=jnp.float32) * 0.5
    return {"x": x, "edge_index": edge_index, "W_s2d": W_s2d, "b_s2d": b_s2d,
            "W_d2s": W_d2s, "b_d2s": b_d2s, "W_self": W_self, "b_self": b_self,
            "alpha": alpha}


def _mean_aggr(x, gather_idx, scatter_idx, num_nodes):
    # mean of x[gather_idx] grouped by scatter_idx
    msgs = jnp.take(x, gather_idx, axis=0)
    summed = jax.ops.segment_sum(msgs, scatter_idx, num_segments=num_nodes)
    counts = jax.ops.segment_sum(jnp.ones((scatter_idx.shape[0],), dtype=x.dtype),
                                 scatter_idx, num_segments=num_nodes)
    return summed / jnp.maximum(counts, 1.0)[:, None]


def reference(x, edge_index, W_s2d, b_s2d, W_d2s, b_d2s, W_self, b_self, alpha):
    src = edge_index[0]
    dst = edge_index[1]
    n = x.shape[0]
    # SAGEConv(flow='source_to_target', root_weight=False): mean over incoming neighbors (src) at dst
    aggr_in = _mean_aggr(x, src, dst, n)
    out_s2d = aggr_in @ W_s2d.T + b_s2d
    # SAGEConv(flow='target_to_source', root_weight=False): mean over outgoing neighbors (dst) at src
    aggr_out = _mean_aggr(x, dst, src, n)
    out_d2s = aggr_out @ W_d2s.T + b_d2s
    out_self = x @ W_self.T + b_self
    a = alpha[0]
    return out_self + (1.0 - a) * out_s2d + a * out_d2s

if __name__ == "__main__":
    import jax
    _d = setup_inputs()
    print(jax.jit(kernel)(*tuple(_d.values())))

</pallas_src>

<mosaic_0001>
#map = affine_map<(d0, d1) -> (0, 0, 0)>
#map1 = affine_map<(d0, d1) -> (0, 0)>
module attributes {stable_mosaic.version = 14 : i64} {
  func.func @body(%arg0: i32, %arg1: i32, %arg2: memref<16x80x128xi32, #tpu.memory_space<hbm>>, %arg3: memref<16x80x128xi32, #tpu.memory_space<hbm>>, %arg4: memref<20000x128xf32, #tpu.memory_space<hbm>>, %arg5: memref<10008x128xf32, #tpu.memory_space<vmem_shared>>, %arg6: memref<128x128xf32, #tpu.memory_space<vmem>>, %arg7: memref<80x128xi32, #tpu.memory_space<vmem>>, %arg8: memref<32x128xf32, #tpu.memory_space<vmem>>, %arg9: memref<!tpu.dma_semaphore, #tpu.memory_space<semaphore_mem>>) attributes {dimension_semantics = [#tpu.dimension_semantics<core_parallel>, #tpu.dimension_semantics<subcore_parallel>], iteration_bounds = array<i64: 2, 16>, scalar_prefetch = 0 : i64, scratch_operands = 5 : i64, tpu.core_type = #tpu.core_type<sc_vector_subcore>, window_params = [{transform_indices = #map}, {transform_indices = #map}, {transform_indices = #map1}]} {
    %scan3A = arith.constant 0 : i32
    %scan3A_0 = arith.constant 128 : i32
    %scan3A_1 = arith.addi %scan3A, %scan3A_0 : i32
    %scan3A_2 = arith.constant 1 : i32
    scf.for %scan3A_81 = %scan3A to %scan3A_1 step %scan3A_2  : i32 {
      %mul3A_82 = arith.constant 1 : i32
      %mul3A_83 = arith.muli %scan3A_81, %mul3A_82 : i32
      %add3A_84 = arith.constant 0 : i32
      %add3A_85 = arith.addi %add3A_84, %mul3A_83 : i32
      %scan3A_86 = arith.constant 0 : i32
      %scan3A_87 = arith.constant 8 : i32
      %scan3A_88 = arith.addi %scan3A_86, %scan3A_87 : i32
      %scan3A_89 = arith.constant 1 : i32
      scf.for %scan3A_91 = %scan3A_86 to %scan3A_88 step %scan3A_89  : i32 {
        %mul3A_92 = arith.constant 16 : i32
        %mul3A_93 = arith.muli %scan3A_91, %mul3A_92 : i32
        %add3A_94 = arith.constant 0 : i32
        %add3A_95 = arith.addi %add3A_94, %mul3A_93 : i32
        %broadcast_in_dim3A = arith.constant 1.000000e+00 : f32
        %broadcast_in_dim3A_96 = vector.broadcast %broadcast_in_dim3A : f32 to vector<16xf32>
        %swap3A = arith.index_cast %add3A_85 : i32 to index
        %swap3A_97 = arith.index_cast %add3A_95 : i32 to index
        %swap3A_98 = tpu.vector_load %arg6[%swap3A, %swap3A_97] {strides = array<i32>} : memref<128x128xf32, #tpu.memory_space<vmem>>, vector<1x16xf32>,
        %swap3A_99 = vector.shape_cast %swap3A_98 : vector<1x16xf32> to vector<16xf32>
        %swap3A_100 = vector.shape_cast %broadcast_in_dim3A_96 : vector<16xf32> to vector<1x16xf32>
        tpu.vector_store %arg6[%swap3A, %swap3A_97], %swap3A_100 {strides = array<i32>} : memref<128x128xf32, #tpu.memory_space<vmem>>, vector<1x16xf32>,
      }
      %scan3A_90 = arith.constant 8 : i32
    }
    %scan3A_3 = arith.constant 128 : i32
    %scan3A_4 = arith.constant 0 : i32
    %scan3A_5 = arith.constant 32 : i32
    %scan3A_6 = arith.addi %scan3A_4, %scan3A_5 : i32
    %scan3A_7 = arith.constant 1 : i32
    scf.for %scan3A_81 = %scan3A_4 to %scan3A_6 step %scan3A_7  : i32 {
      %mul3A_82 = arith.constant 1 : i32
      %mul3A_83 = arith.muli %scan3A_81, %mul3A_82 : i32
      %add3A_84 = arith.constant 0 : i32
      %add3A_85 = arith.addi %add3A_84, %mul3A_83 : i32
      %scan3A_86 = arith.constant 0 : i32
      %scan3A_87 = arith.constant 8 : i32
      %scan3A_88 = arith.addi %scan3A_86, %scan3A_87 : i32
      %scan3A_89 = arith.constant 1 : i32
      scf.for %scan3A_91 = %scan3A_86 to %scan3A_88 step %scan3A_89  : i32 {
        %mul3A_92 = arith.constant 16 : i32
        %mul3A_93 = arith.muli %scan3A_91, %mul3A_92 : i32
        %add3A_94 = arith.constant 0 : i32
        %add3A_95 = arith.addi %add3A_94, %mul3A_93 : i32
        %broadcast_in_dim3A = arith.constant 0.000000e+00 : f32
        %broadcast_in_dim3A_96 = vector.broadcast %broadcast_in_dim3A : f32 to vector<16xf32>
        %swap3A = arith.index_cast %add3A_85 : i32 to index
        %swap3A_97 = arith.index_cast %add3A_95 : i32 to index
        %swap3A_98 = tpu.vector_load %arg8[%swap3A, %swap3A_97] {strides = array<i32>} : memref<32x128xf32, #tpu.memory_space<vmem>>, vector<1x16xf32>,
        %swap3A_99 = vector.shape_cast %swap3A_98 : vector<1x16xf32> to vector<16xf32>
        %swap3A_100 = vector.shape_cast %broadcast_in_dim3A_96 : vector<16xf32> to vector<1x16xf32>
        tpu.vector_store %arg8[%swap3A, %swap3A_97], %swap3A_100 {strides = array<i32>} : memref<32x128xf32, #tpu.memory_space<vmem>>, vector<1x16xf32>,
      }
      %scan3A_90 = arith.constant 8 : i32
    }
    %scan3A_8 = arith.constant 32 : i32
    %mul3A = arith.constant 624 : i32
    %mul3A_9 = arith.muli %arg1, %mul3A : i32
    %scan3A_10 = arith.constant 0 : i32
    %scan3A_11 = arith.constant 19 : i32
    %scan3A_12 = arith.addi %scan3A_10, %scan3A_11 : i32
    %scan3A_13 = arith.constant 1 : i32
    scf.for %scan3A_81 = %scan3A_10 to %scan3A_12 step %scan3A_13  : i32 {
      %mul3A_82 = arith.constant 1 : i32
      %mul3A_83 = arith.muli %scan3A_81, %mul3A_82 : i32
      %add3A_84 = arith.constant 0 : i32
      %add3A_85 = arith.addi %add3A_84, %mul3A_83 : i32
      %mul3A_86 = arith.constant 32 : i32
      %mul3A_87 = arith.muli %add3A_85, %mul3A_86 : i32
      %add3A_88 = arith.addi %mul3A_9, %mul3A_87 : i32
      %dma_start3A_89 = arith.constant 0 : i32
      %dma_start3A_90 = arith.constant 0 : i32
      %dma_start3A_91 = tpu.memref_slice %arg8[%dma_start3A_89, %dma_start3A_90] : memref<32x128xf32, #tpu.memory_space<vmem>> -> memref<32x128xf32, #tpu.memory_space<vmem>>
      %dma_start3A_92 = arith.constant 0 : i32
      %dma_start3A_93 = tpu.memref_slice %arg5[%add3A_88, %dma_start3A_92] : memref<10008x128xf32, #tpu.memory_space<vmem_shared>> -> memref<32x128xf32, #tpu.memory_space<vmem_shared>>
      %dma_start3A_94 = arith.constant 0 : i32
      %dma_start3A_95 = tpu.memref_slice %arg5[%add3A_88, %dma_start3A_94] : memref<10008x128xf32, #tpu.memory_space<vmem_shared>> -> memref<32x128xf32, #tpu.memory_space<vmem_shared>>
      %dma_start3A_96 = arith.constant 0 : i32
      %dma_start3A_97 = arith.constant 0 : i32
      %dma_start3A_98 = tpu.memref_slice %arg8[%dma_start3A_96, %dma_start3A_97] : memref<32x128xf32, #tpu.memory_space<vmem>> -> memref<32x128xf32, #tpu.memory_space<vmem>>
      tpu.enqueue_dma source(%dma_start3A_98 : memref<32x128xf32, #tpu.memory_space<vmem>>) target(%dma_start3A_95 : memref<32x128xf32, #tpu.memory_space<vmem_shared>>) target_semaphore(%arg9 : memref<!tpu.dma_semaphore, #tpu.memory_space<semaphore_mem>>)
    }
    %scan3A_14 = arith.constant 19 : i32
    %add3A = arith.constant 608 : i32
    %add3A_15 = arith.addi %mul3A_9, %add3A : i32
    %dma_start3A = arith.constant 0 : i32
    %dma_start3A_16 = arith.constant 0 : i32
    %dma_start3A_17 = tpu.memref_slice %arg8[%dma_start3A, %dma_start3A_16] : memref<32x128xf32, #tpu.memory_space<vmem>> -> memref<16x128xf32, #tpu.memory_space<vmem>>
    %dma_start3A_18 = arith.constant 0 : i32
    %dma_start3A_19 = tpu.memref_slice %arg5[%add3A_15, %dma_start3A_18] : memref<10008x128xf32, #tpu.memory_space<vmem_shared>> -> memref<16x128xf32, #tpu.memory_space<vmem_shared>>
    %dma_start3A_20 = arith.constant 0 : i32
    %dma_start3A_21 = tpu.memref_slice %arg5[%add3A_15, %dma_start3A_20] : memref<10008x128xf32, #tpu.memory_space<vmem_shared>> -> memref<16x128xf32, #tpu.memory_space<vmem_shared>>
    %dma_start3A_22 = arith.constant 0 : i32
    %dma_start3A_23 = arith.constant 0 : i32
    %dma_start3A_24 = tpu.memref_slice %arg8[%dma_start3A_22, %dma_start3A_23] : memref<32x128xf32, #tpu.memory_space<vmem>> -> memref<16x128xf32, #tpu.memory_space<vmem>>
    tpu.enqueue_dma source(%dma_start3A_24 : memref<16x128xf32, #tpu.memory_space<vmem>>) target(%dma_start3A_21 : memref<16x128xf32, #tpu.memory_space<vmem_shared>>) target_semaphore(%arg9 : memref<!tpu.dma_semaphore, #tpu.memory_space<semaphore_mem>>)
    %eq3A = arith.constant 0 : i32
    %eq3A_25 = arith.cmpi eq, %arg1, %eq3A : i32
    %convert_element_type3A = arith.extui %eq3A_25 : i1 to i32
    %cond3A = arith.constant 0 : i32
    %cond3A_26 = arith.cmpi ne, %convert_element_type3A, %cond3A : i32
    scf.if %cond3A_26 {
      %dma_start3A_81 = arith.constant 0 : i32
      %dma_start3A_82 = arith.constant 0 : i32
      %dma_start3A_83 = tpu.memref_slice %arg8[%dma_start3A_81, %dma_start3A_82] : memref<32x128xf32, #tpu.memory_space<vmem>> -> memref<16x128xf32, #tpu.memory_space<vmem>>
      %dma_start3A_84 = arith.constant 9984 : i32
      %dma_start3A_85 = arith.constant 0 : i32
      %dma_start3A_86 = tpu.memref_slice %arg5[%dma_start3A_84, %dma_start3A_85] : memref<10008x128xf32, #tpu.memory_space<vmem_shared>> -> memref<16x128xf32, #tpu.memory_space<vmem_shared>>
      %dma_start3A_87 = arith.constant 9984 : i32
      %dma_start3A_88 = arith.constant 0 : i32
      %dma_start3A_89 = tpu.memref_slice %arg5[%dma_start3A_87, %dma_start3A_88] : memref<10008x128xf32, #tpu.memory_space<vmem_shared>> -> memref<16x128xf32, #tpu.memory_space<vmem_shared>>
      %dma_start3A_90 = arith.constant 0 : i32
      %dma_start3A_91 = arith.constant 0 : i32
      %dma_start3A_92 = tpu.memref_slice %arg8[%dma_start3A_90, %dma_start3A_91] : memref<32x128xf32, #tpu.memory_space<vmem>> -> memref<16x128xf32, #tpu.memory_space<vmem>>
      tpu.enqueue_dma source(%dma_start3A_92 : memref<16x128xf32, #tpu.memory_space<vmem>>) target(%dma_start3A_89 : memref<16x128xf32, #tpu.memory_space<vmem_shared>>) target_semaphore(%arg9 : memref<!tpu.dma_semaphore, #tpu.memory_space<semaphore_mem>>)
    } else {
    }
    %scan3A_27 = arith.constant 0 : i32
    %scan3A_28 = arith.constant 19 : i32
    %scan3A_29 = arith.addi %scan3A_27, %scan3A_28 : i32
    %scan3A_30 = arith.constant 1 : i32
    scf.for %scan3A_81 = %scan3A_27 to %scan3A_29 step %scan3A_30  : i32 {
      %mul3A_82 = arith.constant 1 : i32
      %mul3A_83 = arith.muli %scan3A_81, %mul3A_82 : i32
      %add3A_84 = arith.constant 0 : i32
      %add3A_85 = arith.addi %add3A_84, %mul3A_83 : i32
      %mul3A_86 = arith.constant 32 : i32
      %mul3A_87 = arith.muli %add3A_85, %mul3A_86 : i32
      %add3A_88 = arith.addi %mul3A_9, %mul3A_87 : i32
      %dma_wait3A_89 = arith.constant 0 : i32
      %dma_wait3A_90 = arith.constant 0 : i32
      %dma_wait3A_91 = tpu.memref_slice %arg8[%dma_wait3A_89, %dma_wait3A_90] : memref<32x128xf32, #tpu.memory_space<vmem>> -> memref<32x128xf32, #tpu.memory_space<vmem>>
      %dma_wait3A_92 = arith.constant 0 : i32
      %dma_wait3A_93 = tpu.memref_slice %arg5[%add3A_88, %dma_wait3A_92] : memref<10008x128xf32, #tpu.memory_space<vmem_shared>> -> memref<32x128xf32, #tpu.memory_space<vmem_shared>>
      %dma_wait3A_94 = arith.constant 0 : i32
      %dma_wait3A_95 = tpu.memref_slice %arg5[%add3A_88, %dma_wait3A_94] : memref<10008x128xf32, #tpu.memory_space<vmem_shared>> -> memref<32x128xf32, #tpu.memory_space<vmem_shared>>
      %dma_wait3A_96 = arith.constant 0 : i32
      %dma_wait3A_97 = arith.constant 0 : i32
      %dma_wait3A_98 = tpu.memref_slice %arg8[%dma_wait3A_96, %dma_wait3A_97] : memref<32x128xf32, #tpu.memory_space<vmem>> -> memref<32x128xf32, #tpu.memory_space<vmem>>
      tpu.wait_dma2 semaphore(%arg9 : memref<!tpu.dma_semaphore, #tpu.memory_space<semaphore_mem>>) src(%dma_wait3A_98 : memref<32x128xf32, #tpu.memory_space<vmem>>) dst(%dma_wait3A_95 : memref<32x128xf32, #tpu.memory_space<vmem_shared>>)
    }
    %scan3A_31 = arith.constant 19 : i32
    %add3A_32 = arith.constant 608 : i32
    %add3A_33 = arith.addi %mul3A_9, %add3A_32 : i32
    %dma_wait3A = arith.constant 0 : i32
    %dma_wait3A_34 = arith.constant 0 : i32
    %dma_wait3A_35 = tpu.memref_slice %arg8[%dma_wait3A, %dma_wait3A_34] : memref<32x128xf32, #tpu.memory_space<vmem>> -> memref<16x128xf32, #tpu.memory_space<vmem>>
    %dma_wait3A_36 = arith.constant 0 : i32
    %dma_wait3A_37 = tpu.memref_slice %arg5[%add3A_33, %dma_wait3A_36] : memref<10008x128xf32, #tpu.memory_space<vmem_shared>> -> memref<16x128xf32, #tpu.memory_space<vmem_shared>>
    %dma_wait3A_38 = arith.constant 0 : i32
    %dma_wait3A_39 = tpu.memref_slice %arg5[%add3A_33, %dma_wait3A_38] : memref<10008x128xf32, #tpu.memory_space<vmem_shared>> -> memref<16x128xf32, #tpu.memory_space<vmem_shared>>
    %dma_wait3A_40 = arith.constant 0 : i32
    %dma_wait3A_41 = arith.constant 0 : i32
    %dma_wait3A_42 = tpu.memref_slice %arg8[%dma_wait3A_40, %dma_wait3A_41] : memref<32x128xf32, #tpu.memory_space<vmem>> -> memref<16x128xf32, #tpu.memory_space<vmem>>
    tpu.wait_dma2 semaphore(%arg9 : memref<!tpu.dma_semaphore, #tpu.memory_space<semaphore_mem>>) src(%dma_wait3A_42 : memref<16x128xf32, #tpu.memory_space<vmem>>) dst(%dma_wait3A_39 : memref<16x128xf32, #tpu.memory_space<vmem_shared>>)
    %eq3A_43 = arith.constant 0 : i32
    %eq3A_44 = arith.cmpi eq, %arg1, %eq3A_43 : i32
    %convert_element_type3A_45 = arith.extui %eq3A_44 : i1 to i32
    %cond3A_46 = arith.constant 0 : i32
    %cond3A_47 = arith.cmpi ne, %convert_element_type3A_45, %cond3A_46 : i32
    scf.if %cond3A_47 {
      %dma_wait3A_81 = arith.constant 0 : i32
      %dma_wait3A_82 = arith.constant 0 : i32
      %dma_wait3A_83 = tpu.memref_slice %arg8[%dma_wait3A_81, %dma_wait3A_82] : memref<32x128xf32, #tpu.memory_space<vmem>> -> memref<16x128xf32, #tpu.memory_space<vmem>>
      %dma_wait3A_84 = arith.constant 9984 : i32
      %dma_wait3A_85 = arith.constant 0 : i32
      %dma_wait3A_86 = tpu.memref_slice %arg5[%dma_wait3A_84, %dma_wait3A_85] : memref<10008x128xf32, #tpu.memory_space<vmem_shared>> -> memref<16x128xf32, #tpu.memory_space<vmem_shared>>
      %dma_wait3A_87 = arith.constant 9984 : i32
      %dma_wait3A_88 = arith.constant 0 : i32
      %dma_wait3A_89 = tpu.memref_slice %arg5[%dma_wait3A_87, %dma_wait3A_88] : memref<10008x128xf32, #tpu.memory_space<vmem_shared>> -> memref<16x128xf32, #tpu.memory_space<vmem_shared>>
      %dma_wait3A_90 = arith.constant 0 : i32
      %dma_wait3A_91 = arith.constant 0 : i32
      %dma_wait3A_92 = tpu.memref_slice %arg8[%dma_wait3A_90, %dma_wait3A_91] : memref<32x128xf32, #tpu.memory_space<vmem>> -> memref<16x128xf32, #tpu.memory_space<vmem>>
      tpu.wait_dma2 semaphore(%arg9 : memref<!tpu.dma_semaphore, #tpu.memory_space<semaphore_mem>>) src(%dma_wait3A_92 : memref<16x128xf32, #tpu.memory_space<vmem>>) dst(%dma_wait3A_89 : memref<16x128xf32, #tpu.memory_space<vmem_shared>>)
    } else {
    }
    %eq3A_48 = arith.constant 0 : i32
    %eq3A_49 = arith.cmpi eq, %arg0, %eq3A_48 : i32
    %convert_element_type3A_50 = arith.extui %eq3A_49 : i1 to i32
    %cond3A_51 = arith.constant 0 : i32
    %cond3A_52 = arith.cmpi ne, %convert_element_type3A_50, %cond3A_51 : i32
    scf.if %cond3A_52 {
      "tpu.region"() ({
        %run_scoped3A = tpu.sem_alloc : memref<!tpu.dma_semaphore, #tpu.memory_space<semaphore_mem>>
        %dma_start3A_81 = arith.constant 0 : i32
        %dma_start3A_82 = arith.constant 0 : i32
        %dma_start3A_83 = tpu.memref_slice %arg3[%arg1, %dma_start3A_81, %dma_start3A_82] : memref<16x80x128xi32, #tpu.memory_space<hbm>> -> memref<1x80x128xi32, #tpu.memory_space<hbm>>
        %dma_start3A_84 = tpu.memref_squeeze %dma_start3A_83 : memref<1x80x128xi32, #tpu.memory_space<hbm>> -> memref<80x128xi32, #tpu.memory_space<hbm>>
        %dma_start3A_85 = arith.constant 0 : i32
        %dma_start3A_86 = arith.constant 0 : i32
        %dma_start3A_87 = tpu.memref_slice %arg3[%arg1, %dma_start3A_85, %dma_start3A_86] : memref<16x80x128xi32, #tpu.memory_space<hbm>> -> memref<1x80x128xi32, #tpu.memory_space<hbm>>
        %dma_start3A_88 = tpu.memref_squeeze %dma_start3A_87 : memref<1x80x128xi32, #tpu.memory_space<hbm>> -> memref<80x128xi32, #tpu.memory_space<hbm>>
        tpu.enqueue_dma source(%dma_start3A_88 : memref<80x128xi32, #tpu.memory_space<hbm>>) target(%arg7 : memref<80x128xi32, #tpu.memory_space<vmem>>) target_semaphore(%run_scoped3A : memref<!tpu.dma_semaphore, #tpu.memory_space<semaphore_mem>>)
        %dma_wait3A_89 = arith.constant 0 : i32
        %dma_wait3A_90 = arith.constant 0 : i32
        %dma_wait3A_91 = tpu.memref_slice %arg3[%arg1, %dma_wait3A_89, %dma_wait3A_90] : memref<16x80x128xi32, #tpu.memory_space<hbm>> -> memref<1x80x128xi32, #tpu.memory_space<hbm>>
        %dma_wait3A_92 = tpu.memref_squeeze %dma_wait3A_91 : memref<1x80x128xi32, #tpu.memory_space<hbm>> -> memref<80x128xi32, #tpu.memory_space<hbm>>
        %dma_wait3A_93 = arith.constant 0 : i32
        %dma_wait3A_94 = arith.constant 0 : i32
        %dma_wait3A_95 = tpu.memref_slice %arg3[%arg1, %dma_wait3A_93, %dma_wait3A_94] : memref<16x80x128xi32, #tpu.memory_space<hbm>> -> memref<1x80x128xi32, #tpu.memory_space<hbm>>
        %dma_wait3A_96 = tpu.memref_squeeze %dma_wait3A_95 : memref<1x80x128xi32, #tpu.memory_space<hbm>> -> memref<80x128xi32, #tpu.memory_space<hbm>>
        tpu.wait_dma2 semaphore(%run_scoped3A : memref<!tpu.dma_semaphore, #tpu.memory_space<semaphore_mem>>) src(%dma_wait3A_96 : memref<80x128xi32, #tpu.memory_space<hbm>>) dst(%arg7 : memref<80x128xi32, #tpu.memory_space<vmem>>)
        tpu.yield
      }) : () -> ()
    } else {
    }
    %eq3A_53 = arith.constant 1 : i32
    %eq3A_54 = arith.cmpi eq, %arg0, %eq3A_53 : i32
    %convert_element_type3A_55 = arith.extui %eq3A_54 : i1 to i32
    %cond3A_56 = arith.constant 0 : i32
    %cond3A_57 = arith.cmpi ne, %convert_element_type3A_55, %cond3A_56 : i32
    scf.if %cond3A_57 {
      "tpu.region"() ({
        %run_scoped3A = tpu.sem_alloc : memref<!tpu.dma_semaphore, #tpu.memory_space<semaphore_mem>>
        %dma_start3A_81 = arith.constant 0 : i32
        %dma_start3A_82 = arith.constant 0 : i32
        %dma_start3A_83 = tpu.memref_slice %arg2[%arg1, %dma_start3A_81, %dma_start3A_82] : memref<16x80x128xi32, #tpu.memory_space<hbm>> -> memref<1x80x128xi32, #tpu.memory_space<hbm>>
        %dma_start3A_84 = tpu.memref_squeeze %dma_start3A_83 : memref<1x80x128xi32, #tpu.memory_space<hbm>> -> memref<80x128xi32, #tpu.memory_space<hbm>>
        %dma_start3A_85 = arith.constant 0 : i32
        %dma_start3A_86 = arith.constant 0 : i32
        %dma_start3A_87 = tpu.memref_slice %arg2[%arg1, %dma_start3A_85, %dma_start3A_86] : memref<16x80x128xi32, #tpu.memory_space<hbm>> -> memref<1x80x128xi32, #tpu.memory_space<hbm>>
        %dma_start3A_88 = tpu.memref_squeeze %dma_start3A_87 : memref<1x80x128xi32, #tpu.memory_space<hbm>> -> memref<80x128xi32, #tpu.memory_space<hbm>>
        tpu.enqueue_dma source(%dma_start3A_88 : memref<80x128xi32, #tpu.memory_space<hbm>>) target(%arg7 : memref<80x128xi32, #tpu.memory_space<vmem>>) target_semaphore(%run_scoped3A : memref<!tpu.dma_semaphore, #tpu.memory_space<semaphore_mem>>)
        %dma_wait3A_89 = arith.constant 0 : i32
        %dma_wait3A_90 = arith.constant 0 : i32
        %dma_wait3A_91 = tpu.memref_slice %arg2[%arg1, %dma_wait3A_89, %dma_wait3A_90] : memref<16x80x128xi32, #tpu.memory_space<hbm>> -> memref<1x80x128xi32, #tpu.memory_space<hbm>>
        %dma_wait3A_92 = tpu.memref_squeeze %dma_wait3A_91 : memref<1x80x128xi32, #tpu.memory_space<hbm>> -> memref<80x128xi32, #tpu.memory_space<hbm>>
        %dma_wait3A_93 = arith.constant 0 : i32
        %dma_wait3A_94 = arith.constant 0 : i32
        %dma_wait3A_95 = tpu.memref_slice %arg2[%arg1, %dma_wait3A_93, %dma_wait3A_94] : memref<16x80x128xi32, #tpu.memory_space<hbm>> -> memref<1x80x128xi32, #tpu.memory_space<hbm>>
        %dma_wait3A_96 = tpu.memref_squeeze %dma_wait3A_95 : memref<1x80x128xi32, #tpu.memory_space<hbm>> -> memref<80x128xi32, #tpu.memory_space<hbm>>
        tpu.wait_dma2 semaphore(%run_scoped3A : memref<!tpu.dma_semaphore, #tpu.memory_space<semaphore_mem>>) src(%dma_wait3A_96 : memref<80x128xi32, #tpu.memory_space<hbm>>) dst(%arg7 : memref<80x128xi32, #tpu.memory_space<vmem>>)
        tpu.yield
      }) : () -> ()
    } else {
    }
    %barrier3A = arith.constant 0 : index
    tpu.barrier barrier_id(%barrier3A)
    %scan3A_58 = arith.constant 0 : i32
    %scan3A_59 = arith.constant 10 : i32
    %scan3A_60 = arith.addi %scan3A_58, %scan3A_59 : i32
    %scan3A_61 = arith.constant 1 : i32
    scf.for %scan3A_81 = %scan3A_58 to %scan3A_60 step %scan3A_61  : i32 {
      %mul3A_82 = arith.constant 1 : i32
      %mul3A_83 = arith.muli %scan3A_81, %mul3A_82 : i32
      %add3A_84 = arith.constant 0 : i32
      %add3A_85 = arith.addi %add3A_84, %mul3A_83 : i32
      %mul3A_86 = arith.constant 8 : i32
      %mul3A_87 = arith.muli %add3A_85, %mul3A_86 : i32
      %add3A_88 = arith.constant 0 : i32
      %add3A_89 = arith.addi %mul3A_87, %add3A_88 : i32
      %dma_start3A_90 = arith.constant 0 : i32
      %dma_start3A_91 = tpu.memref_slice %arg7[%add3A_89, %dma_start3A_90] : memref<80x128xi32, #tpu.memory_space<vmem>> -> memref<1x128xi32, #tpu.memory_space<vmem>>
      %dma_start3A_92 = tpu.memref_squeeze %dma_start3A_91 : memref<1x128xi32, #tpu.memory_space<vmem>> -> memref<128xi32, #tpu.memory_space<vmem>>
      %dma_start3A_93 = arith.constant 0 : i32
      %dma_start3A_94 = arith.constant 0 : i32
      %dma_start3A_95 = tpu.memref_slice %arg5[%dma_start3A_93, %dma_start3A_94] : memref<10008x128xf32, #tpu.memory_space<vmem_shared>> -> memref<10008x128xf32, #tpu.memory_space<vmem_shared>>
      tpu.enqueue_indirect_dma source(%arg6 : memref<128x128xf32, #tpu.memory_space<vmem>>) target(%dma_start3A_95 : memref<10008x128xf32, #tpu.memory_space<vmem_shared>>) offsets(%dma_start3A_92 : memref<128xi32, #tpu.memory_space<vmem>>) semaphore(%arg9 : memref<!tpu.dma_semaphore, #tpu.memory_space<semaphore_mem>>) {add = true}
      %mul3A_96 = arith.constant 8 : i32
      %mul3A_97 = arith.muli %add3A_85, %mul3A_96 : i32
      %add3A_98 = arith.constant 1 : i32
      %add3A_99 = arith.addi %mul3A_97, %add3A_98 : i32
      %dma_start3A_100 = arith.constant 0 : i32
      %dma_start3A_101 = tpu.memref_slice %arg7[%add3A_99, %dma_start3A_100] : memref<80x128xi32, #tpu.memory_space<vmem>> -> memref<1x128xi32, #tpu.memory_space<vmem>>
      %dma_start3A_102 = tpu.memref_squeeze %dma_start3A_101 : memref<1x128xi32, #tpu.memory_space<vmem>> -> memref<128xi32, #tpu.memory_space<vmem>>
      %dma_start3A_103 = arith.constant 0 : i32
      %dma_start3A_104 = arith.constant 0 : i32
      %dma_start3A_105 = tpu.memref_slice %arg5[%dma_start3A_103, %dma_start3A_104] : memref<10008x128xf32, #tpu.memory_space<vmem_shared>> -> memref<10008x128xf32, #tpu.memory_space<vmem_shared>>
      tpu.enqueue_indirect_dma source(%arg6 : memref<128x128xf32, #tpu.memory_space<vmem>>) target(%dma_start3A_105 : memref<10008x128xf32, #tpu.memory_space<vmem_shared>>) offsets(%dma_start3A_102 : memref<128xi32, #tpu.memory_space<vmem>>) semaphore(%arg9 : memref<!tpu.dma_semaphore, #tpu.memory_space<semaphore_mem>>) {add = true}
      %mul3A_106 = arith.constant 8 : i32
      %mul3A_107 = arith.muli %add3A_85, %mul3A_106 : i32
      %add3A_108 = arith.constant 2 : i32
      %add3A_109 = arith.addi %mul3A_107, %add3A_108 : i32
      %dma_start3A_110 = arith.constant 0 : i32
      %dma_start3A_111 = tpu.memref_slice %arg7[%add3A_109, %dma_start3A_110] : memref<80x128xi32, #tpu.memory_space<vmem>> -> memref<1x128xi32, #tpu.memory_space<vmem>>
      %dma_start3A_112 = tpu.memref_squeeze %dma_start3A_111 : memref<1x128xi32, #tpu.memory_space<vmem>> -> memref<128xi32, #tpu.memory_space<vmem>>
      %dma_start3A_113 = arith.constant 0 : i32
      %dma_start3A_114 = arith.constant 0 : i32
      %dma_start3A_115 = tpu.memref_slice %arg5[%dma_start3A_113, %dma_start3A_114] : memref<10008x128xf32, #tpu.memory_space<vmem_shared>> -> memref<10008x128xf32, #tpu.memory_space<vmem_shared>>
      tpu.enqueue_indirect_dma source(%arg6 : memref<128x128xf32, #tpu.memory_space<vmem>>) target(%dma_start3A_115 : memref<10008x128xf32, #tpu.memory_space<vmem_shared>>) offsets(%dma_start3A_112 : memref<128xi32, #tpu.memory_space<vmem>>) semaphore(%arg9 : memref<!tpu.dma_semaphore, #tpu.memory_space<semaphore_mem>>) {add = true}
      %mul3A_116 = arith.constant 8 : i32
      %mul3A_117 = arith.muli %add3A_85, %mul3A_116 : i32
      %add3A_118 = arith.constant 3 : i32
      %add3A_119 = arith.addi %mul3A_117, %add3A_118 : i32
      %dma_start3A_120 = arith.constant 0 : i32
      %dma_start3A_121 = tpu.memref_slice %arg7[%add3A_119, %dma_start3A_120] : memref<80x128xi32, #tpu.memory_space<vmem>> -> memref<1x128xi32, #tpu.memory_space<vmem>>
      %dma_start3A_122 = tpu.memref_squeeze %dma_start3A_121 : memref<1x128xi32, #tpu.memory_space<vmem>> -> memref<128xi32, #tpu.memory_space<vmem>>
      %dma_start3A_123 = arith.constant 0 : i32
      %dma_start3A_124 = arith.constant 0 : i32
      %dma_start3A_125 = tpu.memref_slice %arg5[%dma_start3A_123, %dma_start3A_124] : memref<10008x128xf32, #tpu.memory_space<vmem_shared>> -> memref<10008x128xf32, #tpu.memory_space<vmem_shared>>
      tpu.enqueue_indirect_dma source(%arg6 : memref<128x128xf32, #tpu.memory_space<vmem>>) target(%dma_start3A_125 : memref<10008x128xf32, #tpu.memory_space<vmem_shared>>) offsets(%dma_start3A_122 : memref<128xi32, #tpu.memory_space<vmem>>) semaphore(%arg9 : memref<!tpu.dma_semaphore, #tpu.memory_space<semaphore_mem>>) {add = true}
      %mul3A_126 = arith.constant 8 : i32
      %mul3A_127 = arith.muli %add3A_85, %mul3A_126 : i32
      %add3A_128 = arith.constant 4 : i32
      %add3A_129 = arith.addi %mul3A_127, %add3A_128 : i32
      %dma_start3A_130 = arith.constant 0 : i32
      %dma_start3A_131 = tpu.memref_slice %arg7[%add3A_129, %dma_start3A_130] : memref<80x128xi32, #tpu.memory_space<vmem>> -> memref<1x128xi32, #tpu.memory_space<vmem>>
      %dma_start3A_132 = tpu.memref_squeeze %dma_start3A_131 : memref<1x128xi32, #tpu.memory_space<vmem>> -> memref<128xi32, #tpu.memory_space<vmem>>
      %dma_start3A_133 = arith.constant 0 : i32
      %dma_start3A_134 = arith.constant 0 : i32
      %dma_start3A_135 = tpu.memref_slice %arg5[%dma_start3A_133, %dma_start3A_134] : memref<10008x128xf32, #tpu.memory_space<vmem_shared>> -> memref<10008x128xf32, #tpu.memory_space<vmem_shared>>
      tpu.enqueue_indirect_dma source(%arg6 : memref<128x128xf32, #tpu.memory_space<vmem>>) target(%dma_start3A_135 : memref<10008x128xf32, #tpu.memory_space<vmem_shared>>) offsets(%dma_start3A_132 : memref<128xi32, #tpu.memory_space<vmem>>) semaphore(%arg9 : memref<!tpu.dma_semaphore, #tpu.memory_space<semaphore_mem>>) {add = true}
      %mul3A_136 = arith.constant 8 : i32
      %mul3A_137 = arith.muli %add3A_85, %mul3A_136 : i32
      %add3A_138 = arith.constant 5 : i32
      %add3A_139 = arith.addi %mul3A_137, %add3A_138 : i32
      %dma_start3A_140 = arith.constant 0 : i32
      %dma_start3A_141 = tpu.memref_slice %arg7[%add3A_139, %dma_start3A_140] : memref<80x128xi32, #tpu.memory_space<vmem>> -> memref<1x128xi32, #tpu.memory_space<vmem>>
      %dma_start3A_142 = tpu.memref_squeeze %dma_start3A_141 : memref<1x128xi32, #tpu.memory_space<vmem>> -> memref<128xi32, #tpu.memory_space<vmem>>
      %dma_start3A_143 = arith.constant 0 : i32
      %dma_start3A_144 = arith.constant 0 : i32
      %dma_start3A_145 = tpu.memref_slice %arg5[%dma_start3A_143, %dma_start3A_144] : memref<10008x128xf32, #tpu.memory_space<vmem_shared>> -> memref<10008x128xf32, #tpu.memory_space<vmem_shared>>
      tpu.enqueue_indirect_dma source(%arg6 : memref<128x128xf32, #tpu.memory_space<vmem>>) target(%dma_start3A_145 : memref<10008x128xf32, #tpu.memory_space<vmem_shared>>) offsets(%dma_start3A_142 : memref<128xi32, #tpu.memory_space<vmem>>) semaphore(%arg9 : memref<!tpu.dma_semaphore, #tpu.memory_space<semaphore_mem>>) {add = true}
      %mul3A_146 = arith.constant 8 : i32
      %mul3A_147 = arith.muli %add3A_85, %mul3A_146 : i32
      %add3A_148 = arith.constant 6 : i32
      %add3A_149 = arith.addi %mul3A_147, %add3A_148 : i32
      %dma_start3A_150 = arith.constant 0 : i32
      %dma_start3A_151 = tpu.memref_slice %arg7[%add3A_149, %dma_start3A_150] : memref<80x128xi32, #tpu.memory_space<vmem>> -> memref<1x128xi32, #tpu.memory_space<vmem>>
      %dma_start3A_152 = tpu.memref_squeeze %dma_start3A_151 : memref<1x128xi32, #tpu.memory_space<vmem>> -> memref<128xi32, #tpu.memory_space<vmem>>
      %dma_start3A_153 = arith.constant 0 : i32
      %dma_start3A_154 = arith.constant 0 : i32
      %dma_start3A_155 = tpu.memref_slice %arg5[%dma_start3A_153, %dma_start3A_154] : memref<10008x128xf32, #tpu.memory_space<vmem_shared>> -> memref<10008x128xf32, #tpu.memory_space<vmem_shared>>
      tpu.enqueue_indirect_dma source(%arg6 : memref<128x128xf32, #tpu.memory_space<vmem>>) target(%dma_start3A_155 : memref<10008x128xf32, #tpu.memory_space<vmem_shared>>) offsets(%dma_start3A_152 : memref<128xi32, #tpu.memory_space<vmem>>) semaphore(%arg9 : memref<!tpu.dma_semaphore, #tpu.memory_space<semaphore_mem>>) {add = true}
      %mul3A_156 = arith.constant 8 : i32
      %mul3A_157 = arith.muli %add3A_85, %mul3A_156 : i32
      %add3A_158 = arith.constant 7 : i32
      %add3A_159 = arith.addi %mul3A_157, %add3A_158 : i32
      %dma_start3A_160 = arith.constant 0 : i32
      %dma_start3A_161 = tpu.memref_slice %arg7[%add3A_159, %dma_start3A_160] : memref<80x128xi32, #tpu.memory_space<vmem>> -> memref<1x128xi32, #tpu.memory_space<vmem>>
      %dma_start3A_162 = tpu.memref_squeeze %dma_start3A_161 : memref<1x128xi32, #tpu.memory_space<vmem>> -> memref<128xi32, #tpu.memory_space<vmem>>
      %dma_start3A_163 = arith.constant 0 : i32
      %dma_start3A_164 = arith.constant 0 : i32
      %dma_start3A_165 = tpu.memref_slice %arg5[%dma_start3A_163, %dma_start3A_164] : memref<10008x128xf32, #tpu.memory_space<vmem_shared>> -> memref<10008x128xf32, #tpu.memory_space<vmem_shared>>
      tpu.enqueue_indirect_dma source(%arg6 : memref<128x128xf32, #tpu.memory_space<vmem>>) target(%dma_start3A_165 : memref<10008x128xf32, #tpu.memory_space<vmem_shared>>) offsets(%dma_start3A_162 : memref<128xi32, #tpu.memory_space<vmem>>) semaphore(%arg9 : memref<!tpu.dma_semaphore, #tpu.memory_space<semaphore_mem>>) {add = true}
    }
    %scan3A_62 = arith.constant 10 : i32
    %scan3A_63 = arith.constant 0 : i32
    %scan3A_64 = arith.constant 10 : i32
    %scan3A_65 = arith.addi %scan3A_63, %scan3A_64 : i32
    %scan3A_66 = arith.constant 1 : i32
    scf.for %scan3A_81 = %scan3A_63 to %scan3A_65 step %scan3A_66  : i32 {
      %mul3A_82 = arith.constant 1 : i32
      %mul3A_83 = arith.muli %scan3A_81, %mul3A_82 : i32
      %add3A_84 = arith.constant 0 : i32
      %add3A_85 = arith.addi %add3A_84, %mul3A_83 : i32
      %mul3A_86 = arith.constant 8 : i32
      %mul3A_87 = arith.muli %add3A_85, %mul3A_86 : i32
      %add3A_88 = arith.constant 0 : i32
      %add3A_89 = arith.addi %mul3A_87, %add3A_88 : i32
      %dma_wait3A_90 = arith.constant 0 : i32
      %dma_wait3A_91 = tpu.memref_slice %arg7[%add3A_89, %dma_wait3A_90] : memref<80x128xi32, #tpu.memory_space<vmem>> -> memref<1x128xi32, #tpu.memory_space<vmem>>
      %dma_wait3A_92 = tpu.memref_squeeze %dma_wait3A_91 : memref<1x128xi32, #tpu.memory_space<vmem>> -> memref<128xi32, #tpu.memory_space<vmem>>
      %dma_wait3A_93 = arith.constant 0 : i32
      %dma_wait3A_94 = arith.constant 0 : i32
      %dma_wait3A_95 = tpu.memref_slice %arg5[%dma_wait3A_93, %dma_wait3A_94] : memref<10008x128xf32, #tpu.memory_space<vmem_shared>> -> memref<10008x128xf32, #tpu.memory_space<vmem_shared>>
      tpu.wait_indirect_dma semaphore(%arg9 : memref<!tpu.dma_semaphore, #tpu.memory_space<semaphore_mem>>) src(%arg6 : memref<128x128xf32, #tpu.memory_space<vmem>>) dst(%dma_wait3A_95 : memref<10008x128xf32, #tpu.memory_space<vmem_shared>>)
      %mul3A_96 = arith.constant 8 : i32
      %mul3A_97 = arith.muli %add3A_85, %mul3A_96 : i32
      %add3A_98 = arith.constant 1 : i32
      %add3A_99 = arith.addi %mul3A_97, %add3A_98 : i32
      %dma_wait3A_100 = arith.constant 0 : i32
      %dma_wait3A_101 = tpu.memref_slice %arg7[%add3A_99, %dma_wait3A_100] : memref<80x128xi32, #tpu.memory_space<vmem>> -> memref<1x128xi32, #tpu.memory_space<vmem>>
      %dma_wait3A_102 = tpu.memref_squeeze %dma_wait3A_101 : memref<1x128xi32, #tpu.memory_space<vmem>> -> memref<128xi32, #tpu.memory_space<vmem>>
      %dma_wait3A_103 = arith.constant 0 : i32
      %dma_wait3A_104 = arith.constant 0 : i32
      %dma_wait3A_105 = tpu.memref_slice %arg5[%dma_wait3A_103, %dma_wait3A_104] : memref<10008x128xf32, #tpu.memory_space<vmem_shared>> -> memref<10008x128xf32, #tpu.memory_space<vmem_shared>>
      tpu.wait_indirect_dma semaphore(%arg9 : memref<!tpu.dma_semaphore, #tpu.memory_space<semaphore_mem>>) src(%arg6 : memref<128x128xf32, #tpu.memory_space<vmem>>) dst(%dma_wait3A_105 : memref<10008x128xf32, #tpu.memory_space<vmem_shared>>)
      %mul3A_106 = arith.constant 8 : i32
      %mul3A_107 = arith.muli %add3A_85, %mul3A_106 : i32
      %add3A_108 = arith.constant 2 : i32
      %add3A_109 = arith.addi %mul3A_107, %add3A_108 : i32
      %dma_wait3A_110 = arith.constant 0 : i32
      %dma_wait3A_111 = tpu.memref_slice %arg7[%add3A_109, %dma_wait3A_110] : memref<80x128xi32, #tpu.memory_space<vmem>> -> memref<1x128xi32, #tpu.memory_space<vmem>>
      %dma_wait3A_112 = tpu.memref_squeeze %dma_wait3A_111 : memref<1x128xi32, #tpu.memory_space<vmem>> -> memref<128xi32, #tpu.memory_space<vmem>>
      %dma_wait3A_113 = arith.constant 0 : i32
      %dma_wait3A_114 = arith.constant 0 : i32
      %dma_wait3A_115 = tpu.memref_slice %arg5[%dma_wait3A_113, %dma_wait3A_114] : memref<10008x128xf32, #tpu.memory_space<vmem_shared>> -> memref<10008x128xf32, #tpu.memory_space<vmem_shared>>
      tpu.wait_indirect_dma semaphore(%arg9 : memref<!tpu.dma_semaphore, #tpu.memory_space<semaphore_mem>>) src(%arg6 : memref<128x128xf32, #tpu.memory_space<vmem>>) dst(%dma_wait3A_115 : memref<10008x128xf32, #tpu.memory_space<vmem_shared>>)
      %mul3A_116 = arith.constant 8 : i32
      %mul3A_117 = arith.muli %add3A_85, %mul3A_116 : i32
      %add3A_118 = arith.constant 3 : i32
      %add3A_119 = arith.addi %mul3A_117, %add3A_118 : i32
      %dma_wait3A_120 = arith.constant 0 : i32
      %dma_wait3A_121 = tpu.memref_slice %arg7[%add3A_119, %dma_wait3A_120] : memref<80x128xi32, #tpu.memory_space<vmem>> -> memref<1x128xi32, #tpu.memory_space<vmem>>
      %dma_wait3A_122 = tpu.memref_squeeze %dma_wait3A_121 : memref<1x128xi32, #tpu.memory_space<vmem>> -> memref<128xi32, #tpu.memory_space<vmem>>
      %dma_wait3A_123 = arith.constant 0 : i32
      %dma_wait3A_124 = arith.constant 0 : i32
      %dma_wait3A_125 = tpu.memref_slice %arg5[%dma_wait3A_123, %dma_wait3A_124] : memref<10008x128xf32, #tpu.memory_space<vmem_shared>> -> memref<10008x128xf32, #tpu.memory_space<vmem_shared>>
      tpu.wait_indirect_dma semaphore(%arg9 : memref<!tpu.dma_semaphore, #tpu.memory_space<semaphore_mem>>) src(%arg6 : memref<128x128xf32, #tpu.memory_space<vmem>>) dst(%dma_wait3A_125 : memref<10008x128xf32, #tpu.memory_space<vmem_shared>>)
      %mul3A_126 = arith.constant 8 : i32
      %mul3A_127 = arith.muli %add3A_85, %mul3A_126 : i32
      %add3A_128 = arith.constant 4 : i32
      %add3A_129 = arith.addi %mul3A_127, %add3A_128 : i32
      %dma_wait3A_130 = arith.constant 0 : i32
      %dma_wait3A_131 = tpu.memref_slice %arg7[%add3A_129, %dma_wait3A_130] : memref<80x128xi32, #tpu.memory_space<vmem>> -> memref<1x128xi32, #tpu.memory_space<vmem>>
      %dma_wait3A_132 = tpu.memref_squeeze %dma_wait3A_131 : memref<1x128xi32, #tpu.memory_space<vmem>> -> memref<128xi32, #tpu.memory_space<vmem>>
      %dma_wait3A_133 = arith.constant 0 : i32
      %dma_wait3A_134 = arith.constant 0 : i32
      %dma_wait3A_135 = tpu.memref_slice %arg5[%dma_wait3A_133, %dma_wait3A_134] : memref<10008x128xf32, #tpu.memory_space<vmem_shared>> -> memref<10008x128xf32, #tpu.memory_space<vmem_shared>>
      tpu.wait_indirect_dma semaphore(%arg9 : memref<!tpu.dma_semaphore, #tpu.memory_space<semaphore_mem>>) src(%arg6 : memref<128x128xf32, #tpu.memory_space<vmem>>) dst(%dma_wait3A_135 : memref<10008x128xf32, #tpu.memory_space<vmem_shared>>)
      %mul3A_136 = arith.constant 8 : i32
      %mul3A_137 = arith.muli %add3A_85, %mul3A_136 : i32
      %add3A_138 = arith.constant 5 : i32
      %add3A_139 = arith.addi %mul3A_137, %add3A_138 : i32
      %dma_wait3A_140 = arith.constant 0 : i32
      %dma_wait3A_141 = tpu.memref_slice %arg7[%add3A_139, %dma_wait3A_140] : memref<80x128xi32, #tpu.memory_space<vmem>> -> memref<1x128xi32, #tpu.memory_space<vmem>>
      %dma_wait3A_142 = tpu.memref_squeeze %dma_wait3A_141 : memref<1x128xi32, #tpu.memory_space<vmem>> -> memref<128xi32, #tpu.memory_space<vmem>>
      %dma_wait3A_143 = arith.constant 0 : i32
      %dma_wait3A_144 = arith.constant 0 : i32
      %dma_wait3A_145 = tpu.memref_slice %arg5[%dma_wait3A_143, %dma_wait3A_144] : memref<10008x128xf32, #tpu.memory_space<vmem_shared>> -> memref<10008x128xf32, #tpu.memory_space<vmem_shared>>
      tpu.wait_indirect_dma semaphore(%arg9 : memref<!tpu.dma_semaphore, #tpu.memory_space<semaphore_mem>>) src(%arg6 : memref<128x128xf32, #tpu.memory_space<vmem>>) dst(%dma_wait3A_145 : memref<10008x128xf32, #tpu.memory_space<vmem_shared>>)
      %mul3A_146 = arith.constant 8 : i32
      %mul3A_147 = arith.muli %add3A_85, %mul3A_146 : i32
      %add3A_148 = arith.constant 6 : i32
      %add3A_149 = arith.addi %mul3A_147, %add3A_148 : i32
      %dma_wait3A_150 = arith.constant 0 : i32
      %dma_wait3A_151 = tpu.memref_slice %arg7[%add3A_149, %dma_wait3A_150] : memref<80x128xi32, #tpu.memory_space<vmem>> -> memref<1x128xi32, #tpu.memory_space<vmem>>
      %dma_wait3A_152 = tpu.memref_squeeze %dma_wait3A_151 : memref<1x128xi32, #tpu.memory_space<vmem>> -> memref<128xi32, #tpu.memory_space<vmem>>
      %dma_wait3A_153 = arith.constant 0 : i32
      %dma_wait3A_154 = arith.constant 0 : i32
      %dma_wait3A_155 = tpu.memref_slice %arg5[%dma_wait3A_153, %dma_wait3A_154] : memref<10008x128xf32, #tpu.memory_space<vmem_shared>> -> memref<10008x128xf32, #tpu.memory_space<vmem_shared>>
      tpu.wait_indirect_dma semaphore(%arg9 : memref<!tpu.dma_semaphore, #tpu.memory_space<semaphore_mem>>) src(%arg6 : memref<128x128xf32, #tpu.memory_space<vmem>>) dst(%dma_wait3A_155 : memref<10008x128xf32, #tpu.memory_space<vmem_shared>>)
      %mul3A_156 = arith.constant 8 : i32
      %mul3A_157 = arith.muli %add3A_85, %mul3A_156 : i32
      %add3A_158 = arith.constant 7 : i32
      %add3A_159 = arith.addi %mul3A_157, %add3A_158 : i32
      %dma_wait3A_160 = arith.constant 0 : i32
      %dma_wait3A_161 = tpu.memref_slice %arg7[%add3A_159, %dma_wait3A_160] : memref<80x128xi32, #tpu.memory_space<vmem>> -> memref<1x128xi32, #tpu.memory_space<vmem>>
      %dma_wait3A_162 = tpu.memref_squeeze %dma_wait3A_161 : memref<1x128xi32, #tpu.memory_space<vmem>> -> memref<128xi32, #tpu.memory_space<vmem>>
      %dma_wait3A_163 = arith.constant 0 : i32
      %dma_wait3A_164 = arith.constant 0 : i32
      %dma_wait3A_165 = tpu.memref_slice %arg5[%dma_wait3A_163, %dma_wait3A_164] : memref<10008x128xf32, #tpu.memory_space<vmem_shared>> -> memref<10008x128xf32, #tpu.memory_space<vmem_shared>>
      tpu.wait_indirect_dma semaphore(%arg9 : memref<!tpu.dma_semaphore, #tpu.memory_space<semaphore_mem>>) src(%arg6 : memref<128x128xf32, #tpu.memory_space<vmem>>) dst(%dma_wait3A_165 : memref<10008x128xf32, #tpu.memory_space<vmem_shared>>)
    }
    %scan3A_67 = arith.constant 10 : i32
    %barrier3A_68 = arith.constant 0 : index
    tpu.barrier barrier_id(%barrier3A_68)
    %mul3A_69 = arith.constant 624 : i32
    %mul3A_70 = arith.muli %arg1, %mul3A_69 : i32
    %mul3A_71 = arith.constant 10000 : i32
    %mul3A_72 = arith.muli %arg0, %mul3A_71 : i32
    %mul3A_73 = arith.constant 624 : i32
    %mul3A_74 = arith.muli %arg1, %mul3A_73 : i32
    %add3A_75 = arith.addi %mul3A_72, %mul3A_74 : i32
    "tpu.region"() ({
      %run_scoped3A = tpu.sem_alloc : memref<!tpu.dma_semaphore, #tpu.memory_space<semaphore_mem>>
      %dma_start3A_81 = arith.constant 0 : i32
      %dma_start3A_82 = tpu.memref_slice %arg4[%add3A_75, %dma_start3A_81] : memref<20000x128xf32, #tpu.memory_space<hbm>> -> memref<624x128xf32, #tpu.memory_space<hbm>>
      %dma_start3A_83 = arith.constant 0 : i32
      %dma_start3A_84 = tpu.memref_slice %arg5[%mul3A_70, %dma_start3A_83] : memref<10008x128xf32, #tpu.memory_space<vmem_shared>> -> memref<624x128xf32, #tpu.memory_space<vmem_shared>>
      tpu.enqueue_dma source(%dma_start3A_84 : memref<624x128xf32, #tpu.memory_space<vmem_shared>>) target(%dma_start3A_82 : memref<624x128xf32, #tpu.memory_space<hbm>>) target_semaphore(%run_scoped3A : memref<!tpu.dma_semaphore, #tpu.memory_space<semaphore_mem>>)
      %dma_wait3A_85 = arith.constant 0 : i32
      %dma_wait3A_86 = tpu.memref_slice %arg4[%add3A_75, %dma_wait3A_85] : memref<20000x128xf32, #tpu.memory_space<hbm>> -> memref<624x128xf32, #tpu.memory_space<hbm>>
      %dma_wait3A_87 = arith.constant 0 : i32
      %dma_wait3A_88 = tpu.memref_slice %arg5[%mul3A_70, %dma_wait3A_87] : memref<10008x128xf32, #tpu.memory_space<vmem_shared>> -> memref<624x128xf32, #tpu.memory_space<vmem_shared>>
      tpu.wait_dma2 semaphore(%run_scoped3A : memref<!tpu.dma_semaphore, #tpu.memory_space<semaphore_mem>>) src(%dma_wait3A_88 : memref<624x128xf32, #tpu.memory_space<vmem_shared>>) dst(%dma_wait3A_86 : memref<624x128xf32, #tpu.memory_space<hbm>>)
      tpu.yield
    }) : () -> ()
    %eq3A_76 = arith.constant 0 : i32
    %eq3A_77 = arith.cmpi eq, %arg1, %eq3A_76 : i32
    %convert_element_type3A_78 = arith.extui %eq3A_77 : i1 to i32
    %cond3A_79 = arith.constant 0 : i32
    %cond3A_80 = arith.cmpi ne, %convert_element_type3A_78, %cond3A_79 : i32
    scf.if %cond3A_80 {
      %mul3A_81 = arith.constant 10000 : i32
      %mul3A_82 = arith.muli %arg0, %mul3A_81 : i32
      %add3A_83 = arith.constant 9984 : i32
      %add3A_84 = arith.addi %mul3A_82, %add3A_83 : i32
      "tpu.region"() ({
        %run_scoped3A = tpu.sem_alloc : memref<!tpu.dma_semaphore, #tpu.memory_space<semaphore_mem>>
        %dma_start3A_85 = arith.constant 0 : i32
        %dma_start3A_86 = tpu.memref_slice %arg4[%add3A_84, %dma_start3A_85] : memref<20000x128xf32, #tpu.memory_space<hbm>> -> memref<16x128xf32, #tpu.memory_space<hbm>>
        %dma_start3A_87 = arith.constant 9984 : i32
        %dma_start3A_88 = arith.constant 0 : i32
        %dma_start3A_89 = tpu.memref_slice %arg5[%dma_start3A_87, %dma_start3A_88] : memref<10008x128xf32, #tpu.memory_space<vmem_shared>> -> memref<16x128xf32, #tpu.memory_space<vmem_shared>>
        tpu.enqueue_dma source(%dma_start3A_89 : memref<16x128xf32, #tpu.memory_space<vmem_shared>>) target(%dma_start3A_86 : memref<16x128xf32, #tpu.memory_space<hbm>>) target_semaphore(%run_scoped3A : memref<!tpu.dma_semaphore, #tpu.memory_space<semaphore_mem>>)
        %dma_wait3A_90 = arith.constant 0 : i32
        %dma_wait3A_91 = tpu.memref_slice %arg4[%add3A_84, %dma_wait3A_90] : memref<20000x128xf32, #tpu.memory_space<hbm>> -> memref<16x128xf32, #tpu.memory_space<hbm>>
        %dma_wait3A_92 = arith.constant 9984 : i32
        %dma_wait3A_93 = arith.constant 0 : i32
        %dma_wait3A_94 = tpu.memref_slice %arg5[%dma_wait3A_92, %dma_wait3A_93] : memref<10008x128xf32, #tpu.memory_space<vmem_shared>> -> memref<16x128xf32, #tpu.memory_space<vmem_shared>>
        tpu.wait_dma2 semaphore(%run_scoped3A : memref<!tpu.dma_semaphore, #tpu.memory_space<semaphore_mem>>) src(%dma_wait3A_94 : memref<16x128xf32, #tpu.memory_space<vmem_shared>>) dst(%dma_wait3A_91 : memref<16x128xf32, #tpu.memory_space<hbm>>)
        tpu.yield
      }) : () -> ()
    } else {
    }
    return
  }
}

#map = affine_map<(d0, d1) -> (0, 0)>
#map1 = affine_map<(d0, d1) -> (0, 0, 0)>
module attributes {stable_mosaic.version = 14 : i64} {
  func.func @body(%arg0: i32, %arg1: i32, %arg2: memref<20000x128xf32, #tpu.memory_space<hbm>>, %arg3: memref<20000x128xf32, #tpu.memory_space<hbm>>, %arg4: memref<16x80x128xi32, #tpu.memory_space<hbm>>, %arg5: memref<16x80x128xi32, #tpu.memory_space<hbm>>, %arg6: memref<16x80x128xi32, #tpu.memory_space<hbm>>, %arg7: memref<16x80x128xi32, #tpu.memory_space<hbm>>, %arg8: memref<20000x128xf32, #tpu.memory_space<hbm>>, %arg9: memref<20000x128xf32, #tpu.memory_space<hbm>>, %arg10: memref<10008x128xf32, #tpu.memory_space<vmem_shared>>, %arg11: memref<40x128xi32, #tpu.memory_space<vmem>>, %arg12: memref<40x128xi32, #tpu.memory_space<vmem>>, %arg13: memref<2x128x128xf32, #tpu.memory_space<vmem>>, %arg14: memref<!tpu.dma_semaphore, #tpu.memory_space<semaphore_mem>>, %arg15: memref<!tpu.dma_semaphore, #tpu.memory_space<semaphore_mem>>) attributes {dimension_semantics = [#tpu.dimension_semantics<core_parallel>, #tpu.dimension_semantics<subcore_parallel>], iteration_bounds = array<i64: 2, 16>, scalar_prefetch = 0 : i64, scratch_operands = 6 : i64, tpu.core_type = #tpu.core_type<sc_vector_subcore>, window_params = [{transform_indices = #map}, {transform_indices = #map}, {transform_indices = #map1}, {transform_indices = #map1}, {transform_indices = #map1}, {transform_indices = #map1}, {transform_indices = #map}, {transform_indices = #map}]} {
    %mul3A = arith.constant 10000 : i32
    %mul3A_0 = arith.muli %arg0, %mul3A : i32
    %scan3A = arith.constant 0 : i32
    %scan3A_1 = arith.constant 0 : i32
    %scan3A_2 = arith.constant 32 : i32
    %scan3A_3 = arith.addi %scan3A_1, %scan3A_2 : i32
    %scan3A_4 = arith.constant 1 : i32
    scf.for %scan3A_476 = %scan3A_1 to %scan3A_3 step %scan3A_4  : i32 {
      %mul3A_477 = arith.constant 1 : i32
      %mul3A_478 = arith.muli %scan3A_476, %mul3A_477 : i32
      %add3A_479 = arith.constant 0 : i32
      %add3A_480 = arith.addi %add3A_479, %mul3A_478 : i32
      %scan3A_481 = arith.constant 0 : i32
      %scan3A_482 = arith.constant 8 : i32
      %scan3A_483 = arith.addi %scan3A_481, %scan3A_482 : i32
      %scan3A_484 = arith.constant 1 : i32
      scf.for %scan3A_486 = %scan3A_481 to %scan3A_483 step %scan3A_484  : i32 {
        %mul3A_487 = arith.constant 16 : i32
        %mul3A_488 = arith.muli %scan3A_486, %mul3A_487 : i32
        %add3A_489 = arith.constant 0 : i32
        %add3A_490 = arith.addi %add3A_489, %mul3A_488 : i32
        %broadcast_in_dim3A = arith.constant 0.000000e+00 : f32
        %broadcast_in_dim3A_491 = vector.broadcast %broadcast_in_dim3A : f32 to vector<16xf32>
        %swap3A = arith.constant 0 : i32
        %swap3A_492 = arith.constant 0 : i32
        %swap3A_493 = tpu.memref_slice %arg13[%scan3A, %swap3A, %swap3A_492] : memref<2x128x128xf32, #tpu.memory_space<vmem>> -> memref<1x128x128xf32, #tpu.memory_space<vmem>>
        %swap3A_494 = tpu.memref_squeeze %swap3A_493 : memref<1x128x128xf32, #tpu.memory_space<vmem>> -> memref<128x128xf32, #tpu.memory_space<vmem>>
        %swap3A_495 = arith.index_cast %add3A_480 : i32 to index
        %swap3A_496 = arith.index_cast %add3A_490 : i32 to index
        %swap3A_497 = tpu.vector_load %swap3A_494[%swap3A_495, %swap3A_496] {strides = array<i32>} : memref<128x128xf32, #tpu.memory_space<vmem>>, vector<1x16xf32>,
        %swap3A_498 = vector.shape_cast %swap3A_497 : vector<1x16xf32> to vector<16xf32>
        %swap3A_499 = vector.shape_cast %broadcast_in_dim3A_491 : vector<16xf32> to vector<1x16xf32>
        tpu.vector_store %swap3A_494[%swap3A_495, %swap3A_496], %swap3A_499 {strides = array<i32>} : memref<128x128xf32, #tpu.memory_space<vmem>>, vector<1x16xf32>,
      }
      %scan3A_485 = arith.constant 8 : i32
    }
    %scan3A_5 = arith.constant 32 : i32
    %mul3A_6 = arith.constant 624 : i32
    %mul3A_7 = arith.muli %arg1, %mul3A_6 : i32
    %scan3A_8 = arith.constant 0 : i32
    %scan3A_9 = arith.constant 0 : i32
    %scan3A_10 = arith.constant 19 : i32
    %scan3A_11 = arith.addi %scan3A_9, %scan3A_10 : i32
    %scan3A_12 = arith.constant 1 : i32
    scf.for %scan3A_476 = %scan3A_9 to %scan3A_11 step %scan3A_12  : i32 {
      %mul3A_477 = arith.constant 1 : i32
      %mul3A_478 = arith.muli %scan3A_476, %mul3A_477 : i32
      %add3A_479 = arith.constant 0 : i32
      %add3A_480 = arith.addi %add3A_479, %mul3A_478 : i32
      %mul3A_481 = arith.constant 32 : i32
      %mul3A_482 = arith.muli %add3A_480, %mul3A_481 : i32
      %add3A_483 = arith.addi %mul3A_7, %mul3A_482 : i32
      %dma_start3A_484 = arith.constant 0 : i32
      %dma_start3A_485 = arith.constant 0 : i32
      %dma_start3A_486 = tpu.memref_slice %arg13[%scan3A_8, %dma_start3A_484, %dma_start3A_485] : memref<2x128x128xf32, #tpu.memory_space<vmem>> -> memref<1x128x128xf32, #tpu.memory_space<vmem>>
      %dma_start3A_487 = tpu.memref_squeeze %dma_start3A_486 : memref<1x128x128xf32, #tpu.memory_space<vmem>> -> memref<128x128xf32, #tpu.memory_space<vmem>>
      %dma_start3A_488 = arith.constant 0 : i32
      %dma_start3A_489 = arith.constant 0 : i32
      %dma_start3A_490 = tpu.memref_slice %dma_start3A_487[%dma_start3A_488, %dma_start3A_489] : memref<128x128xf32, #tpu.memory_space<vmem>> -> memref<32x128xf32, #tpu.memory_space<vmem>>
      %dma_start3A_491 = arith.constant 0 : i32
      %dma_start3A_492 = tpu.memref_slice %arg10[%add3A_483, %dma_start3A_491] : memref<10008x128xf32, #tpu.memory_space<vmem_shared>> -> memref<32x128xf32, #tpu.memory_space<vmem_shared>>
      %dma_start3A_493 = arith.constant 0 : i32
      %dma_start3A_494 = tpu.memref_slice %arg10[%add3A_483, %dma_start3A_493] : memref<10008x128xf32, #tpu.memory_space<vmem_shared>> -> memref<32x128xf32, #tpu.memory_space<vmem_shared>>
      %dma_start3A_495 = arith.constant 0 : i32
      %dma_start3A_496 = arith.constant 0 : i32
      %dma_start3A_497 = tpu.memref_slice %arg13[%scan3A_8, %dma_start3A_495, %dma_start3A_496] : memref<2x128x128xf32, #tpu.memory_space<vmem>> -> memref<1x128x128xf32, #tpu.memory_space<vmem>>
      %dma_start3A_498 = tpu.memref_squeeze %dma_start3A_497 : memref<1x128x128xf32, #tpu.memory_space<vmem>> -> memref<128x128xf32, #tpu.memory_space<vmem>>
      %dma_start3A_499 = arith.constant 0 : i32
      %dma_start3A_500 = arith.constant 0 : i32
      %dma_start3A_501 = tpu.memref_slice %dma_start3A_498[%dma_start3A_499, %dma_start3A_500] : memref<128x128xf32, #tpu.memory_space<vmem>> -> memref<32x128xf32, #tpu.memory_space<vmem>>
      tpu.enqueue_dma source(%dma_start3A_501 : memref<32x128xf32, #tpu.memory_space<vmem>>) target(%dma_start3A_494 : memref<32x128xf32, #tpu.memory_space<vmem_shared>>) target_semaphore(%arg14 : memref<!tpu.dma_semaphore, #tpu.memory_space<semaphore_mem>>)
    }
    %scan3A_13 = arith.constant 19 : i32
    %add3A = arith.constant 608 : i32
    %add3A_14 = arith.addi %mul3A_7, %add3A : i32
    %dma_start3A = arith.constant 0 : i32
    %dma_start3A_15 = arith.constant 0 : i32
    %dma_start3A_16 = arith.constant 0 : i32
    %dma_start3A_17 = tpu.memref_slice %arg13[%dma_start3A, %dma_start3A_15, %dma_start3A_16] : memref<2x128x128xf32, #tpu.memory_space<vmem>> -> memref<1x128x128xf32, #tpu.memory_space<vmem>>
    %dma_start3A_18 = tpu.memref_squeeze %dma_start3A_17 : memref<1x128x128xf32, #tpu.memory_space<vmem>> -> memref<128x128xf32, #tpu.memory_space<vmem>>
    %dma_start3A_19 = arith.constant 0 : i32
    %dma_start3A_20 = arith.constant 0 : i32
    %dma_start3A_21 = tpu.memref_slice %dma_start3A_18[%dma_start3A_19, %dma_start3A_20] : memref<128x128xf32, #tpu.memory_space<vmem>> -> memref<16x128xf32, #tpu.memory_space<vmem>>
    %dma_start3A_22 = arith.constant 0 : i32
    %dma_start3A_23 = tpu.memref_slice %arg10[%add3A_14, %dma_start3A_22] : memref<10008x128xf32, #tpu.memory_space<vmem_shared>> -> memref<16x128xf32, #tpu.memory_space<vmem_shared>>
    %dma_start3A_24 = arith.constant 0 : i32
    %dma_start3A_25 = tpu.memref_slice %arg10[%add3A_14, %dma_start3A_24] : memref<10008x128xf32, #tpu.memory_space<vmem_shared>> -> memref<16x128xf32, #tpu.memory_space<vmem_shared>>
    %dma_start3A_26 = arith.constant 0 : i32
    %dma_start3A_27 = arith.constant 0 : i32
    %dma_start3A_28 = tpu.memref_slice %arg13[%dma_start3A, %dma_start3A_26, %dma_start3A_27] : memref<2x128x128xf32, #tpu.memory_space<vmem>> -> memref<1x128x128xf32, #tpu.memory_space<vmem>>
    %dma_start3A_29 = tpu.memref_squeeze %dma_start3A_28 : memref<1x128x128xf32, #tpu.memory_space<vmem>> -> memref<128x128xf32, #tpu.memory_space<vmem>>
    %dma_start3A_30 = arith.constant 0 : i32
    %dma_start3A_31 = arith.constant 0 : i32
    %dma_start3A_32 = tpu.memref_slice %dma_start3A_29[%dma_start3A_30, %dma_start3A_31] : memref<128x128xf32, #tpu.memory_space<vmem>> -> memref<16x128xf32, #tpu.memory_space<vmem>>
    tpu.enqueue_dma source(%dma_start3A_32 : memref<16x128xf32, #tpu.memory_space<vmem>>) target(%dma_start3A_25 : memref<16x128xf32, #tpu.memory_space<vmem_shared>>) target_semaphore(%arg14 : memref<!tpu.dma_semaphore, #tpu.memory_space<semaphore_mem>>)
    %eq3A = arith.constant 0 : i32
    %eq3A_33 = arith.cmpi eq, %arg1, %eq3A : i32
    %convert_element_type3A = arith.extui %eq3A_33 : i1 to i32
    %cond3A = arith.constant 0 : i32
    %cond3A_34 = arith.constant 0 : i32
    %cond3A_35 = arith.cmpi ne, %convert_element_type3A, %cond3A_34 : i32
    scf.if %cond3A_35 {
      %dma_start3A_476 = arith.constant 0 : i32
      %dma_start3A_477 = arith.constant 0 : i32
      %dma_start3A_478 = tpu.memref_slice %arg13[%cond3A, %dma_start3A_476, %dma_start3A_477] : memref<2x128x128xf32, #tpu.memory_space<vmem>> -> memref<1x128x128xf32, #tpu.memory_space<vmem>>
      %dma_start3A_479 = tpu.memref_squeeze %dma_start3A_478 : memref<1x128x128xf32, #tpu.memory_space<vmem>> -> memref<128x128xf32, #tpu.memory_space<vmem>>
      %dma_start3A_480 = arith.constant 0 : i32
      %dma_start3A_481 = arith.constant 0 : i32
      %dma_start3A_482 = tpu.memref_slice %dma_start3A_479[%dma_start3A_480, %dma_start3A_481] : memref<128x128xf32, #tpu.memory_space<vmem>> -> memref<16x128xf32, #tpu.memory_space<vmem>>
      %dma_start3A_483 = arith.constant 9984 : i32
      %dma_start3A_484 = arith.constant 0 : i32
      %dma_start3A_485 = tpu.memref_slice %arg10[%dma_start3A_483, %dma_start3A_484] : memref<10008x128xf32, #tpu.memory_space<vmem_shared>> -> memref<16x128xf32, #tpu.memory_space<vmem_shared>>
      %dma_start3A_486 = arith.constant 9984 : i32
      %dma_start3A_487 = arith.constant 0 : i32
      %dma_start3A_488 = tpu.memref_slice %arg10[%dma_start3A_486, %dma_start3A_487] : memref<10008x128xf32, #tpu.memory_space<vmem_shared>> -> memref<16x128xf32, #tpu.memory_space<vmem_shared>>
      %dma_start3A_489 = arith.constant 0 : i32
      %dma_start3A_490 = arith.constant 0 : i32
      %dma_start3A_491 = tpu.memref_slice %arg13[%cond3A, %dma_start3A_489, %dma_start3A_490] : memref<2x128x128xf32, #tpu.memory_space<vmem>> -> memref<1x128x128xf32, #tpu.memory_space<vmem>>
      %dma_start3A_492 = tpu.memref_squeeze %dma_start3A_491 : memref<1x128x128xf32, #tpu.memory_space<vmem>> -> memref<128x128xf32, #tpu.memory_space<vmem>>
      %dma_start3A_493 = arith.constant 0 : i32
      %dma_start3A_494 = arith.constant 0 : i32
      %dma_start3A_495 = tpu.memref_slice %dma_start3A_492[%dma_start3A_493, %dma_start3A_494] : memref<128x128xf32, #tpu.memory_space<vmem>> -> memref<16x128xf32, #tpu.memory_space<vmem>>
      tpu.enqueue_dma source(%dma_start3A_495 : memref<16x128xf32, #tpu.memory_space<vmem>>) target(%dma_start3A_488 : memref<16x128xf32, #tpu.memory_space<vmem_shared>>) target_semaphore(%arg14 : memref<!tpu.dma_semaphore, #tpu.memory_space<semaphore_mem>>)
    } else {
    }
    %scan3A_36 = arith.constant 0 : i32
    %scan3A_37 = arith.constant 0 : i32
    %scan3A_38 = arith.constant 19 : i32
    %scan3A_39 = arith.addi %scan3A_37, %scan3A_38 : i32
    %scan3A_40 = arith.constant 1 : i32
    scf.for %scan3A_476 = %scan3A_37 to %scan3A_39 step %scan3A_40  : i32 {
      %mul3A_477 = arith.constant 1 : i32
      %mul3A_478 = arith.muli %scan3A_476, %mul3A_477 : i32
      %add3A_479 = arith.constant 0 : i32
      %add3A_480 = arith.addi %add3A_479, %mul3A_478 : i32
      %mul3A_481 = arith.constant 32 : i32
      %mul3A_482 = arith.muli %add3A_480, %mul3A_481 : i32
      %add3A_483 = arith.addi %mul3A_7, %mul3A_482 : i32
      %dma_wait3A_484 = arith.constant 0 : i32
      %dma_wait3A_485 = arith.constant 0 : i32
      %dma_wait3A_486 = tpu.memref_slice %arg13[%scan3A_36, %dma_wait3A_484, %dma_wait3A_485] : memref<2x128x128xf32, #tpu.memory_space<vmem>> -> memref<1x128x128xf32, #tpu.memory_space<vmem>>
      %dma_wait3A_487 = tpu.memref_squeeze %dma_wait3A_486 : memref<1x128x128xf32, #tpu.memory_space<vmem>> -> memref<128x128xf32, #tpu.memory_space<vmem>>
      %dma_wait3A_488 = arith.constant 0 : i32
      %dma_wait3A_489 = arith.constant 0 : i32
      %dma_wait3A_490 = tpu.memref_slice %dma_wait3A_487[%dma_wait3A_488, %dma_wait3A_489] : memref<128x128xf32, #tpu.memory_space<vmem>> -> memref<32x128xf32, #tpu.memory_space<vmem>>
      %dma_wait3A_491 = arith.constant 0 : i32
      %dma_wait3A_492 = tpu.memref_slice %arg10[%add3A_483, %dma_wait3A_491] : memref<10008x128xf32, #tpu.memory_space<vmem_shared>> -> memref<32x128xf32, #tpu.memory_space<vmem_shared>>
      %dma_wait3A_493 = arith.constant 0 : i32
      %dma_wait3A_494 = tpu.memref_slice %arg10[%add3A_483, %dma_wait3A_493] : memref<10008x128xf32, #tpu.memory_space<vmem_shared>> -> memref<32x128xf32, #tpu.memory_space<vmem_shared>>
      %dma_wait3A_495 = arith.constant 0 : i32
      %dma_wait3A_496 = arith.constant 0 : i32
      %dma_wait3A_497 = tpu.memref_slice %arg13[%scan3A_36, %dma_wait3A_495, %dma_wait3A_496] : memref<2x128x128xf32, #tpu.memory_space<vmem>> -> memref<1x128x128xf32, #tpu.memory_space<vmem>>
      %dma_wait3A_498 = tpu.memref_squeeze %dma_wait3A_497 : memref<1x128x128xf32, #tpu.memory_space<vmem>> -> memref<128x128xf32, #tpu.memory_space<vmem>>
      %dma_wait3A_499 = arith.constant 0 : i32
      %dma_wait3A_500 = arith.constant 0 : i32
      %dma_wait3A_501 = tpu.memref_slice %dma_wait3A_498[%dma_wait3A_499, %dma_wait3A_500] : memref<128x128xf32, #tpu.memory_space<vmem>> -> memref<32x128xf32, #tpu.memory_space<vmem>>
      tpu.wait_dma2 semaphore(%arg14 : memref<!tpu.dma_semaphore, #tpu.memory_space<semaphore_mem>>) src(%dma_wait3A_501 : memref<32x128xf32, #tpu.memory_space<vmem>>) dst(%dma_wait3A_494 : memref<32x128xf32, #tpu.memory_space<vmem_shared>>)
    }
    %scan3A_41 = arith.constant 19 : i32
    %add3A_42 = arith.constant 608 : i32
    %add3A_43 = arith.addi %mul3A_7, %add3A_42 : i32
    %dma_wait3A = arith.constant 0 : i32
    %dma_wait3A_44 = arith.constant 0 : i32
    %dma_wait3A_45 = arith.constant 0 : i32
    %dma_wait3A_46 = tpu.memref_slice %arg13[%dma_wait3A, %dma_wait3A_44, %dma_wait3A_45] : memref<2x128x128xf32, #tpu.memory_space<vmem>> -> memref<1x128x128xf32, #tpu.memory_space<vmem>>
    %dma_wait3A_47 = tpu.memref_squeeze %dma_wait3A_46 : memref<1x128x128xf32, #tpu.memory_space<vmem>> -> memref<128x128xf32, #tpu.memory_space<vmem>>
    %dma_wait3A_48 = arith.constant 0 : i32
    %dma_wait3A_49 = arith.constant 0 : i32
    %dma_wait3A_50 = tpu.memref_slice %dma_wait3A_47[%dma_wait3A_48, %dma_wait3A_49] : memref<128x128xf32, #tpu.memory_space<vmem>> -> memref<16x128xf32, #tpu.memory_space<vmem>>
    %dma_wait3A_51 = arith.constant 0 : i32
    %dma_wait3A_52 = tpu.memref_slice %arg10[%add3A_43, %dma_wait3A_51] : memref<10008x128xf32, #tpu.memory_space<vmem_shared>> -> memref<16x128xf32, #tpu.memory_space<vmem_shared>>
    %dma_wait3A_53 = arith.constant 0 : i32
    %dma_wait3A_54 = tpu.memref_slice %arg10[%add3A_43, %dma_wait3A_53] : memref<10008x128xf32, #tpu.memory_space<vmem_shared>> -> memref<16x128xf32, #tpu.memory_space<vmem_shared>>
    %dma_wait3A_55 = arith.constant 0 : i32
    %dma_wait3A_56 = arith.constant 0 : i32
    %dma_wait3A_57 = tpu.memref_slice %arg13[%dma_wait3A, %dma_wait3A_55, %dma_wait3A_56] : memref<2x128x128xf32, #tpu.memory_space<vmem>> -> memref<1x128x128xf32, #tpu.memory_space<vmem>>
    %dma_wait3A_58 = tpu.memref_squeeze %dma_wait3A_57 : memref<1x128x128xf32, #tpu.memory_space<vmem>> -> memref<128x128xf32, #tpu.memory_space<vmem>>
    %dma_wait3A_59 = arith.constant 0 : i32
    %dma_wait3A_60 = arith.constant 0 : i32
    %dma_wait3A_61 = tpu.memref_slice %dma_wait3A_58[%dma_wait3A_59, %dma_wait3A_60] : memref<128x128xf32, #tpu.memory_space<vmem>> -> memref<16x128xf32, #tpu.memory_space<vmem>>
    tpu.wait_dma2 semaphore(%arg14 : memref<!tpu.dma_semaphore, #tpu.memory_space<semaphore_mem>>) src(%dma_wait3A_61 : memref<16x128xf32, #tpu.memory_space<vmem>>) dst(%dma_wait3A_54 : memref<16x128xf32, #tpu.memory_space<vmem_shared>>)
    %eq3A_62 = arith.constant 0 : i32
    %eq3A_63 = arith.cmpi eq, %arg1, %eq3A_62 : i32
    %convert_element_type3A_64 = arith.extui %eq3A_63 : i1 to i32
    %cond3A_65 = arith.constant 0 : i32
    %cond3A_66 = arith.constant 0 : i32
    %cond3A_67 = arith.cmpi ne, %convert_element_type3A_64, %cond3A_66 : i32
    scf.if %cond3A_67 {
      %dma_wait3A_476 = arith.constant 0 : i32
      %dma_wait3A_477 = arith.constant 0 : i32
      %dma_wait3A_478 = tpu.memref_slice %arg13[%cond3A_65, %dma_wait3A_476, %dma_wait3A_477] : memref<2x128x128xf32, #tpu.memory_space<vmem>> -> memref<1x128x128xf32, #tpu.memory_space<vmem>>
      %dma_wait3A_479 = tpu.memref_squeeze %dma_wait3A_478 : memref<1x128x128xf32, #tpu.memory_space<vmem>> -> memref<128x128xf32, #tpu.memory_space<vmem>>
      %dma_wait3A_480 = arith.constant 0 : i32
      %dma_wait3A_481 = arith.constant 0 : i32
      %dma_wait3A_482 = tpu.memref_slice %dma_wait3A_479[%dma_wait3A_480, %dma_wait3A_481] : memref<128x128xf32, #tpu.memory_space<vmem>> -> memref<16x128xf32, #tpu.memory_space<vmem>>
      %dma_wait3A_483 = arith.constant 9984 : i32
      %dma_wait3A_484 = arith.constant 0 : i32
      %dma_wait3A_485 = tpu.memref_slice %arg10[%dma_wait3A_483, %dma_wait3A_484] : memref<10008x128xf32, #tpu.memory_space<vmem_shared>> -> memref<16x128xf32, #tpu.memory_space<vmem_shared>>
      %dma_wait3A_486 = arith.constant 9984 : i32
      %dma_wait3A_487 = arith.constant 0 : i32
      %dma_wait3A_488 = tpu.memref_slice %arg10[%dma_wait3A_486, %dma_wait3A_487] : memref<10008x128xf32, #tpu.memory_space<vmem_shared>> -> memref<16x128xf32, #tpu.memory_space<vmem_shared>>
      %dma_wait3A_489 = arith.constant 0 : i32
      %dma_wait3A_490 = arith.constant 0 : i32
      %dma_wait3A_491 = tpu.memref_slice %arg13[%cond3A_65, %dma_wait3A_489, %dma_wait3A_490] : memref<2x128x128xf32, #tpu.memory_space<vmem>> -> memref<1x128x128xf32, #tpu.memory_space<vmem>>
      %dma_wait3A_492 = tpu.memref_squeeze %dma_wait3A_491 : memref<1x128x128xf32, #tpu.memory_space<vmem>> -> memref<128x128xf32, #tpu.memory_space<vmem>>
      %dma_wait3A_493 = arith.constant 0 : i32
      %dma_wait3A_494 = arith.constant 0 : i32
      %dma_wait3A_495 = tpu.memref_slice %dma_wait3A_492[%dma_wait3A_493, %dma_wait3A_494] : memref<128x128xf32, #tpu.memory_space<vmem>> -> memref<16x128xf32, #tpu.memory_space<vmem>>
      tpu.wait_dma2 semaphore(%arg14 : memref<!tpu.dma_semaphore, #tpu.memory_space<semaphore_mem>>) src(%dma_wait3A_495 : memref<16x128xf32, #tpu.memory_space<vmem>>) dst(%dma_wait3A_488 : memref<16x128xf32, #tpu.memory_space<vmem_shared>>)
    } else {
    }
    %barrier3A = arith.constant 0 : index
    tpu.barrier barrier_id(%barrier3A)
    "tpu.region"() ({
      %run_scoped3A = tpu.sem_alloc : memref<!tpu.dma_semaphore, #tpu.memory_space<semaphore_mem>>
      %dma_start3A_476 = arith.constant 0 : i32
      %dma_start3A_477 = arith.constant 0 : i32
      %dma_start3A_478 = tpu.memref_slice %arg4[%arg1, %dma_start3A_476, %dma_start3A_477] : memref<16x80x128xi32, #tpu.memory_space<hbm>> -> memref<1x40x128xi32, #tpu.memory_space<hbm>>
      %dma_start3A_479 = tpu.memref_squeeze %dma_start3A_478 : memref<1x40x128xi32, #tpu.memory_space<hbm>> -> memref<40x128xi32, #tpu.memory_space<hbm>>
      %dma_start3A_480 = arith.constant 0 : i32
      %dma_start3A_481 = arith.constant 0 : i32
      %dma_start3A_482 = tpu.memref_slice %arg4[%arg1, %dma_start3A_480, %dma_start3A_481] : memref<16x80x128xi32, #tpu.memory_space<hbm>> -> memref<1x40x128xi32, #tpu.memory_space<hbm>>
      %dma_start3A_483 = tpu.memref_squeeze %dma_start3A_482 : memref<1x40x128xi32, #tpu.memory_space<hbm>> -> memref<40x128xi32, #tpu.memory_space<hbm>>
      tpu.enqueue_dma source(%dma_start3A_483 : memref<40x128xi32, #tpu.memory_space<hbm>>) target(%arg11 : memref<40x128xi32, #tpu.memory_space<vmem>>) target_semaphore(%run_scoped3A : memref<!tpu.dma_semaphore, #tpu.memory_space<semaphore_mem>>)
      %dma_wait3A_484 = arith.constant 0 : i32
      %dma_wait3A_485 = arith.constant 0 : i32
      %dma_wait3A_486 = tpu.memref_slice %arg4[%arg1, %dma_wait3A_484, %dma_wait3A_485] : memref<16x80x128xi32, #tpu.memory_space<hbm>> -> memref<1x40x128xi32, #tpu.memory_space<hbm>>
      %dma_wait3A_487 = tpu.memref_squeeze %dma_wait3A_486 : memref<1x40x128xi32, #tpu.memory_space<hbm>> -> memref<40x128xi32, #tpu.memory_space<hbm>>
      %dma_wait3A_488 = arith.constant 0 : i32
      %dma_wait3A_489 = arith.constant 0 : i32
      %dma_wait3A_490 = tpu.memref_slice %arg4[%arg1, %dma_wait3A_488, %dma_wait3A_489] : memref<16x80x128xi32, #tpu.memory_space<hbm>> -> memref<1x40x128xi32, #tpu.memory_space<hbm>>
      %dma_wait3A_491 = tpu.memref_squeeze %dma_wait3A_490 : memref<1x40x128xi32, #tpu.memory_space<hbm>> -> memref<40x128xi32, #tpu.memory_space<hbm>>
      tpu.wait_dma2 semaphore(%run_scoped3A : memref<!tpu.dma_semaphore, #tpu.memory_space<semaphore_mem>>) src(%dma_wait3A_491 : memref<40x128xi32, #tpu.memory_space<hbm>>) dst(%arg11 : memref<40x128xi32, #tpu.memory_space<vmem>>)
      tpu.yield
    }) : () -> ()
    "tpu.region"() ({
      %run_scoped3A = tpu.sem_alloc : memref<!tpu.dma_semaphore, #tpu.memory_space<semaphore_mem>>
      %dma_start3A_476 = arith.constant 0 : i32
      %dma_start3A_477 = arith.constant 0 : i32
      %dma_start3A_478 = tpu.memref_slice %arg7[%arg1, %dma_start3A_476, %dma_start3A_477] : memref<16x80x128xi32, #tpu.memory_space<hbm>> -> memref<1x40x128xi32, #tpu.memory_space<hbm>>
      %dma_start3A_479 = tpu.memref_squeeze %dma_start3A_478 : memref<1x40x128xi32, #tpu.memory_space<hbm>> -> memref<40x128xi32, #tpu.memory_space<hbm>>
      %dma_start3A_480 = arith.constant 0 : i32
      %dma_start3A_481 = arith.constant 0 : i32
      %dma_start3A_482 = tpu.memref_slice %arg7[%arg1, %dma_start3A_480, %dma_start3A_481] : memref<16x80x128xi32, #tpu.memory_space<hbm>> -> memref<1x40x128xi32, #tpu.memory_space<hbm>>
      %dma_start3A_483 = tpu.memref_squeeze %dma_start3A_482 : memref<1x40x128xi32, #tpu.memory_space<hbm>> -> memref<40x128xi32, #tpu.memory_space<hbm>>
      tpu.enqueue_dma source(%dma_start3A_483 : memref<40x128xi32, #tpu.memory_space<hbm>>) target(%arg12 : memref<40x128xi32, #tpu.memory_space<vmem>>) target_semaphore(%run_scoped3A : memref<!tpu.dma_semaphore, #tpu.memory_space<semaphore_mem>>)
      %dma_wait3A_484 = arith.constant 0 : i32
      %dma_wait3A_485 = arith.constant 0 : i32
      %dma_wait3A_486 = tpu.memref_slice %arg7[%arg1, %dma_wait3A_484, %dma_wait3A_485] : memref<16x80x128xi32, #tpu.memory_space<hbm>> -> memref<1x40x128xi32, #tpu.memory_space<hbm>>
      %dma_wait3A_487 = tpu.memref_squeeze %dma_wait3A_486 : memref<1x40x128xi32, #tpu.memory_space<hbm>> -> memref<40x128xi32, #tpu.memory_space<hbm>>
      %dma_wait3A_488 = arith.constant 0 : i32
      %dma_wait3A_489 = arith.constant 0 : i32
      %dma_wait3A_490 = tpu.memref_slice %arg7[%arg1, %dma_wait3A_488, %dma_wait3A_489] : memref<16x80x128xi32, #tpu.memory_space<hbm>> -> memref<1x40x128xi32, #tpu.memory_space<hbm>>
      %dma_wait3A_491 = tpu.memref_squeeze %dma_wait3A_490 : memref<1x40x128xi32, #tpu.memory_space<hbm>> -> memref<40x128xi32, #tpu.memory_space<hbm>>
      tpu.wait_dma2 semaphore(%run_scoped3A : memref<!tpu.dma_semaphore, #tpu.memory_space<semaphore_mem>>) src(%dma_wait3A_491 : memref<40x128xi32, #tpu.memory_space<hbm>>) dst(%arg12 : memref<40x128xi32, #tpu.memory_space<vmem>>)
      tpu.yield
    }) : () -> ()
    %scan3A_68 = arith.constant 0 : i32
    %scan3A_69 = arith.constant 40 : i32
    %scan3A_70 = arith.addi %scan3A_68, %scan3A_69 : i32
    %scan3A_71 = arith.constant 1 : i32
    scf.for %scan3A_476 = %scan3A_68 to %scan3A_70 step %scan3A_71  : i32 {
      %mul3A_477 = arith.constant 1 : i32
      %mul3A_478 = arith.muli %scan3A_476, %mul3A_477 : i32
      %add3A_479 = arith.constant 0 : i32
      %add3A_480 = arith.addi %add3A_479, %mul3A_478 : i32
      %get3A = arith.index_cast %add3A_480 : i32 to index
      %get3A_481 = arith.constant 0 : index
      %get3A_482 = tpu.vector_load %arg11[%get3A, %get3A_481] {strides = array<i32>} : memref<40x128xi32, #tpu.memory_space<vmem>>, vector<1x16xi32>,
      %get3A_483 = vector.shape_cast %get3A_482 : vector<1x16xi32> to vector<16xi32>
      %add3A_484 = vector.broadcast %mul3A_0 : i32 to vector<16xi32>
      %add3A_485 = arith.addi %get3A_483, %add3A_484 : vector<16xi32>
      %swap3A = arith.index_cast %add3A_480 : i32 to index
      %swap3A_486 = arith.constant 0 : index
      %swap3A_487 = tpu.vector_load %arg11[%swap3A, %swap3A_486] {strides = array<i32>} : memref<40x128xi32, #tpu.memory_space<vmem>>, vector<1x16xi32>,
      %swap3A_488 = vector.shape_cast %swap3A_487 : vector<1x16xi32> to vector<16xi32>
      %swap3A_489 = vector.shape_cast %add3A_485 : vector<16xi32> to vector<1x16xi32>
      tpu.vector_store %arg11[%swap3A, %swap3A_486], %swap3A_489 {strides = array<i32>} : memref<40x128xi32, #tpu.memory_space<vmem>>, vector<1x16xi32>,
      %get3A_490 = arith.index_cast %add3A_480 : i32 to index
      %get3A_491 = arith.constant 16 : index
      %get3A_492 = tpu.vector_load %arg11[%get3A_490, %get3A_491] {strides = array<i32>} : memref<40x128xi32, #tpu.memory_space<vmem>>, vector<1x16xi32>,
      %get3A_493 = vector.shape_cast %get3A_492 : vector<1x16xi32> to vector<16xi32>
      %add3A_494 = vector.broadcast %mul3A_0 : i32 to vector<16xi32>
      %add3A_495 = arith.addi %get3A_493, %add3A_494 : vector<16xi32>
      %swap3A_496 = arith.index_cast %add3A_480 : i32 to index
      %swap3A_497 = arith.constant 16 : index
      %swap3A_498 = tpu.vector_load %arg11[%swap3A_496, %swap3A_497] {strides = array<i32>} : memref<40x128xi32, #tpu.memory_space<vmem>>, vector<1x16xi32>,
      %swap3A_499 = vector.shape_cast %swap3A_498 : vector<1x16xi32> to vector<16xi32>
      %swap3A_500 = vector.shape_cast %add3A_495 : vector<16xi32> to vector<1x16xi32>
      tpu.vector_store %arg11[%swap3A_496, %swap3A_497], %swap3A_500 {strides = array<i32>} : memref<40x128xi32, #tpu.memory_space<vmem>>, vector<1x16xi32>,
      %get3A_501 = arith.index_cast %add3A_480 : i32 to index
      %get3A_502 = arith.constant 32 : index
      %get3A_503 = tpu.vector_load %arg11[%get3A_501, %get3A_502] {strides = array<i32>} : memref<40x128xi32, #tpu.memory_space<vmem>>, vector<1x16xi32>,
      %get3A_504 = vector.shape_cast %get3A_503 : vector<1x16xi32> to vector<16xi32>
      %add3A_505 = vector.broadcast %mul3A_0 : i32 to vector<16xi32>
      %add3A_506 = arith.addi %get3A_504, %add3A_505 : vector<16xi32>
      %swap3A_507 = arith.index_cast %add3A_480 : i32 to index
      %swap3A_508 = arith.constant 32 : index
      %swap3A_509 = tpu.vector_load %arg11[%swap3A_507, %swap3A_508] {strides = array<i32>} : memref<40x128xi32, #tpu.memory_space<vmem>>, vector<1x16xi32>,
      %swap3A_510 = vector.shape_cast %swap3A_509 : vector<1x16xi32> to vector<16xi32>
      %swap3A_511 = vector.shape_cast %add3A_506 : vector<16xi32> to vector<1x16xi32>
      tpu.vector_store %arg11[%swap3A_507, %swap3A_508], %swap3A_511 {strides = array<i32>} : memref<40x128xi32, #tpu.memory_space<vmem>>, vector<1x16xi32>,
      %get3A_512 = arith.index_cast %add3A_480 : i32 to index
      %get3A_513 = arith.constant 48 : index
      %get3A_514 = tpu.vector_load %arg11[%get3A_512, %get3A_513] {strides = array<i32>} : memref<40x128xi32, #tpu.memory_space<vmem>>, vector<1x16xi32>,
      %get3A_515 = vector.shape_cast %get3A_514 : vector<1x16xi32> to vector<16xi32>
      %add3A_516 = vector.broadcast %mul3A_0 : i32 to vector<16xi32>
      %add3A_517 = arith.addi %get3A_515, %add3A_516 : vector<16xi32>
      %swap3A_518 = arith.index_cast %add3A_480 : i32 to index
      %swap3A_519 = arith.constant 48 : index
      %swap3A_520 = tpu.vector_load %arg11[%swap3A_518, %swap3A_519] {strides = array<i32>} : memref<40x128xi32, #tpu.memory_space<vmem>>, vector<1x16xi32>,
      %swap3A_521 = vector.shape_cast %swap3A_520 : vector<1x16xi32> to vector<16xi32>
      %swap3A_522 = vector.shape_cast %add3A_517 : vector<16xi32> to vector<1x16xi32>
      tpu.vector_store %arg11[%swap3A_518, %swap3A_519], %swap3A_522 {strides = array<i32>} : memref<40x128xi32, #tpu.memory_space<vmem>>, vector<1x16xi32>,
      %get3A_523 = arith.index_cast %add3A_480 : i32 to index
      %get3A_524 = arith.constant 64 : index
      %get3A_525 = tpu.vector_load %arg11[%get3A_523, %get3A_524] {strides = array<i32>} : memref<40x128xi32, #tpu.memory_space<vmem>>, vector<1x16xi32>,
      %get3A_526 = vector.shape_cast %get3A_525 : vector<1x16xi32> to vector<16xi32>
      %add3A_527 = vector.broadcast %mul3A_0 : i32 to vector<16xi32>
      %add3A_528 = arith.addi %get3A_526, %add3A_527 : vector<16xi32>
      %swap3A_529 = arith.index_cast %add3A_480 : i32 to index
      %swap3A_530 = arith.constant 64 : index
      %swap3A_531 = tpu.vector_load %arg11[%swap3A_529, %swap3A_530] {strides = array<i32>} : memref<40x128xi32, #tpu.memory_space<vmem>>, vector<1x16xi32>,
      %swap3A_532 = vector.shape_cast %swap3A_531 : vector<1x16xi32> to vector<16xi32>
      %swap3A_533 = vector.shape_cast %add3A_528 : vector<16xi32> to vector<1x16xi32>
      tpu.vector_store %arg11[%swap3A_529, %swap3A_530], %swap3A_533 {strides = array<i32>} : memref<40x128xi32, #tpu.memory_space<vmem>>, vector<1x16xi32>,
      %get3A_534 = arith.index_cast %add3A_480 : i32 to index
      %get3A_535 = arith.constant 80 : index
      %get3A_536 = tpu.vector_load %arg11[%get3A_534, %get3A_535] {strides = array<i32>} : memref<40x128xi32, #tpu.memory_space<vmem>>, vector<1x16xi32>,
      %get3A_537 = vector.shape_cast %get3A_536 : vector<1x16xi32> to vector<16xi32>
      %add3A_538 = vector.broadcast %mul3A_0 : i32 to vector<16xi32>
      %add3A_539 = arith.addi %get3A_537, %add3A_538 : vector<16xi32>
      %swap3A_540 = arith.index_cast %add3A_480 : i32 to index
      %swap3A_541 = arith.constant 80 : index
      %swap3A_542 = tpu.vector_load %arg11[%swap3A_540, %swap3A_541] {strides = array<i32>} : memref<40x128xi32, #tpu.memory_space<vmem>>, vector<1x16xi32>,
      %swap3A_543 = vector.shape_cast %swap3A_542 : vector<1x16xi32> to vector<16xi32>
      %swap3A_544 = vector.shape_cast %add3A_539 : vector<16xi32> to vector<1x16xi32>
      tpu.vector_store %arg11[%swap3A_540, %swap3A_541], %swap3A_544 {strides = array<i32>} : memref<40x128xi32, #tpu.memory_space<vmem>>, vector<1x16xi32>,
      %get3A_545 = arith.index_cast %add3A_480 : i32 to index
      %get3A_546 = arith.constant 96 : index
      %get3A_547 = tpu.vector_load %arg11[%get3A_545, %get3A_546] {strides = array<i32>} : memref<40x128xi32, #tpu.memory_space<vmem>>, vector<1x16xi32>,
      %get3A_548 = vector.shape_cast %get3A_547 : vector<1x16xi32> to vector<16xi32>
      %add3A_549 = vector.broadcast %mul3A_0 : i32 to vector<16xi32>
      %add3A_550 = arith.addi %get3A_548, %add3A_549 : vector<16xi32>
      %swap3A_551 = arith.index_cast %add3A_480 : i32 to index
      %swap3A_552 = arith.constant 96 : index
      %swap3A_553 = tpu.vector_load %arg11[%swap3A_551, %swap3A_552] {strides = array<i32>} : memref<40x128xi32, #tpu.memory_space<vmem>>, vector<1x16xi32>,
      %swap3A_554 = vector.shape_cast %swap3A_553 : vector<1x16xi32> to vector<16xi32>
      %swap3A_555 = vector.shape_cast %add3A_550 : vector<16xi32> to vector<1x16xi32>
      tpu.vector_store %arg11[%swap3A_551, %swap3A_552], %swap3A_555 {strides = array<i32>} : memref<40x128xi32, #tpu.memory_space<vmem>>, vector<1x16xi32>,
      %get3A_556 = arith.index_cast %add3A_480 : i32 to index
      %get3A_557 = arith.constant 112 : index
      %get3A_558 = tpu.vector_load %arg11[%get3A_556, %get3A_557] {strides = array<i32>} : memref<40x128xi32, #tpu.memory_space<vmem>>, vector<1x16xi32>,
      %get3A_559 = vector.shape_cast %get3A_558 : vector<1x16xi32> to vector<16xi32>
      %add3A_560 = vector.broadcast %mul3A_0 : i32 to vector<16xi32>
      %add3A_561 = arith.addi %get3A_559, %add3A_560 : vector<16xi32>
      %swap3A_562 = arith.index_cast %add3A_480 : i32 to index
      %swap3A_563 = arith.constant 112 : index
      %swap3A_564 = tpu.vector_load %arg11[%swap3A_562, %swap3A_563] {strides = array<i32>} : memref<40x128xi32, #tpu.memory_space<vmem>>, vector<1x16xi32>,
      %swap3A_565 = vector.shape_cast %swap3A_564 : vector<1x16xi32> to vector<16xi32>
      %swap3A_566 = vector.shape_cast %add3A_561 : vector<16xi32> to vector<1x16xi32>
      tpu.vector_store %arg11[%swap3A_562, %swap3A_563], %swap3A_566 {strides = array<i32>} : memref<40x128xi32, #tpu.memory_space<vmem>>, vector<1x16xi32>,
    }
    %scan3A_72 = arith.constant 40 : i32
    %dma_start3A_73 = arith.constant 0 : i32
    %dma_start3A_74 = arith.constant 0 : i32
    %dma_start3A_75 = arith.constant 0 : i32
    %dma_start3A_76 = arith.constant 0 : i32
    %dma_start3A_77 = tpu.memref_slice %arg13[%dma_start3A_74, %dma_start3A_75, %dma_start3A_76] : memref<2x128x128xf32, #tpu.memory_space<vmem>> -> memref<1x128x128xf32, #tpu.memory_space<vmem>>
    %dma_start3A_78 = tpu.memref_squeeze %dma_start3A_77 : memref<1x128x128xf32, #tpu.memory_space<vmem>> -> memref<128x128xf32, #tpu.memory_space<vmem>>
    %dma_start3A_79 = arith.constant 0 : i32
    %dma_start3A_80 = tpu.memref_slice %arg11[%dma_start3A_73, %dma_start3A_79] : memref<40x128xi32, #tpu.memory_space<vmem>> -> memref<1x128xi32, #tpu.memory_space<vmem>>
    %dma_start3A_81 = tpu.memref_squeeze %dma_start3A_80 : memref<1x128xi32, #tpu.memory_space<vmem>> -> memref<128xi32, #tpu.memory_space<vmem>>
    %dma_start3A_82 = arith.constant 0 : i32
    %dma_start3A_83 = arith.constant 0 : i32
    %dma_start3A_84 = tpu.memref_slice %arg2[%dma_start3A_82, %dma_start3A_83] : memref<20000x128xf32, #tpu.memory_space<hbm>> -> memref<20000x128xf32, #tpu.memory_space<hbm>>
    tpu.enqueue_indirect_dma source(%dma_start3A_84 : memref<20000x128xf32, #tpu.memory_space<hbm>>) target(%dma_start3A_78 : memref<128x128xf32, #tpu.memory_space<vmem>>) offsets(%dma_start3A_81 : memref<128xi32, #tpu.memory_space<vmem>>) semaphore(%arg14 : memref<!tpu.dma_semaphore, #tpu.memory_space<semaphore_mem>>)
    %dma_start3A_85 = arith.constant 1 : i32
    %dma_start3A_86 = arith.constant 1 : i32
    %dma_start3A_87 = arith.constant 0 : i32
    %dma_start3A_88 = arith.constant 0 : i32
    %dma_start3A_89 = tpu.memref_slice %arg13[%dma_start3A_86, %dma_start3A_87, %dma_start3A_88] : memref<2x128x128xf32, #tpu.memory_space<vmem>> -> memref<1x128x128xf32, #tpu.memory_space<vmem>>
    %dma_start3A_90 = tpu.memref_squeeze %dma_start3A_89 : memref<1x128x128xf32, #tpu.memory_space<vmem>> -> memref<128x128xf32, #tpu.memory_space<vmem>>
    %dma_start3A_91 = arith.constant 0 : i32
    %dma_start3A_92 = tpu.memref_slice %arg11[%dma_start3A_85, %dma_start3A_91] : memref<40x128xi32, #tpu.memory_space<vmem>> -> memref<1x128xi32, #tpu.memory_space<vmem>>
    %dma_start3A_93 = tpu.memref_squeeze %dma_start3A_92 : memref<1x128xi32, #tpu.memory_space<vmem>> -> memref<128xi32, #tpu.memory_space<vmem>>
    %dma_start3A_94 = arith.constant 0 : i32
    %dma_start3A_95 = arith.constant 0 : i32
    %dma_start3A_96 = tpu.memref_slice %arg2[%dma_start3A_94, %dma_start3A_95] : memref<20000x128xf32, #tpu.memory_space<hbm>> -> memref<20000x128xf32, #tpu.memory_space<hbm>>
    tpu.enqueue_indirect_dma source(%dma_start3A_96 : memref<20000x128xf32, #tpu.memory_space<hbm>>) target(%dma_start3A_90 : memref<128x128xf32, #tpu.memory_space<vmem>>) offsets(%dma_start3A_93 : memref<128xi32, #tpu.memory_space<vmem>>) semaphore(%arg14 : memref<!tpu.dma_semaphore, #tpu.memory_space<semaphore_mem>>)
    %scan3A_97 = arith.constant 0 : i32
    %scan3A_98 = arith.constant 20 : i32
    %scan3A_99 = arith.addi %scan3A_97, %scan3A_98 : i32
    %scan3A_100 = arith.constant 1 : i32
    scf.for %scan3A_476 = %scan3A_97 to %scan3A_99 step %scan3A_100  : i32 {
      %mul3A_477 = arith.constant 1 : i32
      %mul3A_478 = arith.muli %scan3A_476, %mul3A_477 : i32
      %add3A_479 = arith.constant 0 : i32
      %add3A_480 = arith.addi %add3A_479, %mul3A_478 : i32
      %mul3A_481 = arith.constant 2 : i32
      %mul3A_482 = arith.muli %add3A_480, %mul3A_481 : i32
      %add3A_483 = arith.constant 0 : i32
      %add3A_484 = arith.addi %mul3A_482, %add3A_483 : i32
      %dma_wait3A_485 = arith.constant 0 : i32
      %dma_wait3A_486 = arith.constant 0 : i32
      %dma_wait3A_487 = arith.constant 0 : i32
      %dma_wait3A_488 = tpu.memref_slice %arg13[%dma_wait3A_485, %dma_wait3A_486, %dma_wait3A_487] : memref<2x128x128xf32, #tpu.memory_space<vmem>> -> memref<1x128x128xf32, #tpu.memory_space<vmem>>
      %dma_wait3A_489 = tpu.memref_squeeze %dma_wait3A_488 : memref<1x128x128xf32, #tpu.memory_space<vmem>> -> memref<128x128xf32, #tpu.memory_space<vmem>>
      %dma_wait3A_490 = arith.constant 0 : i32
      %dma_wait3A_491 = tpu.memref_slice %arg11[%add3A_484, %dma_wait3A_490] : memref<40x128xi32, #tpu.memory_space<vmem>> -> memref<1x128xi32, #tpu.memory_space<vmem>>
      %dma_wait3A_492 = tpu.memref_squeeze %dma_wait3A_491 : memref<1x128xi32, #tpu.memory_space<vmem>> -> memref<128xi32, #tpu.memory_space<vmem>>
      %dma_wait3A_493 = arith.constant 0 : i32
      %dma_wait3A_494 = arith.constant 0 : i32
      %dma_wait3A_495 = tpu.memref_slice %arg2[%dma_wait3A_493, %dma_wait3A_494] : memref<20000x128xf32, #tpu.memory_space<hbm>> -> memref<20000x128xf32, #tpu.memory_space<hbm>>
      tpu.wait_indirect_dma semaphore(%arg14 : memref<!tpu.dma_semaphore, #tpu.memory_space<semaphore_mem>>) src(%dma_wait3A_495 : memref<20000x128xf32, #tpu.memory_space<hbm>>) dst(%dma_wait3A_489 : memref<128x128xf32, #tpu.memory_space<vmem>>)
      %dma_start3A_496 = arith.constant 0 : i32
      %dma_start3A_497 = arith.constant 0 : i32
      %dma_start3A_498 = arith.constant 0 : i32
      %dma_start3A_499 = tpu.memref_slice %arg13[%dma_start3A_496, %dma_start3A_497, %dma_start3A_498] : memref<2x128x128xf32, #tpu.memory_space<vmem>> -> memref<1x128x128xf32, #tpu.memory_space<vmem>>
      %dma_start3A_500 = tpu.memref_squeeze %dma_start3A_499 : memref<1x128x128xf32, #tpu.memory_space<vmem>> -> memref<128x128xf32, #tpu.memory_space<vmem>>
      %dma_start3A_501 = arith.constant 0 : i32
      %dma_start3A_502 = tpu.memref_slice %arg12[%add3A_484, %dma_start3A_501] : memref<40x128xi32, #tpu.memory_space<vmem>> -> memref<1x128xi32, #tpu.memory_space<vmem>>
      %dma_start3A_503 = tpu.memref_squeeze %dma_start3A_502 : memref<1x128xi32, #tpu.memory_space<vmem>> -> memref<128xi32, #tpu.memory_space<vmem>>
      %dma_start3A_504 = arith.constant 0 : i32
      %dma_start3A_505 = arith.constant 0 : i32
      %dma_start3A_506 = tpu.memref_slice %arg10[%dma_start3A_504, %dma_start3A_505] : memref<10008x128xf32, #tpu.memory_space<vmem_shared>> -> memref<10008x128xf32, #tpu.memory_space<vmem_shared>>
      tpu.enqueue_indirect_dma source(%dma_start3A_500 : memref<128x128xf32, #tpu.memory_space<vmem>>) target(%dma_start3A_506 : memref<10008x128xf32, #tpu.memory_space<vmem_shared>>) offsets(%dma_start3A_503 : memref<128xi32, #tpu.memory_space<vmem>>) semaphore(%arg15 : memref<!tpu.dma_semaphore, #tpu.memory_space<semaphore_mem>>) {add = true}
      %lt3A = arith.constant 19 : i32
      %lt3A_507 = arith.cmpi slt, %add3A_480, %lt3A : i32
      %convert_element_type3A_508 = arith.extui %lt3A_507 : i1 to i32
      %cond3A_509 = arith.constant 0 : i32
      %cond3A_510 = arith.cmpi ne, %convert_element_type3A_508, %cond3A_509 : i32
      scf.if %cond3A_510 {
        %dma_wait3A_542 = arith.constant 0 : i32
        %dma_wait3A_543 = arith.constant 0 : i32
        %dma_wait3A_544 = arith.constant 0 : i32
        %dma_wait3A_545 = tpu.memref_slice %arg13[%dma_wait3A_542, %dma_wait3A_543, %dma_wait3A_544] : memref<2x128x128xf32, #tpu.memory_space<vmem>> -> memref<1x128x128xf32, #tpu.memory_space<vmem>>
        %dma_wait3A_546 = tpu.memref_squeeze %dma_wait3A_545 : memref<1x128x128xf32, #tpu.memory_space<vmem>> -> memref<128x128xf32, #tpu.memory_space<vmem>>
        %dma_wait3A_547 = arith.constant 0 : i32
        %dma_wait3A_548 = tpu.memref_slice %arg12[%add3A_484, %dma_wait3A_547] : memref<40x128xi32, #tpu.memory_space<vmem>> -> memref<1x128xi32, #tpu.memory_space<vmem>>
        %dma_wait3A_549 = tpu.memref_squeeze %dma_wait3A_548 : memref<1x128xi32, #tpu.memory_space<vmem>> -> memref<128xi32, #tpu.memory_space<vmem>>
        %dma_wait3A_550 = arith.constant 0 : i32
        %dma_wait3A_551 = arith.constant 0 : i32
        %dma_wait3A_552 = tpu.memref_slice %arg10[%dma_wait3A_550, %dma_wait3A_551] : memref<10008x128xf32, #tpu.memory_space<vmem_shared>> -> memref<10008x128xf32, #tpu.memory_space<vmem_shared>>
        tpu.wait_indirect_dma semaphore(%arg15 : memref<!tpu.dma_semaphore, #tpu.memory_space<semaphore_mem>>) src(%dma_wait3A_546 : memref<128x128xf32, #tpu.memory_space<vmem>>) dst(%dma_wait3A_552 : memref<10008x128xf32, #tpu.memory_space<vmem_shared>>)
        %add3A_553 = arith.constant 2 : i32
        %add3A_554 = arith.addi %add3A_484, %add3A_553 : i32
        %dma_start3A_555 = arith.constant 0 : i32
        %dma_start3A_556 = arith.constant 0 : i32
        %dma_start3A_557 = arith.constant 0 : i32
        %dma_start3A_558 = tpu.memref_slice %arg13[%dma_start3A_555, %dma_start3A_556, %dma_start3A_557] : memref<2x128x128xf32, #tpu.memory_space<vmem>> -> memref<1x128x128xf32, #tpu.memory_space<vmem>>
        %dma_start3A_559 = tpu.memref_squeeze %dma_start3A_558 : memref<1x128x128xf32, #tpu.memory_space<vmem>> -> memref<128x128xf32, #tpu.memory_space<vmem>>
        %dma_start3A_560 = arith.constant 0 : i32
        %dma_start3A_561 = tpu.memref_slice %arg11[%add3A_554, %dma_start3A_560] : memref<40x128xi32, #tpu.memory_space<vmem>> -> memref<1x128xi32, #tpu.memory_space<vmem>>
        %dma_start3A_562 = tpu.memref_squeeze %dma_start3A_561 : memref<1x128xi32, #tpu.memory_space<vmem>> -> memref<128xi32, #tpu.memory_space<vmem>>
        %dma_start3A_563 = arith.constant 0 : i32
        %dma_start3A_564 = arith.constant 0 : i32
        %dma_start3A_565 = tpu.memref_slice %arg2[%dma_start3A_563, %dma_start3A_564] : memref<20000x128xf32, #tpu.memory_space<hbm>> -> memref<20000x128xf32, #tpu.memory_space<hbm>>
        tpu.enqueue_indirect_dma source(%dma_start3A_565 : memref<20000x128xf32, #tpu.memory_space<hbm>>) target(%dma_start3A_559 : memref<128x128xf32, #tpu.memory_space<vmem>>) offsets(%dma_start3A_562 : memref<128xi32, #tpu.memory_space<vmem>>) semaphore(%arg14 : memref<!tpu.dma_semaphore, #tpu.memory_space<semaphore_mem>>)
      } else {
      }
      %mul3A_511 = arith.constant 2 : i32
      %mul3A_512 = arith.muli %add3A_480, %mul3A_511 : i32
      %add3A_513 = arith.constant 1 : i32
      %add3A_514 = arith.addi %mul3A_512, %add3A_513 : i32
      %dma_wait3A_515 = arith.constant 1 : i32
      %dma_wait3A_516 = arith.constant 0 : i32
      %dma_wait3A_517 = arith.constant 0 : i32
      %dma_wait3A_518 = tpu.memref_slice %arg13[%dma_wait3A_515, %dma_wait3A_516, %dma_wait3A_517] : memref<2x128x128xf32, #tpu.memory_space<vmem>> -> memref<1x128x128xf32, #tpu.memory_space<vmem>>
      %dma_wait3A_519 = tpu.memref_squeeze %dma_wait3A_518 : memref<1x128x128xf32, #tpu.memory_space<vmem>> -> memref<128x128xf32, #tpu.memory_space<vmem>>
      %dma_wait3A_520 = arith.constant 0 : i32
      %dma_wait3A_521 = tpu.memref_slice %arg11[%add3A_514, %dma_wait3A_520] : memref<40x128xi32, #tpu.memory_space<vmem>> -> memref<1x128xi32, #tpu.memory_space<vmem>>
      %dma_wait3A_522 = tpu.memref_squeeze %dma_wait3A_521 : memref<1x128xi32, #tpu.memory_space<vmem>> -> memref<128xi32, #tpu.memory_space<vmem>>
      %dma_wait3A_523 = arith.constant 0 : i32
      %dma_wait3A_524 = arith.constant 0 : i32
      %dma_wait3A_525 = tpu.memref_slice %arg2[%dma_wait3A_523, %dma_wait3A_524] : memref<20000x128xf32, #tpu.memory_space<hbm>> -> memref<20000x128xf32, #tpu.memory_space<hbm>>
      tpu.wait_indirect_dma semaphore(%arg14 : memref<!tpu.dma_semaphore, #tpu.memory_space<semaphore_mem>>) src(%dma_wait3A_525 : memref<20000x128xf32, #tpu.memory_space<hbm>>) dst(%dma_wait3A_519 : memref<128x128xf32, #tpu.memory_space<vmem>>)
      %dma_start3A_526 = arith.constant 1 : i32
      %dma_start3A_527 = arith.constant 0 : i32
      %dma_start3A_528 = arith.constant 0 : i32
      %dma_start3A_529 = tpu.memref_slice %arg13[%dma_start3A_526, %dma_start3A_527, %dma_start3A_528] : memref<2x128x128xf32, #tpu.memory_space<vmem>> -> memref<1x128x128xf32, #tpu.memory_space<vmem>>
      %dma_start3A_530 = tpu.memref_squeeze %dma_start3A_529 : memref<1x128x128xf32, #tpu.memory_space<vmem>> -> memref<128x128xf32, #tpu.memory_space<vmem>>
      %dma_start3A_531 = arith.constant 0 : i32
      %dma_start3A_532 = tpu.memref_slice %arg12[%add3A_514, %dma_start3A_531] : memref<40x128xi32, #tpu.memory_space<vmem>> -> memref<1x128xi32, #tpu.memory_space<vmem>>
      %dma_start3A_533 = tpu.memref_squeeze %dma_start3A_532 : memref<1x128xi32, #tpu.memory_space<vmem>> -> memref<128xi32, #tpu.memory_space<vmem>>
      %dma_start3A_534 = arith.constant 0 : i32
      %dma_start3A_535 = arith.constant 0 : i32
      %dma_start3A_536 = tpu.memref_slice %arg10[%dma_start3A_534, %dma_start3A_535] : memref<10008x128xf32, #tpu.memory_space<vmem_shared>> -> memref<10008x128xf32, #tpu.memory_space<vmem_shared>>
      tpu.enqueue_indirect_dma source(%dma_start3A_530 : memref<128x128xf32, #tpu.memory_space<vmem>>) target(%dma_start3A_536 : memref<10008x128xf32, #tpu.memory_space<vmem_shared>>) offsets(%dma_start3A_533 : memref<128xi32, #tpu.memory_space<vmem>>) semaphore(%arg15 : memref<!tpu.dma_semaphore, #tpu.memory_space<semaphore_mem>>) {add = true}
      %lt3A_537 = arith.constant 19 : i32
      %lt3A_538 = arith.cmpi slt, %add3A_480, %lt3A_537 : i32
      %convert_element_type3A_539 = arith.extui %lt3A_538 : i1 to i32
      %cond3A_540 = arith.constant 0 : i32
      %cond3A_541 = arith.cmpi ne, %convert_element_type3A_539, %cond3A_540 : i32
      scf.if %cond3A_541 {
        %dma_wait3A_542 = arith.constant 1 : i32
        %dma_wait3A_543 = arith.constant 0 : i32
        %dma_wait3A_544 = arith.constant 0 : i32
        %dma_wait3A_545 = tpu.memref_slice %arg13[%dma_wait3A_542, %dma_wait3A_543, %dma_wait3A_544] : memref<2x128x128xf32, #tpu.memory_space<vmem>> -> memref<1x128x128xf32, #tpu.memory_space<vmem>>
        %dma_wait3A_546 = tpu.memref_squeeze %dma_wait3A_545 : memref<1x128x128xf32, #tpu.memory_space<vmem>> -> memref<128x128xf32, #tpu.memory_space<vmem>>
        %dma_wait3A_547 = arith.constant 0 : i32
        %dma_wait3A_548 = tpu.memref_slice %arg12[%add3A_514, %dma_wait3A_547] : memref<40x128xi32, #tpu.memory_space<vmem>> -> memref<1x128xi32, #tpu.memory_space<vmem>>
        %dma_wait3A_549 = tpu.memref_squeeze %dma_wait3A_548 : memref<1x128xi32, #tpu.memory_space<vmem>> -> memref<128xi32, #tpu.memory_space<vmem>>
        %dma_wait3A_550 = arith.constant 0 : i32
        %dma_wait3A_551 = arith.constant 0 : i32
        %dma_wait3A_552 = tpu.memref_slice %arg10[%dma_wait3A_550, %dma_wait3A_551] : memref<10008x128xf32, #tpu.memory_space<vmem_shared>> -> memref<10008x128xf32, #tpu.memory_space<vmem_shared>>
        tpu.wait_indirect_dma semaphore(%arg15 : memref<!tpu.dma_semaphore, #tpu.memory_space<semaphore_mem>>) src(%dma_wait3A_546 : memref<128x128xf32, #tpu.memory_space<vmem>>) dst(%dma_wait3A_552 : memref<10008x128xf32, #tpu.memory_space<vmem_shared>>)
        %add3A_553 = arith.constant 2 : i32
        %add3A_554 = arith.addi %add3A_514, %add3A_553 : i32
        %dma_start3A_555 = arith.constant 1 : i32
        %dma_start3A_556 = arith.constant 0 : i32
        %dma_start3A_557 = arith.constant 0 : i32
        %dma_start3A_558 = tpu.memref_slice %arg13[%dma_start3A_555, %dma_start3A_556, %dma_start3A_557] : memref<2x128x128xf32, #tpu.memory_space<vmem>> -> memref<1x128x128xf32, #tpu.memory_space<vmem>>
        %dma_start3A_559 = tpu.memref_squeeze %dma_start3A_558 : memref<1x128x128xf32, #tpu.memory_space<vmem>> -> memref<128x128xf32, #tpu.memory_space<vmem>>
        %dma_start3A_560 = arith.constant 0 : i32
        %dma_start3A_561 = tpu.memref_slice %arg11[%add3A_554, %dma_start3A_560] : memref<40x128xi32, #tpu.memory_space<vmem>> -> memref<1x128xi32, #tpu.memory_space<vmem>>
        %dma_start3A_562 = tpu.memref_squeeze %dma_start3A_561 : memref<1x128xi32, #tpu.memory_space<vmem>> -> memref<128xi32, #tpu.memory_space<vmem>>
        %dma_start3A_563 = arith.constant 0 : i32
        %dma_start3A_564 = arith.constant 0 : i32
        %dma_start3A_565 = tpu.memref_slice %arg2[%dma_start3A_563, %dma_start3A_564] : memref<20000x128xf32, #tpu.memory_space<hbm>> -> memref<20000x128xf32, #tpu.memory_space<hbm>>
        tpu.enqueue_indirect_dma source(%dma_start3A_565 : memref<20000x128xf32, #tpu.memory_space<hbm>>) target(%dma_start3A_559 : memref<128x128xf32, #tpu.memory_space<vmem>>) offsets(%dma_start3A_562 : memref<128xi32, #tpu.memory_space<vmem>>) semaphore(%arg14 : memref<!tpu.dma_semaphore, #tpu.memory_space<semaphore_mem>>)
      } else {
      }
    }
    %scan3A_101 = arith.constant 20 : i32
    %dma_wait3A_102 = arith.constant 0 : i32
    %dma_wait3A_103 = arith.constant 38 : i32
    %dma_wait3A_104 = arith.constant 0 : i32
    %dma_wait3A_105 = arith.constant 0 : i32
    %dma_wait3A_106 = tpu.memref_slice %arg13[%dma_wait3A_102, %dma_wait3A_104, %dma_wait3A_105] : memref<2x128x128xf32, #tpu.memory_space<vmem>> -> memref<1x128x128xf32, #tpu.memory_space<vmem>>
    %dma_wait3A_107 = tpu.memref_squeeze %dma_wait3A_106 : memref<1x128x128xf32, #tpu.memory_space<vmem>> -> memref<128x128xf32, #tpu.memory_space<vmem>>
    %dma_wait3A_108 = arith.constant 0 : i32
    %dma_wait3A_109 = tpu.memref_slice %arg12[%dma_wait3A_103, %dma_wait3A_108] : memref<40x128xi32, #tpu.memory_space<vmem>> -> memref<1x128xi32, #tpu.memory_space<vmem>>
    %dma_wait3A_110 = tpu.memref_squeeze %dma_wait3A_109 : memref<1x128xi32, #tpu.memory_space<vmem>> -> memref<128xi32, #tpu.memory_space<vmem>>
    %dma_wait3A_111 = arith.constant 0 : i32
    %dma_wait3A_112 = arith.constant 0 : i32
    %dma_wait3A_113 = tpu.memref_slice %arg10[%dma_wait3A_111, %dma_wait3A_112] : memref<10008x128xf32, #tpu.memory_space<vmem_shared>> -> memref<10008x128xf32, #tpu.memory_space<vmem_shared>>
    tpu.wait_indirect_dma semaphore(%arg15 : memref<!tpu.dma_semaphore, #tpu.memory_space<semaphore_mem>>) src(%dma_wait3A_107 : memref<128x128xf32, #tpu.memory_space<vmem>>) dst(%dma_wait3A_113 : memref<10008x128xf32, #tpu.memory_space<vmem_shared>>)
    %dma_wait3A_114 = arith.constant 1 : i32
    %dma_wait3A_115 = arith.constant 39 : i32
    %dma_wait3A_116 = arith.constant 0 : i32
    %dma_wait3A_117 = arith.constant 0 : i32
    %dma_wait3A_118 = tpu.memref_slice %arg13[%dma_wait3A_114, %dma_wait3A_116, %dma_wait3A_117] : memref<2x128x128xf32, #tpu.memory_space<vmem>> -> memref<1x128x128xf32, #tpu.memory_space<vmem>>
    %dma_wait3A_119 = tpu.memref_squeeze %dma_wait3A_118 : memref<1x128x128xf32, #tpu.memory_space<vmem>> -> memref<128x128xf32, #tpu.memory_space<vmem>>
    %dma_wait3A_120 = arith.constant 0 : i32
    %dma_wait3A_121 = tpu.memref_slice %arg12[%dma_wait3A_115, %dma_wait3A_120] : memref<40x128xi32, #tpu.memory_space<vmem>> -> memref<1x128xi32, #tpu.memory_space<vmem>>
    %dma_wait3A_122 = tpu.memref_squeeze %dma_wait3A_121 : memref<1x128xi32, #tpu.memory_space<vmem>> -> memref<128xi32, #tpu.memory_space<vmem>>
    %dma_wait3A_123 = arith.constant 0 : i32
    %dma_wait3A_124 = arith.constant 0 : i32
    %dma_wait3A_125 = tpu.memref_slice %arg10[%dma_wait3A_123, %dma_wait3A_124] : memref<10008x128xf32, #tpu.memory_space<vmem_shared>> -> memref<10008x128xf32, #tpu.memory_space<vmem_shared>>
    tpu.wait_indirect_dma semaphore(%arg15 : memref<!tpu.dma_semaphore, #tpu.memory_space<semaphore_mem>>) src(%dma_wait3A_119 : memref<128x128xf32, #tpu.memory_space<vmem>>) dst(%dma_wait3A_125 : memref<10008x128xf32, #tpu.memory_space<vmem_shared>>)
    "tpu.region"() ({
      %run_scoped3A = tpu.sem_alloc : memref<!tpu.dma_semaphore, #tpu.memory_space<semaphore_mem>>
      %dma_start3A_476 = arith.constant 40 : i32
      %dma_start3A_477 = arith.constant 0 : i32
      %dma_start3A_478 = tpu.memref_slice %arg4[%arg1, %dma_start3A_476, %dma_start3A_477] : memref<16x80x128xi32, #tpu.memory_space<hbm>> -> memref<1x40x128xi32, #tpu.memory_space<hbm>>
      %dma_start3A_479 = tpu.memref_squeeze %dma_start3A_478 : memref<1x40x128xi32, #tpu.memory_space<hbm>> -> memref<40x128xi32, #tpu.memory_space<hbm>>
      %dma_start3A_480 = arith.constant 40 : i32
      %dma_start3A_481 = arith.constant 0 : i32
      %dma_start3A_482 = tpu.memref_slice %arg4[%arg1, %dma_start3A_480, %dma_start3A_481] : memref<16x80x128xi32, #tpu.memory_space<hbm>> -> memref<1x40x128xi32, #tpu.memory_space<hbm>>
      %dma_start3A_483 = tpu.memref_squeeze %dma_start3A_482 : memref<1x40x128xi32, #tpu.memory_space<hbm>> -> memref<40x128xi32, #tpu.memory_space<hbm>>
      tpu.enqueue_dma source(%dma_start3A_483 : memref<40x128xi32, #tpu.memory_space<hbm>>) target(%arg11 : memref<40x128xi32, #tpu.memory_space<vmem>>) target_semaphore(%run_scoped3A : memref<!tpu.dma_semaphore, #tpu.memory_space<semaphore_mem>>)
      %dma_wait3A_484 = arith.constant 40 : i32
      %dma_wait3A_485 = arith.constant 0 : i32
      %dma_wait3A_486 = tpu.memref_slice %arg4[%arg1, %dma_wait3A_484, %dma_wait3A_485] : memref<16x80x128xi32, #tpu.memory_space<hbm>> -> memref<1x40x128xi32, #tpu.memory_space<hbm>>
      %dma_wait3A_487 = tpu.memref_squeeze %dma_wait3A_486 : memref<1x40x128xi32, #tpu.memory_space<hbm>> -> memref<40x128xi32, #tpu.memory_space<hbm>>
      %dma_wait3A_488 = arith.constant 40 : i32
      %dma_wait3A_489 = arith.constant 0 : i32
      %dma_wait3A_490 = tpu.memref_slice %arg4[%arg1, %dma_wait3A_488, %dma_wait3A_489] : memref<16x80x128xi32, #tpu.memory_space<hbm>> -> memref<1x40x128xi32, #tpu.memory_space<hbm>>
      %dma_wait3A_491 = tpu.memref_squeeze %dma_wait3A_490 : memref<1x40x128xi32, #tpu.memory_space<hbm>> -> memref<40x128xi32, #tpu.memory_space<hbm>>
      tpu.wait_dma2 semaphore(%run_scoped3A : memref<!tpu.dma_semaphore, #tpu.memory_space<semaphore_mem>>) src(%dma_wait3A_491 : memref<40x128xi32, #tpu.memory_space<hbm>>) dst(%arg11 : memref<40x128xi32, #tpu.memory_space<vmem>>)
      tpu.yield
    }) : () -> ()
    "tpu.region"() ({
      %run_scoped3A = tpu.sem_alloc : memref<!tpu.dma_semaphore, #tpu.memory_space<semaphore_mem>>
      %dma_start3A_476 = arith.constant 40 : i32
      %dma_start3A_477 = arith.constant 0 : i32
      %dma_start3A_478 = tpu.memref_slice %arg7[%arg1, %dma_start3A_476, %dma_start3A_477] : memref<16x80x128xi32, #tpu.memory_space<hbm>> -> memref<1x40x128xi32, #tpu.memory_space<hbm>>
      %dma_start3A_479 = tpu.memref_squeeze %dma_start3A_478 : memref<1x40x128xi32, #tpu.memory_space<hbm>> -> memref<40x128xi32, #tpu.memory_space<hbm>>
      %dma_start3A_480 = arith.constant 40 : i32
      %dma_start3A_481 = arith.constant 0 : i32
      %dma_start3A_482 = tpu.memref_slice %arg7[%arg1, %dma_start3A_480, %dma_start3A_481] : memref<16x80x128xi32, #tpu.memory_space<hbm>> -> memref<1x40x128xi32, #tpu.memory_space<hbm>>
      %dma_start3A_483 = tpu.memref_squeeze %dma_start3A_482 : memref<1x40x128xi32, #tpu.memory_space<hbm>> -> memref<40x128xi32, #tpu.memory_space<hbm>>
      tpu.enqueue_dma source(%dma_start3A_483 : memref<40x128xi32, #tpu.memory_space<hbm>>) target(%arg12 : memref<40x128xi32, #tpu.memory_space<vmem>>) target_semaphore(%run_scoped3A : memref<!tpu.dma_semaphore, #tpu.memory_space<semaphore_mem>>)
      %dma_wait3A_484 = arith.constant 40 : i32
      %dma_wait3A_485 = arith.constant 0 : i32
      %dma_wait3A_486 = tpu.memref_slice %arg7[%arg1, %dma_wait3A_484, %dma_wait3A_485] : memref<16x80x128xi32, #tpu.memory_space<hbm>> -> memref<1x40x128xi32, #tpu.memory_space<hbm>>
      %dma_wait3A_487 = tpu.memref_squeeze %dma_wait3A_486 : memref<1x40x128xi32, #tpu.memory_space<hbm>> -> memref<40x128xi32, #tpu.memory_space<hbm>>
      %dma_wait3A_488 = arith.constant 40 : i32
      %dma_wait3A_489 = arith.constant 0 : i32
      %dma_wait3A_490 = tpu.memref_slice %arg7[%arg1, %dma_wait3A_488, %dma_wait3A_489] : memref<16x80x128xi32, #tpu.memory_space<hbm>> -> memref<1x40x128xi32, #tpu.memory_space<hbm>>
      %dma_wait3A_491 = tpu.memref_squeeze %dma_wait3A_490 : memref<1x40x128xi32, #tpu.memory_space<hbm>> -> memref<40x128xi32, #tpu.memory_space<hbm>>
      tpu.wait_dma2 semaphore(%run_scoped3A : memref<!tpu.dma_semaphore, #tpu.memory_space<semaphore_mem>>) src(%dma_wait3A_491 : memref<40x128xi32, #tpu.memory_space<hbm>>) dst(%arg12 : memref<40x128xi32, #tpu.memory_space<vmem>>)
      tpu.yield
    }) : () -> ()
    %scan3A_126 = arith.constant 0 : i32
    %scan3A_127 = arith.constant 40 : i32
    %scan3A_128 = arith.addi %scan3A_126, %scan3A_127 : i32
    %scan3A_129 = arith.constant 1 : i32
    scf.for %scan3A_476 = %scan3A_126 to %scan3A_128 step %scan3A_129  : i32 {
      %mul3A_477 = arith.constant 1 : i32
      %mul3A_478 = arith.muli %scan3A_476, %mul3A_477 : i32
      %add3A_479 = arith.constant 0 : i32
      %add3A_480 = arith.addi %add3A_479, %mul3A_478 : i32
      %get3A = arith.index_cast %add3A_480 : i32 to index
      %get3A_481 = arith.constant 0 : index
      %get3A_482 = tpu.vector_load %arg11[%get3A, %get3A_481] {strides = array<i32>} : memref<40x128xi32, #tpu.memory_space<vmem>>, vector<1x16xi32>,
      %get3A_483 = vector.shape_cast %get3A_482 : vector<1x16xi32> to vector<16xi32>
      %add3A_484 = vector.broadcast %mul3A_0 : i32 to vector<16xi32>
      %add3A_485 = arith.addi %get3A_483, %add3A_484 : vector<16xi32>
      %swap3A = arith.index_cast %add3A_480 : i32 to index
      %swap3A_486 = arith.constant 0 : index
      %swap3A_487 = tpu.vector_load %arg11[%swap3A, %swap3A_486] {strides = array<i32>} : memref<40x128xi32, #tpu.memory_space<vmem>>, vector<1x16xi32>,
      %swap3A_488 = vector.shape_cast %swap3A_487 : vector<1x16xi32> to vector<16xi32>
      %swap3A_489 = vector.shape_cast %add3A_485 : vector<16xi32> to vector<1x16xi32>
      tpu.vector_store %arg11[%swap3A, %swap3A_486], %swap3A_489 {strides = array<i32>} : memref<40x128xi32, #tpu.memory_space<vmem>>, vector<1x16xi32>,
      %get3A_490 = arith.index_cast %add3A_480 : i32 to index
      %get3A_491 = arith.constant 16 : index
      %get3A_492 = tpu.vector_load %arg11[%get3A_490, %get3A_491] {strides = array<i32>} : memref<40x128xi32, #tpu.memory_space<vmem>>, vector<1x16xi32>,
      %get3A_493 = vector.shape_cast %get3A_492 : vector<1x16xi32> to vector<16xi32>
      %add3A_494 = vector.broadcast %mul3A_0 : i32 to vector<16xi32>
      %add3A_495 = arith.addi %get3A_493, %add3A_494 : vector<16xi32>
      %swap3A_496 = arith.index_cast %add3A_480 : i32 to index
      %swap3A_497 = arith.constant 16 : index
      %swap3A_498 = tpu.vector_load %arg11[%swap3A_496, %swap3A_497] {strides = array<i32>} : memref<40x128xi32, #tpu.memory_space<vmem>>, vector<1x16xi32>,
      %swap3A_499 = vector.shape_cast %swap3A_498 : vector<1x16xi32> to vector<16xi32>
      %swap3A_500 = vector.shape_cast %add3A_495 : vector<16xi32> to vector<1x16xi32>
      tpu.vector_store %arg11[%swap3A_496, %swap3A_497], %swap3A_500 {strides = array<i32>} : memref<40x128xi32, #tpu.memory_space<vmem>>, vector<1x16xi32>,
      %get3A_501 = arith.index_cast %add3A_480 : i32 to index
      %get3A_502 = arith.constant 32 : index
      %get3A_503 = tpu.vector_load %arg11[%get3A_501, %get3A_502] {strides = array<i32>} : memref<40x128xi32, #tpu.memory_space<vmem>>, vector<1x16xi32>,
      %get3A_504 = vector.shape_cast %get3A_503 : vector<1x16xi32> to vector<16xi32>
      %add3A_505 = vector.broadcast %mul3A_0 : i32 to vector<16xi32>
      %add3A_506 = arith.addi %get3A_504, %add3A_505 : vector<16xi32>
      %swap3A_507 = arith.index_cast %add3A_480 : i32 to index
      %swap3A_508 = arith.constant 32 : index
      %swap3A_509 = tpu.vector_load %arg11[%swap3A_507, %swap3A_508] {strides = array<i32>} : memref<40x128xi32, #tpu.memory_space<vmem>>, vector<1x16xi32>,
      %swap3A_510 = vector.shape_cast %swap3A_509 : vector<1x16xi32> to vector<16xi32>
      %swap3A_511 = vector.shape_cast %add3A_506 : vector<16xi32> to vector<1x16xi32>
      tpu.vector_store %arg11[%swap3A_507, %swap3A_508], %swap3A_511 {strides = array<i32>} : memref<40x128xi32, #tpu.memory_space<vmem>>, vector<1x16xi32>,
      %get3A_512 = arith.index_cast %add3A_480 : i32 to index
      %get3A_513 = arith.constant 48 : index
      %get3A_514 = tpu.vector_load %arg11[%get3A_512, %get3A_513] {strides = array<i32>} : memref<40x128xi32, #tpu.memory_space<vmem>>, vector<1x16xi32>,
      %get3A_515 = vector.shape_cast %get3A_514 : vector<1x16xi32> to vector<16xi32>
      %add3A_516 = vector.broadcast %mul3A_0 : i32 to vector<16xi32>
      %add3A_517 = arith.addi %get3A_515, %add3A_516 : vector<16xi32>
      %swap3A_518 = arith.index_cast %add3A_480 : i32 to index
      %swap3A_519 = arith.constant 48 : index
      %swap3A_520 = tpu.vector_load %arg11[%swap3A_518, %swap3A_519] {strides = array<i32>} : memref<40x128xi32, #tpu.memory_space<vmem>>, vector<1x16xi32>,
      %swap3A_521 = vector.shape_cast %swap3A_520 : vector<1x16xi32> to vector<16xi32>
      %swap3A_522 = vector.shape_cast %add3A_517 : vector<16xi32> to vector<1x16xi32>
      tpu.vector_store %arg11[%swap3A_518, %swap3A_519], %swap3A_522 {strides = array<i32>} : memref<40x128xi32, #tpu.memory_space<vmem>>, vector<1x16xi32>,
      %get3A_523 = arith.index_cast %add3A_480 : i32 to index
      %get3A_524 = arith.constant 64 : index
      %get3A_525 = tpu.vector_load %arg11[%get3A_523, %get3A_524] {strides = array<i32>} : memref<40x128xi32, #tpu.memory_space<vmem>>, vector<1x16xi32>,
      %get3A_526 = vector.shape_cast %get3A_525 : vector<1x16xi32> to vector<16xi32>
      %add3A_527 = vector.broadcast %mul3A_0 : i32 to vector<16xi32>
      %add3A_528 = arith.addi %get3A_526, %add3A_527 : vector<16xi32>
      %swap3A_529 = arith.index_cast %add3A_480 : i32 to index
      %swap3A_530 = arith.constant 64 : index
      %swap3A_531 = tpu.vector_load %arg11[%swap3A_529, %swap3A_530] {strides = array<i32>} : memref<40x128xi32, #tpu.memory_space<vmem>>, vector<1x16xi32>,
      %swap3A_532 = vector.shape_cast %swap3A_531 : vector<1x16xi32> to vector<16xi32>
      %swap3A_533 = vector.shape_cast %add3A_528 : vector<16xi32> to vector<1x16xi32>
      tpu.vector_store %arg11[%swap3A_529, %swap3A_530], %swap3A_533 {strides = array<i32>} : memref<40x128xi32, #tpu.memory_space<vmem>>, vector<1x16xi32>,
      %get3A_534 = arith.index_cast %add3A_480 : i32 to index
      %get3A_535 = arith.constant 80 : index
      %get3A_536 = tpu.vector_load %arg11[%get3A_534, %get3A_535] {strides = array<i32>} : memref<40x128xi32, #tpu.memory_space<vmem>>, vector<1x16xi32>,
      %get3A_537 = vector.shape_cast %get3A_536 : vector<1x16xi32> to vector<16xi32>
      %add3A_538 = vector.broadcast %mul3A_0 : i32 to vector<16xi32>
      %add3A_539 = arith.addi %get3A_537, %add3A_538 : vector<16xi32>
      %swap3A_540 = arith.index_cast %add3A_480 : i32 to index
      %swap3A_541 = arith.constant 80 : index
      %swap3A_542 = tpu.vector_load %arg11[%swap3A_540, %swap3A_541] {strides = array<i32>} : memref<40x128xi32, #tpu.memory_space<vmem>>, vector<1x16xi32>,
      %swap3A_543 = vector.shape_cast %swap3A_542 : vector<1x16xi32> to vector<16xi32>
      %swap3A_544 = vector.shape_cast %add3A_539 : vector<16xi32> to vector<1x16xi32>
      tpu.vector_store %arg11[%swap3A_540, %swap3A_541], %swap3A_544 {strides = array<i32>} : memref<40x128xi32, #tpu.memory_space<vmem>>, vector<1x16xi32>,
      %get3A_545 = arith.index_cast %add3A_480 : i32 to index
      %get3A_546 = arith.constant 96 : index
      %get3A_547 = tpu.vector_load %arg11[%get3A_545, %get3A_546] {strides = array<i32>} : memref<40x128xi32, #tpu.memory_space<vmem>>, vector<1x16xi32>,
      %get3A_548 = vector.shape_cast %get3A_547 : vector<1x16xi32> to vector<16xi32>
      %add3A_549 = vector.broadcast %mul3A_0 : i32 to vector<16xi32>
      %add3A_550 = arith.addi %get3A_548, %add3A_549 : vector<16xi32>
      %swap3A_551 = arith.index_cast %add3A_480 : i32 to index
      %swap3A_552 = arith.constant 96 : index
      %swap3A_553 = tpu.vector_load %arg11[%swap3A_551, %swap3A_552] {strides = array<i32>} : memref<40x128xi32, #tpu.memory_space<vmem>>, vector<1x16xi32>,
      %swap3A_554 = vector.shape_cast %swap3A_553 : vector<1x16xi32> to vector<16xi32>
      %swap3A_555 = vector.shape_cast %add3A_550 : vector<16xi32> to vector<1x16xi32>
      tpu.vector_store %arg11[%swap3A_551, %swap3A_552], %swap3A_555 {strides = array<i32>} : memref<40x128xi32, #tpu.memory_space<vmem>>, vector<1x16xi32>,
      %get3A_556 = arith.index_cast %add3A_480 : i32 to index
      %get3A_557 = arith.constant 112 : index
      %get3A_558 = tpu.vector_load %arg11[%get3A_556, %get3A_557] {strides = array<i32>} : memref<40x128xi32, #tpu.memory_space<vmem>>, vector<1x16xi32>,
      %get3A_559 = vector.shape_cast %get3A_558 : vector<1x16xi32> to vector<16xi32>
      %add3A_560 = vector.broadcast %mul3A_0 : i32 to vector<16xi32>
      %add3A_561 = arith.addi %get3A_559, %add3A_560 : vector<16xi32>
      %swap3A_562 = arith.index_cast %add3A_480 : i32 to index
      %swap3A_563 = arith.constant 112 : index
      %swap3A_564 = tpu.vector_load %arg11[%swap3A_562, %swap3A_563] {strides = array<i32>} : memref<40x128xi32, #tpu.memory_space<vmem>>, vector<1x16xi32>,
      %swap3A_565 = vector.shape_cast %swap3A_564 : vector<1x16xi32> to vector<16xi32>
      %swap3A_566 = vector.shape_cast %add3A_561 : vector<16xi32> to vector<1x16xi32>
      tpu.vector_store %arg11[%swap3A_562, %swap3A_563], %swap3A_566 {strides = array<i32>} : memref<40x128xi32, #tpu.memory_space<vmem>>, vector<1x16xi32>,
    }
    %scan3A_130 = arith.constant 40 : i32
    %dma_start3A_131 = arith.constant 0 : i32
    %dma_start3A_132 = arith.constant 0 : i32
    %dma_start3A_133 = arith.constant 0 : i32
    %dma_start3A_134 = arith.constant 0 : i32
    %dma_start3A_135 = tpu.memref_slice %arg13[%dma_start3A_132, %dma_start3A_133, %dma_start3A_134] : memref<2x128x128xf32, #tpu.memory_space<vmem>> -> memref<1x128x128xf32, #tpu.memory_space<vmem>>
    %dma_start3A_136 = tpu.memref_squeeze %dma_start3A_135 : memref<1x128x128xf32, #tpu.memory_space<vmem>> -> memref<128x128xf32, #tpu.memory_space<vmem>>
    %dma_start3A_137 = arith.constant 0 : i32
    %dma_start3A_138 = tpu.memref_slice %arg11[%dma_start3A_131, %dma_start3A_137] : memref<40x128xi32, #tpu.memory_space<vmem>> -> memref<1x128xi32, #tpu.memory_space<vmem>>
    %dma_start3A_139 = tpu.memref_squeeze %dma_start3A_138 : memref<1x128xi32, #tpu.memory_space<vmem>> -> memref<128xi32, #tpu.memory_space<vmem>>
    %dma_start3A_140 = arith.constant 0 : i32
    %dma_start3A_141 = arith.constant 0 : i32
    %dma_start3A_142 = tpu.memref_slice %arg2[%dma_start3A_140, %dma_start3A_141] : memref<20000x128xf32, #tpu.memory_space<hbm>> -> memref<20000x128xf32, #tpu.memory_space<hbm>>
    tpu.enqueue_indirect_dma source(%dma_start3A_142 : memref<20000x128xf32, #tpu.memory_space<hbm>>) target(%dma_start3A_136 : memref<128x128xf32, #tpu.memory_space<vmem>>) offsets(%dma_start3A_139 : memref<128xi32, #tpu.memory_space<vmem>>) semaphore(%arg14 : memref<!tpu.dma_semaphore, #tpu.memory_space<semaphore_mem>>)
    %dma_start3A_143 = arith.constant 1 : i32
    %dma_start3A_144 = arith.constant 1 : i32
    %dma_start3A_145 = arith.constant 0 : i32
    %dma_start3A_146 = arith.constant 0 : i32
    %dma_start3A_147 = tpu.memref_slice %arg13[%dma_start3A_144, %dma_start3A_145, %dma_start3A_146] : memref<2x128x128xf32, #tpu.memory_space<vmem>> -> memref<1x128x128xf32, #tpu.memory_space<vmem>>
    %dma_start3A_148 = tpu.memref_squeeze %dma_start3A_147 : memref<1x128x128xf32, #tpu.memory_space<vmem>> -> memref<128x128xf32, #tpu.memory_space<vmem>>
    %dma_start3A_149 = arith.constant 0 : i32
    %dma_start3A_150 = tpu.memref_slice %arg11[%dma_start3A_143, %dma_start3A_149] : memref<40x128xi32, #tpu.memory_space<vmem>> -> memref<1x128xi32, #tpu.memory_space<vmem>>
    %dma_start3A_151 = tpu.memref_squeeze %dma_start3A_150 : memref<1x128xi32, #tpu.memory_space<vmem>> -> memref<128xi32, #tpu.memory_space<vmem>>
    %dma_start3A_152 = arith.constant 0 : i32
    %dma_start3A_153 = arith.constant 0 : i32
    %dma_start3A_154 = tpu.memref_slice %arg2[%dma_start3A_152, %dma_start3A_153] : memref<20000x128xf32, #tpu.memory_space<hbm>> -> memref<20000x128xf32, #tpu.memory_space<hbm>>
    tpu.enqueue_indirect_dma source(%dma_start3A_154 : memref<20000x128xf32, #tpu.memory_space<hbm>>) target(%dma_start3A_148 : memref<128x128xf32, #tpu.memory_space<vmem>>) offsets(%dma_start3A_151 : memref<128xi32, #tpu.memory_space<vmem>>) semaphore(%arg14 : memref<!tpu.dma_semaphore, #tpu.memory_space<semaphore_mem>>)
    %scan3A_155 = arith.constant 0 : i32
    %scan3A_156 = arith.constant 20 : i32
    %scan3A_157 = arith.addi %scan3A_155, %scan3A_156 : i32
    %scan3A_158 = arith.constant 1 : i32
    scf.for %scan3A_476 = %scan3A_155 to %scan3A_157 step %scan3A_158  : i32 {
      %mul3A_477 = arith.constant 1 : i32
      %mul3A_478 = arith.muli %scan3A_476, %mul3A_477 : i32
      %add3A_479 = arith.constant 0 : i32
      %add3A_480 = arith.addi %add3A_479, %mul3A_478 : i32
      %mul3A_481 = arith.constant 2 : i32
      %mul3A_482 = arith.muli %add3A_480, %mul3A_481 : i32
      %add3A_483 = arith.constant 0 : i32
      %add3A_484 = arith.addi %mul3A_482, %add3A_483 : i32
      %dma_wait3A_485 = arith.constant 0 : i32
      %dma_wait3A_486 = arith.constant 0 : i32
      %dma_wait3A_487 = arith.constant 0 : i32
      %dma_wait3A_488 = tpu.memref_slice %arg13[%dma_wait3A_485, %dma_wait3A_486, %dma_wait3A_487] : memref<2x128x128xf32, #tpu.memory_space<vmem>> -> memref<1x128x128xf32, #tpu.memory_space<vmem>>
      %dma_wait3A_489 = tpu.memref_squeeze %dma_wait3A_488 : memref<1x128x128xf32, #tpu.memory_space<vmem>> -> memref<128x128xf32, #tpu.memory_space<vmem>>
      %dma_wait3A_490 = arith.constant 0 : i32
      %dma_wait3A_491 = tpu.memref_slice %arg11[%add3A_484, %dma_wait3A_490] : memref<40x128xi32, #tpu.memory_space<vmem>> -> memref<1x128xi32, #tpu.memory_space<vmem>>
      %dma_wait3A_492 = tpu.memref_squeeze %dma_wait3A_491 : memref<1x128xi32, #tpu.memory_space<vmem>> -> memref<128xi32, #tpu.memory_space<vmem>>
      %dma_wait3A_493 = arith.constant 0 : i32
      %dma_wait3A_494 = arith.constant 0 : i32
      %dma_wait3A_495 = tpu.memref_slice %arg2[%dma_wait3A_493, %dma_wait3A_494] : memref<20000x128xf32, #tpu.memory_space<hbm>> -> memref<20000x128xf32, #tpu.memory_space<hbm>>
      tpu.wait_indirect_dma semaphore(%arg14 : memref<!tpu.dma_semaphore, #tpu.memory_space<semaphore_mem>>) src(%dma_wait3A_495 : memref<20000x128xf32, #tpu.memory_space<hbm>>) dst(%dma_wait3A_489 : memref<128x128xf32, #tpu.memory_space<vmem>>)
      %dma_start3A_496 = arith.constant 0 : i32
      %dma_start3A_497 = arith.constant 0 : i32
      %dma_start3A_498 = arith.constant 0 : i32
      %dma_start3A_499 = tpu.memref_slice %arg13[%dma_start3A_496, %dma_start3A_497, %dma_start3A_498] : memref<2x128x128xf32, #tpu.memory_space<vmem>> -> memref<1x128x128xf32, #tpu.memory_space<vmem>>
      %dma_start3A_500 = tpu.memref_squeeze %dma_start3A_499 : memref<1x128x128xf32, #tpu.memory_space<vmem>> -> memref<128x128xf32, #tpu.memory_space<vmem>>
      %dma_start3A_501 = arith.constant 0 : i32
      %dma_start3A_502 = tpu.memref_slice %arg12[%add3A_484, %dma_start3A_501] : memref<40x128xi32, #tpu.memory_space<vmem>> -> memref<1x128xi32, #tpu.memory_space<vmem>>
      %dma_start3A_503 = tpu.memref_squeeze %dma_start3A_502 : memref<1x128xi32, #tpu.memory_space<vmem>> -> memref<128xi32, #tpu.memory_space<vmem>>
      %dma_start3A_504 = arith.constant 0 : i32
      %dma_start3A_505 = arith.constant 0 : i32
      %dma_start3A_506 = tpu.memref_slice %arg10[%dma_start3A_504, %dma_start3A_505] : memref<10008x128xf32, #tpu.memory_space<vmem_shared>> -> memref<10008x128xf32, #tpu.memory_space<vmem_shared>>
      tpu.enqueue_indirect_dma source(%dma_start3A_500 : memref<128x128xf32, #tpu.memory_space<vmem>>) target(%dma_start3A_506 : memref<10008x128xf32, #tpu.memory_space<vmem_shared>>) offsets(%dma_start3A_503 : memref<128xi32, #tpu.memory_space<vmem>>) semaphore(%arg15 : memref<!tpu.dma_semaphore, #tpu.memory_space<semaphore_mem>>) {add = true}
      %lt3A = arith.constant 19 : i32
      %lt3A_507 = arith.cmpi slt, %add3A_480, %lt3A : i32
      %convert_element_type3A_508 = arith.extui %lt3A_507 : i1 to i32
      %cond3A_509 = arith.constant 0 : i32
      %cond3A_510 = arith.cmpi ne, %convert_element_type3A_508, %cond3A_509 : i32
      scf.if %cond3A_510 {
        %dma_wait3A_542 = arith.constant 0 : i32
        %dma_wait3A_543 = arith.constant 0 : i32
        %dma_wait3A_544 = arith.constant 0 : i32
        %dma_wait3A_545 = tpu.memref_slice %arg13[%dma_wait3A_542, %dma_wait3A_543, %dma_wait3A_544] : memref<2x128x128xf32, #tpu.memory_space<vmem>> -> memref<1x128x128xf32, #tpu.memory_space<vmem>>
        %dma_wait3A_546 = tpu.memref_squeeze %dma_wait3A_545 : memref<1x128x128xf32, #tpu.memory_space<vmem>> -> memref<128x128xf32, #tpu.memory_space<vmem>>
        %dma_wait3A_547 = arith.constant 0 : i32
        %dma_wait3A_548 = tpu.memref_slice %arg12[%add3A_484, %dma_wait3A_547] : memref<40x128xi32, #tpu.memory_space<vmem>> -> memref<1x128xi32, #tpu.memory_space<vmem>>
        %dma_wait3A_549 = tpu.memref_squeeze %dma_wait3A_548 : memref<1x128xi32, #tpu.memory_space<vmem>> -> memref<128xi32, #tpu.memory_space<vmem>>
        %dma_wait3A_550 = arith.constant 0 : i32
        %dma_wait3A_551 = arith.constant 0 : i32
        %dma_wait3A_552 = tpu.memref_slice %arg10[%dma_wait3A_550, %dma_wait3A_551] : memref<10008x128xf32, #tpu.memory_space<vmem_shared>> -> memref<10008x128xf32, #tpu.memory_space<vmem_shared>>
        tpu.wait_indirect_dma semaphore(%arg15 : memref<!tpu.dma_semaphore, #tpu.memory_space<semaphore_mem>>) src(%dma_wait3A_546 : memref<128x128xf32, #tpu.memory_space<vmem>>) dst(%dma_wait3A_552 : memref<10008x128xf32, #tpu.memory_space<vmem_shared>>)
        %add3A_553 = arith.constant 2 : i32
        %add3A_554 = arith.addi %add3A_484, %add3A_553 : i32
        %dma_start3A_555 = arith.constant 0 : i32
        %dma_start3A_556 = arith.constant 0 : i32
        %dma_start3A_557 = arith.constant 0 : i32
        %dma_start3A_558 = tpu.memref_slice %arg13[%dma_start3A_555, %dma_start3A_556, %dma_start3A_557] : memref<2x128x128xf32, #tpu.memory_space<vmem>> -> memref<1x128x128xf32, #tpu.memory_space<vmem>>
        %dma_start3A_559 = tpu.memref_squeeze %dma_start3A_558 : memref<1x128x128xf32, #tpu.memory_space<vmem>> -> memref<128x128xf32, #tpu.memory_space<vmem>>
        %dma_start3A_560 = arith.constant 0 : i32
        %dma_start3A_561 = tpu.memref_slice %arg11[%add3A_554, %dma_start3A_560] : memref<40x128xi32, #tpu.memory_space<vmem>> -> memref<1x128xi32, #tpu.memory_space<vmem>>
        %dma_start3A_562 = tpu.memref_squeeze %dma_start3A_561 : memref<1x128xi32, #tpu.memory_space<vmem>> -> memref<128xi32, #tpu.memory_space<vmem>>
        %dma_start3A_563 = arith.constant 0 : i32
        %dma_start3A_564 = arith.constant 0 : i32
        %dma_start3A_565 = tpu.memref_slice %arg2[%dma_start3A_563, %dma_start3A_564] : memref<20000x128xf32, #tpu.memory_space<hbm>> -> memref<20000x128xf32, #tpu.memory_space<hbm>>
        tpu.enqueue_indirect_dma source(%dma_start3A_565 : memref<20000x128xf32, #tpu.memory_space<hbm>>) target(%dma_start3A_559 : memref<128x128xf32, #tpu.memory_space<vmem>>) offsets(%dma_start3A_562 : memref<128xi32, #tpu.memory_space<vmem>>) semaphore(%arg14 : memref<!tpu.dma_semaphore, #tpu.memory_space<semaphore_mem>>)
      } else {
      }
      %mul3A_511 = arith.constant 2 : i32
      %mul3A_512 = arith.muli %add3A_480, %mul3A_511 : i32
      %add3A_513 = arith.constant 1 : i32
      %add3A_514 = arith.addi %mul3A_512, %add3A_513 : i32
      %dma_wait3A_515 = arith.constant 1 : i32
      %dma_wait3A_516 = arith.constant 0 : i32
      %dma_wait3A_517 = arith.constant 0 : i32
      %dma_wait3A_518 = tpu.memref_slice %arg13[%dma_wait3A_515, %dma_wait3A_516, %dma_wait3A_517] : memref<2x128x128xf32, #tpu.memory_space<vmem>> -> memref<1x128x128xf32, #tpu.memory_space<vmem>>
      %dma_wait3A_519 = tpu.memref_squeeze %dma_wait3A_518 : memref<1x128x128xf32, #tpu.memory_space<vmem>> -> memref<128x128xf32, #tpu.memory_space<vmem>>
      %dma_wait3A_520 = arith.constant 0 : i32
      %dma_wait3A_521 = tpu.memref_slice %arg11[%add3A_514, %dma_wait3A_520] : memref<40x128xi32, #tpu.memory_space<vmem>> -> memref<1x128xi32, #tpu.memory_space<vmem>>
      %dma_wait3A_522 = tpu.memref_squeeze %dma_wait3A_521 : memref<1x128xi32, #tpu.memory_space<vmem>> -> memref<128xi32, #tpu.memory_space<vmem>>
      %dma_wait3A_523 = arith.constant 0 : i32
      %dma_wait3A_524 = arith.constant 0 : i32
      %dma_wait3A_525 = tpu.memref_slice %arg2[%dma_wait3A_523, %dma_wait3A_524] : memref<20000x128xf32, #tpu.memory_space<hbm>> -> memref<20000x128xf32, #tpu.memory_space<hbm>>
      tpu.wait_indirect_dma semaphore(%arg14 : memref<!tpu.dma_semaphore, #tpu.memory_space<semaphore_mem>>) src(%dma_wait3A_525 : memref<20000x128xf32, #tpu.memory_space<hbm>>) dst(%dma_wait3A_519 : memref<128x128xf32, #tpu.memory_space<vmem>>)
      %dma_start3A_526 = arith.constant 1 : i32
      %dma_start3A_527 = arith.constant 0 : i32
      %dma_start3A_528 = arith.constant 0 : i32
      %dma_start3A_529 = tpu.memref_slice %arg13[%dma_start3A_526, %dma_start3A_527, %dma_start3A_528] : memref<2x128x128xf32, #tpu.memory_space<vmem>> -> memref<1x128x128xf32, #tpu.memory_space<vmem>>
      %dma_start3A_530 = tpu.memref_squeeze %dma_start3A_529 : memref<1x128x128xf32, #tpu.memory_space<vmem>> -> memref<128x128xf32, #tpu.memory_space<vmem>>
      %dma_start3A_531 = arith.constant 0 : i32
      %dma_start3A_532 = tpu.memref_slice %arg12[%add3A_514, %dma_start3A_531] : memref<40x128xi32, #tpu.memory_space<vmem>> -> memref<1x128xi32, #tpu.memory_space<vmem>>
      %dma_start3A_533 = tpu.memref_squeeze %dma_start3A_532 : memref<1x128xi32, #tpu.memory_space<vmem>> -> memref<128xi32, #tpu.memory_space<vmem>>
      %dma_start3A_534 = arith.constant 0 : i32
      %dma_start3A_535 = arith.constant 0 : i32
      %dma_start3A_536 = tpu.memref_slice %arg10[%dma_start3A_534, %dma_start3A_535] : memref<10008x128xf32, #tpu.memory_space<vmem_shared>> -> memref<10008x128xf32, #tpu.memory_space<vmem_shared>>
      tpu.enqueue_indirect_dma source(%dma_start3A_530 : memref<128x128xf32, #tpu.memory_space<vmem>>) target(%dma_start3A_536 : memref<10008x128xf32, #tpu.memory_space<vmem_shared>>) offsets(%dma_start3A_533 : memref<128xi32, #tpu.memory_space<vmem>>) semaphore(%arg15 : memref<!tpu.dma_semaphore, #tpu.memory_space<semaphore_mem>>) {add = true}
      %lt3A_537 = arith.constant 19 : i32
      %lt3A_538 = arith.cmpi slt, %add3A_480, %lt3A_537 : i32
      %convert_element_type3A_539 = arith.extui %lt3A_538 : i1 to i32
      %cond3A_540 = arith.constant 0 : i32
      %cond3A_541 = arith.cmpi ne, %convert_element_type3A_539, %cond3A_540 : i32
      scf.if %cond3A_541 {
        %dma_wait3A_542 = arith.constant 1 : i32
        %dma_wait3A_543 = arith.constant 0 : i32
        %dma_wait3A_544 = arith.constant 0 : i32
        %dma_wait3A_545 = tpu.memref_slice %arg13[%dma_wait3A_542, %dma_wait3A_543, %dma_wait3A_544] : memref<2x128x128xf32, #tpu.memory_space<vmem>> -> memref<1x128x128xf32, #tpu.memory_space<vmem>>
        %dma_wait3A_546 = tpu.memref_squeeze %dma_wait3A_545 : memref<1x128x128xf32, #tpu.memory_space<vmem>> -> memref<128x128xf32, #tpu.memory_space<vmem>>
        %dma_wait3A_547 = arith.constant 0 : i32
        %dma_wait3A_548 = tpu.memref_slice %arg12[%add3A_514, %dma_wait3A_547] : memref<40x128xi32, #tpu.memory_space<vmem>> -> memref<1x128xi32, #tpu.memory_space<vmem>>
        %dma_wait3A_549 = tpu.memref_squeeze %dma_wait3A_548 : memref<1x128xi32, #tpu.memory_space<vmem>> -> memref<128xi32, #tpu.memory_space<vmem>>
        %dma_wait3A_550 = arith.constant 0 : i32
        %dma_wait3A_551 = arith.constant 0 : i32
        %dma_wait3A_552 = tpu.memref_slice %arg10[%dma_wait3A_550, %dma_wait3A_551] : memref<10008x128xf32, #tpu.memory_space<vmem_shared>> -> memref<10008x128xf32, #tpu.memory_space<vmem_shared>>
        tpu.wait_indirect_dma semaphore(%arg15 : memref<!tpu.dma_semaphore, #tpu.memory_space<semaphore_mem>>) src(%dma_wait3A_546 : memref<128x128xf32, #tpu.memory_space<vmem>>) dst(%dma_wait3A_552 : memref<10008x128xf32, #tpu.memory_space<vmem_shared>>)
        %add3A_553 = arith.constant 2 : i32
        %add3A_554 = arith.addi %add3A_514, %add3A_553 : i32
        %dma_start3A_555 = arith.constant 1 : i32
        %dma_start3A_556 = arith.constant 0 : i32
        %dma_start3A_557 = arith.constant 0 : i32
        %dma_start3A_558 = tpu.memref_slice %arg13[%dma_start3A_555, %dma_start3A_556, %dma_start3A_557] : memref<2x128x128xf32, #tpu.memory_space<vmem>> -> memref<1x128x128xf32, #tpu.memory_space<vmem>>
        %dma_start3A_559 = tpu.memref_squeeze %dma_start3A_558 : memref<1x128x128xf32, #tpu.memory_space<vmem>> -> memref<128x128xf32, #tpu.memory_space<vmem>>
        %dma_start3A_560 = arith.constant 0 : i32
        %dma_start3A_561 = tpu.memref_slice %arg11[%add3A_554, %dma_start3A_560] : memref<40x128xi32, #tpu.memory_space<vmem>> -> memref<1x128xi32, #tpu.memory_space<vmem>>
        %dma_start3A_562 = tpu.memref_squeeze %dma_start3A_561 : memref<1x128xi32, #tpu.memory_space<vmem>> -> memref<128xi32, #tpu.memory_space<vmem>>
        %dma_start3A_563 = arith.constant 0 : i32
        %dma_start3A_564 = arith.constant 0 : i32
        %dma_start3A_565 = tpu.memref_slice %arg2[%dma_start3A_563, %dma_start3A_564] : memref<20000x128xf32, #tpu.memory_space<hbm>> -> memref<20000x128xf32, #tpu.memory_space<hbm>>
        tpu.enqueue_indirect_dma source(%dma_start3A_565 : memref<20000x128xf32, #tpu.memory_space<hbm>>) target(%dma_start3A_559 : memref<128x128xf32, #tpu.memory_space<vmem>>) offsets(%dma_start3A_562 : memref<128xi32, #tpu.memory_space<vmem>>) semaphore(%arg14 : memref<!tpu.dma_semaphore, #tpu.memory_space<semaphore_mem>>)
      } else {
      }
    }
    %scan3A_159 = arith.constant 20 : i32
    %dma_wait3A_160 = arith.constant 0 : i32
    %dma_wait3A_161 = arith.constant 38 : i32
    %dma_wait3A_162 = arith.constant 0 : i32
    %dma_wait3A_163 = arith.constant 0 : i32
    %dma_wait3A_164 = tpu.memref_slice %arg13[%dma_wait3A_160, %dma_wait3A_162, %dma_wait3A_163] : memref<2x128x128xf32, #tpu.memory_space<vmem>> -> memref<1x128x128xf32, #tpu.memory_space<vmem>>
    %dma_wait3A_165 = tpu.memref_squeeze %dma_wait3A_164 : memref<1x128x128xf32, #tpu.memory_space<vmem>> -> memref<128x128xf32, #tpu.memory_space<vmem>>
    %dma_wait3A_166 = arith.constant 0 : i32
    %dma_wait3A_167 = tpu.memref_slice %arg12[%dma_wait3A_161, %dma_wait3A_166] : memref<40x128xi32, #tpu.memory_space<vmem>> -> memref<1x128xi32, #tpu.memory_space<vmem>>
    %dma_wait3A_168 = tpu.memref_squeeze %dma_wait3A_167 : memref<1x128xi32, #tpu.memory_space<vmem>> -> memref<128xi32, #tpu.memory_space<vmem>>
    %dma_wait3A_169 = arith.constant 0 : i32
    %dma_wait3A_170 = arith.constant 0 : i32
    %dma_wait3A_171 = tpu.memref_slice %arg10[%dma_wait3A_169, %dma_wait3A_170] : memref<10008x128xf32, #tpu.memory_space<vmem_shared>> -> memref<10008x128xf32, #tpu.memory_space<vmem_shared>>
    tpu.wait_indirect_dma semaphore(%arg15 : memref<!tpu.dma_semaphore, #tpu.memory_space<semaphore_mem>>) src(%dma_wait3A_165 : memref<128x128xf32, #tpu.memory_space<vmem>>) dst(%dma_wait3A_171 : memref<10008x128xf32, #tpu.memory_space<vmem_shared>>)
    %dma_wait3A_172 = arith.constant 1 : i32
    %dma_wait3A_173 = arith.constant 39 : i32
    %dma_wait3A_174 = arith.constant 0 : i32
    %dma_wait3A_175 = arith.constant 0 : i32
    %dma_wait3A_176 = tpu.memref_slice %arg13[%dma_wait3A_172, %dma_wait3A_174, %dma_wait3A_175] : memref<2x128x128xf32, #tpu.memory_space<vmem>> -> memref<1x128x128xf32, #tpu.memory_space<vmem>>
    %dma_wait3A_177 = tpu.memref_squeeze %dma_wait3A_176 : memref<1x128x128xf32, #tpu.memory_space<vmem>> -> memref<128x128xf32, #tpu.memory_space<vmem>>
    %dma_wait3A_178 = arith.constant 0 : i32
    %dma_wait3A_179 = tpu.memref_slice %arg12[%dma_wait3A_173, %dma_wait3A_178] : memref<40x128xi32, #tpu.memory_space<vmem>> -> memref<1x128xi32, #tpu.memory_space<vmem>>
    %dma_wait3A_180 = tpu.memref_squeeze %dma_wait3A_179 : memref<1x128xi32, #tpu.memory_space<vmem>> -> memref<128xi32, #tpu.memory_space<vmem>>
    %dma_wait3A_181 = arith.constant 0 : i32
    %dma_wait3A_182 = arith.constant 0 : i32
    %dma_wait3A_183 = tpu.memref_slice %arg10[%dma_wait3A_181, %dma_wait3A_182] : memref<10008x128xf32, #tpu.memory_space<vmem_shared>> -> memref<10008x128xf32, #tpu.memory_space<vmem_shared>>
    tpu.wait_indirect_dma semaphore(%arg15 : memref<!tpu.dma_semaphore, #tpu.memory_space<semaphore_mem>>) src(%dma_wait3A_177 : memref<128x128xf32, #tpu.memory_space<vmem>>) dst(%dma_wait3A_183 : memref<10008x128xf32, #tpu.memory_space<vmem_shared>>)
    %barrier3A_184 = arith.constant 0 : index
    tpu.barrier barrier_id(%barrier3A_184)
    %mul3A_185 = arith.constant 624 : i32
    %mul3A_186 = arith.muli %arg1, %mul3A_185 : i32
    %mul3A_187 = arith.constant 10000 : i32
    %mul3A_188 = arith.muli %arg0, %mul3A_187 : i32
    %mul3A_189 = arith.constant 624 : i32
    %mul3A_190 = arith.muli %arg1, %mul3A_189 : i32
    %add3A_191 = arith.addi %mul3A_188, %mul3A_190 : i32
    "tpu.region"() ({
      %run_scoped3A = tpu.sem_alloc : memref<!tpu.dma_semaphore, #tpu.memory_space<semaphore_mem>>
      %dma_start3A_476 = arith.constant 0 : i32
      %dma_start3A_477 = tpu.memref_slice %arg8[%add3A_191, %dma_start3A_476] : memref<20000x128xf32, #tpu.memory_space<hbm>> -> memref<624x128xf32, #tpu.memory_space<hbm>>
      %dma_start3A_478 = arith.constant 0 : i32
      %dma_start3A_479 = tpu.memref_slice %arg10[%mul3A_186, %dma_start3A_478] : memref<10008x128xf32, #tpu.memory_space<vmem_shared>> -> memref<624x128xf32, #tpu.memory_space<vmem_shared>>
      tpu.enqueue_dma source(%dma_start3A_479 : memref<624x128xf32, #tpu.memory_space<vmem_shared>>) target(%dma_start3A_477 : memref<624x128xf32, #tpu.memory_space<hbm>>) target_semaphore(%run_scoped3A : memref<!tpu.dma_semaphore, #tpu.memory_space<semaphore_mem>>)
      %dma_wait3A_480 = arith.constant 0 : i32
      %dma_wait3A_481 = tpu.memref_slice %arg8[%add3A_191, %dma_wait3A_480] : memref<20000x128xf32, #tpu.memory_space<hbm>> -> memref<624x128xf32, #tpu.memory_space<hbm>>
      %dma_wait3A_482 = arith.constant 0 : i32
      %dma_wait3A_483 = tpu.memref_slice %arg10[%mul3A_186, %dma_wait3A_482] : memref<10008x128xf32, #tpu.memory_space<vmem_shared>> -> memref<624x128xf32, #tpu.memory_space<vmem_shared>>
      tpu.wait_dma2 semaphore(%run_scoped3A : memref<!tpu.dma_semaphore, #tpu.memory_space<semaphore_mem>>) src(%dma_wait3A_483 : memref<624x128xf32, #tpu.memory_space<vmem_shared>>) dst(%dma_wait3A_481 : memref<624x128xf32, #tpu.memory_space<hbm>>)
      tpu.yield
    }) : () -> ()
    %eq3A_192 = arith.constant 0 : i32
    %eq3A_193 = arith.cmpi eq, %arg1, %eq3A_192 : i32
    %convert_element_type3A_194 = arith.extui %eq3A_193 : i1 to i32
    %cond3A_195 = arith.constant 0 : i32
    %cond3A_196 = arith.cmpi ne, %convert_element_type3A_194, %cond3A_195 : i32
    scf.if %cond3A_196 {
      %mul3A_476 = arith.constant 10000 : i32
      %mul3A_477 = arith.muli %arg0, %mul3A_476 : i32
      %add3A_478 = arith.constant 9984 : i32
      %add3A_479 = arith.addi %mul3A_477, %add3A_478 : i32
      "tpu.region"() ({
        %run_scoped3A = tpu.sem_alloc : memref<!tpu.dma_semaphore, #tpu.memory_space<semaphore_mem>>
        %dma_start3A_480 = arith.constant 0 : i32
        %dma_start3A_481 = tpu.memref_slice %arg8[%add3A_479, %dma_start3A_480] : memref<20000x128xf32, #tpu.memory_space<hbm>> -> memref<16x128xf32, #tpu.memory_space<hbm>>
        %dma_start3A_482 = arith.constant 9984 : i32
        %dma_start3A_483 = arith.constant 0 : i32
        %dma_start3A_484 = tpu.memref_slice %arg10[%dma_start3A_482, %dma_start3A_483] : memref<10008x128xf32, #tpu.memory_space<vmem_shared>> -> memref<16x128xf32, #tpu.memory_space<vmem_shared>>
        tpu.enqueue_dma source(%dma_start3A_484 : memref<16x128xf32, #tpu.memory_space<vmem_shared>>) target(%dma_start3A_481 : memref<16x128xf32, #tpu.memory_space<hbm>>) target_semaphore(%run_scoped3A : memref<!tpu.dma_semaphore, #tpu.memory_space<semaphore_mem>>)
        %dma_wait3A_485 = arith.constant 0 : i32
        %dma_wait3A_486 = tpu.memref_slice %arg8[%add3A_479, %dma_wait3A_485] : memref<20000x128xf32, #tpu.memory_space<hbm>> -> memref<16x128xf32, #tpu.memory_space<hbm>>
        %dma_wait3A_487 = arith.constant 9984 : i32
        %dma_wait3A_488 = arith.constant 0 : i32
        %dma_wait3A_489 = tpu.memref_slice %arg10[%dma_wait3A_487, %dma_wait3A_488] : memref<10008x128xf32, #tpu.memory_space<vmem_shared>> -> memref<16x128xf32, #tpu.memory_space<vmem_shared>>
        tpu.wait_dma2 semaphore(%run_scoped3A : memref<!tpu.dma_semaphore, #tpu.memory_space<semaphore_mem>>) src(%dma_wait3A_489 : memref<16x128xf32, #tpu.memory_space<vmem_shared>>) dst(%dma_wait3A_486 : memref<16x128xf32, #tpu.memory_space<hbm>>)
        tpu.yield
      }) : () -> ()
    } else {
    }
    %scan3A_197 = arith.constant 0 : i32
    %scan3A_198 = arith.constant 0 : i32
    %scan3A_199 = arith.constant 32 : i32
    %scan3A_200 = arith.addi %scan3A_198, %scan3A_199 : i32
    %scan3A_201 = arith.constant 1 : i32
    scf.for %scan3A_476 = %scan3A_198 to %scan3A_200 step %scan3A_201  : i32 {
      %mul3A_477 = arith.constant 1 : i32
      %mul3A_478 = arith.muli %scan3A_476, %mul3A_477 : i32
      %add3A_479 = arith.constant 0 : i32
      %add3A_480 = arith.addi %add3A_479, %mul3A_478 : i32
      %scan3A_481 = arith.constant 0 : i32
      %scan3A_482 = arith.constant 8 : i32
      %scan3A_483 = arith.addi %scan3A_481, %scan3A_482 : i32
      %scan3A_484 = arith.constant 1 : i32
      scf.for %scan3A_486 = %scan3A_481 to %scan3A_483 step %scan3A_484  : i32 {
        %mul3A_487 = arith.constant 16 : i32
        %mul3A_488 = arith.muli %scan3A_486, %mul3A_487 : i32
        %add3A_489 = arith.constant 0 : i32
        %add3A_490 = arith.addi %add3A_489, %mul3A_488 : i32
        %broadcast_in_dim3A = arith.constant 0.000000e+00 : f32
        %broadcast_in_dim3A_491 = vector.broadcast %broadcast_in_dim3A : f32 to vector<16xf32>
        %swap3A = arith.constant 0 : i32
        %swap3A_492 = arith.constant 0 : i32
        %swap3A_493 = tpu.memref_slice %arg13[%scan3A_197, %swap3A, %swap3A_492] : memref<2x128x128xf32, #tpu.memory_space<vmem>> -> memref<1x128x128xf32, #tpu.memory_space<vmem>>
        %swap3A_494 = tpu.memref_squeeze %swap3A_493 : memref<1x128x128xf32, #tpu.memory_space<vmem>> -> memref<128x128xf32, #tpu.memory_space<vmem>>
        %swap3A_495 = arith.index_cast %add3A_480 : i32 to index
        %swap3A_496 = arith.index_cast %add3A_490 : i32 to index
        %swap3A_497 = tpu.vector_load %swap3A_494[%swap3A_495, %swap3A_496] {strides = array<i32>} : memref<128x128xf32, #tpu.memory_space<vmem>>, vector<1x16xf32>,
        %swap3A_498 = vector.shape_cast %swap3A_497 : vector<1x16xf32> to vector<16xf32>
        %swap3A_499 = vector.shape_cast %broadcast_in_dim3A_491 : vector<16xf32> to vector<1x16xf32>
        tpu.vector_store %swap3A_494[%swap3A_495, %swap3A_496], %swap3A_499 {strides = array<i32>} : memref<128x128xf32, #tpu.memory_space<vmem>>, vector<1x16xf32>,
      }
      %scan3A_485 = arith.constant 8 : i32
    }
    %scan3A_202 = arith.constant 32 : i32
    %mul3A_203 = arith.constant 624 : i32
    %mul3A_204 = arith.muli %arg1, %mul3A_203 : i32
    %scan3A_205 = arith.constant 0 : i32
    %scan3A_206 = arith.constant 0 : i32
    %scan3A_207 = arith.constant 19 : i32
    %scan3A_208 = arith.addi %scan3A_206, %scan3A_207 : i32
    %scan3A_209 = arith.constant 1 : i32
    scf.for %scan3A_476 = %scan3A_206 to %scan3A_208 step %scan3A_209  : i32 {
      %mul3A_477 = arith.constant 1 : i32
      %mul3A_478 = arith.muli %scan3A_476, %mul3A_477 : i32
      %add3A_479 = arith.constant 0 : i32
      %add3A_480 = arith.addi %add3A_479, %mul3A_478 : i32
      %mul3A_481 = arith.constant 32 : i32
      %mul3A_482 = arith.muli %add3A_480, %mul3A_481 : i32
      %add3A_483 = arith.addi %mul3A_204, %mul3A_482 : i32
      %dma_start3A_484 = arith.constant 0 : i32
      %dma_start3A_485 = arith.constant 0 : i32
      %dma_start3A_486 = tpu.memref_slice %arg13[%scan3A_205, %dma_start3A_484, %dma_start3A_485] : memref<2x128x128xf32, #tpu.memory_space<vmem>> -> memref<1x128x128xf32, #tpu.memory_space<vmem>>
      %dma_start3A_487 = tpu.memref_squeeze %dma_start3A_486 : memref<1x128x128xf32, #tpu.memory_space<vmem>> -> memref<128x128xf32, #tpu.memory_space<vmem>>
      %dma_start3A_488 = arith.constant 0 : i32
      %dma_start3A_489 = arith.constant 0 : i32
      %dma_start3A_490 = tpu.memref_slice %dma_start3A_487[%dma_start3A_488, %dma_start3A_489] : memref<128x128xf32, #tpu.memory_space<vmem>> -> memref<32x128xf32, #tpu.memory_space<vmem>>
      %dma_start3A_491 = arith.constant 0 : i32
      %dma_start3A_492 = tpu.memref_slice %arg10[%add3A_483, %dma_start3A_491] : memref<10008x128xf32, #tpu.memory_space<vmem_shared>> -> memref<32x128xf32, #tpu.memory_space<vmem_shared>>
      %dma_start3A_493 = arith.constant 0 : i32
      %dma_start3A_494 = tpu.memref_slice %arg10[%add3A_483, %dma_start3A_493] : memref<10008x128xf32, #tpu.memory_space<vmem_shared>> -> memref<32x128xf32, #tpu.memory_space<vmem_shared>>
      %dma_start3A_495 = arith.constant 0 : i32
      %dma_start3A_496 = arith.constant 0 : i32
      %dma_start3A_497 = tpu.memref_slice %arg13[%scan3A_205, %dma_start3A_495, %dma_start3A_496] : memref<2x128x128xf32, #tpu.memory_space<vmem>> -> memref<1x128x128xf32, #tpu.memory_space<vmem>>
      %dma_start3A_498 = tpu.memref_squeeze %dma_start3A_497 : memref<1x128x128xf32, #tpu.memory_space<vmem>> -> memref<128x128xf32, #tpu.memory_space<vmem>>
      %dma_start3A_499 = arith.constant 0 : i32
      %dma_start3A_500 = arith.constant 0 : i32
      %dma_start3A_501 = tpu.memref_slice %dma_start3A_498[%dma_start3A_499, %dma_start3A_500] : memref<128x128xf32, #tpu.memory_space<vmem>> -> memref<32x128xf32, #tpu.memory_space<vmem>>
      tpu.enqueue_dma source(%dma_start3A_501 : memref<32x128xf32, #tpu.memory_space<vmem>>) target(%dma_start3A_494 : memref<32x128xf32, #tpu.memory_space<vmem_shared>>) target_semaphore(%arg14 : memref<!tpu.dma_semaphore, #tpu.memory_space<semaphore_mem>>)
    }
    %scan3A_210 = arith.constant 19 : i32
    %add3A_211 = arith.constant 608 : i32
    %add3A_212 = arith.addi %mul3A_204, %add3A_211 : i32
    %dma_start3A_213 = arith.constant 0 : i32
    %dma_start3A_214 = arith.constant 0 : i32
    %dma_start3A_215 = arith.constant 0 : i32
    %dma_start3A_216 = tpu.memref_slice %arg13[%dma_start3A_213, %dma_start3A_214, %dma_start3A_215] : memref<2x128x128xf32, #tpu.memory_space<vmem>> -> memref<1x128x128xf32, #tpu.memory_space<vmem>>
    %dma_start3A_217 = tpu.memref_squeeze %dma_start3A_216 : memref<1x128x128xf32, #tpu.memory_space<vmem>> -> memref<128x128xf32, #tpu.memory_space<vmem>>
    %dma_start3A_218 = arith.constant 0 : i32
    %dma_start3A_219 = arith.constant 0 : i32
    %dma_start3A_220 = tpu.memref_slice %dma_start3A_217[%dma_start3A_218, %dma_start3A_219] : memref<128x128xf32, #tpu.memory_space<vmem>> -> memref<16x128xf32, #tpu.memory_space<vmem>>
    %dma_start3A_221 = arith.constant 0 : i32
    %dma_start3A_222 = tpu.memref_slice %arg10[%add3A_212, %dma_start3A_221] : memref<10008x128xf32, #tpu.memory_space<vmem_shared>> -> memref<16x128xf32, #tpu.memory_space<vmem_shared>>
    %dma_start3A_223 = arith.constant 0 : i32
    %dma_start3A_224 = tpu.memref_slice %arg10[%add3A_212, %dma_start3A_223] : memref<10008x128xf32, #tpu.memory_space<vmem_shared>> -> memref<16x128xf32, #tpu.memory_space<vmem_shared>>
    %dma_start3A_225 = arith.constant 0 : i32
    %dma_start3A_226 = arith.constant 0 : i32
    %dma_start3A_227 = tpu.memref_slice %arg13[%dma_start3A_213, %dma_start3A_225, %dma_start3A_226] : memref<2x128x128xf32, #tpu.memory_space<vmem>> -> memref<1x128x128xf32, #tpu.memory_space<vmem>>
    %dma_start3A_228 = tpu.memref_squeeze %dma_start3A_227 : memref<1x128x128xf32, #tpu.memory_space<vmem>> -> memref<128x128xf32, #tpu.memory_space<vmem>>
    %dma_start3A_229 = arith.constant 0 : i32
    %dma_start3A_230 = arith.constant 0 : i32
    %dma_start3A_231 = tpu.memref_slice %dma_start3A_228[%dma_start3A_229, %dma_start3A_230] : memref<128x128xf32, #tpu.memory_space<vmem>> -> memref<16x128xf32, #tpu.memory_space<vmem>>
    tpu.enqueue_dma source(%dma_start3A_231 : memref<16x128xf32, #tpu.memory_space<vmem>>) target(%dma_start3A_224 : memref<16x128xf32, #tpu.memory_space<vmem_shared>>) target_semaphore(%arg14 : memref<!tpu.dma_semaphore, #tpu.memory_space<semaphore_mem>>)
    %eq3A_232 = arith.constant 0 : i32
    %eq3A_233 = arith.cmpi eq, %arg1, %eq3A_232 : i32
    %convert_element_type3A_234 = arith.extui %eq3A_233 : i1 to i32
    %cond3A_235 = arith.constant 0 : i32
    %cond3A_236 = arith.constant 0 : i32
    %cond3A_237 = arith.cmpi ne, %convert_element_type3A_234, %cond3A_236 : i32
    scf.if %cond3A_237 {
      %dma_start3A_476 = arith.constant 0 : i32
      %dma_start3A_477 = arith.constant 0 : i32
      %dma_start3A_478 = tpu.memref_slice %arg13[%cond3A_235, %dma_start3A_476, %dma_start3A_477] : memref<2x128x128xf32, #tpu.memory_space<vmem>> -> memref<1x128x128xf32, #tpu.memory_space<vmem>>
      %dma_start3A_479 = tpu.memref_squeeze %dma_start3A_478 : memref<1x128x128xf32, #tpu.memory_space<vmem>> -> memref<128x128xf32, #tpu.memory_space<vmem>>
      %dma_start3A_480 = arith.constant 0 : i32
      %dma_start3A_481 = arith.constant 0 : i32
      %dma_start3A_482 = tpu.memref_slice %dma_start3A_479[%dma_start3A_480, %dma_start3A_481] : memref<128x128xf32, #tpu.memory_space<vmem>> -> memref<16x128xf32, #tpu.memory_space<vmem>>
      %dma_start3A_483 = arith.constant 9984 : i32
      %dma_start3A_484 = arith.constant 0 : i32
      %dma_start3A_485 = tpu.memref_slice %arg10[%dma_start3A_483, %dma_start3A_484] : memref<10008x128xf32, #tpu.memory_space<vmem_shared>> -> memref<16x128xf32, #tpu.memory_space<vmem_shared>>
      %dma_start3A_486 = arith.constant 9984 : i32
      %dma_start3A_487 = arith.constant 0 : i32
      %dma_start3A_488 = tpu.memref_slice %arg10[%dma_start3A_486, %dma_start3A_487] : memref<10008x128xf32, #tpu.memory_space<vmem_shared>> -> memref<16x128xf32, #tpu.memory_space<vmem_shared>>
      %dma_start3A_489 = arith.constant 0 : i32
      %dma_start3A_490 = arith.constant 0 : i32
      %dma_start3A_491 = tpu.memref_slice %arg13[%cond3A_235, %dma_start3A_489, %dma_start3A_490] : memref<2x128x128xf32, #tpu.memory_space<vmem>> -> memref<1x128x128xf32, #tpu.memory_space<vmem>>
      %dma_start3A_492 = tpu.memref_squeeze %dma_start3A_491 : memref<1x128x128xf32, #tpu.memory_space<vmem>> -> memref<128x128xf32, #tpu.memory_space<vmem>>
      %dma_start3A_493 = arith.constant 0 : i32
      %dma_start3A_494 = arith.constant 0 : i32
      %dma_start3A_495 = tpu.memref_slice %dma_start3A_492[%dma_start3A_493, %dma_start3A_494] : memref<128x128xf32, #tpu.memory_space<vmem>> -> memref<16x128xf32, #tpu.memory_space<vmem>>
      tpu.enqueue_dma source(%dma_start3A_495 : memref<16x128xf32, #tpu.memory_space<vmem>>) target(%dma_start3A_488 : memref<16x128xf32, #tpu.memory_space<vmem_shared>>) target_semaphore(%arg14 : memref<!tpu.dma_semaphore, #tpu.memory_space<semaphore_mem>>)
    } else {
    }
    %scan3A_238 = arith.constant 0 : i32
    %scan3A_239 = arith.constant 0 : i32
    %scan3A_240 = arith.constant 19 : i32
    %scan3A_241 = arith.addi %scan3A_239, %scan3A_240 : i32
    %scan3A_242 = arith.constant 1 : i32
    scf.for %scan3A_476 = %scan3A_239 to %scan3A_241 step %scan3A_242  : i32 {
      %mul3A_477 = arith.constant 1 : i32
      %mul3A_478 = arith.muli %scan3A_476, %mul3A_477 : i32
      %add3A_479 = arith.constant 0 : i32
      %add3A_480 = arith.addi %add3A_479, %mul3A_478 : i32
      %mul3A_481 = arith.constant 32 : i32
      %mul3A_482 = arith.muli %add3A_480, %mul3A_481 : i32
      %add3A_483 = arith.addi %mul3A_204, %mul3A_482 : i32
      %dma_wait3A_484 = arith.constant 0 : i32
      %dma_wait3A_485 = arith.constant 0 : i32
      %dma_wait3A_486 = tpu.memref_slice %arg13[%scan3A_238, %dma_wait3A_484, %dma_wait3A_485] : memref<2x128x128xf32, #tpu.memory_space<vmem>> -> memref<1x128x128xf32, #tpu.memory_space<vmem>>
      %dma_wait3A_487 = tpu.memref_squeeze %dma_wait3A_486 : memref<1x128x128xf32, #tpu.memory_space<vmem>> -> memref<128x128xf32, #tpu.memory_space<vmem>>
      %dma_wait3A_488 = arith.constant 0 : i32
      %dma_wait3A_489 = arith.constant 0 : i32
      %dma_wait3A_490 = tpu.memref_slice %dma_wait3A_487[%dma_wait3A_488, %dma_wait3A_489] : memref<128x128xf32, #tpu.memory_space<vmem>> -> memref<32x128xf32, #tpu.memory_space<vmem>>
      %dma_wait3A_491 = arith.constant 0 : i32
      %dma_wait3A_492 = tpu.memref_slice %arg10[%add3A_483, %dma_wait3A_491] : memref<10008x128xf32, #tpu.memory_space<vmem_shared>> -> memref<32x128xf32, #tpu.memory_space<vmem_shared>>
      %dma_wait3A_493 = arith.constant 0 : i32
      %dma_wait3A_494 = tpu.memref_slice %arg10[%add3A_483, %dma_wait3A_493] : memref<10008x128xf32, #tpu.memory_space<vmem_shared>> -> memref<32x128xf32, #tpu.memory_space<vmem_shared>>
      %dma_wait3A_495 = arith.constant 0 : i32
      %dma_wait3A_496 = arith.constant 0 : i32
      %dma_wait3A_497 = tpu.memref_slice %arg13[%scan3A_238, %dma_wait3A_495, %dma_wait3A_496] : memref<2x128x128xf32, #tpu.memory_space<vmem>> -> memref<1x128x128xf32, #tpu.memory_space<vmem>>
      %dma_wait3A_498 = tpu.memref_squeeze %dma_wait3A_497 : memref<1x128x128xf32, #tpu.memory_space<vmem>> -> memref<128x128xf32, #tpu.memory_space<vmem>>
      %dma_wait3A_499 = arith.constant 0 : i32
      %dma_wait3A_500 = arith.constant 0 : i32
      %dma_wait3A_501 = tpu.memref_slice %dma_wait3A_498[%dma_wait3A_499, %dma_wait3A_500] : memref<128x128xf32, #tpu.memory_space<vmem>> -> memref<32x128xf32, #tpu.memory_space<vmem>>
      tpu.wait_dma2 semaphore(%arg14 : memref<!tpu.dma_semaphore, #tpu.memory_space<semaphore_mem>>) src(%dma_wait3A_501 : memref<32x128xf32, #tpu.memory_space<vmem>>) dst(%dma_wait3A_494 : memref<32x128xf32, #tpu.memory_space<vmem_shared>>)
    }
    %scan3A_243 = arith.constant 19 : i32
    %add3A_244 = arith.constant 608 : i32
    %add3A_245 = arith.addi %mul3A_204, %add3A_244 : i32
    %dma_wait3A_246 = arith.constant 0 : i32
    %dma_wait3A_247 = arith.constant 0 : i32
    %dma_wait3A_248 = arith.constant 0 : i32
    %dma_wait3A_249 = tpu.memref_slice %arg13[%dma_wait3A_246, %dma_wait3A_247, %dma_wait3A_248] : memref<2x128x128xf32, #tpu.memory_space<vmem>> -> memref<1x128x128xf32, #tpu.memory_space<vmem>>
    %dma_wait3A_250 = tpu.memref_squeeze %dma_wait3A_249 : memref<1x128x128xf32, #tpu.memory_space<vmem>> -> memref<128x128xf32, #tpu.memory_space<vmem>>
    %dma_wait3A_251 = arith.constant 0 : i32
    %dma_wait3A_252 = arith.constant 0 : i32
    %dma_wait3A_253 = tpu.memref_slice %dma_wait3A_250[%dma_wait3A_251, %dma_wait3A_252] : memref<128x128xf32, #tpu.memory_space<vmem>> -> memref<16x128xf32, #tpu.memory_space<vmem>>
    %dma_wait3A_254 = arith.constant 0 : i32
    %dma_wait3A_255 = tpu.memref_slice %arg10[%add3A_245, %dma_wait3A_254] : memref<10008x128xf32, #tpu.memory_space<vmem_shared>> -> memref<16x128xf32, #tpu.memory_space<vmem_shared>>
    %dma_wait3A_256 = arith.constant 0 : i32
    %dma_wait3A_257 = tpu.memref_slice %arg10[%add3A_245, %dma_wait3A_256] : memref<10008x128xf32, #tpu.memory_space<vmem_shared>> -> memref<16x128xf32, #tpu.memory_space<vmem_shared>>
    %dma_wait3A_258 = arith.constant 0 : i32
    %dma_wait3A_259 = arith.constant 0 : i32
    %dma_wait3A_260 = tpu.memref_slice %arg13[%dma_wait3A_246, %dma_wait3A_258, %dma_wait3A_259] : memref<2x128x128xf32, #tpu.memory_space<vmem>> -> memref<1x128x128xf32, #tpu.memory_space<vmem>>
    %dma_wait3A_261 = tpu.memref_squeeze %dma_wait3A_260 : memref<1x128x128xf32, #tpu.memory_space<vmem>> -> memref<128x128xf32, #tpu.memory_space<vmem>>
    %dma_wait3A_262 = arith.constant 0 : i32
    %dma_wait3A_263 = arith.constant 0 : i32
    %dma_wait3A_264 = tpu.memref_slice %dma_wait3A_261[%dma_wait3A_262, %dma_wait3A_263] : memref<128x128xf32, #tpu.memory_space<vmem>> -> memref<16x128xf32, #tpu.memory_space<vmem>>
    tpu.wait_dma2 semaphore(%arg14 : memref<!tpu.dma_semaphore, #tpu.memory_space<semaphore_mem>>) src(%dma_wait3A_264 : memref<16x128xf32, #tpu.memory_space<vmem>>) dst(%dma_wait3A_257 : memref<16x128xf32, #tpu.memory_space<vmem_shared>>)
    %eq3A_265 = arith.constant 0 : i32
    %eq3A_266 = arith.cmpi eq, %arg1, %eq3A_265 : i32
    %convert_element_type3A_267 = arith.extui %eq3A_266 : i1 to i32
    %cond3A_268 = arith.constant 0 : i32
    %cond3A_269 = arith.constant 0 : i32
    %cond3A_270 = arith.cmpi ne, %convert_element_type3A_267, %cond3A_269 : i32
    scf.if %cond3A_270 {
      %dma_wait3A_476 = arith.constant 0 : i32
      %dma_wait3A_477 = arith.constant 0 : i32
      %dma_wait3A_478 = tpu.memref_slice %arg13[%cond3A_268, %dma_wait3A_476, %dma_wait3A_477] : memref<2x128x128xf32, #tpu.memory_space<vmem>> -> memref<1x128x128xf32, #tpu.memory_space<vmem>>
      %dma_wait3A_479 = tpu.memref_squeeze %dma_wait3A_478 : memref<1x128x128xf32, #tpu.memory_space<vmem>> -> memref<128x128xf32, #tpu.memory_space<vmem>>
      %dma_wait3A_480 = arith.constant 0 : i32
      %dma_wait3A_481 = arith.constant 0 : i32
      %dma_wait3A_482 = tpu.memref_slice %dma_wait3A_479[%dma_wait3A_480, %dma_wait3A_481] : memref<128x128xf32, #tpu.memory_space<vmem>> -> memref<16x128xf32, #tpu.memory_space<vmem>>
      %dma_wait3A_483 = arith.constant 9984 : i32
      %dma_wait3A_484 = arith.constant 0 : i32
      %dma_wait3A_485 = tpu.memref_slice %arg10[%dma_wait3A_483, %dma_wait3A_484] : memref<10008x128xf32, #tpu.memory_space<vmem_shared>> -> memref<16x128xf32, #tpu.memory_space<vmem_shared>>
      %dma_wait3A_486 = arith.constant 9984 : i32
      %dma_wait3A_487 = arith.constant 0 : i32
      %dma_wait3A_488 = tpu.memref_slice %arg10[%dma_wait3A_486, %dma_wait3A_487] : memref<10008x128xf32, #tpu.memory_space<vmem_shared>> -> memref<16x128xf32, #tpu.memory_space<vmem_shared>>
      %dma_wait3A_489 = arith.constant 0 : i32
      %dma_wait3A_490 = arith.constant 0 : i32
      %dma_wait3A_491 = tpu.memref_slice %arg13[%cond3A_268, %dma_wait3A_489, %dma_wait3A_490] : memref<2x128x128xf32, #tpu.memory_space<vmem>> -> memref<1x128x128xf32, #tpu.memory_space<vmem>>
      %dma_wait3A_492 = tpu.memref_squeeze %dma_wait3A_491 : memref<1x128x128xf32, #tpu.memory_space<vmem>> -> memref<128x128xf32, #tpu.memory_space<vmem>>
      %dma_wait3A_493 = arith.constant 0 : i32
      %dma_wait3A_494 = arith.constant 0 : i32
      %dma_wait3A_495 = tpu.memref_slice %dma_wait3A_492[%dma_wait3A_493, %dma_wait3A_494] : memref<128x128xf32, #tpu.memory_space<vmem>> -> memref<16x128xf32, #tpu.memory_space<vmem>>
      tpu.wait_dma2 semaphore(%arg14 : memref<!tpu.dma_semaphore, #tpu.memory_space<semaphore_mem>>) src(%dma_wait3A_495 : memref<16x128xf32, #tpu.memory_space<vmem>>) dst(%dma_wait3A_488 : memref<16x128xf32, #tpu.memory_space<vmem_shared>>)
    } else {
    }
    %barrier3A_271 = arith.constant 0 : index
    tpu.barrier barrier_id(%barrier3A_271)
    "tpu.region"() ({
      %run_scoped3A = tpu.sem_alloc : memref<!tpu.dma_semaphore, #tpu.memory_space<semaphore_mem>>
      %dma_start3A_476 = arith.constant 0 : i32
      %dma_start3A_477 = arith.constant 0 : i32
      %dma_start3A_478 = tpu.memref_slice %arg6[%arg1, %dma_start3A_476, %dma_start3A_477] : memref<16x80x128xi32, #tpu.memory_space<hbm>> -> memref<1x40x128xi32, #tpu.memory_space<hbm>>
      %dma_start3A_479 = tpu.memref_squeeze %dma_start3A_478 : memref<1x40x128xi32, #tpu.memory_space<hbm>> -> memref<40x128xi32, #tpu.memory_space<hbm>>
      %dma_start3A_480 = arith.constant 0 : i32
      %dma_start3A_481 = arith.constant 0 : i32
      %dma_start3A_482 = tpu.memref_slice %arg6[%arg1, %dma_start3A_480, %dma_start3A_481] : memref<16x80x128xi32, #tpu.memory_space<hbm>> -> memref<1x40x128xi32, #tpu.memory_space<hbm>>
      %dma_start3A_483 = tpu.memref_squeeze %dma_start3A_482 : memref<1x40x128xi32, #tpu.memory_space<hbm>> -> memref<40x128xi32, #tpu.memory_space<hbm>>
      tpu.enqueue_dma source(%dma_start3A_483 : memref<40x128xi32, #tpu.memory_space<hbm>>) target(%arg11 : memref<40x128xi32, #tpu.memory_space<vmem>>) target_semaphore(%run_scoped3A : memref<!tpu.dma_semaphore, #tpu.memory_space<semaphore_mem>>)
      %dma_wait3A_484 = arith.constant 0 : i32
      %dma_wait3A_485 = arith.constant 0 : i32
      %dma_wait3A_486 = tpu.memref_slice %arg6[%arg1, %dma_wait3A_484, %dma_wait3A_485] : memref<16x80x128xi32, #tpu.memory_space<hbm>> -> memref<1x40x128xi32, #tpu.memory_space<hbm>>
      %dma_wait3A_487 = tpu.memref_squeeze %dma_wait3A_486 : memref<1x40x128xi32, #tpu.memory_space<hbm>> -> memref<40x128xi32, #tpu.memory_space<hbm>>
      %dma_wait3A_488 = arith.constant 0 : i32
      %dma_wait3A_489 = arith.constant 0 : i32
      %dma_wait3A_490 = tpu.memref_slice %arg6[%arg1, %dma_wait3A_488, %dma_wait3A_489] : memref<16x80x128xi32, #tpu.memory_space<hbm>> -> memref<1x40x128xi32, #tpu.memory_space<hbm>>
      %dma_wait3A_491 = tpu.memref_squeeze %dma_wait3A_490 : memref<1x40x128xi32, #tpu.memory_space<hbm>> -> memref<40x128xi32, #tpu.memory_space<hbm>>
      tpu.wait_dma2 semaphore(%run_scoped3A : memref<!tpu.dma_semaphore, #tpu.memory_space<semaphore_mem>>) src(%dma_wait3A_491 : memref<40x128xi32, #tpu.memory_space<hbm>>) dst(%arg11 : memref<40x128xi32, #tpu.memory_space<vmem>>)
      tpu.yield
    }) : () -> ()
    "tpu.region"() ({
      %run_scoped3A = tpu.sem_alloc : memref<!tpu.dma_semaphore, #tpu.memory_space<semaphore_mem>>
      %dma_start3A_476 = arith.constant 0 : i32
      %dma_start3A_477 = arith.constant 0 : i32
      %dma_start3A_478 = tpu.memref_slice %arg5[%arg1, %dma_start3A_476, %dma_start3A_477] : memref<16x80x128xi32, #tpu.memory_space<hbm>> -> memref<1x40x128xi32, #tpu.memory_space<hbm>>
      %dma_start3A_479 = tpu.memref_squeeze %dma_start3A_478 : memref<1x40x128xi32, #tpu.memory_space<hbm>> -> memref<40x128xi32, #tpu.memory_space<hbm>>
      %dma_start3A_480 = arith.constant 0 : i32
      %dma_start3A_481 = arith.constant 0 : i32
      %dma_start3A_482 = tpu.memref_slice %arg5[%arg1, %dma_start3A_480, %dma_start3A_481] : memref<16x80x128xi32, #tpu.memory_space<hbm>> -> memref<1x40x128xi32, #tpu.memory_space<hbm>>
      %dma_start3A_483 = tpu.memref_squeeze %dma_start3A_482 : memref<1x40x128xi32, #tpu.memory_space<hbm>> -> memref<40x128xi32, #tpu.memory_space<hbm>>
      tpu.enqueue_dma source(%dma_start3A_483 : memref<40x128xi32, #tpu.memory_space<hbm>>) target(%arg12 : memref<40x128xi32, #tpu.memory_space<vmem>>) target_semaphore(%run_scoped3A : memref<!tpu.dma_semaphore, #tpu.memory_space<semaphore_mem>>)
      %dma_wait3A_484 = arith.constant 0 : i32
      %dma_wait3A_485 = arith.constant 0 : i32
      %dma_wait3A_486 = tpu.memref_slice %arg5[%arg1, %dma_wait3A_484, %dma_wait3A_485] : memref<16x80x128xi32, #tpu.memory_space<hbm>> -> memref<1x40x128xi32, #tpu.memory_space<hbm>>
      %dma_wait3A_487 = tpu.memref_squeeze %dma_wait3A_486 : memref<1x40x128xi32, #tpu.memory_space<hbm>> -> memref<40x128xi32, #tpu.memory_space<hbm>>
      %dma_wait3A_488 = arith.constant 0 : i32
      %dma_wait3A_489 = arith.constant 0 : i32
      %dma_wait3A_490 = tpu.memref_slice %arg5[%arg1, %dma_wait3A_488, %dma_wait3A_489] : memref<16x80x128xi32, #tpu.memory_space<hbm>> -> memref<1x40x128xi32, #tpu.memory_space<hbm>>
      %dma_wait3A_491 = tpu.memref_squeeze %dma_wait3A_490 : memref<1x40x128xi32, #tpu.memory_space<hbm>> -> memref<40x128xi32, #tpu.memory_space<hbm>>
      tpu.wait_dma2 semaphore(%run_scoped3A : memref<!tpu.dma_semaphore, #tpu.memory_space<semaphore_mem>>) src(%dma_wait3A_491 : memref<40x128xi32, #tpu.memory_space<hbm>>) dst(%arg12 : memref<40x128xi32, #tpu.memory_space<vmem>>)
      tpu.yield
    }) : () -> ()
    %scan3A_272 = arith.constant 0 : i32
    %scan3A_273 = arith.constant 40 : i32
    %scan3A_274 = arith.addi %scan3A_272, %scan3A_273 : i32
    %scan3A_275 = arith.constant 1 : i32
    scf.for %scan3A_476 = %scan3A_272 to %scan3A_274 step %scan3A_275  : i32 {
      %mul3A_477 = arith.constant 1 : i32
      %mul3A_478 = arith.muli %scan3A_476, %mul3A_477 : i32
      %add3A_479 = arith.constant 0 : i32
      %add3A_480 = arith.addi %add3A_479, %mul3A_478 : i32
      %get3A = arith.index_cast %add3A_480 : i32 to index
      %get3A_481 = arith.constant 0 : index
      %get3A_482 = tpu.vector_load %arg11[%get3A, %get3A_481] {strides = array<i32>} : memref<40x128xi32, #tpu.memory_space<vmem>>, vector<1x16xi32>,
      %get3A_483 = vector.shape_cast %get3A_482 : vector<1x16xi32> to vector<16xi32>
      %add3A_484 = vector.broadcast %mul3A_0 : i32 to vector<16xi32>
      %add3A_485 = arith.addi %get3A_483, %add3A_484 : vector<16xi32>
      %swap3A = arith.index_cast %add3A_480 : i32 to index
      %swap3A_486 = arith.constant 0 : index
      %swap3A_487 = tpu.vector_load %arg11[%swap3A, %swap3A_486] {strides = array<i32>} : memref<40x128xi32, #tpu.memory_space<vmem>>, vector<1x16xi32>,
      %swap3A_488 = vector.shape_cast %swap3A_487 : vector<1x16xi32> to vector<16xi32>
      %swap3A_489 = vector.shape_cast %add3A_485 : vector<16xi32> to vector<1x16xi32>
      tpu.vector_store %arg11[%swap3A, %swap3A_486], %swap3A_489 {strides = array<i32>} : memref<40x128xi32, #tpu.memory_space<vmem>>, vector<1x16xi32>,
      %get3A_490 = arith.index_cast %add3A_480 : i32 to index
      %get3A_491 = arith.constant 16 : index
      %get3A_492 = tpu.vector_load %arg11[%get3A_490, %get3A_491] {strides = array<i32>} : memref<40x128xi32, #tpu.memory_space<vmem>>, vector<1x16xi32>,
      %get3A_493 = vector.shape_cast %get3A_492 : vector<1x16xi32> to vector<16xi32>
      %add3A_494 = vector.broadcast %mul3A_0 : i32 to vector<16xi32>
      %add3A_495 = arith.addi %get3A_493, %add3A_494 : vector<16xi32>
      %swap3A_496 = arith.index_cast %add3A_480 : i32 to index
      %swap3A_497 = arith.constant 16 : index
      %swap3A_498 = tpu.vector_load %arg11[%swap3A_496, %swap3A_497] {strides = array<i32>} : memref<40x128xi32, #tpu.memory_space<vmem>>, vector<1x16xi32>,
      %swap3A_499 = vector.shape_cast %swap3A_498 : vector<1x16xi32> to vector<16xi32>
      %swap3A_500 = vector.shape_cast %add3A_495 : vector<16xi32> to vector<1x16xi32>
      tpu.vector_store %arg11[%swap3A_496, %swap3A_497], %swap3A_500 {strides = array<i32>} : memref<40x128xi32, #tpu.memory_space<vmem>>, vector<1x16xi32>,
      %get3A_501 = arith.index_cast %add3A_480 : i32 to index
      %get3A_502 = arith.constant 32 : index
      %get3A_503 = tpu.vector_load %arg11[%get3A_501, %get3A_502] {strides = array<i32>} : memref<40x128xi32, #tpu.memory_space<vmem>>, vector<1x16xi32>,
      %get3A_504 = vector.shape_cast %get3A_503 : vector<1x16xi32> to vector<16xi32>
      %add3A_505 = vector.broadcast %mul3A_0 : i32 to vector<16xi32>
      %add3A_506 = arith.addi %get3A_504, %add3A_505 : vector<16xi32>
      %swap3A_507 = arith.index_cast %add3A_480 : i32 to index
      %swap3A_508 = arith.constant 32 : index
      %swap3A_509 = tpu.vector_load %arg11[%swap3A_507, %swap3A_508] {strides = array<i32>} : memref<40x128xi32, #tpu.memory_space<vmem>>, vector<1x16xi32>,
      %swap3A_510 = vector.shape_cast %swap3A_509 : vector<1x16xi32> to vector<16xi32>
      %swap3A_511 = vector.shape_cast %add3A_506 : vector<16xi32> to vector<1x16xi32>
      tpu.vector_store %arg11[%swap3A_507, %swap3A_508], %swap3A_511 {strides = array<i32>} : memref<40x128xi32, #tpu.memory_space<vmem>>, vector<1x16xi32>,
      %get3A_512 = arith.index_cast %add3A_480 : i32 to index
      %get3A_513 = arith.constant 48 : index
      %get3A_514 = tpu.vector_load %arg11[%get3A_512, %get3A_513] {strides = array<i32>} : memref<40x128xi32, #tpu.memory_space<vmem>>, vector<1x16xi32>,
      %get3A_515 = vector.shape_cast %get3A_514 : vector<1x16xi32> to vector<16xi32>
      %add3A_516 = vector.broadcast %mul3A_0 : i32 to vector<16xi32>
      %add3A_517 = arith.addi %get3A_515, %add3A_516 : vector<16xi32>
      %swap3A_518 = arith.index_cast %add3A_480 : i32 to index
      %swap3A_519 = arith.constant 48 : index
      %swap3A_520 = tpu.vector_load %arg11[%swap3A_518, %swap3A_519] {strides = array<i32>} : memref<40x128xi32, #tpu.memory_space<vmem>>, vector<1x16xi32>,
      %swap3A_521 = vector.shape_cast %swap3A_520 : vector<1x16xi32> to vector<16xi32>
      %swap3A_522 = vector.shape_cast %add3A_517 : vector<16xi32> to vector<1x16xi32>
      tpu.vector_store %arg11[%swap3A_518, %swap3A_519], %swap3A_522 {strides = array<i32>} : memref<40x128xi32, #tpu.memory_space<vmem>>, vector<1x16xi32>,
      %get3A_523 = arith.index_cast %add3A_480 : i32 to index
      %get3A_524 = arith.constant 64 : index
      %get3A_525 = tpu.vector_load %arg11[%get3A_523, %get3A_524] {strides = array<i32>} : memref<40x128xi32, #tpu.memory_space<vmem>>, vector<1x16xi32>,
      %get3A_526 = vector.shape_cast %get3A_525 : vector<1x16xi32> to vector<16xi32>
      %add3A_527 = vector.broadcast %mul3A_0 : i32 to vector<16xi32>
      %add3A_528 = arith.addi %get3A_526, %add3A_527 : vector<16xi32>
      %swap3A_529 = arith.index_cast %add3A_480 : i32 to index
      %swap3A_530 = arith.constant 64 : index
      %swap3A_531 = tpu.vector_load %arg11[%swap3A_529, %swap3A_530] {strides = array<i32>} : memref<40x128xi32, #tpu.memory_space<vmem>>, vector<1x16xi32>,
      %swap3A_532 = vector.shape_cast %swap3A_531 : vector<1x16xi32> to vector<16xi32>
      %swap3A_533 = vector.shape_cast %add3A_528 : vector<16xi32> to vector<1x16xi32>
      tpu.vector_store %arg11[%swap3A_529, %swap3A_530], %swap3A_533 {strides = array<i32>} : memref<40x128xi32, #tpu.memory_space<vmem>>, vector<1x16xi32>,
      %get3A_534 = arith.index_cast %add3A_480 : i32 to index
      %get3A_535 = arith.constant 80 : index
      %get3A_536 = tpu.vector_load %arg11[%get3A_534, %get3A_535] {strides = array<i32>} : memref<40x128xi32, #tpu.memory_space<vmem>>, vector<1x16xi32>,
      %get3A_537 = vector.shape_cast %get3A_536 : vector<1x16xi32> to vector<16xi32>
      %add3A_538 = vector.broadcast %mul3A_0 : i32 to vector<16xi32>
      %add3A_539 = arith.addi %get3A_537, %add3A_538 : vector<16xi32>
      %swap3A_540 = arith.index_cast %add3A_480 : i32 to index
      %swap3A_541 = arith.constant 80 : index
      %swap3A_542 = tpu.vector_load %arg11[%swap3A_540, %swap3A_541] {strides = array<i32>} : memref<40x128xi32, #tpu.memory_space<vmem>>, vector<1x16xi32>,
      %swap3A_543 = vector.shape_cast %swap3A_542 : vector<1x16xi32> to vector<16xi32>
      %swap3A_544 = vector.shape_cast %add3A_539 : vector<16xi32> to vector<1x16xi32>
      tpu.vector_store %arg11[%swap3A_540, %swap3A_541], %swap3A_544 {strides = array<i32>} : memref<40x128xi32, #tpu.memory_space<vmem>>, vector<1x16xi32>,
      %get3A_545 = arith.index_cast %add3A_480 : i32 to index
      %get3A_546 = arith.constant 96 : index
      %get3A_547 = tpu.vector_load %arg11[%get3A_545, %get3A_546] {strides = array<i32>} : memref<40x128xi32, #tpu.memory_space<vmem>>, vector<1x16xi32>,
      %get3A_548 = vector.shape_cast %get3A_547 : vector<1x16xi32> to vector<16xi32>
      %add3A_549 = vector.broadcast %mul3A_0 : i32 to vector<16xi32>
      %add3A_550 = arith.addi %get3A_548, %add3A_549 : vector<16xi32>
      %swap3A_551 = arith.index_cast %add3A_480 : i32 to index
      %swap3A_552 = arith.constant 96 : index
      %swap3A_553 = tpu.vector_load %arg11[%swap3A_551, %swap3A_552] {strides = array<i32>} : memref<40x128xi32, #tpu.memory_space<vmem>>, vector<1x16xi32>,
      %swap3A_554 = vector.shape_cast %swap3A_553 : vector<1x16xi32> to vector<16xi32>
      %swap3A_555 = vector.shape_cast %add3A_550 : vector<16xi32> to vector<1x16xi32>
      tpu.vector_store %arg11[%swap3A_551, %swap3A_552], %swap3A_555 {strides = array<i32>} : memref<40x128xi32, #tpu.memory_space<vmem>>, vector<1x16xi32>,
      %get3A_556 = arith.index_cast %add3A_480 : i32 to index
      %get3A_557 = arith.constant 112 : index
      %get3A_558 = tpu.vector_load %arg11[%get3A_556, %get3A_557] {strides = array<i32>} : memref<40x128xi32, #tpu.memory_space<vmem>>, vector<1x16xi32>,
      %get3A_559 = vector.shape_cast %get3A_558 : vector<1x16xi32> to vector<16xi32>
      %add3A_560 = vector.broadcast %mul3A_0 : i32 to vector<16xi32>
      %add3A_561 = arith.addi %get3A_559, %add3A_560 : vector<16xi32>
      %swap3A_562 = arith.index_cast %add3A_480 : i32 to index
      %swap3A_563 = arith.constant 112 : index
      %swap3A_564 = tpu.vector_load %arg11[%swap3A_562, %swap3A_563] {strides = array<i32>} : memref<40x128xi32, #tpu.memory_space<vmem>>, vector<1x16xi32>,
      %swap3A_565 = vector.shape_cast %swap3A_564 : vector<1x16xi32> to vector<16xi32>
      %swap3A_566 = vector.shape_cast %add3A_561 : vector<16xi32> to vector<1x16xi32>
      tpu.vector_store %arg11[%swap3A_562, %swap3A_563], %swap3A_566 {strides = array<i32>} : memref<40x128xi32, #tpu.memory_space<vmem>>, vector<1x16xi32>,
    }
    %scan3A_276 = arith.constant 40 : i32
    %dma_start3A_277 = arith.constant 0 : i32
    %dma_start3A_278 = arith.constant 0 : i32
    %dma_start3A_279 = arith.constant 0 : i32
    %dma_start3A_280 = arith.constant 0 : i32
    %dma_start3A_281 = tpu.memref_slice %arg13[%dma_start3A_278, %dma_start3A_279, %dma_start3A_280] : memref<2x128x128xf32, #tpu.memory_space<vmem>> -> memref<1x128x128xf32, #tpu.memory_space<vmem>>
    %dma_start3A_282 = tpu.memref_squeeze %dma_start3A_281 : memref<1x128x128xf32, #tpu.memory_space<vmem>> -> memref<128x128xf32, #tpu.memory_space<vmem>>
    %dma_start3A_283 = arith.constant 0 : i32
    %dma_start3A_284 = tpu.memref_slice %arg11[%dma_start3A_277, %dma_start3A_283] : memref<40x128xi32, #tpu.memory_space<vmem>> -> memref<1x128xi32, #tpu.memory_space<vmem>>
    %dma_start3A_285 = tpu.memref_squeeze %dma_start3A_284 : memref<1x128xi32, #tpu.memory_space<vmem>> -> memref<128xi32, #tpu.memory_space<vmem>>
    %dma_start3A_286 = arith.constant 0 : i32
    %dma_start3A_287 = arith.constant 0 : i32
    %dma_start3A_288 = tpu.memref_slice %arg3[%dma_start3A_286, %dma_start3A_287] : memref<20000x128xf32, #tpu.memory_space<hbm>> -> memref<20000x128xf32, #tpu.memory_space<hbm>>
    tpu.enqueue_indirect_dma source(%dma_start3A_288 : memref<20000x128xf32, #tpu.memory_space<hbm>>) target(%dma_start3A_282 : memref<128x128xf32, #tpu.memory_space<vmem>>) offsets(%dma_start3A_285 : memref<128xi32, #tpu.memory_space<vmem>>) semaphore(%arg14 : memref<!tpu.dma_semaphore, #tpu.memory_space<semaphore_mem>>)
    %dma_start3A_289 = arith.constant 1 : i32
    %dma_start3A_290 = arith.constant 1 : i32
    %dma_start3A_291 = arith.constant 0 : i32
    %dma_start3A_292 = arith.constant 0 : i32
    %dma_start3A_293 = tpu.memref_slice %arg13[%dma_start3A_290, %dma_start3A_291, %dma_start3A_292] : memref<2x128x128xf32, #tpu.memory_space<vmem>> -> memref<1x128x128xf32, #tpu.memory_space<vmem>>
    %dma_start3A_294 = tpu.memref_squeeze %dma_start3A_293 : memref<1x128x128xf32, #tpu.memory_space<vmem>> -> memref<128x128xf32, #tpu.memory_space<vmem>>
    %dma_start3A_295 = arith.constant 0 : i32
    %dma_start3A_296 = tpu.memref_slice %arg11[%dma_start3A_289, %dma_start3A_295] : memref<40x128xi32, #tpu.memory_space<vmem>> -> memref<1x128xi32, #tpu.memory_space<vmem>>
    %dma_start3A_297 = tpu.memref_squeeze %dma_start3A_296 : memref<1x128xi32, #tpu.memory_space<vmem>> -> memref<128xi32, #tpu.memory_space<vmem>>
    %dma_start3A_298 = arith.constant 0 : i32
    %dma_start3A_299 = arith.constant 0 : i32
    %dma_start3A_300 = tpu.memref_slice %arg3[%dma_start3A_298, %dma_start3A_299] : memref<20000x128xf32, #tpu.memory_space<hbm>> -> memref<20000x128xf32, #tpu.memory_space<hbm>>
    tpu.enqueue_indirect_dma source(%dma_start3A_300 : memref<20000x128xf32, #tpu.memory_space<hbm>>) target(%dma_start3A_294 : memref<128x128xf32, #tpu.memory_space<vmem>>) offsets(%dma_start3A_297 : memref<128xi32, #tpu.memory_space<vmem>>) semaphore(%arg14 : memref<!tpu.dma_semaphore, #tpu.memory_space<semaphore_mem>>)
    %scan3A_301 = arith.constant 0 : i32
    %scan3A_302 = arith.constant 20 : i32
    %scan3A_303 = arith.addi %scan3A_301, %scan3A_302 : i32
    %scan3A_304 = arith.constant 1 : i32
    scf.for %scan3A_476 = %scan3A_301 to %scan3A_303 step %scan3A_304  : i32 {
      %mul3A_477 = arith.constant 1 : i32
      %mul3A_478 = arith.muli %scan3A_476, %mul3A_477 : i32
      %add3A_479 = arith.constant 0 : i32
      %add3A_480 = arith.addi %add3A_479, %mul3A_478 : i32
      %mul3A_481 = arith.constant 2 : i32
      %mul3A_482 = arith.muli %add3A_480, %mul3A_481 : i32
      %add3A_483 = arith.constant 0 : i32
      %add3A_484 = arith.addi %mul3A_482, %add3A_483 : i32
      %dma_wait3A_485 = arith.constant 0 : i32
      %dma_wait3A_486 = arith.constant 0 : i32
      %dma_wait3A_487 = arith.constant 0 : i32
      %dma_wait3A_488 = tpu.memref_slice %arg13[%dma_wait3A_485, %dma_wait3A_486, %dma_wait3A_487] : memref<2x128x128xf32, #tpu.memory_space<vmem>> -> memref<1x128x128xf32, #tpu.memory_space<vmem>>
      %dma_wait3A_489 = tpu.memref_squeeze %dma_wait3A_488 : memref<1x128x128xf32, #tpu.memory_space<vmem>> -> memref<128x128xf32, #tpu.memory_space<vmem>>
      %dma_wait3A_490 = arith.constant 0 : i32
      %dma_wait3A_491 = tpu.memref_slice %arg11[%add3A_484, %dma_wait3A_490] : memref<40x128xi32, #tpu.memory_space<vmem>> -> memref<1x128xi32, #tpu.memory_space<vmem>>
      %dma_wait3A_492 = tpu.memref_squeeze %dma_wait3A_491 : memref<1x128xi32, #tpu.memory_space<vmem>> -> memref<128xi32, #tpu.memory_space<vmem>>
      %dma_wait3A_493 = arith.constant 0 : i32
      %dma_wait3A_494 = arith.constant 0 : i32
      %dma_wait3A_495 = tpu.memref_slice %arg3[%dma_wait3A_493, %dma_wait3A_494] : memref<20000x128xf32, #tpu.memory_space<hbm>> -> memref<20000x128xf32, #tpu.memory_space<hbm>>
      tpu.wait_indirect_dma semaphore(%arg14 : memref<!tpu.dma_semaphore, #tpu.memory_space<semaphore_mem>>) src(%dma_wait3A_495 : memref<20000x128xf32, #tpu.memory_space<hbm>>) dst(%dma_wait3A_489 : memref<128x128xf32, #tpu.memory_space<vmem>>)
      %dma_start3A_496 = arith.constant 0 : i32
      %dma_start3A_497 = arith.constant 0 : i32
      %dma_start3A_498 = arith.constant 0 : i32
      %dma_start3A_499 = tpu.memref_slice %arg13[%dma_start3A_496, %dma_start3A_497, %dma_start3A_498] : memref<2x128x128xf32, #tpu.memory_space<vmem>> -> memref<1x128x128xf32, #tpu.memory_space<vmem>>
      %dma_start3A_500 = tpu.memref_squeeze %dma_start3A_499 : memref<1x128x128xf32, #tpu.memory_space<vmem>> -> memref<128x128xf32, #tpu.memory_space<vmem>>
      %dma_start3A_501 = arith.constant 0 : i32
      %dma_start3A_502 = tpu.memref_slice %arg12[%add3A_484, %dma_start3A_501] : memref<40x128xi32, #tpu.memory_space<vmem>> -> memref<1x128xi32, #tpu.memory_space<vmem>>
      %dma_start3A_503 = tpu.memref_squeeze %dma_start3A_502 : memref<1x128xi32, #tpu.memory_space<vmem>> -> memref<128xi32, #tpu.memory_space<vmem>>
      %dma_start3A_504 = arith.constant 0 : i32
      %dma_start3A_505 = arith.constant 0 : i32
      %dma_start3A_506 = tpu.memref_slice %arg10[%dma_start3A_504, %dma_start3A_505] : memref<10008x128xf32, #tpu.memory_space<vmem_shared>> -> memref<10008x128xf32, #tpu.memory_space<vmem_shared>>
      tpu.enqueue_indirect_dma source(%dma_start3A_500 : memref<128x128xf32, #tpu.memory_space<vmem>>) target(%dma_start3A_506 : memref<10008x128xf32, #tpu.memory_space<vmem_shared>>) offsets(%dma_start3A_503 : memref<128xi32, #tpu.memory_space<vmem>>) semaphore(%arg15 : memref<!tpu.dma_semaphore, #tpu.memory_space<semaphore_mem>>) {add = true}
      %lt3A = arith.constant 19 : i32
      %lt3A_507 = arith.cmpi slt, %add3A_480, %lt3A : i32
      %convert_element_type3A_508 = arith.extui %lt3A_507 : i1 to i32
      %cond3A_509 = arith.constant 0 : i32
      %cond3A_510 = arith.cmpi ne, %convert_element_type3A_508, %cond3A_509 : i32
      scf.if %cond3A_510 {
        %dma_wait3A_542 = arith.constant 0 : i32
        %dma_wait3A_543 = arith.constant 0 : i32
        %dma_wait3A_544 = arith.constant 0 : i32
        %dma_wait3A_545 = tpu.memref_slice %arg13[%dma_wait3A_542, %dma_wait3A_543, %dma_wait3A_544] : memref<2x128x128xf32, #tpu.memory_space<vmem>> -> memref<1x128x128xf32, #tpu.memory_space<vmem>>
        %dma_wait3A_546 = tpu.memref_squeeze %dma_wait3A_545 : memref<1x128x128xf32, #tpu.memory_space<vmem>> -> memref<128x128xf32, #tpu.memory_space<vmem>>
        %dma_wait3A_547 = arith.constant 0 : i32
        %dma_wait3A_548 = tpu.memref_slice %arg12[%add3A_484, %dma_wait3A_547] : memref<40x128xi32, #tpu.memory_space<vmem>> -> memref<1x128xi32, #tpu.memory_space<vmem>>
        %dma_wait3A_549 = tpu.memref_squeeze %dma_wait3A_548 : memref<1x128xi32, #tpu.memory_space<vmem>> -> memref<128xi32, #tpu.memory_space<vmem>>
        %dma_wait3A_550 = arith.constant 0 : i32
        %dma_wait3A_551 = arith.constant 0 : i32
        %dma_wait3A_552 = tpu.memref_slice %arg10[%dma_wait3A_550, %dma_wait3A_551] : memref<10008x128xf32, #tpu.memory_space<vmem_shared>> -> memref<10008x128xf32, #tpu.memory_space<vmem_shared>>
        tpu.wait_indirect_dma semaphore(%arg15 : memref<!tpu.dma_semaphore, #tpu.memory_space<semaphore_mem>>) src(%dma_wait3A_546 : memref<128x128xf32, #tpu.memory_space<vmem>>) dst(%dma_wait3A_552 : memref<10008x128xf32, #tpu.memory_space<vmem_shared>>)
        %add3A_553 = arith.constant 2 : i32
        %add3A_554 = arith.addi %add3A_484, %add3A_553 : i32
        %dma_start3A_555 = arith.constant 0 : i32
        %dma_start3A_556 = arith.constant 0 : i32
        %dma_start3A_557 = arith.constant 0 : i32
        %dma_start3A_558 = tpu.memref_slice %arg13[%dma_start3A_555, %dma_start3A_556, %dma_start3A_557] : memref<2x128x128xf32, #tpu.memory_space<vmem>> -> memref<1x128x128xf32, #tpu.memory_space<vmem>>
        %dma_start3A_559 = tpu.memref_squeeze %dma_start3A_558 : memref<1x128x128xf32, #tpu.memory_space<vmem>> -> memref<128x128xf32, #tpu.memory_space<vmem>>
        %dma_start3A_560 = arith.constant 0 : i32
        %dma_start3A_561 = tpu.memref_slice %arg11[%add3A_554, %dma_start3A_560] : memref<40x128xi32, #tpu.memory_space<vmem>> -> memref<1x128xi32, #tpu.memory_space<vmem>>
        %dma_start3A_562 = tpu.memref_squeeze %dma_start3A_561 : memref<1x128xi32, #tpu.memory_space<vmem>> -> memref<128xi32, #tpu.memory_space<vmem>>
        %dma_start3A_563 = arith.constant 0 : i32
        %dma_start3A_564 = arith.constant 0 : i32
        %dma_start3A_565 = tpu.memref_slice %arg3[%dma_start3A_563, %dma_start3A_564] : memref<20000x128xf32, #tpu.memory_space<hbm>> -> memref<20000x128xf32, #tpu.memory_space<hbm>>
        tpu.enqueue_indirect_dma source(%dma_start3A_565 : memref<20000x128xf32, #tpu.memory_space<hbm>>) target(%dma_start3A_559 : memref<128x128xf32, #tpu.memory_space<vmem>>) offsets(%dma_start3A_562 : memref<128xi32, #tpu.memory_space<vmem>>) semaphore(%arg14 : memref<!tpu.dma_semaphore, #tpu.memory_space<semaphore_mem>>)
      } else {
      }
      %mul3A_511 = arith.constant 2 : i32
      %mul3A_512 = arith.muli %add3A_480, %mul3A_511 : i32
      %add3A_513 = arith.constant 1 : i32
      %add3A_514 = arith.addi %mul3A_512, %add3A_513 : i32
      %dma_wait3A_515 = arith.constant 1 : i32
      %dma_wait3A_516 = arith.constant 0 : i32
      %dma_wait3A_517 = arith.constant 0 : i32
      %dma_wait3A_518 = tpu.memref_slice %arg13[%dma_wait3A_515, %dma_wait3A_516, %dma_wait3A_517] : memref<2x128x128xf32, #tpu.memory_space<vmem>> -> memref<1x128x128xf32, #tpu.memory_space<vmem>>
      %dma_wait3A_519 = tpu.memref_squeeze %dma_wait3A_518 : memref<1x128x128xf32, #tpu.memory_space<vmem>> -> memref<128x128xf32, #tpu.memory_space<vmem>>
      %dma_wait3A_520 = arith.constant 0 : i32
      %dma_wait3A_521 = tpu.memref_slice %arg11[%add3A_514, %dma_wait3A_520] : memref<40x128xi32, #tpu.memory_space<vmem>> -> memref<1x128xi32, #tpu.memory_space<vmem>>
      %dma_wait3A_522 = tpu.memref_squeeze %dma_wait3A_521 : memref<1x128xi32, #tpu.memory_space<vmem>> -> memref<128xi32, #tpu.memory_space<vmem>>
      %dma_wait3A_523 = arith.constant 0 : i32
      %dma_wait3A_524 = arith.constant 0 : i32
      %dma_wait3A_525 = tpu.memref_slice %arg3[%dma_wait3A_523, %dma_wait3A_524] : memref<20000x128xf32, #tpu.memory_space<hbm>> -> memref<20000x128xf32, #tpu.memory_space<hbm>>
      tpu.wait_indirect_dma semaphore(%arg14 : memref<!tpu.dma_semaphore, #tpu.memory_space<semaphore_mem>>) src(%dma_wait3A_525 : memref<20000x128xf32, #tpu.memory_space<hbm>>) dst(%dma_wait3A_519 : memref<128x128xf32, #tpu.memory_space<vmem>>)
      %dma_start3A_526 = arith.constant 1 : i32
      %dma_start3A_527 = arith.constant 0 : i32
      %dma_start3A_528 = arith.constant 0 : i32
      %dma_start3A_529 = tpu.memref_slice %arg13[%dma_start3A_526, %dma_start3A_527, %dma_start3A_528] : memref<2x128x128xf32, #tpu.memory_space<vmem>> -> memref<1x128x128xf32, #tpu.memory_space<vmem>>
      %dma_start3A_530 = tpu.memref_squeeze %dma_start3A_529 : memref<1x128x128xf32, #tpu.memory_space<vmem>> -> memref<128x128xf32, #tpu.memory_space<vmem>>
      %dma_start3A_531 = arith.constant 0 : i32
      %dma_start3A_532 = tpu.memref_slice %arg12[%add3A_514, %dma_start3A_531] : memref<40x128xi32, #tpu.memory_space<vmem>> -> memref<1x128xi32, #tpu.memory_space<vmem>>
      %dma_start3A_533 = tpu.memref_squeeze %dma_start3A_532 : memref<1x128xi32, #tpu.memory_space<vmem>> -> memref<128xi32, #tpu.memory_space<vmem>>
      %dma_start3A_534 = arith.constant 0 : i32
      %dma_start3A_535 = arith.constant 0 : i32
      %dma_start3A_536 = tpu.memref_slice %arg10[%dma_start3A_534, %dma_start3A_535] : memref<10008x128xf32, #tpu.memory_space<vmem_shared>> -> memref<10008x128xf32, #tpu.memory_space<vmem_shared>>
      tpu.enqueue_indirect_dma source(%dma_start3A_530 : memref<128x128xf32, #tpu.memory_space<vmem>>) target(%dma_start3A_536 : memref<10008x128xf32, #tpu.memory_space<vmem_shared>>) offsets(%dma_start3A_533 : memref<128xi32, #tpu.memory_space<vmem>>) semaphore(%arg15 : memref<!tpu.dma_semaphore, #tpu.memory_space<semaphore_mem>>) {add = true}
      %lt3A_537 = arith.constant 19 : i32
      %lt3A_538 = arith.cmpi slt, %add3A_480, %lt3A_537 : i32
      %convert_element_type3A_539 = arith.extui %lt3A_538 : i1 to i32
      %cond3A_540 = arith.constant 0 : i32
      %cond3A_541 = arith.cmpi ne, %convert_element_type3A_539, %cond3A_540 : i32
      scf.if %cond3A_541 {
        %dma_wait3A_542 = arith.constant 1 : i32
        %dma_wait3A_543 = arith.constant 0 : i32
        %dma_wait3A_544 = arith.constant 0 : i32
        %dma_wait3A_545 = tpu.memref_slice %arg13[%dma_wait3A_542, %dma_wait3A_543, %dma_wait3A_544] : memref<2x128x128xf32, #tpu.memory_space<vmem>> -> memref<1x128x128xf32, #tpu.memory_space<vmem>>
        %dma_wait3A_546 = tpu.memref_squeeze %dma_wait3A_545 : memref<1x128x128xf32, #tpu.memory_space<vmem>> -> memref<128x128xf32, #tpu.memory_space<vmem>>
        %dma_wait3A_547 = arith.constant 0 : i32
        %dma_wait3A_548 = tpu.memref_slice %arg12[%add3A_514, %dma_wait3A_547] : memref<40x128xi32, #tpu.memory_space<vmem>> -> memref<1x128xi32, #tpu.memory_space<vmem>>
        %dma_wait3A_549 = tpu.memref_squeeze %dma_wait3A_548 : memref<1x128xi32, #tpu.memory_space<vmem>> -> memref<128xi32, #tpu.memory_space<vmem>>
        %dma_wait3A_550 = arith.constant 0 : i32
        %dma_wait3A_551 = arith.constant 0 : i32
        %dma_wait3A_552 = tpu.memref_slice %arg10[%dma_wait3A_550, %dma_wait3A_551] : memref<10008x128xf32, #tpu.memory_space<vmem_shared>> -> memref<10008x128xf32, #tpu.memory_space<vmem_shared>>
        tpu.wait_indirect_dma semaphore(%arg15 : memref<!tpu.dma_semaphore, #tpu.memory_space<semaphore_mem>>) src(%dma_wait3A_546 : memref<128x128xf32, #tpu.memory_space<vmem>>) dst(%dma_wait3A_552 : memref<10008x128xf32, #tpu.memory_space<vmem_shared>>)
        %add3A_553 = arith.constant 2 : i32
        %add3A_554 = arith.addi %add3A_514, %add3A_553 : i32
        %dma_start3A_555 = arith.constant 1 : i32
        %dma_start3A_556 = arith.constant 0 : i32
        %dma_start3A_557 = arith.constant 0 : i32
        %dma_start3A_558 = tpu.memref_slice %arg13[%dma_start3A_555, %dma_start3A_556, %dma_start3A_557] : memref<2x128x128xf32, #tpu.memory_space<vmem>> -> memref<1x128x128xf32, #tpu.memory_space<vmem>>
        %dma_start3A_559 = tpu.memref_squeeze %dma_start3A_558 : memref<1x128x128xf32, #tpu.memory_space<vmem>> -> memref<128x128xf32, #tpu.memory_space<vmem>>
        %dma_start3A_560 = arith.constant 0 : i32
        %dma_start3A_561 = tpu.memref_slice %arg11[%add3A_554, %dma_start3A_560] : memref<40x128xi32, #tpu.memory_space<vmem>> -> memref<1x128xi32, #tpu.memory_space<vmem>>
        %dma_start3A_562 = tpu.memref_squeeze %dma_start3A_561 : memref<1x128xi32, #tpu.memory_space<vmem>> -> memref<128xi32, #tpu.memory_space<vmem>>
        %dma_start3A_563 = arith.constant 0 : i32
        %dma_start3A_564 = arith.constant 0 : i32
        %dma_start3A_565 = tpu.memref_slice %arg3[%dma_start3A_563, %dma_start3A_564] : memref<20000x128xf32, #tpu.memory_space<hbm>> -> memref<20000x128xf32, #tpu.memory_space<hbm>>
        tpu.enqueue_indirect_dma source(%dma_start3A_565 : memref<20000x128xf32, #tpu.memory_space<hbm>>) target(%dma_start3A_559 : memref<128x128xf32, #tpu.memory_space<vmem>>) offsets(%dma_start3A_562 : memref<128xi32, #tpu.memory_space<vmem>>) semaphore(%arg14 : memref<!tpu.dma_semaphore, #tpu.memory_space<semaphore_mem>>)
      } else {
      }
    }
    %scan3A_305 = arith.constant 20 : i32
    %dma_wait3A_306 = arith.constant 0 : i32
    %dma_wait3A_307 = arith.constant 38 : i32
    %dma_wait3A_308 = arith.constant 0 : i32
    %dma_wait3A_309 = arith.constant 0 : i32
    %dma_wait3A_310 = tpu.memref_slice %arg13[%dma_wait3A_306, %dma_wait3A_308, %dma_wait3A_309] : memref<2x128x128xf32, #tpu.memory_space<vmem>> -> memref<1x128x128xf32, #tpu.memory_space<vmem>>
    %dma_wait3A_311 = tpu.memref_squeeze %dma_wait3A_310 : memref<1x128x128xf32, #tpu.memory_space<vmem>> -> memref<128x128xf32, #tpu.memory_space<vmem>>
    %dma_wait3A_312 = arith.constant 0 : i32
    %dma_wait3A_313 = tpu.memref_slice %arg12[%dma_wait3A_307, %dma_wait3A_312] : memref<40x128xi32, #tpu.memory_space<vmem>> -> memref<1x128xi32, #tpu.memory_space<vmem>>
    %dma_wait3A_314 = tpu.memref_squeeze %dma_wait3A_313 : memref<1x128xi32, #tpu.memory_space<vmem>> -> memref<128xi32, #tpu.memory_space<vmem>>
    %dma_wait3A_315 = arith.constant 0 : i32
    %dma_wait3A_316 = arith.constant 0 : i32
    %dma_wait3A_317 = tpu.memref_slice %arg10[%dma_wait3A_315, %dma_wait3A_316] : memref<10008x128xf32, #tpu.memory_space<vmem_shared>> -> memref<10008x128xf32, #tpu.memory_space<vmem_shared>>
    tpu.wait_indirect_dma semaphore(%arg15 : memref<!tpu.dma_semaphore, #tpu.memory_space<semaphore_mem>>) src(%dma_wait3A_311 : memref<128x128xf32, #tpu.memory_space<vmem>>) dst(%dma_wait3A_317 : memref<10008x128xf32, #tpu.memory_space<vmem_shared>>)
    %dma_wait3A_318 = arith.constant 1 : i32
    %dma_wait3A_319 = arith.constant 39 : i32
    %dma_wait3A_320 = arith.constant 0 : i32
    %dma_wait3A_321 = arith.constant 0 : i32
    %dma_wait3A_322 = tpu.memref_slice %arg13[%dma_wait3A_318, %dma_wait3A_320, %dma_wait3A_321] : memref<2x128x128xf32, #tpu.memory_space<vmem>> -> memref<1x128x128xf32, #tpu.memory_space<vmem>>
    %dma_wait3A_323 = tpu.memref_squeeze %dma_wait3A_322 : memref<1x128x128xf32, #tpu.memory_space<vmem>> -> memref<128x128xf32, #tpu.memory_space<vmem>>
    %dma_wait3A_324 = arith.constant 0 : i32
    %dma_wait3A_325 = tpu.memref_slice %arg12[%dma_wait3A_319, %dma_wait3A_324] : memref<40x128xi32, #tpu.memory_space<vmem>> -> memref<1x128xi32, #tpu.memory_space<vmem>>
    %dma_wait3A_326 = tpu.memref_squeeze %dma_wait3A_325 : memref<1x128xi32, #tpu.memory_space<vmem>> -> memref<128xi32, #tpu.memory_space<vmem>>
    %dma_wait3A_327 = arith.constant 0 : i32
    %dma_wait3A_328 = arith.constant 0 : i32
    %dma_wait3A_329 = tpu.memref_slice %arg10[%dma_wait3A_327, %dma_wait3A_328] : memref<10008x128xf32, #tpu.memory_space<vmem_shared>> -> memref<10008x128xf32, #tpu.memory_space<vmem_shared>>
    tpu.wait_indirect_dma semaphore(%arg15 : memref<!tpu.dma_semaphore, #tpu.memory_space<semaphore_mem>>) src(%dma_wait3A_323 : memref<128x128xf32, #tpu.memory_space<vmem>>) dst(%dma_wait3A_329 : memref<10008x128xf32, #tpu.memory_space<vmem_shared>>)
    "tpu.region"() ({
      %run_scoped3A = tpu.sem_alloc : memref<!tpu.dma_semaphore, #tpu.memory_space<semaphore_mem>>
      %dma_start3A_476 = arith.constant 40 : i32
      %dma_start3A_477 = arith.constant 0 : i32
      %dma_start3A_478 = tpu.memref_slice %arg6[%arg1, %dma_start3A_476, %dma_start3A_477] : memref<16x80x128xi32, #tpu.memory_space<hbm>> -> memref<1x40x128xi32, #tpu.memory_space<hbm>>
      %dma_start3A_479 = tpu.memref_squeeze %dma_start3A_478 : memref<1x40x128xi32, #tpu.memory_space<hbm>> -> memref<40x128xi32, #tpu.memory_space<hbm>>
      %dma_start3A_480 = arith.constant 40 : i32
      %dma_start3A_481 = arith.constant 0 : i32
      %dma_start3A_482 = tpu.memref_slice %arg6[%arg1, %dma_start3A_480, %dma_start3A_481] : memref<16x80x128xi32, #tpu.memory_space<hbm>> -> memref<1x40x128xi32, #tpu.memory_space<hbm>>
      %dma_start3A_483 = tpu.memref_squeeze %dma_start3A_482 : memref<1x40x128xi32, #tpu.memory_space<hbm>> -> memref<40x128xi32, #tpu.memory_space<hbm>>
      tpu.enqueue_dma source(%dma_start3A_483 : memref<40x128xi32, #tpu.memory_space<hbm>>) target(%arg11 : memref<40x128xi32, #tpu.memory_space<vmem>>) target_semaphore(%run_scoped3A : memref<!tpu.dma_semaphore, #tpu.memory_space<semaphore_mem>>)
      %dma_wait3A_484 = arith.constant 40 : i32
      %dma_wait3A_485 = arith.constant 0 : i32
      %dma_wait3A_486 = tpu.memref_slice %arg6[%arg1, %dma_wait3A_484, %dma_wait3A_485] : memref<16x80x128xi32, #tpu.memory_space<hbm>> -> memref<1x40x128xi32, #tpu.memory_space<hbm>>
      %dma_wait3A_487 = tpu.memref_squeeze %dma_wait3A_486 : memref<1x40x128xi32, #tpu.memory_space<hbm>> -> memref<40x128xi32, #tpu.memory_space<hbm>>
      %dma_wait3A_488 = arith.constant 40 : i32
      %dma_wait3A_489 = arith.constant 0 : i32
      %dma_wait3A_490 = tpu.memref_slice %arg6[%arg1, %dma_wait3A_488, %dma_wait3A_489] : memref<16x80x128xi32, #tpu.memory_space<hbm>> -> memref<1x40x128xi32, #tpu.memory_space<hbm>>
      %dma_wait3A_491 = tpu.memref_squeeze %dma_wait3A_490 : memref<1x40x128xi32, #tpu.memory_space<hbm>> -> memref<40x128xi32, #tpu.memory_space<hbm>>
      tpu.wait_dma2 semaphore(%run_scoped3A : memref<!tpu.dma_semaphore, #tpu.memory_space<semaphore_mem>>) src(%dma_wait3A_491 : memref<40x128xi32, #tpu.memory_space<hbm>>) dst(%arg11 : memref<40x128xi32, #tpu.memory_space<vmem>>)
      tpu.yield
    }) : () -> ()
    "tpu.region"() ({
      %run_scoped3A = tpu.sem_alloc : memref<!tpu.dma_semaphore, #tpu.memory_space<semaphore_mem>>
      %dma_start3A_476 = arith.constant 40 : i32
      %dma_start3A_477 = arith.constant 0 : i32
      %dma_start3A_478 = tpu.memref_slice %arg5[%arg1, %dma_start3A_476, %dma_start3A_477] : memref<16x80x128xi32, #tpu.memory_space<hbm>> -> memref<1x40x128xi32, #tpu.memory_space<hbm>>
      %dma_start3A_479 = tpu.memref_squeeze %dma_start3A_478 : memref<1x40x128xi32, #tpu.memory_space<hbm>> -> memref<40x128xi32, #tpu.memory_space<hbm>>
      %dma_start3A_480 = arith.constant 40 : i32
      %dma_start3A_481 = arith.constant 0 : i32
      %dma_start3A_482 = tpu.memref_slice %arg5[%arg1, %dma_start3A_480, %dma_start3A_481] : memref<16x80x128xi32, #tpu.memory_space<hbm>> -> memref<1x40x128xi32, #tpu.memory_space<hbm>>
      %dma_start3A_483 = tpu.memref_squeeze %dma_start3A_482 : memref<1x40x128xi32, #tpu.memory_space<hbm>> -> memref<40x128xi32, #tpu.memory_space<hbm>>
      tpu.enqueue_dma source(%dma_start3A_483 : memref<40x128xi32, #tpu.memory_space<hbm>>) target(%arg12 : memref<40x128xi32, #tpu.memory_space<vmem>>) target_semaphore(%run_scoped3A : memref<!tpu.dma_semaphore, #tpu.memory_space<semaphore_mem>>)
      %dma_wait3A_484 = arith.constant 40 : i32
      %dma_wait3A_485 = arith.constant 0 : i32
      %dma_wait3A_486 = tpu.memref_slice %arg5[%arg1, %dma_wait3A_484, %dma_wait3A_485] : memref<16x80x128xi32, #tpu.memory_space<hbm>> -> memref<1x40x128xi32, #tpu.memory_space<hbm>>
      %dma_wait3A_487 = tpu.memref_squeeze %dma_wait3A_486 : memref<1x40x128xi32, #tpu.memory_space<hbm>> -> memref<40x128xi32, #tpu.memory_space<hbm>>
      %dma_wait3A_488 = arith.constant 40 : i32
      %dma_wait3A_489 = arith.constant 0 : i32
      %dma_wait3A_490 = tpu.memref_slice %arg5[%arg1, %dma_wait3A_488, %dma_wait3A_489] : memref<16x80x128xi32, #tpu.memory_space<hbm>> -> memref<1x40x128xi32, #tpu.memory_space<hbm>>
      %dma_wait3A_491 = tpu.memref_squeeze %dma_wait3A_490 : memref<1x40x128xi32, #tpu.memory_space<hbm>> -> memref<40x128xi32, #tpu.memory_space<hbm>>
      tpu.wait_dma2 semaphore(%run_scoped3A : memref<!tpu.dma_semaphore, #tpu.memory_space<semaphore_mem>>) src(%dma_wait3A_491 : memref<40x128xi32, #tpu.memory_space<hbm>>) dst(%arg12 : memref<40x128xi32, #tpu.memory_space<vmem>>)
      tpu.yield
    }) : () -> ()
    %scan3A_330 = arith.constant 0 : i32
    %scan3A_331 = arith.constant 40 : i32
    %scan3A_332 = arith.addi %scan3A_330, %scan3A_331 : i32
    %scan3A_333 = arith.constant 1 : i32
    scf.for %scan3A_476 = %scan3A_330 to %scan3A_332 step %scan3A_333  : i32 {
      %mul3A_477 = arith.constant 1 : i32
      %mul3A_478 = arith.muli %scan3A_476, %mul3A_477 : i32
      %add3A_479 = arith.constant 0 : i32
      %add3A_480 = arith.addi %add3A_479, %mul3A_478 : i32
      %get3A = arith.index_cast %add3A_480 : i32 to index
      %get3A_481 = arith.constant 0 : index
      %get3A_482 = tpu.vector_load %arg11[%get3A, %get3A_481] {strides = array<i32>} : memref<40x128xi32, #tpu.memory_space<vmem>>, vector<1x16xi32>,
      %get3A_483 = vector.shape_cast %get3A_482 : vector<1x16xi32> to vector<16xi32>
      %add3A_484 = vector.broadcast %mul3A_0 : i32 to vector<16xi32>
      %add3A_485 = arith.addi %get3A_483, %add3A_484 : vector<16xi32>
      %swap3A = arith.index_cast %add3A_480 : i32 to index
      %swap3A_486 = arith.constant 0 : index
      %swap3A_487 = tpu.vector_load %arg11[%swap3A, %swap3A_486] {strides = array<i32>} : memref<40x128xi32, #tpu.memory_space<vmem>>, vector<1x16xi32>,
      %swap3A_488 = vector.shape_cast %swap3A_487 : vector<1x16xi32> to vector<16xi32>
      %swap3A_489 = vector.shape_cast %add3A_485 : vector<16xi32> to vector<1x16xi32>
      tpu.vector_store %arg11[%swap3A, %swap3A_486], %swap3A_489 {strides = array<i32>} : memref<40x128xi32, #tpu.memory_space<vmem>>, vector<1x16xi32>,
      %get3A_490 = arith.index_cast %add3A_480 : i32 to index
      %get3A_491 = arith.constant 16 : index
      %get3A_492 = tpu.vector_load %arg11[%get3A_490, %get3A_491] {strides = array<i32>} : memref<40x128xi32, #tpu.memory_space<vmem>>, vector<1x16xi32>,
      %get3A_493 = vector.shape_cast %get3A_492 : vector<1x16xi32> to vector<16xi32>
      %add3A_494 = vector.broadcast %mul3A_0 : i32 to vector<16xi32>
      %add3A_495 = arith.addi %get3A_493, %add3A_494 : vector<16xi32>
      %swap3A_496 = arith.index_cast %add3A_480 : i32 to index
      %swap3A_497 = arith.constant 16 : index
      %swap3A_498 = tpu.vector_load %arg11[%swap3A_496, %swap3A_497] {strides = array<i32>} : memref<40x128xi32, #tpu.memory_space<vmem>>, vector<1x16xi32>,
      %swap3A_499 = vector.shape_cast %swap3A_498 : vector<1x16xi32> to vector<16xi32>
      %swap3A_500 = vector.shape_cast %add3A_495 : vector<16xi32> to vector<1x16xi32>
      tpu.vector_store %arg11[%swap3A_496, %swap3A_497], %swap3A_500 {strides = array<i32>} : memref<40x128xi32, #tpu.memory_space<vmem>>, vector<1x16xi32>,
      %get3A_501 = arith.index_cast %add3A_480 : i32 to index
      %get3A_502 = arith.constant 32 : index
      %get3A_503 = tpu.vector_load %arg11[%get3A_501, %get3A_502] {strides = array<i32>} : memref<40x128xi32, #tpu.memory_space<vmem>>, vector<1x16xi32>,
      %get3A_504 = vector.shape_cast %get3A_503 : vector<1x16xi32> to vector<16xi32>
      %add3A_505 = vector.broadcast %mul3A_0 : i32 to vector<16xi32>
      %add3A_506 = arith.addi %get3A_504, %add3A_505 : vector<16xi32>
      %swap3A_507 = arith.index_cast %add3A_480 : i32 to index
      %swap3A_508 = arith.constant 32 : index
      %swap3A_509 = tpu.vector_load %arg11[%swap3A_507, %swap3A_508] {strides = array<i32>} : memref<40x128xi32, #tpu.memory_space<vmem>>, vector<1x16xi32>,
      %swap3A_510 = vector.shape_cast %swap3A_509 : vector<1x16xi32> to vector<16xi32>
      %swap3A_511 = vector.shape_cast %add3A_506 : vector<16xi32> to vector<1x16xi32>
      tpu.vector_store %arg11[%swap3A_507, %swap3A_508], %swap3A_511 {strides = array<i32>} : memref<40x128xi32, #tpu.memory_space<vmem>>, vector<1x16xi32>,
      %get3A_512 = arith.index_cast %add3A_480 : i32 to index
      %get3A_513 = arith.constant 48 : index
      %get3A_514 = tpu.vector_load %arg11[%get3A_512, %get3A_513] {strides = array<i32>} : memref<40x128xi32, #tpu.memory_space<vmem>>, vector<1x16xi32>,
      %get3A_515 = vector.shape_cast %get3A_514 : vector<1x16xi32> to vector<16xi32>
      %add3A_516 = vector.broadcast %mul3A_0 : i32 to vector<16xi32>
      %add3A_517 = arith.addi %get3A_515, %add3A_516 : vector<16xi32>
      %swap3A_518 = arith.index_cast %add3A_480 : i32 to index
      %swap3A_519 = arith.constant 48 : index
      %swap3A_520 = tpu.vector_load %arg11[%swap3A_518, %swap3A_519] {strides = array<i32>} : memref<40x128xi32, #tpu.memory_space<vmem>>, vector<1x16xi32>,
      %swap3A_521 = vector.shape_cast %swap3A_520 : vector<1x16xi32> to vector<16xi32>
      %swap3A_522 = vector.shape_cast %add3A_517 : vector<16xi32> to vector<1x16xi32>
      tpu.vector_store %arg11[%swap3A_518, %swap3A_519], %swap3A_522 {strides = array<i32>} : memref<40x128xi32, #tpu.memory_space<vmem>>, vector<1x16xi32>,
      %get3A_523 = arith.index_cast %add3A_480 : i32 to index
      %get3A_524 = arith.constant 64 : index
      %get3A_525 = tpu.vector_load %arg11[%get3A_523, %get3A_524] {strides = array<i32>} : memref<40x128xi32, #tpu.memory_space<vmem>>, vector<1x16xi32>,
      %get3A_526 = vector.shape_cast %get3A_525 : vector<1x16xi32> to vector<16xi32>
      %add3A_527 = vector.broadcast %mul3A_0 : i32 to vector<16xi32>
      %add3A_528 = arith.addi %get3A_526, %add3A_527 : vector<16xi32>
      %swap3A_529 = arith.index_cast %add3A_480 : i32 to index
      %swap3A_530 = arith.constant 64 : index
      %swap3A_531 = tpu.vector_load %arg11[%swap3A_529, %swap3A_530] {strides = array<i32>} : memref<40x128xi32, #tpu.memory_space<vmem>>, vector<1x16xi32>,
      %swap3A_532 = vector.shape_cast %swap3A_531 : vector<1x16xi32> to vector<16xi32>
      %swap3A_533 = vector.shape_cast %add3A_528 : vector<16xi32> to vector<1x16xi32>
      tpu.vector_store %arg11[%swap3A_529, %swap3A_530], %swap3A_533 {strides = array<i32>} : memref<40x128xi32, #tpu.memory_space<vmem>>, vector<1x16xi32>,
      %get3A_534 = arith.index_cast %add3A_480 : i32 to index
      %get3A_535 = arith.constant 80 : index
      %get3A_536 = tpu.vector_load %arg11[%get3A_534, %get3A_535] {strides = array<i32>} : memref<40x128xi32, #tpu.memory_space<vmem>>, vector<1x16xi32>,
      %get3A_537 = vector.shape_cast %get3A_536 : vector<1x16xi32> to vector<16xi32>
      %add3A_538 = vector.broadcast %mul3A_0 : i32 to vector<16xi32>
      %add3A_539 = arith.addi %get3A_537, %add3A_538 : vector<16xi32>
      %swap3A_540 = arith.index_cast %add3A_480 : i32 to index
      %swap3A_541 = arith.constant 80 : index
      %swap3A_542 = tpu.vector_load %arg11[%swap3A_540, %swap3A_541] {strides = array<i32>} : memref<40x128xi32, #tpu.memory_space<vmem>>, vector<1x16xi32>,
      %swap3A_543 = vector.shape_cast %swap3A_542 : vector<1x16xi32> to vector<16xi32>
      %swap3A_544 = vector.shape_cast %add3A_539 : vector<16xi32> to vector<1x16xi32>
      tpu.vector_store %arg11[%swap3A_540, %swap3A_541], %swap3A_544 {strides = array<i32>} : memref<40x128xi32, #tpu.memory_space<vmem>>, vector<1x16xi32>,
      %get3A_545 = arith.index_cast %add3A_480 : i32 to index
      %get3A_546 = arith.constant 96 : index
      %get3A_547 = tpu.vector_load %arg11[%get3A_545, %get3A_546] {strides = array<i32>} : memref<40x128xi32, #tpu.memory_space<vmem>>, vector<1x16xi32>,
      %get3A_548 = vector.shape_cast %get3A_547 : vector<1x16xi32> to vector<16xi32>
      %add3A_549 = vector.broadcast %mul3A_0 : i32 to vector<16xi32>
      %add3A_550 = arith.addi %get3A_548, %add3A_549 : vector<16xi32>
      %swap3A_551 = arith.index_cast %add3A_480 : i32 to index
      %swap3A_552 = arith.constant 96 : index
      %swap3A_553 = tpu.vector_load %arg11[%swap3A_551, %swap3A_552] {strides = array<i32>} : memref<40x128xi32, #tpu.memory_space<vmem>>, vector<1x16xi32>,
      %swap3A_554 = vector.shape_cast %swap3A_553 : vector<1x16xi32> to vector<16xi32>
      %swap3A_555 = vector.shape_cast %add3A_550 : vector<16xi32> to vector<1x16xi32>
      tpu.vector_store %arg11[%swap3A_551, %swap3A_552], %swap3A_555 {strides = array<i32>} : memref<40x128xi32, #tpu.memory_space<vmem>>, vector<1x16xi32>,
      %get3A_556 = arith.index_cast %add3A_480 : i32 to index
      %get3A_557 = arith.constant 112 : index
      %get3A_558 = tpu.vector_load %arg11[%get3A_556, %get3A_557] {strides = array<i32>} : memref<40x128xi32, #tpu.memory_space<vmem>>, vector<1x16xi32>,
      %get3A_559 = vector.shape_cast %get3A_558 : vector<1x16xi32> to vector<16xi32>
      %add3A_560 = vector.broadcast %mul3A_0 : i32 to vector<16xi32>
      %add3A_561 = arith.addi %get3A_559, %add3A_560 : vector<16xi32>
      %swap3A_562 = arith.index_cast %add3A_480 : i32 to index
      %swap3A_563 = arith.constant 112 : index
      %swap3A_564 = tpu.vector_load %arg11[%swap3A_562, %swap3A_563] {strides = array<i32>} : memref<40x128xi32, #tpu.memory_space<vmem>>, vector<1x16xi32>,
      %swap3A_565 = vector.shape_cast %swap3A_564 : vector<1x16xi32> to vector<16xi32>
      %swap3A_566 = vector.shape_cast %add3A_561 : vector<16xi32> to vector<1x16xi32>
      tpu.vector_store %arg11[%swap3A_562, %swap3A_563], %swap3A_566 {strides = array<i32>} : memref<40x128xi32, #tpu.memory_space<vmem>>, vector<1x16xi32>,
    }
    %scan3A_334 = arith.constant 40 : i32
    %dma_start3A_335 = arith.constant 0 : i32
    %dma_start3A_336 = arith.constant 0 : i32
    %dma_start3A_337 = arith.constant 0 : i32
    %dma_start3A_338 = arith.constant 0 : i32
    %dma_start3A_339 = tpu.memref_slice %arg13[%dma_start3A_336, %dma_start3A_337, %dma_start3A_338] : memref<2x128x128xf32, #tpu.memory_space<vmem>> -> memref<1x128x128xf32, #tpu.memory_space<vmem>>
    %dma_start3A_340 = tpu.memref_squeeze %dma_start3A_339 : memref<1x128x128xf32, #tpu.memory_space<vmem>> -> memref<128x128xf32, #tpu.memory_space<vmem>>
    %dma_start3A_341 = arith.constant 0 : i32
    %dma_start3A_342 = tpu.memref_slice %arg11[%dma_start3A_335, %dma_start3A_341] : memref<40x128xi32, #tpu.memory_space<vmem>> -> memref<1x128xi32, #tpu.memory_space<vmem>>
    %dma_start3A_343 = tpu.memref_squeeze %dma_start3A_342 : memref<1x128xi32, #tpu.memory_space<vmem>> -> memref<128xi32, #tpu.memory_space<vmem>>
    %dma_start3A_344 = arith.constant 0 : i32
    %dma_start3A_345 = arith.constant 0 : i32
    %dma_start3A_346 = tpu.memref_slice %arg3[%dma_start3A_344, %dma_start3A_345] : memref<20000x128xf32, #tpu.memory_space<hbm>> -> memref<20000x128xf32, #tpu.memory_space<hbm>>
    tpu.enqueue_indirect_dma source(%dma_start3A_346 : memref<20000x128xf32, #tpu.memory_space<hbm>>) target(%dma_start3A_340 : memref<128x128xf32, #tpu.memory_space<vmem>>) offsets(%dma_start3A_343 : memref<128xi32, #tpu.memory_space<vmem>>) semaphore(%arg14 : memref<!tpu.dma_semaphore, #tpu.memory_space<semaphore_mem>>)
    %dma_start3A_347 = arith.constant 1 : i32
    %dma_start3A_348 = arith.constant 1 : i32
    %dma_start3A_349 = arith.constant 0 : i32
    %dma_start3A_350 = arith.constant 0 : i32
    %dma_start3A_351 = tpu.memref_slice %arg13[%dma_start3A_348, %dma_start3A_349, %dma_start3A_350] : memref<2x128x128xf32, #tpu.memory_space<vmem>> -> memref<1x128x128xf32, #tpu.memory_space<vmem>>
    %dma_start3A_352 = tpu.memref_squeeze %dma_start3A_351 : memref<1x128x128xf32, #tpu.memory_space<vmem>> -> memref<128x128xf32, #tpu.memory_space<vmem>>
    %dma_start3A_353 = arith.constant 0 : i32
    %dma_start3A_354 = tpu.memref_slice %arg11[%dma_start3A_347, %dma_start3A_353] : memref<40x128xi32, #tpu.memory_space<vmem>> -> memref<1x128xi32, #tpu.memory_space<vmem>>
    %dma_start3A_355 = tpu.memref_squeeze %dma_start3A_354 : memref<1x128xi32, #tpu.memory_space<vmem>> -> memref<128xi32, #tpu.memory_space<vmem>>
    %dma_start3A_356 = arith.constant 0 : i32
    %dma_start3A_357 = arith.constant 0 : i32
    %dma_start3A_358 = tpu.memref_slice %arg3[%dma_start3A_356, %dma_start3A_357] : memref<20000x128xf32, #tpu.memory_space<hbm>> -> memref<20000x128xf32, #tpu.memory_space<hbm>>
    tpu.enqueue_indirect_dma source(%dma_start3A_358 : memref<20000x128xf32, #tpu.memory_space<hbm>>) target(%dma_start3A_352 : memref<128x128xf32, #tpu.memory_space<vmem>>) offsets(%dma_start3A_355 : memref<128xi32, #tpu.memory_space<vmem>>) semaphore(%arg14 : memref<!tpu.dma_semaphore, #tpu.memory_space<semaphore_mem>>)
    %scan3A_359 = arith.constant 0 : i32
    %scan3A_360 = arith.constant 20 : i32
    %scan3A_361 = arith.addi %scan3A_359, %scan3A_360 : i32
    %scan3A_362 = arith.constant 1 : i32
    scf.for %scan3A_476 = %scan3A_359 to %scan3A_361 step %scan3A_362  : i32 {
      %mul3A_477 = arith.constant 1 : i32
      %mul3A_478 = arith.muli %scan3A_476, %mul3A_477 : i32
      %add3A_479 = arith.constant 0 : i32
      %add3A_480 = arith.addi %add3A_479, %mul3A_478 : i32
      %mul3A_481 = arith.constant 2 : i32
      %mul3A_482 = arith.muli %add3A_480, %mul3A_481 : i32
      %add3A_483 = arith.constant 0 : i32
      %add3A_484 = arith.addi %mul3A_482, %add3A_483 : i32
      %dma_wait3A_485 = arith.constant 0 : i32
      %dma_wait3A_486 = arith.constant 0 : i32
      %dma_wait3A_487 = arith.constant 0 : i32
      %dma_wait3A_488 = tpu.memref_slice %arg13[%dma_wait3A_485, %dma_wait3A_486, %dma_wait3A_487] : memref<2x128x128xf32, #tpu.memory_space<vmem>> -> memref<1x128x128xf32, #tpu.memory_space<vmem>>
      %dma_wait3A_489 = tpu.memref_squeeze %dma_wait3A_488 : memref<1x128x128xf32, #tpu.memory_space<vmem>> -> memref<128x128xf32, #tpu.memory_space<vmem>>
      %dma_wait3A_490 = arith.constant 0 : i32
      %dma_wait3A_491 = tpu.memref_slice %arg11[%add3A_484, %dma_wait3A_490] : memref<40x128xi32, #tpu.memory_space<vmem>> -> memref<1x128xi32, #tpu.memory_space<vmem>>
      %dma_wait3A_492 = tpu.memref_squeeze %dma_wait3A_491 : memref<1x128xi32, #tpu.memory_space<vmem>> -> memref<128xi32, #tpu.memory_space<vmem>>
      %dma_wait3A_493 = arith.constant 0 : i32
      %dma_wait3A_494 = arith.constant 0 : i32
      %dma_wait3A_495 = tpu.memref_slice %arg3[%dma_wait3A_493, %dma_wait3A_494] : memref<20000x128xf32, #tpu.memory_space<hbm>> -> memref<20000x128xf32, #tpu.memory_space<hbm>>
      tpu.wait_indirect_dma semaphore(%arg14 : memref<!tpu.dma_semaphore, #tpu.memory_space<semaphore_mem>>) src(%dma_wait3A_495 : memref<20000x128xf32, #tpu.memory_space<hbm>>) dst(%dma_wait3A_489 : memref<128x128xf32, #tpu.memory_space<vmem>>)
      %dma_start3A_496 = arith.constant 0 : i32
      %dma_start3A_497 = arith.constant 0 : i32
      %dma_start3A_498 = arith.constant 0 : i32
      %dma_start3A_499 = tpu.memref_slice %arg13[%dma_start3A_496, %dma_start3A_497, %dma_start3A_498] : memref<2x128x128xf32, #tpu.memory_space<vmem>> -> memref<1x128x128xf32, #tpu.memory_space<vmem>>
      %dma_start3A_500 = tpu.memref_squeeze %dma_start3A_499 : memref<1x128x128xf32, #tpu.memory_space<vmem>> -> memref<128x128xf32, #tpu.memory_space<vmem>>
      %dma_start3A_501 = arith.constant 0 : i32
      %dma_start3A_502 = tpu.memref_slice %arg12[%add3A_484, %dma_start3A_501] : memref<40x128xi32, #tpu.memory_space<vmem>> -> memref<1x128xi32, #tpu.memory_space<vmem>>
      %dma_start3A_503 = tpu.memref_squeeze %dma_start3A_502 : memref<1x128xi32, #tpu.memory_space<vmem>> -> memref<128xi32, #tpu.memory_space<vmem>>
      %dma_start3A_504 = arith.constant 0 : i32
      %dma_start3A_505 = arith.constant 0 : i32
      %dma_start3A_506 = tpu.memref_slice %arg10[%dma_start3A_504, %dma_start3A_505] : memref<10008x128xf32, #tpu.memory_space<vmem_shared>> -> memref<10008x128xf32, #tpu.memory_space<vmem_shared>>
      tpu.enqueue_indirect_dma source(%dma_start3A_500 : memref<128x128xf32, #tpu.memory_space<vmem>>) target(%dma_start3A_506 : memref<10008x128xf32, #tpu.memory_space<vmem_shared>>) offsets(%dma_start3A_503 : memref<128xi32, #tpu.memory_space<vmem>>) semaphore(%arg15 : memref<!tpu.dma_semaphore, #tpu.memory_space<semaphore_mem>>) {add = true}
      %lt3A = arith.constant 19 : i32
      %lt3A_507 = arith.cmpi slt, %add3A_480, %lt3A : i32
      %convert_element_type3A_508 = arith.extui %lt3A_507 : i1 to i32
      %cond3A_509 = arith.constant 0 : i32
      %cond3A_510 = arith.cmpi ne, %convert_element_type3A_508, %cond3A_509 : i32
      scf.if %cond3A_510 {
        %dma_wait3A_542 = arith.constant 0 : i32
        %dma_wait3A_543 = arith.constant 0 : i32
        %dma_wait3A_544 = arith.constant 0 : i32
        %dma_wait3A_545 = tpu.memref_slice %arg13[%dma_wait3A_542, %dma_wait3A_543, %dma_wait3A_544] : memref<2x128x128xf32, #tpu.memory_space<vmem>> -> memref<1x128x128xf32, #tpu.memory_space<vmem>>
        %dma_wait3A_546 = tpu.memref_squeeze %dma_wait3A_545 : memref<1x128x128xf32, #tpu.memory_space<vmem>> -> memref<128x128xf32, #tpu.memory_space<vmem>>
        %dma_wait3A_547 = arith.constant 0 : i32
        %dma_wait3A_548 = tpu.memref_slice %arg12[%add3A_484, %dma_wait3A_547] : memref<40x128xi32, #tpu.memory_space<vmem>> -> memref<1x128xi32, #tpu.memory_space<vmem>>
        %dma_wait3A_549 = tpu.memref_squeeze %dma_wait3A_548 : memref<1x128xi32, #tpu.memory_space<vmem>> -> memref<128xi32, #tpu.memory_space<vmem>>
        %dma_wait3A_550 = arith.constant 0 : i32
        %dma_wait3A_551 = arith.constant 0 : i32
        %dma_wait3A_552 = tpu.memref_slice %arg10[%dma_wait3A_550, %dma_wait3A_551] : memref<10008x128xf32, #tpu.memory_space<vmem_shared>> -> memref<10008x128xf32, #tpu.memory_space<vmem_shared>>
        tpu.wait_indirect_dma semaphore(%arg15 : memref<!tpu.dma_semaphore, #tpu.memory_space<semaphore_mem>>) src(%dma_wait3A_546 : memref<128x128xf32, #tpu.memory_space<vmem>>) dst(%dma_wait3A_552 : memref<10008x128xf32, #tpu.memory_space<vmem_shared>>)
        %add3A_553 = arith.constant 2 : i32
        %add3A_554 = arith.addi %add3A_484, %add3A_553 : i32
        %dma_start3A_555 = arith.constant 0 : i32
        %dma_start3A_556 = arith.constant 0 : i32
        %dma_start3A_557 = arith.constant 0 : i32
        %dma_start3A_558 = tpu.memref_slice %arg13[%dma_start3A_555, %dma_start3A_556, %dma_start3A_557] : memref<2x128x128xf32, #tpu.memory_space<vmem>> -> memref<1x128x128xf32, #tpu.memory_space<vmem>>
        %dma_start3A_559 = tpu.memref_squeeze %dma_start3A_558 : memref<1x128x128xf32, #tpu.memory_space<vmem>> -> memref<128x128xf32, #tpu.memory_space<vmem>>
        %dma_start3A_560 = arith.constant 0 : i32
        %dma_start3A_561 = tpu.memref_slice %arg11[%add3A_554, %dma_start3A_560] : memref<40x128xi32, #tpu.memory_space<vmem>> -> memref<1x128xi32, #tpu.memory_space<vmem>>
        %dma_start3A_562 = tpu.memref_squeeze %dma_start3A_561 : memref<1x128xi32, #tpu.memory_space<vmem>> -> memref<128xi32, #tpu.memory_space<vmem>>
        %dma_start3A_563 = arith.constant 0 : i32
        %dma_start3A_564 = arith.constant 0 : i32
        %dma_start3A_565 = tpu.memref_slice %arg3[%dma_start3A_563, %dma_start3A_564] : memref<20000x128xf32, #tpu.memory_space<hbm>> -> memref<20000x128xf32, #tpu.memory_space<hbm>>
        tpu.enqueue_indirect_dma source(%dma_start3A_565 : memref<20000x128xf32, #tpu.memory_space<hbm>>) target(%dma_start3A_559 : memref<128x128xf32, #tpu.memory_space<vmem>>) offsets(%dma_start3A_562 : memref<128xi32, #tpu.memory_space<vmem>>) semaphore(%arg14 : memref<!tpu.dma_semaphore, #tpu.memory_space<semaphore_mem>>)
      } else {
      }
      %mul3A_511 = arith.constant 2 : i32
      %mul3A_512 = arith.muli %add3A_480, %mul3A_511 : i32
      %add3A_513 = arith.constant 1 : i32
      %add3A_514 = arith.addi %mul3A_512, %add3A_513 : i32
      %dma_wait3A_515 = arith.constant 1 : i32
      %dma_wait3A_516 = arith.constant 0 : i32
      %dma_wait3A_517 = arith.constant 0 : i32
      %dma_wait3A_518 = tpu.memref_slice %arg13[%dma_wait3A_515, %dma_wait3A_516, %dma_wait3A_517] : memref<2x128x128xf32, #tpu.memory_space<vmem>> -> memref<1x128x128xf32, #tpu.memory_space<vmem>>
      %dma_wait3A_519 = tpu.memref_squeeze %dma_wait3A_518 : memref<1x128x128xf32, #tpu.memory_space<vmem>> -> memref<128x128xf32, #tpu.memory_space<vmem>>
      %dma_wait3A_520 = arith.constant 0 : i32
      %dma_wait3A_521 = tpu.memref_slice %arg11[%add3A_514, %dma_wait3A_520] : memref<40x128xi32, #tpu.memory_space<vmem>> -> memref<1x128xi32, #tpu.memory_space<vmem>>
      %dma_wait3A_522 = tpu.memref_squeeze %dma_wait3A_521 : memref<1x128xi32, #tpu.memory_space<vmem>> -> memref<128xi32, #tpu.memory_space<vmem>>
      %dma_wait3A_523 = arith.constant 0 : i32
      %dma_wait3A_524 = arith.constant 0 : i32
      %dma_wait3A_525 = tpu.memref_slice %arg3[%dma_wait3A_523, %dma_wait3A_524] : memref<20000x128xf32, #tpu.memory_space<hbm>> -> memref<20000x128xf32, #tpu.memory_space<hbm>>
      tpu.wait_indirect_dma semaphore(%arg14 : memref<!tpu.dma_semaphore, #tpu.memory_space<semaphore_mem>>) src(%dma_wait3A_525 : memref<20000x128xf32, #tpu.memory_space<hbm>>) dst(%dma_wait3A_519 : memref<128x128xf32, #tpu.memory_space<vmem>>)
      %dma_start3A_526 = arith.constant 1 : i32
      %dma_start3A_527 = arith.constant 0 : i32
      %dma_start3A_528 = arith.constant 0 : i32
      %dma_start3A_529 = tpu.memref_slice %arg13[%dma_start3A_526, %dma_start3A_527, %dma_start3A_528] : memref<2x128x128xf32, #tpu.memory_space<vmem>> -> memref<1x128x128xf32, #tpu.memory_space<vmem>>
      %dma_start3A_530 = tpu.memref_squeeze %dma_start3A_529 : memref<1x128x128xf32, #tpu.memory_space<vmem>> -> memref<128x128xf32, #tpu.memory_space<vmem>>
      %dma_start3A_531 = arith.constant 0 : i32
      %dma_start3A_532 = tpu.memref_slice %arg12[%add3A_514, %dma_start3A_531] : memref<40x128xi32, #tpu.memory_space<vmem>> -> memref<1x128xi32, #tpu.memory_space<vmem>>
      %dma_start3A_533 = tpu.memref_squeeze %dma_start3A_532 : memref<1x128xi32, #tpu.memory_space<vmem>> -> memref<128xi32, #tpu.memory_space<vmem>>
      %dma_start3A_534 = arith.constant 0 : i32
      %dma_start3A_535 = arith.constant 0 : i32
      %dma_start3A_536 = tpu.memref_slice %arg10[%dma_start3A_534, %dma_start3A_535] : memref<10008x128xf32, #tpu.memory_space<vmem_shared>> -> memref<10008x128xf32, #tpu.memory_space<vmem_shared>>
      tpu.enqueue_indirect_dma source(%dma_start3A_530 : memref<128x128xf32, #tpu.memory_space<vmem>>) target(%dma_start3A_536 : memref<10008x128xf32, #tpu.memory_space<vmem_shared>>) offsets(%dma_start3A_533 : memref<128xi32, #tpu.memory_space<vmem>>) semaphore(%arg15 : memref<!tpu.dma_semaphore, #tpu.memory_space<semaphore_mem>>) {add = true}
      %lt3A_537 = arith.constant 19 : i32
      %lt3A_538 = arith.cmpi slt, %add3A_480, %lt3A_537 : i32
      %convert_element_type3A_539 = arith.extui %lt3A_538 : i1 to i32
      %cond3A_540 = arith.constant 0 : i32
      %cond3A_541 = arith.cmpi ne, %convert_element_type3A_539, %cond3A_540 : i32
      scf.if %cond3A_541 {
        %dma_wait3A_542 = arith.constant 1 : i32
        %dma_wait3A_543 = arith.constant 0 : i32
        %dma_wait3A_544 = arith.constant 0 : i32
        %dma_wait3A_545 = tpu.memref_slice %arg13[%dma_wait3A_542, %dma_wait3A_543, %dma_wait3A_544] : memref<2x128x128xf32, #tpu.memory_space<vmem>> -> memref<1x128x128xf32, #tpu.memory_space<vmem>>
        %dma_wait3A_546 = tpu.memref_squeeze %dma_wait3A_545 : memref<1x128x128xf32, #tpu.memory_space<vmem>> -> memref<128x128xf32, #tpu.memory_space<vmem>>
        %dma_wait3A_547 = arith.constant 0 : i32
        %dma_wait3A_548 = tpu.memref_slice %arg12[%add3A_514, %dma_wait3A_547] : memref<40x128xi32, #tpu.memory_space<vmem>> -> memref<1x128xi32, #tpu.memory_space<vmem>>
        %dma_wait3A_549 = tpu.memref_squeeze %dma_wait3A_548 : memref<1x128xi32, #tpu.memory_space<vmem>> -> memref<128xi32, #tpu.memory_space<vmem>>
        %dma_wait3A_550 = arith.constant 0 : i32
        %dma_wait3A_551 = arith.constant 0 : i32
        %dma_wait3A_552 = tpu.memref_slice %arg10[%dma_wait3A_550, %dma_wait3A_551] : memref<10008x128xf32, #tpu.memory_space<vmem_shared>> -> memref<10008x128xf32, #tpu.memory_space<vmem_shared>>
        tpu.wait_indirect_dma semaphore(%arg15 : memref<!tpu.dma_semaphore, #tpu.memory_space<semaphore_mem>>) src(%dma_wait3A_546 : memref<128x128xf32, #tpu.memory_space<vmem>>) dst(%dma_wait3A_552 : memref<10008x128xf32, #tpu.memory_space<vmem_shared>>)
        %add3A_553 = arith.constant 2 : i32
        %add3A_554 = arith.addi %add3A_514, %add3A_553 : i32
        %dma_start3A_555 = arith.constant 1 : i32
        %dma_start3A_556 = arith.constant 0 : i32
        %dma_start3A_557 = arith.constant 0 : i32
        %dma_start3A_558 = tpu.memref_slice %arg13[%dma_start3A_555, %dma_start3A_556, %dma_start3A_557] : memref<2x128x128xf32, #tpu.memory_space<vmem>> -> memref<1x128x128xf32, #tpu.memory_space<vmem>>
        %dma_start3A_559 = tpu.memref_squeeze %dma_start3A_558 : memref<1x128x128xf32, #tpu.memory_space<vmem>> -> memref<128x128xf32, #tpu.memory_space<vmem>>
        %dma_start3A_560 = arith.constant 0 : i32
        %dma_start3A_561 = tpu.memref_slice %arg11[%add3A_554, %dma_start3A_560] : memref<40x128xi32, #tpu.memory_space<vmem>> -> memref<1x128xi32, #tpu.memory_space<vmem>>
        %dma_start3A_562 = tpu.memref_squeeze %dma_start3A_561 : memref<1x128xi32, #tpu.memory_space<vmem>> -> memref<128xi32, #tpu.memory_space<vmem>>
        %dma_start3A_563 = arith.constant 0 : i32
        %dma_start3A_564 = arith.constant 0 : i32
        %dma_start3A_565 = tpu.memref_slice %arg3[%dma_start3A_563, %dma_start3A_564] : memref<20000x128xf32, #tpu.memory_space<hbm>> -> memref<20000x128xf32, #tpu.memory_space<hbm>>
        tpu.enqueue_indirect_dma source(%dma_start3A_565 : memref<20000x128xf32, #tpu.memory_space<hbm>>) target(%dma_start3A_559 : memref<128x128xf32, #tpu.memory_space<vmem>>) offsets(%dma_start3A_562 : memref<128xi32, #tpu.memory_space<vmem>>) semaphore(%arg14 : memref<!tpu.dma_semaphore, #tpu.memory_space<semaphore_mem>>)
      } else {
      }
    }
    %scan3A_363 = arith.constant 20 : i32
    %dma_wait3A_364 = arith.constant 0 : i32
    %dma_wait3A_365 = arith.constant 38 : i32
    %dma_wait3A_366 = arith.constant 0 : i32
    %dma_wait3A_367 = arith.constant 0 : i32
    %dma_wait3A_368 = tpu.memref_slice %arg13[%dma_wait3A_364, %dma_wait3A_366, %dma_wait3A_367] : memref<2x128x128xf32, #tpu.memory_space<vmem>> -> memref<1x128x128xf32, #tpu.memory_space<vmem>>
    %dma_wait3A_369 = tpu.memref_squeeze %dma_wait3A_368 : memref<1x128x128xf32, #tpu.memory_space<vmem>> -> memref<128x128xf32, #tpu.memory_space<vmem>>
    %dma_wait3A_370 = arith.constant 0 : i32
    %dma_wait3A_371 = tpu.memref_slice %arg12[%dma_wait3A_365, %dma_wait3A_370] : memref<40x128xi32, #tpu.memory_space<vmem>> -> memref<1x128xi32, #tpu.memory_space<vmem>>
    %dma_wait3A_372 = tpu.memref_squeeze %dma_wait3A_371 : memref<1x128xi32, #tpu.memory_space<vmem>> -> memref<128xi32, #tpu.memory_space<vmem>>
    %dma_wait3A_373 = arith.constant 0 : i32
    %dma_wait3A_374 = arith.constant 0 : i32
    %dma_wait3A_375 = tpu.memref_slice %arg10[%dma_wait3A_373, %dma_wait3A_374] : memref<10008x128xf32, #tpu.memory_space<vmem_shared>> -> memref<10008x128xf32, #tpu.memory_space<vmem_shared>>
    tpu.wait_indirect_dma semaphore(%arg15 : memref<!tpu.dma_semaphore, #tpu.memory_space<semaphore_mem>>) src(%dma_wait3A_369 : memref<128x128xf32, #tpu.memory_space<vmem>>) dst(%dma_wait3A_375 : memref<10008x128xf32, #tpu.memory_space<vmem_shared>>)
    %dma_wait3A_376 = arith.constant 1 : i32
    %dma_wait3A_377 = arith.constant 39 : i32
    %dma_wait3A_378 = arith.constant 0 : i32
    %dma_wait3A_379 = arith.constant 0 : i32
    %dma_wait3A_380 = tpu.memref_slice %arg13[%dma_wait3A_376, %dma_wait3A_378, %dma_wait3A_379] : memref<2x128x128xf32, #tpu.memory_space<vmem>> -> memref<1x128x128xf32, #tpu.memory_space<vmem>>
    %dma_wait3A_381 = tpu.memref_squeeze %dma_wait3A_380 : memref<1x128x128xf32, #tpu.memory_space<vmem>> -> memref<128x128xf32, #tpu.memory_space<vmem>>
    %dma_wait3A_382 = arith.constant 0 : i32
    %dma_wait3A_383 = tpu.memref_slice %arg12[%dma_wait3A_377, %dma_wait3A_382] : memref<40x128xi32, #tpu.memory_space<vmem>> -> memref<1x128xi32, #tpu.memory_space<vmem>>
    %dma_wait3A_384 = tpu.memref_squeeze %dma_wait3A_383 : memref<1x128xi32, #tpu.memory_space<vmem>> -> memref<128xi32, #tpu.memory_space<vmem>>
    %dma_wait3A_385 = arith.constant 0 : i32
    %dma_wait3A_386 = arith.constant 0 : i32
    %dma_wait3A_387 = tpu.memref_slice %arg10[%dma_wait3A_385, %dma_wait3A_386] : memref<10008x128xf32, #tpu.memory_space<vmem_shared>> -> memref<10008x128xf32, #tpu.memory_space<vmem_shared>>
    tpu.wait_indirect_dma semaphore(%arg15 : memref<!tpu.dma_semaphore, #tpu.memory_space<semaphore_mem>>) src(%dma_wait3A_381 : memref<128x128xf32, #tpu.memory_space<vmem>>) dst(%dma_wait3A_387 : memref<10008x128xf32, #tpu.memory_space<vmem_shared>>)
    %barrier3A_388 = arith.constant 0 : index
    tpu.barrier barrier_id(%barrier3A_388)
    %mul3A_389 = arith.constant 624 : i32
    %mul3A_390 = arith.muli %arg1, %mul3A_389 : i32
    %mul3A_391 = arith.constant 10000 : i32
    %mul3A_392 = arith.muli %arg0, %mul3A_391 : i32
    %mul3A_393 = arith.constant 624 : i32
    %mul3A_394 = arith.muli %arg1, %mul3A_393 : i32
    %add3A_395 = arith.addi %mul3A_392, %mul3A_394 : i32
    "tpu.region"() ({
      %run_scoped3A = tpu.sem_alloc : memref<!tpu.dma_semaphore, #tpu.memory_space<semaphore_mem>>
      %dma_start3A_476 = arith.constant 0 : i32
      %dma_start3A_477 = tpu.memref_slice %arg9[%add3A_395, %dma_start3A_476] : memref<20000x128xf32, #tpu.memory_space<hbm>> -> memref<624x128xf32, #tpu.memory_space<hbm>>
      %dma_start3A_478 = arith.constant 0 : i32
      %dma_start3A_479 = tpu.memref_slice %arg10[%mul3A_390, %dma_start3A_478] : memref<10008x128xf32, #tpu.memory_space<vmem_shared>> -> memref<624x128xf32, #tpu.memory_space<vmem_shared>>
      tpu.enqueue_dma source(%dma_start3A_479 : memref<624x128xf32, #tpu.memory_space<vmem_shared>>) target(%dma_start3A_477 : memref<624x128xf32, #tpu.memory_space<hbm>>) target_semaphore(%run_scoped3A : memref<!tpu.dma_semaphore, #tpu.memory_space<semaphore_mem>>)
      %dma_wait3A_480 = arith.constant 0 : i32
      %dma_wait3A_481 = tpu.memref_slice %arg9[%add3A_395, %dma_wait3A_480] : memref<20000x128xf32, #tpu.memory_space<hbm>> -> memref<624x128xf32, #tpu.memory_space<hbm>>
      %dma_wait3A_482 = arith.constant 0 : i32
      %dma_wait3A_483 = tpu.memref_slice %arg10[%mul3A_390, %dma_wait3A_482] : memref<10008x128xf32, #tpu.memory_space<vmem_shared>> -> memref<624x128xf32, #tpu.memory_space<vmem_shared>>
      tpu.wait_dma2 semaphore(%run_scoped3A : memref<!tpu.dma_semaphore, #tpu.memory_space<semaphore_mem>>) src(%dma_wait3A_483 : memref<624x128xf32, #tpu.memory_space<vmem_shared>>) dst(%dma_wait3A_481 : memref<624x128xf32, #tpu.memory_space<hbm>>)
      tpu.yield
    }) : () -> ()
    %eq3A_396 = arith.constant 0 : i32
    %eq3A_397 = arith.cmpi eq, %arg1, %eq3A_396 : i32
    %convert_element_type3A_398 = arith.extui %eq3A_397 : i1 to i32
    %cond3A_399 = arith.constant 0 : i32
    %cond3A_400 = arith.cmpi ne, %convert_element_type3A_398, %cond3A_399 : i32
    scf.if %cond3A_400 {
      %mul3A_476 = arith.constant 10000 : i32
      %mul3A_477 = arith.muli %arg0, %mul3A_476 : i32
      %add3A_478 = arith.constant 9984 : i32
      %add3A_479 = arith.addi %mul3A_477, %add3A_478 : i32
      "tpu.region"() ({
        %run_scoped3A = tpu.sem_alloc : memref<!tpu.dma_semaphore, #tpu.memory_space<semaphore_mem>>
        %dma_start3A_480 = arith.constant 0 : i32
        %dma_start3A_481 = tpu.memref_slice %arg9[%add3A_479, %dma_start3A_480] : memref<20000x128xf32, #tpu.memory_space<hbm>> -> memref<16x128xf32, #tpu.memory_space<hbm>>
        %dma_start3A_482 = arith.constant 9984 : i32
        %dma_start3A_483 = arith.constant 0 : i32
        %dma_start3A_484 = tpu.memref_slice %arg10[%dma_start3A_482, %dma_start3A_483] : memref<10008x128xf32, #tpu.memory_space<vmem_shared>> -> memref<16x128xf32, #tpu.memory_space<vmem_shared>>
        tpu.enqueue_dma source(%dma_start3A_484 : memref<16x128xf32, #tpu.memory_space<vmem_shared>>) target(%dma_start3A_481 : memref<16x128xf32, #tpu.memory_space<hbm>>) target_semaphore(%run_scoped3A : memref<!tpu.dma_semaphore, #tpu.memory_space<semaphore_mem>>)
        %dma_wait3A_485 = arith.constant 0 : i32
        %dma_wait3A_486 = tpu.memref_slice %arg9[%add3A_479, %dma_wait3A_485] : memref<20000x128xf32, #tpu.memory_space<hbm>> -> memref<16x128xf32, #tpu.memory_space<hbm>>
        %dma_wait3A_487 = arith.constant 9984 : i32
        %dma_wait3A_488 = arith.constant 0 : i32
        %dma_wait3A_489 = tpu.memref_slice %arg10[%dma_wait3A_487, %dma_wait3A_488] : memref<10008x128xf32, #tpu.memory_space<vmem_shared>> -> memref<16x128xf32, #tpu.memory_space<vmem_shared>>
        tpu.wait_dma2 semaphore(%run_scoped3A : memref<!tpu.dma_semaphore, #tpu.memory_space<semaphore_mem>>) src(%dma_wait3A_489 : memref<16x128xf32, #tpu.memory_space<vmem_shared>>) dst(%dma_wait3A_486 : memref<16x128xf32, #tpu.memory_space<hbm>>)
        tpu.yield
      }) : () -> ()
    } else {
    }
    %scan3A_401 = arith.constant 0 : i32
    %scan3A_402 = arith.constant 0 : i32
    %scan3A_403 = arith.constant 32 : i32
    %scan3A_404 = arith.addi %scan3A_402, %scan3A_403 : i32
    %scan3A_405 = arith.constant 1 : i32
    scf.for %scan3A_476 = %scan3A_402 to %scan3A_404 step %scan3A_405  : i32 {
      %mul3A_477 = arith.constant 1 : i32
      %mul3A_478 = arith.muli %scan3A_476, %mul3A_477 : i32
      %add3A_479 = arith.constant 0 : i32
      %add3A_480 = arith.addi %add3A_479, %mul3A_478 : i32
      %scan3A_481 = arith.constant 0 : i32
      %scan3A_482 = arith.constant 8 : i32
      %scan3A_483 = arith.addi %scan3A_481, %scan3A_482 : i32
      %scan3A_484 = arith.constant 1 : i32
      scf.for %scan3A_486 = %scan3A_481 to %scan3A_483 step %scan3A_484  : i32 {
        %mul3A_487 = arith.constant 16 : i32
        %mul3A_488 = arith.muli %scan3A_486, %mul3A_487 : i32
        %add3A_489 = arith.constant 0 : i32
        %add3A_490 = arith.addi %add3A_489, %mul3A_488 : i32
        %broadcast_in_dim3A = arith.constant 0.000000e+00 : f32
        %broadcast_in_dim3A_491 = vector.broadcast %broadcast_in_dim3A : f32 to vector<16xf32>
        %swap3A = arith.constant 0 : i32
        %swap3A_492 = arith.constant 0 : i32
        %swap3A_493 = tpu.memref_slice %arg13[%scan3A_401, %swap3A, %swap3A_492] : memref<2x128x128xf32, #tpu.memory_space<vmem>> -> memref<1x128x128xf32, #tpu.memory_space<vmem>>
        %swap3A_494 = tpu.memref_squeeze %swap3A_493 : memref<1x128x128xf32, #tpu.memory_space<vmem>> -> memref<128x128xf32, #tpu.memory_space<vmem>>
        %swap3A_495 = arith.index_cast %add3A_480 : i32 to index
        %swap3A_496 = arith.index_cast %add3A_490 : i32 to index
        %swap3A_497 = tpu.vector_load %swap3A_494[%swap3A_495, %swap3A_496] {strides = array<i32>} : memref<128x128xf32, #tpu.memory_space<vmem>>, vector<1x16xf32>,
        %swap3A_498 = vector.shape_cast %swap3A_497 : vector<1x16xf32> to vector<16xf32>
        %swap3A_499 = vector.shape_cast %broadcast_in_dim3A_491 : vector<16xf32> to vector<1x16xf32>
        tpu.vector_store %swap3A_494[%swap3A_495, %swap3A_496], %swap3A_499 {strides = array<i32>} : memref<128x128xf32, #tpu.memory_space<vmem>>, vector<1x16xf32>,
      }
      %scan3A_485 = arith.constant 8 : i32
    }
    %scan3A_406 = arith.constant 32 : i32
    %mul3A_407 = arith.constant 624 : i32
    %mul3A_408 = arith.muli %arg1, %mul3A_407 : i32
    %scan3A_409 = arith.constant 0 : i32
    %scan3A_410 = arith.constant 0 : i32
    %scan3A_411 = arith.constant 19 : i32
    %scan3A_412 = arith.addi %scan3A_410, %scan3A_411 : i32
    %scan3A_413 = arith.constant 1 : i32
    scf.for %scan3A_476 = %scan3A_410 to %scan3A_412 step %scan3A_413  : i32 {
      %mul3A_477 = arith.constant 1 : i32
      %mul3A_478 = arith.muli %scan3A_476, %mul3A_477 : i32
      %add3A_479 = arith.constant 0 : i32
      %add3A_480 = arith.addi %add3A_479, %mul3A_478 : i32
      %mul3A_481 = arith.constant 32 : i32
      %mul3A_482 = arith.muli %add3A_480, %mul3A_481 : i32
      %add3A_483 = arith.addi %mul3A_408, %mul3A_482 : i32
      %dma_start3A_484 = arith.constant 0 : i32
      %dma_start3A_485 = arith.constant 0 : i32
      %dma_start3A_486 = tpu.memref_slice %arg13[%scan3A_409, %dma_start3A_484, %dma_start3A_485] : memref<2x128x128xf32, #tpu.memory_space<vmem>> -> memref<1x128x128xf32, #tpu.memory_space<vmem>>
      %dma_start3A_487 = tpu.memref_squeeze %dma_start3A_486 : memref<1x128x128xf32, #tpu.memory_space<vmem>> -> memref<128x128xf32, #tpu.memory_space<vmem>>
      %dma_start3A_488 = arith.constant 0 : i32
      %dma_start3A_489 = arith.constant 0 : i32
      %dma_start3A_490 = tpu.memref_slice %dma_start3A_487[%dma_start3A_488, %dma_start3A_489] : memref<128x128xf32, #tpu.memory_space<vmem>> -> memref<32x128xf32, #tpu.memory_space<vmem>>
      %dma_start3A_491 = arith.constant 0 : i32
      %dma_start3A_492 = tpu.memref_slice %arg10[%add3A_483, %dma_start3A_491] : memref<10008x128xf32, #tpu.memory_space<vmem_shared>> -> memref<32x128xf32, #tpu.memory_space<vmem_shared>>
      %dma_start3A_493 = arith.constant 0 : i32
      %dma_start3A_494 = tpu.memref_slice %arg10[%add3A_483, %dma_start3A_493] : memref<10008x128xf32, #tpu.memory_space<vmem_shared>> -> memref<32x128xf32, #tpu.memory_space<vmem_shared>>
      %dma_start3A_495 = arith.constant 0 : i32
      %dma_start3A_496 = arith.constant 0 : i32
      %dma_start3A_497 = tpu.memref_slice %arg13[%scan3A_409, %dma_start3A_495, %dma_start3A_496] : memref<2x128x128xf32, #tpu.memory_space<vmem>> -> memref<1x128x128xf32, #tpu.memory_space<vmem>>
      %dma_start3A_498 = tpu.memref_squeeze %dma_start3A_497 : memref<1x128x128xf32, #tpu.memory_space<vmem>> -> memref<128x128xf32, #tpu.memory_space<vmem>>
      %dma_start3A_499 = arith.constant 0 : i32
      %dma_start3A_500 = arith.constant 0 : i32
      %dma_start3A_501 = tpu.memref_slice %dma_start3A_498[%dma_start3A_499, %dma_start3A_500] : memref<128x128xf32, #tpu.memory_space<vmem>> -> memref<32x128xf32, #tpu.memory_space<vmem>>
      tpu.enqueue_dma source(%dma_start3A_501 : memref<32x128xf32, #tpu.memory_space<vmem>>) target(%dma_start3A_494 : memref<32x128xf32, #tpu.memory_space<vmem_shared>>) target_semaphore(%arg14 : memref<!tpu.dma_semaphore, #tpu.memory_space<semaphore_mem>>)
    }
    %scan3A_414 = arith.constant 19 : i32
    %add3A_415 = arith.constant 608 : i32
    %add3A_416 = arith.addi %mul3A_408, %add3A_415 : i32
    %dma_start3A_417 = arith.constant 0 : i32
    %dma_start3A_418 = arith.constant 0 : i32
    %dma_start3A_419 = arith.constant 0 : i32
    %dma_start3A_420 = tpu.memref_slice %arg13[%dma_start3A_417, %dma_start3A_418, %dma_start3A_419] : memref<2x128x128xf32, #tpu.memory_space<vmem>> -> memref<1x128x128xf32, #tpu.memory_space<vmem>>
    %dma_start3A_421 = tpu.memref_squeeze %dma_start3A_420 : memref<1x128x128xf32, #tpu.memory_space<vmem>> -> memref<128x128xf32, #tpu.memory_space<vmem>>
    %dma_start3A_422 = arith.constant 0 : i32
    %dma_start3A_423 = arith.constant 0 : i32
    %dma_start3A_424 = tpu.memref_slice %dma_start3A_421[%dma_start3A_422, %dma_start3A_423] : memref<128x128xf32, #tpu.memory_space<vmem>> -> memref<16x128xf32, #tpu.memory_space<vmem>>
    %dma_start3A_425 = arith.constant 0 : i32
    %dma_start3A_426 = tpu.memref_slice %arg10[%add3A_416, %dma_start3A_425] : memref<10008x128xf32, #tpu.memory_space<vmem_shared>> -> memref<16x128xf32, #tpu.memory_space<vmem_shared>>
    %dma_start3A_427 = arith.constant 0 : i32
    %dma_start3A_428 = tpu.memref_slice %arg10[%add3A_416, %dma_start3A_427] : memref<10008x128xf32, #tpu.memory_space<vmem_shared>> -> memref<16x128xf32, #tpu.memory_space<vmem_shared>>
    %dma_start3A_429 = arith.constant 0 : i32
    %dma_start3A_430 = arith.constant 0 : i32
    %dma_start3A_431 = tpu.memref_slice %arg13[%dma_start3A_417, %dma_start3A_429, %dma_start3A_430] : memref<2x128x128xf32, #tpu.memory_space<vmem>> -> memref<1x128x128xf32, #tpu.memory_space<vmem>>
    %dma_start3A_432 = tpu.memref_squeeze %dma_start3A_431 : memref<1x128x128xf32, #tpu.memory_space<vmem>> -> memref<128x128xf32, #tpu.memory_space<vmem>>
    %dma_start3A_433 = arith.constant 0 : i32
    %dma_start3A_434 = arith.constant 0 : i32
    %dma_start3A_435 = tpu.memref_slice %dma_start3A_432[%dma_start3A_433, %dma_start3A_434] : memref<128x128xf32, #tpu.memory_space<vmem>> -> memref<16x128xf32, #tpu.memory_space<vmem>>
    tpu.enqueue_dma source(%dma_start3A_435 : memref<16x128xf32, #tpu.memory_space<vmem>>) target(%dma_start3A_428 : memref<16x128xf32, #tpu.memory_space<vmem_shared>>) target_semaphore(%arg14 : memref<!tpu.dma_semaphore, #tpu.memory_space<semaphore_mem>>)
    %eq3A_436 = arith.constant 0 : i32
    %eq3A_437 = arith.cmpi eq, %arg1, %eq3A_436 : i32
    %convert_element_type3A_438 = arith.extui %eq3A_437 : i1 to i32
    %cond3A_439 = arith.constant 0 : i32
    %cond3A_440 = arith.constant 0 : i32
    %cond3A_441 = arith.cmpi ne, %convert_element_type3A_438, %cond3A_440 : i32
    scf.if %cond3A_441 {
      %dma_start3A_476 = arith.constant 0 : i32
      %dma_start3A_477 = arith.constant 0 : i32
      %dma_start3A_478 = tpu.memref_slice %arg13[%cond3A_439, %dma_start3A_476, %dma_start3A_477] : memref<2x128x128xf32, #tpu.memory_space<vmem>> -> memref<1x128x128xf32, #tpu.memory_space<vmem>>
      %dma_start3A_479 = tpu.memref_squeeze %dma_start3A_478 : memref<1x128x128xf32, #tpu.memory_space<vmem>> -> memref<128x128xf32, #tpu.memory_space<vmem>>
      %dma_start3A_480 = arith.constant 0 : i32
      %dma_start3A_481 = arith.constant 0 : i32
      %dma_start3A_482 = tpu.memref_slice %dma_start3A_479[%dma_start3A_480, %dma_start3A_481] : memref<128x128xf32, #tpu.memory_space<vmem>> -> memref<16x128xf32, #tpu.memory_space<vmem>>
      %dma_start3A_483 = arith.constant 9984 : i32
      %dma_start3A_484 = arith.constant 0 : i32
      %dma_start3A_485 = tpu.memref_slice %arg10[%dma_start3A_483, %dma_start3A_484] : memref<10008x128xf32, #tpu.memory_space<vmem_shared>> -> memref<16x128xf32, #tpu.memory_space<vmem_shared>>
      %dma_start3A_486 = arith.constant 9984 : i32
      %dma_start3A_487 = arith.constant 0 : i32
      %dma_start3A_488 = tpu.memref_slice %arg10[%dma_start3A_486, %dma_start3A_487] : memref<10008x128xf32, #tpu.memory_space<vmem_shared>> -> memref<16x128xf32, #tpu.memory_space<vmem_shared>>
      %dma_start3A_489 = arith.constant 0 : i32
      %dma_start3A_490 = arith.constant 0 : i32
      %dma_start3A_491 = tpu.memref_slice %arg13[%cond3A_439, %dma_start3A_489, %dma_start3A_490] : memref<2x128x128xf32, #tpu.memory_space<vmem>> -> memref<1x128x128xf32, #tpu.memory_space<vmem>>
      %dma_start3A_492 = tpu.memref_squeeze %dma_start3A_491 : memref<1x128x128xf32, #tpu.memory_space<vmem>> -> memref<128x128xf32, #tpu.memory_space<vmem>>
      %dma_start3A_493 = arith.constant 0 : i32
      %dma_start3A_494 = arith.constant 0 : i32
      %dma_start3A_495 = tpu.memref_slice %dma_start3A_492[%dma_start3A_493, %dma_start3A_494] : memref<128x128xf32, #tpu.memory_space<vmem>> -> memref<16x128xf32, #tpu.memory_space<vmem>>
      tpu.enqueue_dma source(%dma_start3A_495 : memref<16x128xf32, #tpu.memory_space<vmem>>) target(%dma_start3A_488 : memref<16x128xf32, #tpu.memory_space<vmem_shared>>) target_semaphore(%arg14 : memref<!tpu.dma_semaphore, #tpu.memory_space<semaphore_mem>>)
    } else {
    }
    %scan3A_442 = arith.constant 0 : i32
    %scan3A_443 = arith.constant 0 : i32
    %scan3A_444 = arith.constant 19 : i32
    %scan3A_445 = arith.addi %scan3A_443, %scan3A_444 : i32
    %scan3A_446 = arith.constant 1 : i32
    scf.for %scan3A_476 = %scan3A_443 to %scan3A_445 step %scan3A_446  : i32 {
      %mul3A_477 = arith.constant 1 : i32
      %mul3A_478 = arith.muli %scan3A_476, %mul3A_477 : i32
      %add3A_479 = arith.constant 0 : i32
      %add3A_480 = arith.addi %add3A_479, %mul3A_478 : i32
      %mul3A_481 = arith.constant 32 : i32
      %mul3A_482 = arith.muli %add3A_480, %mul3A_481 : i32
      %add3A_483 = arith.addi %mul3A_408, %mul3A_482 : i32
      %dma_wait3A_484 = arith.constant 0 : i32
      %dma_wait3A_485 = arith.constant 0 : i32
      %dma_wait3A_486 = tpu.memref_slice %arg13[%scan3A_442, %dma_wait3A_484, %dma_wait3A_485] : memref<2x128x128xf32, #tpu.memory_space<vmem>> -> memref<1x128x128xf32, #tpu.memory_space<vmem>>
      %dma_wait3A_487 = tpu.memref_squeeze %dma_wait3A_486 : memref<1x128x128xf32, #tpu.memory_space<vmem>> -> memref<128x128xf32, #tpu.memory_space<vmem>>
      %dma_wait3A_488 = arith.constant 0 : i32
      %dma_wait3A_489 = arith.constant 0 : i32
      %dma_wait3A_490 = tpu.memref_slice %dma_wait3A_487[%dma_wait3A_488, %dma_wait3A_489] : memref<128x128xf32, #tpu.memory_space<vmem>> -> memref<32x128xf32, #tpu.memory_space<vmem>>
      %dma_wait3A_491 = arith.constant 0 : i32
      %dma_wait3A_492 = tpu.memref_slice %arg10[%add3A_483, %dma_wait3A_491] : memref<10008x128xf32, #tpu.memory_space<vmem_shared>> -> memref<32x128xf32, #tpu.memory_space<vmem_shared>>
      %dma_wait3A_493 = arith.constant 0 : i32
      %dma_wait3A_494 = tpu.memref_slice %arg10[%add3A_483, %dma_wait3A_493] : memref<10008x128xf32, #tpu.memory_space<vmem_shared>> -> memref<32x128xf32, #tpu.memory_space<vmem_shared>>
      %dma_wait3A_495 = arith.constant 0 : i32
      %dma_wait3A_496 = arith.constant 0 : i32
      %dma_wait3A_497 = tpu.memref_slice %arg13[%scan3A_442, %dma_wait3A_495, %dma_wait3A_496] : memref<2x128x128xf32, #tpu.memory_space<vmem>> -> memref<1x128x128xf32, #tpu.memory_space<vmem>>
      %dma_wait3A_498 = tpu.memref_squeeze %dma_wait3A_497 : memref<1x128x128xf32, #tpu.memory_space<vmem>> -> memref<128x128xf32, #tpu.memory_space<vmem>>
      %dma_wait3A_499 = arith.constant 0 : i32
      %dma_wait3A_500 = arith.constant 0 : i32
      %dma_wait3A_501 = tpu.memref_slice %dma_wait3A_498[%dma_wait3A_499, %dma_wait3A_500] : memref<128x128xf32, #tpu.memory_space<vmem>> -> memref<32x128xf32, #tpu.memory_space<vmem>>
      tpu.wait_dma2 semaphore(%arg14 : memref<!tpu.dma_semaphore, #tpu.memory_space<semaphore_mem>>) src(%dma_wait3A_501 : memref<32x128xf32, #tpu.memory_space<vmem>>) dst(%dma_wait3A_494 : memref<32x128xf32, #tpu.memory_space<vmem_shared>>)
    }
    %scan3A_447 = arith.constant 19 : i32
    %add3A_448 = arith.constant 608 : i32
    %add3A_449 = arith.addi %mul3A_408, %add3A_448 : i32
    %dma_wait3A_450 = arith.constant 0 : i32
    %dma_wait3A_451 = arith.constant 0 : i32
    %dma_wait3A_452 = arith.constant 0 : i32
    %dma_wait3A_453 = tpu.memref_slice %arg13[%dma_wait3A_450, %dma_wait3A_451, %dma_wait3A_452] : memref<2x128x128xf32, #tpu.memory_space<vmem>> -> memref<1x128x128xf32, #tpu.memory_space<vmem>>
    %dma_wait3A_454 = tpu.memref_squeeze %dma_wait3A_453 : memref<1x128x128xf32, #tpu.memory_space<vmem>> -> memref<128x128xf32, #tpu.memory_space<vmem>>
    %dma_wait3A_455 = arith.constant 0 : i32
    %dma_wait3A_456 = arith.constant 0 : i32
    %dma_wait3A_457 = tpu.memref_slice %dma_wait3A_454[%dma_wait3A_455, %dma_wait3A_456] : memref<128x128xf32, #tpu.memory_space<vmem>> -> memref<16x128xf32, #tpu.memory_space<vmem>>
    %dma_wait3A_458 = arith.constant 0 : i32
    %dma_wait3A_459 = tpu.memref_slice %arg10[%add3A_449, %dma_wait3A_458] : memref<10008x128xf32, #tpu.memory_space<vmem_shared>> -> memref<16x128xf32, #tpu.memory_space<vmem_shared>>
    %dma_wait3A_460 = arith.constant 0 : i32
    %dma_wait3A_461 = tpu.memref_slice %arg10[%add3A_449, %dma_wait3A_460] : memref<10008x128xf32, #tpu.memory_space<vmem_shared>> -> memref<16x128xf32, #tpu.memory_space<vmem_shared>>
    %dma_wait3A_462 = arith.constant 0 : i32
    %dma_wait3A_463 = arith.constant 0 : i32
    %dma_wait3A_464 = tpu.memref_slice %arg13[%dma_wait3A_450, %dma_wait3A_462, %dma_wait3A_463] : memref<2x128x128xf32, #tpu.memory_space<vmem>> -> memref<1x128x128xf32, #tpu.memory_space<vmem>>
    %dma_wait3A_465 = tpu.memref_squeeze %dma_wait3A_464 : memref<1x128x128xf32, #tpu.memory_space<vmem>> -> memref<128x128xf32, #tpu.memory_space<vmem>>
    %dma_wait3A_466 = arith.constant 0 : i32
    %dma_wait3A_467 = arith.constant 0 : i32
    %dma_wait3A_468 = tpu.memref_slice %dma_wait3A_465[%dma_wait3A_466, %dma_wait3A_467] : memref<128x128xf32, #tpu.memory_space<vmem>> -> memref<16x128xf32, #tpu.memory_space<vmem>>
    tpu.wait_dma2 semaphore(%arg14 : memref<!tpu.dma_semaphore, #tpu.memory_space<semaphore_mem>>) src(%dma_wait3A_468 : memref<16x128xf32, #tpu.memory_space<vmem>>) dst(%dma_wait3A_461 : memref<16x128xf32, #tpu.memory_space<vmem_shared>>)
    %eq3A_469 = arith.constant 0 : i32
    %eq3A_470 = arith.cmpi eq, %arg1, %eq3A_469 : i32
    %convert_element_type3A_471 = arith.extui %eq3A_470 : i1 to i32
    %cond3A_472 = arith.constant 0 : i32
    %cond3A_473 = arith.constant 0 : i32
    %cond3A_474 = arith.cmpi ne, %convert_element_type3A_471, %cond3A_473 : i32
    scf.if %cond3A_474 {
      %dma_wait3A_476 = arith.constant 0 : i32
      %dma_wait3A_477 = arith.constant 0 : i32
      %dma_wait3A_478 = tpu.memref_slice %arg13[%cond3A_472, %dma_wait3A_476, %dma_wait3A_477] : memref<2x128x128xf32, #tpu.memory_space<vmem>> -> memref<1x128x128xf32, #tpu.memory_space<vmem>>
      %dma_wait3A_479 = tpu.memref_squeeze %dma_wait3A_478 : memref<1x128x128xf32, #tpu.memory_space<vmem>> -> memref<128x128xf32, #tpu.memory_space<vmem>>
      %dma_wait3A_480 = arith.constant 0 : i32
      %dma_wait3A_481 = arith.constant 0 : i32
      %dma_wait3A_482 = tpu.memref_slice %dma_wait3A_479[%dma_wait3A_480, %dma_wait3A_481] : memref<128x128xf32, #tpu.memory_space<vmem>> -> memref<16x128xf32, #tpu.memory_space<vmem>>
      %dma_wait3A_483 = arith.constant 9984 : i32
      %dma_wait3A_484 = arith.constant 0 : i32
      %dma_wait3A_485 = tpu.memref_slice %arg10[%dma_wait3A_483, %dma_wait3A_484] : memref<10008x128xf32, #tpu.memory_space<vmem_shared>> -> memref<16x128xf32, #tpu.memory_space<vmem_shared>>
      %dma_wait3A_486 = arith.constant 9984 : i32
      %dma_wait3A_487 = arith.constant 0 : i32
      %dma_wait3A_488 = tpu.memref_slice %arg10[%dma_wait3A_486, %dma_wait3A_487] : memref<10008x128xf32, #tpu.memory_space<vmem_shared>> -> memref<16x128xf32, #tpu.memory_space<vmem_shared>>
      %dma_wait3A_489 = arith.constant 0 : i32
      %dma_wait3A_490 = arith.constant 0 : i32
      %dma_wait3A_491 = tpu.memref_slice %arg13[%cond3A_472, %dma_wait3A_489, %dma_wait3A_490] : memref<2x128x128xf32, #tpu.memory_space<vmem>> -> memref<1x128x128xf32, #tpu.memory_space<vmem>>
      %dma_wait3A_492 = tpu.memref_squeeze %dma_wait3A_491 : memref<1x128x128xf32, #tpu.memory_space<vmem>> -> memref<128x128xf32, #tpu.memory_space<vmem>>
      %dma_wait3A_493 = arith.constant 0 : i32
      %dma_wait3A_494 = arith.constant 0 : i32
      %dma_wait3A_495 = tpu.memref_slice %dma_wait3A_492[%dma_wait3A_493, %dma_wait3A_494] : memref<128x128xf32, #tpu.memory_space<vmem>> -> memref<16x128xf32, #tpu.memory_space<vmem>>
      tpu.wait_dma2 semaphore(%arg14 : memref<!tpu.dma_semaphore, #tpu.memory_space<semaphore_mem>>) src(%dma_wait3A_495 : memref<16x128xf32, #tpu.memory_space<vmem>>) dst(%dma_wait3A_488 : memref<16x128xf32, #tpu.memory_space<vmem_shared>>)
    } else {
    }
    %barrier3A_475 = arith.constant 0 : index
    tpu.barrier barrier_id(%barrier3A_475)
    return
  }
}

module attributes {stable_mosaic.version = 14 : i64} {
  func.func @_combine_body(%arg0: i32, %arg1: memref<1000x256xf32, #tpu.memory_space<vmem>>, %arg2: memref<2x1000x128xf32, #tpu.memory_space<vmem>>, %arg3: memref<2x1000x128xf32, #tpu.memory_space<vmem>>, %arg4: memref<2x1000x128xf32, #tpu.memory_space<vmem>>, %arg5: memref<1x256xf32, #tpu.memory_space<vmem>>, %arg6: memref<1x256xf32, #tpu.memory_space<vmem>>, %arg7: memref<1x1xf32, #tpu.memory_space<vmem>>, %arg8: memref<1000x256xf32, #tpu.memory_space<vmem>>) attributes {dimension_semantics = [#tpu.dimension_semantics<arbitrary>], iteration_bounds = array<i64: 10>, scalar_prefetch = 0 : i64, scratch_operands = 0 : i64, tpu.core_type = #tpu.core_type<tc>, window_params = [{transform_indices = @transform_0, window_bounds = array<i64: 1000, 256>}, {transform_indices = @transform_1, window_bounds = array<i64: 2, 1000, 128>}, {transform_indices = @transform_2, window_bounds = array<i64: 2, 1000, 128>}, {transform_indices = @transform_3, window_bounds = array<i64: 2, 1000, 128>}, {pipeline_mode = #tpu.pipeline_mode<synchronous>, transform_indices = @transform_4, window_bounds = array<i64: 1, 256>}, {pipeline_mode = #tpu.pipeline_mode<synchronous>, transform_indices = @transform_5, window_bounds = array<i64: 1, 256>}, {pipeline_mode = #tpu.pipeline_mode<synchronous>, transform_indices = @transform_6, window_bounds = array<i64: 1, 1>}, {transform_indices = @transform_7, window_bounds = array<i64: 1000, 256>}]} {
    %get3A = arith.constant 0 : index
    %get3A_0 = arith.constant 0 : index
    %get3A_1 = vector.load %arg7[%get3A, %get3A_0] : memref<1x1xf32, #tpu.memory_space<vmem>>, vector<1x1xf32>
    %get3A_2 = vector.extract %get3A_1[0, 0] : f32 from vector<1x1xf32>
    %get3A_3 = arith.constant 0 : index
    %get3A_4 = arith.constant 0 : index
    %get3A_5 = arith.constant 0 : index
    %get3A_6 = vector.load %arg4[%get3A_3, %get3A_4, %get3A_5] : memref<2x1000x128xf32, #tpu.memory_space<vmem>>, vector<1x1000x1xf32>
    %get3A_7 = vector.shape_cast %get3A_6 : vector<1x1000x1xf32> to vector<1000x1xf32>
    %max3A = arith.constant 1.000000e+00 : f32
    %max3A_8 = vector.broadcast %max3A : f32 to vector<1000x1xf32>
    %max3A_9 = arith.maximumf %get3A_7, %max3A_8 : vector<1000x1xf32>
    %get3A_10 = arith.constant 1 : index
    %get3A_11 = arith.constant 0 : index
    %get3A_12 = arith.constant 0 : index
    %get3A_13 = vector.load %arg4[%get3A_10, %get3A_11, %get3A_12] : memref<2x1000x128xf32, #tpu.memory_space<vmem>>, vector<1x1000x1xf32>
    %get3A_14 = vector.shape_cast %get3A_13 : vector<1x1000x1xf32> to vector<1000x1xf32>
    %max3A_15 = arith.constant 1.000000e+00 : f32
    %max3A_16 = vector.broadcast %max3A_15 : f32 to vector<1000x1xf32>
    %max3A_17 = arith.maximumf %get3A_14, %max3A_16 : vector<1000x1xf32>
    %get3A_18 = arith.constant 0 : index
    %get3A_19 = arith.constant 0 : index
    %get3A_20 = arith.constant 0 : index
    %get3A_21 = vector.load %arg2[%get3A_18, %get3A_19, %get3A_20] : memref<2x1000x128xf32, #tpu.memory_space<vmem>>, vector<1x1000x128xf32>
    %get3A_22 = vector.shape_cast %get3A_21 : vector<1x1000x128xf32> to vector<1000x128xf32>
    %get3A_23 = arith.constant 1 : index
    %get3A_24 = arith.constant 0 : index
    %get3A_25 = arith.constant 0 : index
    %get3A_26 = vector.load %arg2[%get3A_23, %get3A_24, %get3A_25] : memref<2x1000x128xf32, #tpu.memory_space<vmem>>, vector<1x1000x128xf32>
    %get3A_27 = vector.shape_cast %get3A_26 : vector<1x1000x128xf32> to vector<1000x128xf32>
    %concatenate3A = tpu.concatenate %get3A_22, %get3A_27 in 1 : vector<1000x128xf32>, vector<1000x128xf32> -> vector<1000x256xf32>
    %div3A = vector.broadcast %max3A_9 : vector<1000x1xf32> to vector<1000x256xf32>
    %div3A_28 = arith.divf %concatenate3A, %div3A : vector<1000x256xf32>
    %get3A_29 = arith.constant 0 : index
    %get3A_30 = arith.constant 0 : index
    %get3A_31 = arith.constant 0 : index
    %get3A_32 = vector.load %arg3[%get3A_29, %get3A_30, %get3A_31] : memref<2x1000x128xf32, #tpu.memory_space<vmem>>, vector<1x1000x128xf32>
    %get3A_33 = vector.shape_cast %get3A_32 : vector<1x1000x128xf32> to vector<1000x128xf32>
    %get3A_34 = arith.constant 1 : index
    %get3A_35 = arith.constant 0 : index
    %get3A_36 = arith.constant 0 : index
    %get3A_37 = vector.load %arg3[%get3A_34, %get3A_35, %get3A_36] : memref<2x1000x128xf32, #tpu.memory_space<vmem>>, vector<1x1000x128xf32>
    %get3A_38 = vector.shape_cast %get3A_37 : vector<1x1000x128xf32> to vector<1000x128xf32>
    %concatenate3A_39 = tpu.concatenate %get3A_33, %get3A_38 in 1 : vector<1000x128xf32>, vector<1000x128xf32> -> vector<1000x256xf32>
    %div3A_40 = vector.broadcast %max3A_17 : vector<1000x1xf32> to vector<1000x256xf32>
    %div3A_41 = arith.divf %concatenate3A_39, %div3A_40 : vector<1000x256xf32>
    %get3A_42 = arith.constant 0 : index
    %get3A_43 = arith.constant 0 : index
    %get3A_44 = vector.load %arg1[%get3A_42, %get3A_43] : memref<1000x256xf32, #tpu.memory_space<vmem>>, vector<1000x256xf32>
    %sub3A = arith.constant 1.000000e+00 : f32
    %sub3A_45 = arith.subf %sub3A, %get3A_2 : f32
    %get3A_46 = arith.constant 0 : index
    %get3A_47 = arith.constant 0 : index
    %get3A_48 = vector.load %arg5[%get3A_46, %get3A_47] : memref<1x256xf32, #tpu.memory_space<vmem>>, vector<1x256xf32>
    %add3A = vector.broadcast %get3A_48 : vector<1x256xf32> to vector<1000x256xf32>
    %add3A_49 = arith.addf %div3A_28, %add3A : vector<1000x256xf32>
    %mul3A = vector.broadcast %sub3A_45 : f32 to vector<1000x256xf32>
    %mul3A_50 = arith.mulf %mul3A, %add3A_49 : vector<1000x256xf32>
    %add3A_51 = arith.addf %get3A_44, %mul3A_50 : vector<1000x256xf32>
    %get3A_52 = arith.constant 0 : index
    %get3A_53 = arith.constant 0 : index
    %get3A_54 = vector.load %arg6[%get3A_52, %get3A_53] : memref<1x256xf32, #tpu.memory_space<vmem>>, vector<1x256xf32>
    %add3A_55 = vector.broadcast %get3A_54 : vector<1x256xf32> to vector<1000x256xf32>
    %add3A_56 = arith.addf %div3A_41, %add3A_55 : vector<1000x256xf32>
    %mul3A_57 = vector.broadcast %get3A_2 : f32 to vector<1000x256xf32>
    %mul3A_58 = arith.mulf %mul3A_57, %add3A_56 : vector<1000x256xf32>
    %add3A_59 = arith.addf %add3A_51, %mul3A_58 : vector<1000x256xf32>
    %swap3A = arith.constant 0 : index
    %swap3A_60 = arith.constant 0 : index
    %swap3A_61 = vector.load %arg8[%swap3A, %swap3A_60] : memref<1000x256xf32, #tpu.memory_space<vmem>>, vector<1000x256xf32>
    tpu.vector_store %arg8[%swap3A, %swap3A_60], %add3A_59 {strides = array<i32>} : memref<1000x256xf32, #tpu.memory_space<vmem>>, vector<1000x256xf32>,
    return
  }
  func.func @transform_0(%arg0: i32) -> (i32, i32) {
    %c0_i32 = arith.constant 0 : i32
    %c0_i32_0 = arith.constant 0 : i32
    return %arg0, %c0_i32 : i32, i32
  }
  func.func @transform_1(%arg0: i32) -> (i32, i32, i32) {
    %c0_i32 = arith.constant 0 : i32
    %c0_i32_0 = arith.constant 0 : i32
    %c0_i32_1 = arith.constant 0 : i32
    return %c0_i32, %arg0, %c0_i32_0 : i32, i32, i32
  }
  func.func @transform_2(%arg0: i32) -> (i32, i32, i32) {
    %c0_i32 = arith.constant 0 : i32
    %c0_i32_0 = arith.constant 0 : i32
    %c0_i32_1 = arith.constant 0 : i32
    return %c0_i32, %arg0, %c0_i32_0 : i32, i32, i32
  }
  func.func @transform_3(%arg0: i32) -> (i32, i32, i32) {
    %c0_i32 = arith.constant 0 : i32
    %c0_i32_0 = arith.constant 0 : i32
    %c0_i32_1 = arith.constant 0 : i32
    return %c0_i32, %arg0, %c0_i32_0 : i32, i32, i32
  }
  func.func @transform_4(%arg0: i32) -> (i32, i32) {
    %c0_i32 = arith.constant 0 : i32
    %c0_i32_0 = arith.constant 0 : i32
    %c0_i32_1 = arith.constant 0 : i32
    return %c0_i32, %c0_i32_0 : i32, i32
  }
  func.func @transform_5(%arg0: i32) -> (i32, i32) {
    %c0_i32 = arith.constant 0 : i32
    %c0_i32_0 = arith.constant 0 : i32
    %c0_i32_1 = arith.constant 0 : i32
    return %c0_i32, %c0_i32_0 : i32, i32
  }
  func.func @transform_6(%arg0: i32) -> (i32, i32) {
    %c0_i32 = arith.constant 0 : i32
    %c0_i32_0 = arith.constant 0 : i32
    %c0_i32_1 = arith.constant 0 : i32
    return %c0_i32, %c0_i32_0 : i32, i32
  }
  func.func @transform_7(%arg0: i32) -> (i32, i32) {
    %c0_i32 = arith.constant 0 : i32
    %c0_i32_0 = arith.constant 0 : i32
    return %arg0, %c0_i32 : i32, i32
  }
}

module attributes {stable_mosaic.version = 14 : i64} {
  func.func @_mm_body(%arg0: i32, %arg1: memref<1000x256xf32, #tpu.memory_space<vmem>>, %arg2: memref<256x256xf32, #tpu.memory_space<vmem>>, %arg3: memref<256x256xf32, #tpu.memory_space<vmem>>, %arg4: memref<256x256xf32, #tpu.memory_space<vmem>>, %arg5: memref<1x256xf32, #tpu.memory_space<vmem>>, %arg6: memref<1000x256xf32, #tpu.memory_space<vmem>>, %arg7: memref<2x1000x128xf32, #tpu.memory_space<vmem>>, %arg8: memref<2x1000x128xf32, #tpu.memory_space<vmem>>) attributes {dimension_semantics = [#tpu.dimension_semantics<arbitrary>], iteration_bounds = array<i64: 10>, scalar_prefetch = 0 : i64, scratch_operands = 0 : i64, tpu.core_type = #tpu.core_type<tc>, window_params = [{transform_indices = @transform_0, window_bounds = array<i64: 1000, 256>}, {pipeline_mode = #tpu.pipeline_mode<synchronous>, transform_indices = @transform_1, window_bounds = array<i64: 256, 256>}, {pipeline_mode = #tpu.pipeline_mode<synchronous>, transform_indices = @transform_2, window_bounds = array<i64: 256, 256>}, {pipeline_mode = #tpu.pipeline_mode<synchronous>, transform_indices = @transform_3, window_bounds = array<i64: 256, 256>}, {pipeline_mode = #tpu.pipeline_mode<synchronous>, transform_indices = @transform_4, window_bounds = array<i64: 1, 256>}, {transform_indices = @transform_5, window_bounds = array<i64: 1000, 256>}, {transform_indices = @transform_6, window_bounds = array<i64: 2, 1000, 128>}, {transform_indices = @transform_7, window_bounds = array<i64: 2, 1000, 128>}]} {
    %get3A = arith.constant 0 : index
    %get3A_0 = arith.constant 0 : index
    %get3A_1 = vector.load %arg1[%get3A, %get3A_0] : memref<1000x256xf32, #tpu.memory_space<vmem>>, vector<1000x256xf32>
    %get3A_2 = arith.constant 0 : index
    %get3A_3 = arith.constant 0 : index
    %get3A_4 = vector.load %arg2[%get3A_2, %get3A_3] : memref<256x256xf32, #tpu.memory_space<vmem>>, vector<256x256xf32>
    %dot_general3A = arith.constant dense<0.000000e+00> : vector<1000x256xf32>
    %dot_general3A_5 = tpu.matmul %get3A_1, %get3A_4, %dot_general3A {dimension_numbers = #tpu.dot_dimension_numbers<[1], [0], [0], [1], [0, 0, 1, 1], [], []>, transpose_lhs_hint = false} : vector<1000x256xf32>, vector<256x256xf32>, vector<1000x256xf32> -> vector<1000x256xf32>
    %get3A_6 = arith.constant 0 : index
    %get3A_7 = arith.constant 0 : index
    %get3A_8 = vector.load %arg5[%get3A_6, %get3A_7] : memref<1x256xf32, #tpu.memory_space<vmem>>, vector<1x256xf32>
    %add3A = vector.broadcast %get3A_8 : vector<1x256xf32> to vector<1000x256xf32>
    %add3A_9 = arith.addf %dot_general3A_5, %add3A : vector<1000x256xf32>
    %swap3A = arith.constant 0 : index
    %swap3A_10 = arith.constant 0 : index
    %swap3A_11 = vector.load %arg6[%swap3A, %swap3A_10] : memref<1000x256xf32, #tpu.memory_space<vmem>>, vector<1000x256xf32>
    tpu.vector_store %arg6[%swap3A, %swap3A_10], %add3A_9 {strides = array<i32>} : memref<1000x256xf32, #tpu.memory_space<vmem>>, vector<1000x256xf32>,
    %get3A_12 = arith.constant 0 : index
    %get3A_13 = arith.constant 0 : index
    %get3A_14 = vector.load %arg3[%get3A_12, %get3A_13] : memref<256x256xf32, #tpu.memory_space<vmem>>, vector<256x256xf32>
    %dot_general3A_15 = arith.constant dense<0.000000e+00> : vector<1000x256xf32>
    %dot_general3A_16 = tpu.matmul %get3A_1, %get3A_14, %dot_general3A_15 {dimension_numbers = #tpu.dot_dimension_numbers<[1], [0], [0], [1], [0, 0, 1, 1], [], []>, transpose_lhs_hint = false} : vector<1000x256xf32>, vector<256x256xf32>, vector<1000x256xf32> -> vector<1000x256xf32>
    %slice3A = vector.extract_strided_slice %dot_general3A_16 {offsets = [0, 0], sizes = [1000, 128], strides = [1, 1]} : vector<1000x256xf32> to vector<1000x128xf32>
    %swap3A_17 = arith.constant 0 : index
    %swap3A_18 = arith.constant 0 : index
    %swap3A_19 = arith.constant 0 : index
    %swap3A_20 = vector.load %arg7[%swap3A_17, %swap3A_18, %swap3A_19] : memref<2x1000x128xf32, #tpu.memory_space<vmem>>, vector<1x1000x128xf32>
    %swap3A_21 = vector.shape_cast %swap3A_20 : vector<1x1000x128xf32> to vector<1000x128xf32>
    %swap3A_22 = vector.shape_cast %slice3A : vector<1000x128xf32> to vector<1x1000x128xf32>
    tpu.vector_store %arg7[%swap3A_17, %swap3A_18, %swap3A_19], %swap3A_22 {strides = array<i32>} : memref<2x1000x128xf32, #tpu.memory_space<vmem>>, vector<1x1000x128xf32>,
    %slice3A_23 = vector.extract_strided_slice %dot_general3A_16 {offsets = [0, 128], sizes = [1000, 128], strides = [1, 1]} : vector<1000x256xf32> to vector<1000x128xf32>
    %swap3A_24 = arith.constant 1 : index
    %swap3A_25 = arith.constant 0 : index
    %swap3A_26 = arith.constant 0 : index
    %swap3A_27 = vector.load %arg7[%swap3A_24, %swap3A_25, %swap3A_26] : memref<2x1000x128xf32, #tpu.memory_space<vmem>>, vector<1x1000x128xf32>
    %swap3A_28 = vector.shape_cast %swap3A_27 : vector<1x1000x128xf32> to vector<1000x128xf32>
    %swap3A_29 = vector.shape_cast %slice3A_23 : vector<1000x128xf32> to vector<1x1000x128xf32>
    tpu.vector_store %arg7[%swap3A_24, %swap3A_25, %swap3A_26], %swap3A_29 {strides = array<i32>} : memref<2x1000x128xf32, #tpu.memory_space<vmem>>, vector<1x1000x128xf32>,
    %get3A_30 = arith.constant 0 : index
    %get3A_31 = arith.constant 0 : index
    %get3A_32 = vector.load %arg4[%get3A_30, %get3A_31] : memref<256x256xf32, #tpu.memory_space<vmem>>, vector<256x256xf32>
    %dot_general3A_33 = arith.constant dense<0.000000e+00> : vector<1000x256xf32>
    %dot_general3A_34 = tpu.matmul %get3A_1, %get3A_32, %dot_general3A_33 {dimension_numbers = #tpu.dot_dimension_numbers<[1], [0], [0], [1], [0, 0, 1, 1], [], []>, transpose_lhs_hint = false} : vector<1000x256xf32>, vector<256x256xf32>, vector<1000x256xf32> -> vector<1000x256xf32>
    %slice3A_35 = vector.extract_strided_slice %dot_general3A_34 {offsets = [0, 0], sizes = [1000, 128], strides = [1, 1]} : vector<1000x256xf32> to vector<1000x128xf32>
    %swap3A_36 = arith.constant 0 : index
    %swap3A_37 = arith.constant 0 : index
    %swap3A_38 = arith.constant 0 : index
    %swap3A_39 = vector.load %arg8[%swap3A_36, %swap3A_37, %swap3A_38] : memref<2x1000x128xf32, #tpu.memory_space<vmem>>, vector<1x1000x128xf32>
    %swap3A_40 = vector.shape_cast %swap3A_39 : vector<1x1000x128xf32> to vector<1000x128xf32>
    %swap3A_41 = vector.shape_cast %slice3A_35 : vector<1000x128xf32> to vector<1x1000x128xf32>
    tpu.vector_store %arg8[%swap3A_36, %swap3A_37, %swap3A_38], %swap3A_41 {strides = array<i32>} : memref<2x1000x128xf32, #tpu.memory_space<vmem>>, vector<1x1000x128xf32>,
    %slice3A_42 = vector.extract_strided_slice %dot_general3A_34 {offsets = [0, 128], sizes = [1000, 128], strides = [1, 1]} : vector<1000x256xf32> to vector<1000x128xf32>
    %swap3A_43 = arith.constant 1 : index
    %swap3A_44 = arith.constant 0 : index
    %swap3A_45 = arith.constant 0 : index
    %swap3A_46 = vector.load %arg8[%swap3A_43, %swap3A_44, %swap3A_45] : memref<2x1000x128xf32, #tpu.memory_space<vmem>>, vector<1x1000x128xf32>
    %swap3A_47 = vector.shape_cast %swap3A_46 : vector<1x1000x128xf32> to vector<1000x128xf32>
    %swap3A_48 = vector.shape_cast %slice3A_42 : vector<1000x128xf32> to vector<1x1000x128xf32>
    tpu.vector_store %arg8[%swap3A_43, %swap3A_44, %swap3A_45], %swap3A_48 {strides = array<i32>} : memref<2x1000x128xf32, #tpu.memory_space<vmem>>, vector<1x1000x128xf32>,
    return
  }
  func.func @transform_0(%arg0: i32) -> (i32, i32) {
    %c0_i32 = arith.constant 0 : i32
    %c0_i32_0 = arith.constant 0 : i32
    return %arg0, %c0_i32 : i32, i32
  }
  func.func @transform_1(%arg0: i32) -> (i32, i32) {
    %c0_i32 = arith.constant 0 : i32
    %c0_i32_0 = arith.constant 0 : i32
    %c0_i32_1 = arith.constant 0 : i32
    return %c0_i32, %c0_i32_0 : i32, i32
  }
  func.func @transform_2(%arg0: i32) -> (i32, i32) {
    %c0_i32 = arith.constant 0 : i32
    %c0_i32_0 = arith.constant 0 : i32
    %c0_i32_1 = arith.constant 0 : i32
    return %c0_i32, %c0_i32_0 : i32, i32
  }
  func.func @transform_3(%arg0: i32) -> (i32, i32) {
    %c0_i32 = arith.constant 0 : i32
    %c0_i32_0 = arith.constant 0 : i32
    %c0_i32_1 = arith.constant 0 : i32
    return %c0_i32, %c0_i32_0 : i32, i32
  }
  func.func @transform_4(%arg0: i32) -> (i32, i32) {
    %c0_i32 = arith.constant 0 : i32
    %c0_i32_0 = arith.constant 0 : i32
    %c0_i32_1 = arith.constant 0 : i32
    return %c0_i32, %c0_i32_0 : i32, i32
  }
  func.func @transform_5(%arg0: i32) -> (i32, i32) {
    %c0_i32 = arith.constant 0 : i32
    %c0_i32_0 = arith.constant 0 : i32
    return %arg0, %c0_i32 : i32, i32
  }
  func.func @transform_6(%arg0: i32) -> (i32, i32, i32) {
    %c0_i32 = arith.constant 0 : i32
    %c0_i32_0 = arith.constant 0 : i32
    %c0_i32_1 = arith.constant 0 : i32
    return %c0_i32, %arg0, %c0_i32_0 : i32, i32, i32
  }
  func.func @transform_7(%arg0: i32) -> (i32, i32, i32) {
    %c0_i32 = arith.constant 0 : i32
    %c0_i32_0 = arith.constant 0 : i32
    %c0_i32_1 = arith.constant 0 : i32
    return %c0_i32, %arg0, %c0_i32_0 : i32, i32, i32
  }
}

</mosaic_0001>

<sc_bundles>
// kernel: kernel.6.cloned.1.call-start
scs
__scs_entry_jumppad:
0x0: {  	(pc) =	sbr.rel $0x88, $3  }
0x1: {  	(tag) =	ssettag $0x0;
	lr =	simm.s32 $0x1  }
0x2: {  	[smem:$0x3F98] =	sst lr;
	_ =	strace $0xD0000000  }
0x3: {  	_ = 	snop  }
0x4: {  	_ = 	snop  }
0x5: {  	_ = 	snop  }
0x6: {  	_ = 	snop  }
0x7: {  	_ = 	snop  }
__scs_overlays_trampoline_lowered:
0x8: {  	[smem:$0x3FA7] =	sst s0  }
0x9: {  	[smem:$0x3FA8] =	sst s1  }
0xa: {  	[smem:$0x3FA9] =	sst s2  }
0xb: {  	[smem:$0x3FAA] =	sst s3  }
0xc: {  	[smem:$0x3FAB] =	sst s4  }
0xd: {  	[smem:$0x3FAC] =	sst s5  }
0xe: {  	[smem:$0x3FAD] =	sst s6  }
0xf: {  	[smem:$0x3FAE] =	sst s7  }
0x10: {  	[smem:$0x3FAF] =	sst s8  }
0x11: {  	[smem:$0x3FB0] =	sst s9;
	s0 =	simm.s32 @!p0 $0x0  }
0x12: {  	s1 =	sld [smem:$0x3F96];
	s0 =	simm.s32 @p0 $0x1  }
0x13: {  	[smem:$0x3FB1] =	sst s0;
	s0 =	simm.s32 @!p1 $0x0  }
0x14: {  	s2 =	sld [smem:$0x3F95];
	s0 =	simm.s32 @p1 $0x1  }
0x15: {  	[smem:$0x3FB2] =	sst s0;
	s0 =	simm.s32 @!p2 $0x0  }
0x16: {  	s3 =	sld [smem:$0x3FDB];
	s0 =	simm.s32 @p2 $0x1  }
0x17: {  	s4 =	simm.s32 $0x1BF5;
	[smem:$0x3FB4] =	sst s0  }
0x18: {  	s0 =	sld [smem:$0x3F97];
	_ =	swait.ge [sflag:s4], $0x0  }
0x19: {  	s7 =	sld [smem:$0x3F98]  }
0x1a: {  	s8 =	sadd.s32 $0xFFFFE003, lr  }
0x1b: {  	s9 =	sadd.s32 $0xFFFFFEF7, lr;
	s5 =	simm.s32 $0xFFFFFFFF;
	p2 =	slt.u32 s8, $0xFFFFF086  }
0x1c: {  	p1 =	slt.u32 s9, $0xF7A;
	s5 =	simm.s32 @!p2 $0x0  }
0x1d: {  	s5 =	simm.s32 @p1 $0x1;
	p0 =	seq.s32 s7, s2  }
0x1e: {  	s7 =	smul.u32 @!p0 $0xF7A, s2;
	p2 =	seq.s32 @!p0 s5, $0x0  }
0x1f: {  	s9 =	smul.u32 $0xF7A, s1;
	s8 =	simm.s32 @!p0 $0x1BF5;
	p2 =	por !p2, p0  }
0x20: {  	[sflag:s8] =	ssyncset.s32 @!p0 $0xFFFFF086;
	s6 =	sadd.s32 @!p0 s3, s7;
	s7 =	simm.s32 @!p0 $0x108  }
0x21: {  	s3 =	sadd.s32 s3, s9;
	s6 =	sadd.s32 @!p0 $0x88, s6;
	s7 =	simm.s32 @p2 $0x1082  }
0x22: {  	[simem:s7], [sflag:s8] =	dma.local @!p0 [hbm:s6], $0xF7A  }
0x23: {  	s9 =	sor.u32 $0xD0000000, s2;
	s6 =	simm.s32 $0x108;
	_ =	swait.ge @!p0 [sflag:s8], $0x0  }
0x24: {  	s3 =	sadd.s32 $0x88, s3;
	s6 =	simm.s32 @!p1 $0x1082;
	[sflag:s4] =	ssyncset.s32 $0xFFFFF086  }
0x25: {  	[simem:s6], [sflag:s4] =	dma.local [hbm:s3], $0xF7A  }
0x26: {  	[smem:$0x3F98] =	sst s1;
	(tag) =	ssettag s2;
	_ =	strace s9  }
0x27: {  	s1 =	sld [smem:$0x3FA8]  }
0x28: {  	s2 =	sld [smem:$0x3FA9]  }
0x29: {  	s4 =	sld [smem:$0x3FAB]  }
0x2a: {  	p0 =	seq.s32 s5, $0x0;
	s5 =	sld [smem:$0x3FAC]  }
0x2b: {  	s6 =	sld [smem:$0x3FAD]  }
0x2c: {  	s7 =	sld [smem:$0x3FAE]  }
0x2d: {  	s3 =	simm.s32 $0x108;
	s8 =	sld [smem:$0x3FAF]  }
0x2e: {  	s3 =	simm.s32 @!p0 $0x1082;
	s9 =	sld [smem:$0x3FB0]  }
0x2f: {  	lr =	sadd.s32 s0, s3;
	s0 =	sld [smem:$0x3FA7]  }
0x30: {  	s3 =	sld [smem:$0x3FAA]  }
0x31: {  	[smem:$0x3FB3] =	sst s10  }
0x32: {  	s10 =	sld [smem:$0x3FB1];
	_ =	sdelay $0x3  }
0x33: {  	p0 =	seq.s32 s10, $0x1;
	s10 =	sld [smem:$0x3FB3];
	_ =	sdelay $0x3  }
0x34: {  	[smem:$0x3FB3] =	sst s10  }
0x35: {  	s10 =	sld [smem:$0x3FB2];
	_ =	sdelay $0x3  }
0x36: {  	p1 =	seq.s32 s10, $0x1;
	s10 =	sld [smem:$0x3FB3];
	_ =	sdelay $0x3  }
0x37: {  	[smem:$0x3FB3] =	sst s10  }
0x38: {  	s10 =	sld [smem:$0x3FB4]  }
0x39: {  	_ = 	snop;
	(pc) =	sbr.ind lr, $3  }
0x3a: {  	_ = 	snop  }
0x3b: {  	_ = 	snop  }
0x3c: {  	p2 =	seq.s32 s10, $0x1;
	s10 =	sld [smem:$0x3FB3]  }
0x3d: {  	_ =	shalt  }
0x3e: {  	_ =	shalt  }
0x3f: {  	_ =	shalt  }
0x40: {  	_ =	shalt  }
0x41: {  	_ =	shalt  }
0x42: {  	_ =	shalt  }
0x43: {  	_ =	shalt  }
0x44: {  	_ =	shalt  }
0x45: {  	_ =	shalt  }
0x46: {  	_ =	shalt  }
0x47: {  	_ =	shalt  }
0x48: {  	_ =	shalt  }
0x49: {  	_ =	shalt  }
0x4a: {  	_ =	shalt  }
0x4b: {  	_ =	shalt  }
0x4c: {  	_ =	shalt  }
0x4d: {  	_ =	shalt  }
0x4e: {  	_ =	shalt  }
0x4f: {  	_ =	shalt  }
0x50: {  	_ =	shalt  }
0x51: {  	_ =	shalt  }
0x52: {  	_ =	shalt  }
0x53: {  	_ =	shalt  }
0x54: {  	_ =	shalt  }
0x55: {  	_ =	shalt  }
0x56: {  	_ =	shalt  }
0x57: {  	_ =	shalt  }
0x58: {  	_ =	shalt  }
0x59: {  	_ =	shalt  }
0x5a: {  	_ =	shalt  }
0x5b: {  	_ =	shalt  }
0x5c: {  	_ =	shalt  }
0x5d: {  	_ =	shalt  }
0x5e: {  	_ =	shalt  }
0x5f: {  	_ =	shalt  }
0x60: {  	_ =	shalt  }
0x61: {  	_ =	shalt  }
0x62: {  	_ =	shalt  }
0x63: {  	_ =	shalt  }
0x64: {  	_ =	shalt  }
0x65: {  	_ =	shalt  }
0x66: {  	_ =	shalt  }
0x67: {  	_ =	shalt  }
0x68: {  	_ =	shalt  }
0x69: {  	_ =	shalt  }
0x6a: {  	_ =	shalt  }
0x6b: {  	_ =	shalt  }
0x6c: {  	_ =	shalt  }
0x6d: {  	_ =	shalt  }
0x6e: {  	_ =	shalt  }
0x6f: {  	_ =	shalt  }
0x70: {  	_ =	shalt  }
0x71: {  	_ =	shalt  }
0x72: {  	_ =	shalt  }
0x73: {  	_ =	shalt  }
0x74: {  	_ =	shalt  }
0x75: {  	_ =	shalt  }
0x76: {  	_ =	shalt  }
0x77: {  	_ =	shalt  }
0x78: {  	_ =	shalt  }
0x79: {  	_ =	shalt  }
0x7a: {  	_ =	shalt  }
0x7b: {  	_ =	shalt  }
0x7c: {  	_ =	shalt  }
0x7d: {  	_ =	shalt  }
0x7e: {  	_ =	shalt  }
0x7f: {  	_ =	shalt  }
0x80: {  	_ =	shalt  }
0x81: {  	_ =	shalt  }
0x82: {  	_ =	shalt  }
0x83: {  	_ =	shalt  }
0x84: {  	_ =	shalt  }
0x85: {  	_ =	shalt  }
0x86: {  	_ =	shalt  }
0x87: {  	_ =	shalt  }
.Lfunc_end0:
.L_simem_size_0:
called_computation_lowered:
.L_overlay_start_0:
0x88: {  	s2 =	sld [smem:$0x3FD9]  }
0x89: {  	s3 =	sld [smem:$0x3FFE];
	_ =	sdelay $0x1  }
0x8a: {  	s1 =	srdreg.scid  }
0x8b: {  	s0 =	sand.u32 $0x1, s1  }
0x8c: {  	s17 =	sshll.u32 s0, $0xA;
	s2 =	sadd.s32 s3, s2  }
0x8d: {  	s2 =	sadd.s32 s2, s17  }
0x8e: {  	[smem:$0x3FBF] =	sst s2  }
0x8f: {  	_ = 	snop  }
0x90: {  	(tm) =	ssettm $0x1  }
0x91: {  	s18 =	sld [smem:$0x3FFB];
	_ =	sdelay $0x3  }
0x92: {  	_ =	strace s18  }
0x93: {  	s2 =	sld [smem:$0x3FFC];
	_ =	sdelay $0x3  }
0x94: {  	_ =	strace s2  }
0x95: {  	s2 =	sld [smem:$0x3FFD];
	_ =	sdelay $0x3  }
0x96: {  	_ =	strace s2  }
0x97: {  	_ =	strace $0x8FFFFFFF  }
0x98: {  	s19 =	sld [smem:$0x3FDB];
	_ =	sdelay $0x1  }
0x99: {  	s20 =	simm.s32 $_scs_section_size  }
0x9a: {  	s4 =	simm.s32 $_size__tile_overlayer_lowered;
	s5 =	simm.s32 $_tile_overlayer_lowered  }
0x9b: {  	s6 =	simm.s32 $0x1BFF;
	s21 =	sshll.u32 s5, $0x1;
	s3 =	sadd.s32 s20, s19  }
0x9c: {  	s22 =	simm.s32 $0x0;
	s4 =	sshll.u32 s4, $0x1;
	s5 =	sadd.s32 s21, s3  }
0x9d: {  	[timem:s22], [sflag:s6] =	dma.local [hbm:s5], s4  }
0x9e: {  	_ =	swait.ge [sflag:s6], s4  }
0x9f: {  	s4 =	ssub.s32 $0x0, s4;
	[sflag:s6] =	ssyncset.done $0x0  }
0xa0: {  	[sflag:s6] =	ssyncadd.s32 s4;
	_ =	sdelay $0x1  }
0xa1: {  	s23 =	simm.s32 $0x1B8B  }
0xa2: {  	_ =	swait.ge [sflag:s23], $0x1  }
0xa3: {  	[sflag:s23] =	ssyncset.done $0x0  }
0xa4: {  	[sflag:s23] =	ssyncadd.s32 $0xFFFFFFFF  }
0xa5: {  	s4 =	sld [smem:$0x0]  }
0xa6: {  	s5 =	sand.u32 $0xFFFFFFFE, s1  }
0xa7: {  	p0 =	sne.s32 s1, s5  }
0xa8: {  	s5 =	sshll.u32 @p0 s5, $0xE  }
0xa9: {  	s5 =	sadd.s32 @p0 $0x11B8D, s5;
	s6 =	sshll.u32 @p0 s4, $0x11  }
0xaa: {  	s5 =	sor.u32 @p0 s6, s5  }
0xab: {  	[sflag:s5] =	ssyncadd.remote.s32 @p0 $0x1;
	_ =	sdelay $0x1  }
0xac: {  	s5 =	simm.s32 @p0 $0x1B8D  }
0xad: {  	_ =	swait.eq @p0 [sflag:s5], $0x1  }
0xae: {  	[sflag:s5] =	ssyncadd.s32 @p0 $0xFFFFFFFF  }
0xaf: {  	s6 =	sshll.u32 @!p0 s1, $0xE  }
0xb0: {  	s6 =	sor.u32 @!p0 $0x4000, s6;
	s5 =	simm.s32 @!p0 $0x1B8D  }
0xb1: {  	s4 =	sshll.u32 @!p0 s4, $0x11;
	s6 =	sadd.s32 @!p0 $0x11B8D, s6;
	_ =	swait.eq @!p0 [sflag:s5], $0x1  }
0xb2: {  	s4 =	sor.u32 @!p0 s4, s6;
	[sflag:s5] =	ssyncadd.s32 @!p0 $0xFFFFFFFF  }
0xb3: {  	s25 =	simm.s32 $0x1B8E;
	s24 =	sld [smem:$0x3FFE];
	[sflag:s4] =	ssyncadd.remote.s32 @!p0 $0x1  }
0xb4: {  	s26 =	simm.s32 $execute0_lowered;
	[smem:$0x3FD2] =	sst s25  }
0xb5: {  	s5 =	sshll.u32 s26, $0x1;
	_ =	strace $0x80000049;
	[dreg:$0x1] =	wrdreg $0xFFFFFFFF  }
0xb6: {  	s28 =	simm.s32 $_size_execute0_lowered;
	s3 =	sadd.s32 s3, s5;
	[dreg:$0x0] =	wrdreg $0x0  }
0xb7: {  	s5 =	sshll.u32 s28, $0x1;
	[dreg:$0x2] =	wrdreg s3  }
0xb8: {  	[dreg:$0x3] =	wrdreg s5  }
0xb9: {  	[dreg:$0x4] =	wrdreg $0xC0  }
0xba: {  	_ =	task [dreg:s22], $0x5FFFF  }
0xbb: {  	[dreg:$0x1] =	wrdreg $0xFFFFFFFF  }
0xbc: {  	[dreg:$0x0] =	wrdreg $0x60  }
0xbd: {  	[dreg:$0x2] =	wrdreg s24  }
0xbe: {  	[dreg:$0x3] =	wrdreg $0x0  }
0xbf: {  	[dreg:$0x4] =	wrdreg $0x9  }
0xc0: {  	_ =	task.clear_ibuf [dreg:s22], $0x5FFFF;
	_ =	strace $0x90000049  }
0xc1: {  	s29 =	simm.s32 $0x9;
	_ =	strace $0x8000004B  }
0xc2: {  	_ =	swait.ge [sflag:s29], $0x1  }
0xc3: {  	[sflag:s29] =	ssyncadd.s32 $0xFFFFFFFF  }
0xc4: {  	_ =	strace $0x9000004B  }
0xc5: {  	_ =	sfence  }
0xc6: {  	s30 =	sld [smem:$0x0];
	_ =	sdelay $0x2  }
0xc7: {  	s31 =	sshll.u32 s1, $0xD;
	s1 =	sshrl.u32 s1, $0x2  }
0xc8: {  	s4 =	sand.u32 $0x4000, s31;
	s1 =	sadd.s32 s1, s30  }
0xc9: {  	s0 =	sor.u32 s4, s0;
	s1 =	sshll.u32 s1, $0x11  }
0xca: {  	s0 =	sor.u32 s1, s0  }
0xcb: {  	s0 =	sadd.s32 $0x8F2B, s0  }
0xcc: {  	[sflag:s0] =	ssyncadd.remote.s32 $0x1  }
0xcd: {  	_ =	sfence.sel $0xFFFF  }
0xce: {  	[dreg:$0x0] =	wrdreg $0xFFFFFFFF;
	(pc) =	sbr.abs _section_cstart, $3  }
0xcf: {  	[dreg:$0x1] =	wrdreg $0xFFFFFFFF  }
0xd0: {  	_ =	task.clear_ibuf [dreg:s22], $0x2FFFF;
	_ =	strace $0x9FFFFFFF  }
0xd1: {  	(tm) =	ssettm $0x7FFFFFFF  }
tec
execute0_lowered:
.L_overlay_start_1:
0x0: {  	(tag) =	ssettag $0x1  }
0x1: {  	s0 =	rddreg [dreg:$0x0]  }
0x2: {  	s1 =	rddreg [dreg:$0x1];
	s26 =	stileid.u32  }
0x3: {  	s2 =	simm.s32 $0x0;
	s23 =	srdreg.scid;
	s3 =	smul.u32 $0x4E000, s26  }
0x4: {  	s30 =	simm.s32 $0x1A0C0;
	s31 =	simm.s32 $0x1;
	s7 =	smul.u32 $0x2700, s26  }
0x5: {  	[smem:$0x7FF] =	sst s2;
	s2 =	sand.u32 $0x1, s23;
	s10 =	smul.u32 $0x500, s26  }
0x6: {  	s5 =	sadd.s32 $0xFFA00, s0;
	_ =	strace $0x8000004A;
	s8 =	smul.u32 $0x27100, s2  }
0x7: {  	s6 =	ssub.s32 $0x2, s2;
	s24 =	smul.u32 $0x138800, s2;
	s3 =	sshrl.u32 s3, $0x2  }
0x8: {  	p0 =	seq.s32 s2, $0x1;
	s9 =	sshrl.u32 s6, $0x1;
	s4 =	sadd.s32 s3, s1  }
0x9: {  	s9 =	ssub.s32 s6, s9;
	s6 =	sadd.s32 $0x138000, s1;
	s8 =	sadd.s32 s7, s8  }
0xa: {  	s3 =	sshrl.u32 s24, $0x3;
	s7 =	simm.s32 $0x0;
	s25 =	sadd.s32 $0x13000, s4  }
0xb: {  	s2 =	sadd.s32 s5, s8;
	s23 =	sadd.s32 s5, s3;
	s24 =	smax.u32 s9, $0x1  }
0xc: {  	s11 =	sadd.s32 $0x2000, s4;
	s12 =	sadd.s32 $0x3000, s4;
	s13 =	sadd.s32 $0x4000, s4  }
0xd: {  	s14 =	sadd.s32 $0x5000, s4;
	s15 =	sadd.s32 $0x6000, s4;
	s16 =	sadd.s32 $0x7000, s4  }
0xe: {  	s17 =	sadd.s32 $0x8000, s4;
	s18 =	sadd.s32 $0x9000, s4;
	s19 =	sadd.s32 $0xA000, s4  }
0xf: {  	s20 =	sadd.s32 $0xB000, s4;
	s21 =	sadd.s32 $0xC000, s4;
	s22 =	sadd.s32 $0xD000, s4  }
0x10: {  	s28 =	sadd.s32 $0x11000, s4;
	s29 =	sadd.s32 $0x12000, s4;
	[dreg:$0x3] =	wrdreg s25  }
0x11: {  	s3 =	simm.s32 $0x80;
	s5 =	simm.s32 $0x138C0;
	[dreg:$0x4] =	wrdreg s2  }
0x12: {  	s2 =	sadd.s32 $0x27000, s23;
	[dreg:$0x6] =	wrdreg s24;
	s25 =	sadd.s32 $0x1000, s4  }
0x13: {  	s23 =	sadd.s32 $0xE000, s4;
	[dreg:$0x5] =	wrdreg s2;
	s2 =	simm.s32 $0x6400  }
0x14: {  	[dreg:$0x7] =	wrdreg s25;
	s25 =	sadd.s32 $0xF000, s4;
	s2 =	simm.s32 @!p0 $0x10400  }
0x15: {  	p0 =	sne.s32 s26, $0x0;
	s26 =	sadd.s32 $0x10000, s4;
	s0 =	sadd.s32 s2, s0  }
0x16: {  	v0 =	vimm.f32 $1.000000000e+00;
	v1 =	vimm.f32 $0.0e+00;
	s2 =	simm.s32 $0x2;
	s24 =	sadd.s32 s0, s10;
	s0 =	simm.s32 $0x178C0  }
.LBB2_1:
0x17: {  	s8 =	simm.s32 $0x0;
	s9 =	simm.s32 $0x200  }
.LBB2_2:
0x18: {  	p1 =	sne.s32 s9, $0xFE00;
	[tilespmem:s8+$0x13930] =	vst v0  }
0x19: {  	[tilespmem:s8+$0x138C0] =	vst v0  }
0x1a: {  	[tilespmem:s8+$0x138D0] =	vst v0  }
.Ltmp0:
0x1b: {  	[tilespmem:s8+$0x138E0] =	vst v0;
	(pc) =	sbr.rel @p1 .LBB2_2-.Ltmp0, $4  }
0x1c: {  	[tilespmem:s8+$0x138F0] =	vst v0  }
0x1d: {  	[tilespmem:s8+$0x13900] =	vst v0  }
0x1e: {  	[tilespmem:s8+$0x13910] =	vst v0  }
0x1f: {  	[tilespmem:s8+$0x13920] =	vst v0;
	s8 =	sshra.s32 s9, $0x2;
	s9 =	sadd.s32 $0x200, s9  }
0x20: {  	[tilespmem:s8+$0x13930] =	vst v0  }
0x21: {  	[tilespmem:s8+$0x138C0] =	vst v0  }
0x22: {  	[tilespmem:s8+$0x138D0] =	vst v0  }
0x23: {  	[tilespmem:s8+$0x138E0] =	vst v0  }
0x24: {  	[tilespmem:s8+$0x138F0] =	vst v0  }
0x25: {  	[tilespmem:s8+$0x13900] =	vst v0  }
0x26: {  	[tilespmem:s8+$0x13910] =	vst v0  }
0x27: {  	[tilespmem:s8+$0x13920] =	vst v0;
	s8 =	simm.s32 $0x0;
	s9 =	simm.s32 $0x200  }
.LBB2_4:
0x28: {  	p1 =	sne.s32 s9, $0x3E00;
	[tilespmem:s8+$0x1A130] =	vst v1  }
0x29: {  	[tilespmem:s8+$0x1A0C0] =	vst v1  }
0x2a: {  	[tilespmem:s8+$0x1A0D0] =	vst v1  }
.Ltmp1:
0x2b: {  	[tilespmem:s8+$0x1A0E0] =	vst v1;
	(pc) =	sbr.rel @p1 .LBB2_4-.Ltmp1, $4  }
0x2c: {  	[tilespmem:s8+$0x1A0F0] =	vst v1  }
0x2d: {  	[tilespmem:s8+$0x1A100] =	vst v1  }
0x2e: {  	[tilespmem:s8+$0x1A110] =	vst v1  }
0x2f: {  	[tilespmem:s8+$0x1A120] =	vst v1;
	s8 =	sshra.s32 s9, $0x2;
	s9 =	sadd.s32 $0x200, s9  }
0x30: {  	[tilespmem:s8+$0x1A130] =	vst v1  }
0x31: {  	[tilespmem:s8+$0x1A0C0] =	vst v1  }
0x32: {  	[tilespmem:s8+$0x1A0D0] =	vst v1  }
0x33: {  	[tilespmem:s8+$0x1A0E0] =	vst v1  }
0x34: {  	[tilespmem:s8+$0x1A0F0] =	vst v1  }
0x35: {  	[tilespmem:s8+$0x1A100] =	vst v1  }
0x36: {  	[tilespmem:s8+$0x1A110] =	vst v1  }
0x37: {  	[tilespmem:s8+$0x1A120] =	vst v1  }
0x38: {  	[spmem:s4] =	stream.linear.scatter [tilespmem:s30], [sflag:$0x1], $0x1000, $0x38;
	[tilespmem:$0x1B0C0] =	vst v63  }
0x39: {  	s9 =	rddreg [dreg:$0x7]  }
0x3a: {  	[spmem:s9] =	stream.linear.scatter [tilespmem:s30], [sflag:$0x1], $0x1000, $0x38;
	[tilespmem:$0x1B0C0] =	vst v63  }
0x3b: {  	_ = 	snop  }
0x3c: {  	[spmem:s11] =	stream.linear.scatter [tilespmem:s30], [sflag:$0x1], $0x1000, $0x38;
	[tilespmem:$0x1B0C0] =	vst v63  }
0x3d: {  	_ = 	snop  }
0x3e: {  	[spmem:s12] =	stream.linear.scatter [tilespmem:s30], [sflag:$0x1], $0x1000, $0x38;
	[tilespmem:$0x1B0C0] =	vst v63  }
0x3f: {  	_ = 	snop  }
0x40: {  	[spmem:s13] =	stream.linear.scatter [tilespmem:s30], [sflag:$0x1], $0x1000, $0x38;
	[tilespmem:$0x1B0C0] =	vst v63  }
0x41: {  	_ = 	snop  }
0x42: {  	[spmem:s14] =	stream.linear.scatter [tilespmem:s30], [sflag:$0x1], $0x1000, $0x38;
	[tilespmem:$0x1B0C0] =	vst v63  }
0x43: {  	_ = 	snop  }
0x44: {  	[spmem:s15] =	stream.linear.scatter [tilespmem:s30], [sflag:$0x1], $0x1000, $0x38;
	[tilespmem:$0x1B0C0] =	vst v63  }
0x45: {  	_ = 	snop  }
0x46: {  	[spmem:s16] =	stream.linear.scatter [tilespmem:s30], [sflag:$0x1], $0x1000, $0x38;
	[tilespmem:$0x1B0C0] =	vst v63  }
0x47: {  	_ = 	snop  }
0x48: {  	[spmem:s17] =	stream.linear.scatter [tilespmem:s30], [sflag:$0x1], $0x1000, $0x38;
	[tilespmem:$0x1B0C0] =	vst v63  }
0x49: {  	_ = 	snop  }
0x4a: {  	[spmem:s18] =	stream.linear.scatter [tilespmem:s30], [sflag:$0x1], $0x1000, $0x38;
	[tilespmem:$0x1B0C0] =	vst v63  }
0x4b: {  	_ = 	snop  }
0x4c: {  	[spmem:s19] =	stream.linear.scatter [tilespmem:s30], [sflag:$0x1], $0x1000, $0x38;
	[tilespmem:$0x1B0C0] =	vst v63  }
0x4d: {  	_ = 	snop  }
0x4e: {  	[spmem:s20] =	stream.linear.scatter [tilespmem:s30], [sflag:$0x1], $0x1000, $0x38;
	[tilespmem:$0x1B0C0] =	vst v63  }
0x4f: {  	_ = 	snop  }
0x50: {  	[spmem:s21] =	stream.linear.scatter [tilespmem:s30], [sflag:$0x1], $0x1000, $0x38;
	[tilespmem:$0x1B0C0] =	vst v63  }
0x51: {  	_ = 	snop  }
0x52: {  	[spmem:s22] =	stream.linear.scatter [tilespmem:s30], [sflag:$0x1], $0x1000, $0x38;
	[tilespmem:$0x1B0C0] =	vst v63  }
0x53: {  	_ = 	snop  }
0x54: {  	[spmem:s23] =	stream.linear.scatter [tilespmem:s30], [sflag:$0x1], $0x1000, $0x38;
	[tilespmem:$0x1B0C0] =	vst v63  }
0x55: {  	_ = 	snop  }
0x56: {  	[spmem:s25] =	stream.linear.scatter [tilespmem:s30], [sflag:$0x1], $0x1000, $0x38;
	[tilespmem:$0x1B0C0] =	vst v63  }
0x57: {  	_ = 	snop  }
0x58: {  	[spmem:s26] =	stream.linear.scatter [tilespmem:s30], [sflag:$0x1], $0x1000, $0x38;
	[tilespmem:$0x1B0C0] =	vst v63  }
0x59: {  	_ = 	snop  }
0x5a: {  	[spmem:s28] =	stream.linear.scatter [tilespmem:s30], [sflag:$0x1], $0x1000, $0x38;
	[tilespmem:$0x1B0C0] =	vst v63  }
0x5b: {  	_ = 	snop  }
0x5c: {  	[spmem:s29] =	stream.linear.scatter [tilespmem:s30], [sflag:$0x1], $0x1000, $0x38;
	[tilespmem:$0x1B0C0] =	vst v63  }
0x5d: {  	s10 =	rddreg [dreg:$0x3]  }
0x5e: {  	[spmem:s10] =	stream.linear.scatter [tilespmem:s30], [sflag:$0x1], $0x800, $0x38;
	[tilespmem:$0x1B0C0] =	vst v63  }
0x5f: {  	s8 =	simm.s32 @!p0 $0x1A0C0  }
0x60: {  	[spmem:s6] =	stream.linear.scatter @!p0 [tilespmem:s8], [sflag:$0x1], $0x800, $0x38;
	[tilespmem:$0x1B0C0] =	vst v63  }
0x61: {  	_ =	swait.ge [sflag:s31], $0x1000  }
0x62: {  	[sflag:s31] =	ssyncset.done $0x0  }
0x63: {  	[sflag:s31] =	ssyncadd.s32 $0xFFFFF000  }
0x64: {  	_ =	swait.ge [sflag:s31], $0x1000  }
0x65: {  	[sflag:s31] =	ssyncset.done $0x0  }
0x66: {  	[sflag:s31] =	ssyncadd.s32 $0xFFFFF000  }
0x67: {  	_ =	swait.ge [sflag:s31], $0x1000  }
0x68: {  	[sflag:s31] =	ssyncset.done $0x0  }
0x69: {  	[sflag:s31] =	ssyncadd.s32 $0xFFFFF000  }
0x6a: {  	_ =	swait.ge [sflag:s31], $0x1000  }
0x6b: {  	[sflag:s31] =	ssyncset.done $0x0  }
0x6c: {  	[sflag:s31] =	ssyncadd.s32 $0xFFFFF000  }
0x6d: {  	_ =	swait.ge [sflag:s31], $0x1000  }
0x6e: {  	[sflag:s31] =	ssyncset.done $0x0  }
0x6f: {  	[sflag:s31] =	ssyncadd.s32 $0xFFFFF000  }
0x70: {  	_ =	swait.ge [sflag:s31], $0x1000  }
0x71: {  	[sflag:s31] =	ssyncset.done $0x0  }
0x72: {  	[sflag:s31] =	ssyncadd.s32 $0xFFFFF000  }
0x73: {  	_ =	swait.ge [sflag:s31], $0x1000  }
0x74: {  	[sflag:s31] =	ssyncset.done $0x0  }
0x75: {  	[sflag:s31] =	ssyncadd.s32 $0xFFFFF000  }
0x76: {  	_ =	swait.ge [sflag:s31], $0x1000  }
0x77: {  	[sflag:s31] =	ssyncset.done $0x0  }
0x78: {  	[sflag:s31] =	ssyncadd.s32 $0xFFFFF000  }
0x79: {  	_ =	swait.ge [sflag:s31], $0x1000  }
0x7a: {  	[sflag:s31] =	ssyncset.done $0x0  }
0x7b: {  	[sflag:s31] =	ssyncadd.s32 $0xFFFFF000  }
0x7c: {  	_ =	swait.ge [sflag:s31], $0x1000  }
0x7d: {  	[sflag:s31] =	ssyncset.done $0x0  }
0x7e: {  	[sflag:s31] =	ssyncadd.s32 $0xFFFFF000  }
0x7f: {  	_ =	swait.ge [sflag:s31], $0x1000  }
0x80: {  	[sflag:s31] =	ssyncset.done $0x0  }
0x81: {  	[sflag:s31] =	ssyncadd.s32 $0xFFFFF000  }
0x82: {  	_ =	swait.ge [sflag:s31], $0x1000  }
0x83: {  	[sflag:s31] =	ssyncset.done $0x0  }
0x84: {  	[sflag:s31] =	ssyncadd.s32 $0xFFFFF000  }
0x85: {  	_ =	swait.ge [sflag:s31], $0x1000  }
0x86: {  	[sflag:s31] =	ssyncset.done $0x0  }
0x87: {  	[sflag:s31] =	ssyncadd.s32 $0xFFFFF000  }
0x88: {  	_ =	swait.ge [sflag:s31], $0x1000  }
0x89: {  	[sflag:s31] =	ssyncset.done $0x0  }
0x8a: {  	[sflag:s31] =	ssyncadd.s32 $0xFFFFF000  }
0x8b: {  	_ =	swait.ge [sflag:s31], $0x1000  }
0x8c: {  	[sflag:s31] =	ssyncset.done $0x0  }
0x8d: {  	[sflag:s31] =	ssyncadd.s32 $0xFFFFF000  }
0x8e: {  	_ =	swait.ge [sflag:s31], $0x1000  }
0x8f: {  	[sflag:s31] =	ssyncset.done $0x0  }
0x90: {  	[sflag:s31] =	ssyncadd.s32 $0xFFFFF000  }
0x91: {  	_ =	swait.ge [sflag:s31], $0x1000  }
0x92: {  	[sflag:s31] =	ssyncset.done $0x0  }
0x93: {  	[sflag:s31] =	ssyncadd.s32 $0xFFFFF000  }
0x94: {  	_ =	swait.ge [sflag:s31], $0x1000  }
0x95: {  	[sflag:s31] =	ssyncset.done $0x0  }
0x96: {  	[sflag:s31] =	ssyncadd.s32 $0xFFFFF000  }
0x97: {  	_ =	swait.ge [sflag:s31], $0x1000  }
0x98: {  	[sflag:s31] =	ssyncset.done $0x0  }
0x99: {  	[sflag:s31] =	ssyncadd.s32 $0xFFFFF000  }
0x9a: {  	_ =	swait.ge [sflag:s31], $0x800  }
0x9b: {  	[sflag:s31] =	ssyncset.done $0x0  }
0x9c: {  	s8 =	simm.s32 @!p0 $0x1;
	[sflag:s31] =	ssyncadd.s32 $0xFFFFF800  }
0x9d: {  	_ =	swait.ge @!p0 [sflag:s8], $0x800  }
0x9e: {  	[sflag:s8] =	ssyncset.done @!p0 $0x0  }
0x9f: {  	s9 =	simm.s32 $0x0;
	[sflag:s8] =	ssyncadd.s32 @!p0 $0xFFFFF800  }
0xa0: {  	[tilespmem:s0], [sflag:$0x2] =	stream.linear.gather [hbm4b:s24+s9], $0x2800, $0x38;
	[tilespmem:$0x1B0C0] =	vst v63  }
0xa1: {  	_ =	swait.ge [sflag:s2], $0x2800  }
0xa2: {  	[sflag:s2] =	ssyncset.done $0x0  }
0xa3: {  	[sflag:s2] =	ssyncadd.s32 $0xFFFFD800  }
0xa4: {  	[bflag:$0x0] =	sbarrier.arrive $0xFFFF  }
0xa5: {  	[spmem:s1] =	stream.indirect.scatter.add.f32 [tilespmem:s5], [sflag:$0x1], $0x80, s0, s3, $0xb8;
	[tilespmem:$0x1B0C0] =	vst v63  }
0xa6: {  	s10 =	simm.s32 $0x17940  }
0xa7: {  	[spmem:s1] =	stream.indirect.scatter.add.f32 [tilespmem:s5], [sflag:$0x1], $0x80, s10, s3, $0xb8;
	[tilespmem:$0x1B0C0] =	vst v63  }
0xa8: {  	s9 =	simm.s32 $0x179C0  }
0xa9: {  	[spmem:s1] =	stream.indirect.scatter.add.f32 [tilespmem:s5], [sflag:$0x1], $0x80, s9, s3, $0xb8;
	[tilespmem:$0x1B0C0] =	vst v63  }
0xaa: {  	s10 =	simm.s32 $0x17A40  }
0xab: {  	[spmem:s1] =	stream.indirect.scatter.add.f32 [tilespmem:s5], [sflag:$0x1], $0x80, s10, s3, $0xb8;
	[tilespmem:$0x1B0C0] =	vst v63  }
0xac: {  	s9 =	simm.s32 $0x17AC0  }
0xad: {  	[spmem:s1] =	stream.indirect.scatter.add.f32 [tilespmem:s5], [sflag:$0x1], $0x80, s9, s3, $0xb8;
	[tilespmem:$0x1B0C0] =	vst v63  }
0xae: {  	s10 =	simm.s32 $0x17B40  }
0xaf: {  	[spmem:s1] =	stream.indirect.scatter.add.f32 [tilespmem:s5], [sflag:$0x1], $0x80, s10, s3, $0xb8;
	[tilespmem:$0x1B0C0] =	vst v63  }
0xb0: {  	s9 =	simm.s32 $0x17BC0  }
0xb1: {  	[spmem:s1] =	stream.indirect.scatter.add.f32 [tilespmem:s5], [sflag:$0x1], $0x80, s9, s3, $0xb8;
	[tilespmem:$0x1B0C0] =	vst v63  }
0xb2: {  	s10 =	simm.s32 $0x17C40  }
0xb3: {  	[spmem:s1] =	stream.indirect.scatter.add.f32 [tilespmem:s5], [sflag:$0x1], $0x80, s10, s3, $0xb8;
	[tilespmem:$0x1B0C0] =	vst v63  }
0xb4: {  	s9 =	simm.s32 $0x17CC0  }
0xb5: {  	[spmem:s1] =	stream.indirect.scatter.add.f32 [tilespmem:s5], [sflag:$0x1], $0x80, s9, s3, $0xb8;
	[tilespmem:$0x1B0C0] =	vst v63  }
0xb6: {  	s10 =	simm.s32 $0x17D40  }
0xb7: {  	[spmem:s1] =	stream.indirect.scatter.add.f32 [tilespmem:s5], [sflag:$0x1], $0x80, s10, s3, $0xb8;
	[tilespmem:$0x1B0C0] =	vst v63  }
0xb8: {  	s9 =	simm.s32 $0x17DC0  }
0xb9: {  	[spmem:s1] =	stream.indirect.scatter.add.f32 [tilespmem:s5], [sflag:$0x1], $0x80, s9, s3, $0xb8;
	[tilespmem:$0x1B0C0] =	vst v63  }
0xba: {  	s10 =	simm.s32 $0x17E40  }
0xbb: {  	[spmem:s1] =	stream.indirect.scatter.add.f32 [tilespmem:s5], [sflag:$0x1], $0x80, s10, s3, $0xb8;
	[tilespmem:$0x1B0C0] =	vst v63  }
0xbc: {  	s9 =	simm.s32 $0x17EC0  }
0xbd: {  	[spmem:s1] =	stream.indirect.scatter.add.f32 [tilespmem:s5], [sflag:$0x1], $0x80, s9, s3, $0xb8;
	[tilespmem:$0x1B0C0] =	vst v63  }
0xbe: {  	s10 =	simm.s32 $0x17F40  }
0xbf: {  	[spmem:s1] =	stream.indirect.scatter.add.f32 [tilespmem:s5], [sflag:$0x1], $0x80, s10, s3, $0xb8;
	[tilespmem:$0x1B0C0] =	vst v63  }
0xc0: {  	s9 =	simm.s32 $0x17FC0  }
0xc1: {  	[spmem:s1] =	stream.indirect.scatter.add.f32 [tilespmem:s5], [sflag:$0x1], $0x80, s9, s3, $0xb8;
	[tilespmem:$0x1B0C0] =	vst v63  }
0xc2: {  	s10 =	simm.s32 $0x18040  }
0xc3: {  	[spmem:s1] =	stream.indirect.scatter.add.f32 [tilespmem:s5], [sflag:$0x1], $0x80, s10, s3, $0xb8;
	[tilespmem:$0x1B0C0] =	vst v63  }
0xc4: {  	s9 =	simm.s32 $0x180C0  }
0xc5: {  	[spmem:s1] =	stream.indirect.scatter.add.f32 [tilespmem:s5], [sflag:$0x1], $0x80, s9, s3, $0xb8;
	[tilespmem:$0x1B0C0] =	vst v63  }
0xc6: {  	s10 =	simm.s32 $0x18140  }
0xc7: {  	[spmem:s1] =	stream.indirect.scatter.add.f32 [tilespmem:s5], [sflag:$0x1], $0x80, s10, s3, $0xb8;
	[tilespmem:$0x1B0C0] =	vst v63  }
0xc8: {  	s9 =	simm.s32 $0x181C0  }
0xc9: {  	[spmem:s1] =	stream.indirect.scatter.add.f32 [tilespmem:s5], [sflag:$0x1], $0x80, s9, s3, $0xb8;
	[tilespmem:$0x1B0C0] =	vst v63  }
0xca: {  	s10 =	simm.s32 $0x18240  }
0xcb: {  	[spmem:s1] =	stream.indirect.scatter.add.f32 [tilespmem:s5], [sflag:$0x1], $0x80, s10, s3, $0xb8;
	[tilespmem:$0x1B0C0] =	vst v63  }
0xcc: {  	s9 =	simm.s32 $0x182C0  }
0xcd: {  	[spmem:s1] =	stream.indirect.scatter.add.f32 [tilespmem:s5], [sflag:$0x1], $0x80, s9, s3, $0xb8;
	[tilespmem:$0x1B0C0] =	vst v63  }
0xce: {  	s10 =	simm.s32 $0x18340  }
0xcf: {  	[spmem:s1] =	stream.indirect.scatter.add.f32 [tilespmem:s5], [sflag:$0x1], $0x80, s10, s3, $0xb8;
	[tilespmem:$0x1B0C0] =	vst v63  }
0xd0: {  	s9 =	simm.s32 $0x183C0  }
0xd1: {  	[spmem:s1] =	stream.indirect.scatter.add.f32 [tilespmem:s5], [sflag:$0x1], $0x80, s9, s3, $0xb8;
	[tilespmem:$0x1B0C0] =	vst v63  }
0xd2: {  	s10 =	simm.s32 $0x18440  }
0xd3: {  	[spmem:s1] =	stream.indirect.scatter.add.f32 [tilespmem:s5], [sflag:$0x1], $0x80, s10, s3, $0xb8;
	[tilespmem:$0x1B0C0] =	vst v63  }
0xd4: {  	s9 =	simm.s32 $0x184C0  }
0xd5: {  	[spmem:s1] =	stream.indirect.scatter.add.f32 [tilespmem:s5], [sflag:$0x1], $0x80, s9, s3, $0xb8;
	[tilespmem:$0x1B0C0] =	vst v63  }
0xd6: {  	s10 =	simm.s32 $0x18540  }
0xd7: {  	[spmem:s1] =	stream.indirect.scatter.add.f32 [tilespmem:s5], [sflag:$0x1], $0x80, s10, s3, $0xb8;
	[tilespmem:$0x1B0C0] =	vst v63  }
0xd8: {  	s9 =	simm.s32 $0x185C0  }
0xd9: {  	[spmem:s1] =	stream.indirect.scatter.add.f32 [tilespmem:s5], [sflag:$0x1], $0x80, s9, s3, $0xb8;
	[tilespmem:$0x1B0C0] =	vst v63  }
0xda: {  	s10 =	simm.s32 $0x18640  }
0xdb: {  	[spmem:s1] =	stream.indirect.scatter.add.f32 [tilespmem:s5], [sflag:$0x1], $0x80, s10, s3, $0xb8;
	[tilespmem:$0x1B0C0] =	vst v63  }
0xdc: {  	s9 =	simm.s32 $0x186C0  }
0xdd: {  	[spmem:s1] =	stream.indirect.scatter.add.f32 [tilespmem:s5], [sflag:$0x1], $0x80, s9, s3, $0xb8;
	[tilespmem:$0x1B0C0] =	vst v63  }
0xde: {  	s10 =	simm.s32 $0x18740  }
0xdf: {  	[spmem:s1] =	stream.indirect.scatter.add.f32 [tilespmem:s5], [sflag:$0x1], $0x80, s10, s3, $0xb8;
	[tilespmem:$0x1B0C0] =	vst v63  }
0xe0: {  	s9 =	simm.s32 $0x187C0  }
0xe1: {  	[spmem:s1] =	stream.indirect.scatter.add.f32 [tilespmem:s5], [sflag:$0x1], $0x80, s9, s3, $0xb8;
	[tilespmem:$0x1B0C0] =	vst v63  }
0xe2: {  	s10 =	simm.s32 $0x18840  }
0xe3: {  	[spmem:s1] =	stream.indirect.scatter.add.f32 [tilespmem:s5], [sflag:$0x1], $0x80, s10, s3, $0xb8;
	[tilespmem:$0x1B0C0] =	vst v63  }
0xe4: {  	s9 =	simm.s32 $0x188C0  }
0xe5: {  	[spmem:s1] =	stream.indirect.scatter.add.f32 [tilespmem:s5], [sflag:$0x1], $0x80, s9, s3, $0xb8;
	[tilespmem:$0x1B0C0] =	vst v63  }
0xe6: {  	s10 =	simm.s32 $0x18940  }
0xe7: {  	[spmem:s1] =	stream.indirect.scatter.add.f32 [tilespmem:s5], [sflag:$0x1], $0x80, s10, s3, $0xb8;
	[tilespmem:$0x1B0C0] =	vst v63  }
0xe8: {  	s9 =	simm.s32 $0x189C0  }
0xe9: {  	[spmem:s1] =	stream.indirect.scatter.add.f32 [tilespmem:s5], [sflag:$0x1], $0x80, s9, s3, $0xb8;
	[tilespmem:$0x1B0C0] =	vst v63  }
0xea: {  	s10 =	simm.s32 $0x18A40  }
0xeb: {  	[spmem:s1] =	stream.indirect.scatter.add.f32 [tilespmem:s5], [sflag:$0x1], $0x80, s10, s3, $0xb8;
	[tilespmem:$0x1B0C0] =	vst v63  }
0xec: {  	s9 =	simm.s32 $0x18AC0  }
0xed: {  	[spmem:s1] =	stream.indirect.scatter.add.f32 [tilespmem:s5], [sflag:$0x1], $0x80, s9, s3, $0xb8;
	[tilespmem:$0x1B0C0] =	vst v63  }
0xee: {  	s10 =	simm.s32 $0x18B40  }
0xef: {  	[spmem:s1] =	stream.indirect.scatter.add.f32 [tilespmem:s5], [sflag:$0x1], $0x80, s10, s3, $0xb8;
	[tilespmem:$0x1B0C0] =	vst v63  }
0xf0: {  	s9 =	simm.s32 $0x18BC0  }
0xf1: {  	[spmem:s1] =	stream.indirect.scatter.add.f32 [tilespmem:s5], [sflag:$0x1], $0x80, s9, s3, $0xb8;
	[tilespmem:$0x1B0C0] =	vst v63  }
0xf2: {  	s10 =	simm.s32 $0x18C40  }
0xf3: {  	[spmem:s1] =	stream.indirect.scatter.add.f32 [tilespmem:s5], [sflag:$0x1], $0x80, s10, s3, $0xb8;
	[tilespmem:$0x1B0C0] =	vst v63  }
0xf4: {  	s9 =	simm.s32 $0x18CC0  }
0xf5: {  	[spmem:s1] =	stream.indirect.scatter.add.f32 [tilespmem:s5], [sflag:$0x1], $0x80, s9, s3, $0xb8;
	[tilespmem:$0x1B0C0] =	vst v63  }
0xf6: {  	s10 =	simm.s32 $0x18D40  }
0xf7: {  	[spmem:s1] =	stream.indirect.scatter.add.f32 [tilespmem:s5], [sflag:$0x1], $0x80, s10, s3, $0xb8;
	[tilespmem:$0x1B0C0] =	vst v63  }
0xf8: {  	s9 =	simm.s32 $0x18DC0  }
0xf9: {  	[spmem:s1] =	stream.indirect.scatter.add.f32 [tilespmem:s5], [sflag:$0x1], $0x80, s9, s3, $0xb8;
	[tilespmem:$0x1B0C0] =	vst v63  }
0xfa: {  	s10 =	simm.s32 $0x18E40  }
0xfb: {  	[spmem:s1] =	stream.indirect.scatter.add.f32 [tilespmem:s5], [sflag:$0x1], $0x80, s10, s3, $0xb8;
	[tilespmem:$0x1B0C0] =	vst v63  }
0xfc: {  	s9 =	simm.s32 $0x18EC0  }
0xfd: {  	[spmem:s1] =	stream.indirect.scatter.add.f32 [tilespmem:s5], [sflag:$0x1], $0x80, s9, s3, $0xb8;
	[tilespmem:$0x1B0C0] =	vst v63  }
0xfe: {  	s10 =	simm.s32 $0x18F40  }
0xff: {  	[spmem:s1] =	stream.indirect.scatter.add.f32 [tilespmem:s5], [sflag:$0x1], $0x80, s10, s3, $0xb8;
	[tilespmem:$0x1B0C0] =	vst v63  }
0x100: {  	s9 =	simm.s32 $0x18FC0  }
0x101: {  	[spmem:s1] =	stream.indirect.scatter.add.f32 [tilespmem:s5], [sflag:$0x1], $0x80, s9, s3, $0xb8;
	[tilespmem:$0x1B0C0] =	vst v63  }
0x102: {  	s10 =	simm.s32 $0x19040  }
0x103: {  	[spmem:s1] =	stream.indirect.scatter.add.f32 [tilespmem:s5], [sflag:$0x1], $0x80, s10, s3, $0xb8;
	[tilespmem:$0x1B0C0] =	vst v63  }
0x104: {  	s9 =	simm.s32 $0x190C0  }
0x105: {  	[spmem:s1] =	stream.indirect.scatter.add.f32 [tilespmem:s5], [sflag:$0x1], $0x80, s9, s3, $0xb8;
	[tilespmem:$0x1B0C0] =	vst v63  }
0x106: {  	s10 =	simm.s32 $0x19140  }
0x107: {  	[spmem:s1] =	stream.indirect.scatter.add.f32 [tilespmem:s5], [sflag:$0x1], $0x80, s10, s3, $0xb8;
	[tilespmem:$0x1B0C0] =	vst v63  }
0x108: {  	s9 =	simm.s32 $0x191C0  }
0x109: {  	[spmem:s1] =	stream.indirect.scatter.add.f32 [tilespmem:s5], [sflag:$0x1], $0x80, s9, s3, $0xb8;
	[tilespmem:$0x1B0C0] =	vst v63  }
0x10a: {  	s10 =	simm.s32 $0x19240  }
0x10b: {  	[spmem:s1] =	stream.indirect.scatter.add.f32 [tilespmem:s5], [sflag:$0x1], $0x80, s10, s3, $0xb8;
	[tilespmem:$0x1B0C0] =	vst v63  }
0x10c: {  	s9 =	simm.s32 $0x192C0  }
0x10d: {  	[spmem:s1] =	stream.indirect.scatter.add.f32 [tilespmem:s5], [sflag:$0x1], $0x80, s9, s3, $0xb8;
	[tilespmem:$0x1B0C0] =	vst v63  }
0x10e: {  	s10 =	simm.s32 $0x19340  }
0x10f: {  	[spmem:s1] =	stream.indirect.scatter.add.f32 [tilespmem:s5], [sflag:$0x1], $0x80, s10, s3, $0xb8;
	[tilespmem:$0x1B0C0] =	vst v63  }
0x110: {  	s9 =	simm.s32 $0x193C0  }
0x111: {  	[spmem:s1] =	stream.indirect.scatter.add.f32 [tilespmem:s5], [sflag:$0x1], $0x80, s9, s3, $0xb8;
	[tilespmem:$0x1B0C0] =	vst v63  }
0x112: {  	s10 =	simm.s32 $0x19440  }
0x113: {  	[spmem:s1] =	stream.indirect.scatter.add.f32 [tilespmem:s5], [sflag:$0x1], $0x80, s10, s3, $0xb8;
	[tilespmem:$0x1B0C0] =	vst v63  }
0x114: {  	s9 =	simm.s32 $0x194C0  }
0x115: {  	[spmem:s1] =	stream.indirect.scatter.add.f32 [tilespmem:s5], [sflag:$0x1], $0x80, s9, s3, $0xb8;
	[tilespmem:$0x1B0C0] =	vst v63  }
0x116: {  	s10 =	simm.s32 $0x19540  }
0x117: {  	[spmem:s1] =	stream.indirect.scatter.add.f32 [tilespmem:s5], [sflag:$0x1], $0x80, s10, s3, $0xb8;
	[tilespmem:$0x1B0C0] =	vst v63  }
0x118: {  	s9 =	simm.s32 $0x195C0  }
0x119: {  	[spmem:s1] =	stream.indirect.scatter.add.f32 [tilespmem:s5], [sflag:$0x1], $0x80, s9, s3, $0xb8;
	[tilespmem:$0x1B0C0] =	vst v63  }
0x11a: {  	s10 =	simm.s32 $0x19640  }
0x11b: {  	[spmem:s1] =	stream.indirect.scatter.add.f32 [tilespmem:s5], [sflag:$0x1], $0x80, s10, s3, $0xb8;
	[tilespmem:$0x1B0C0] =	vst v63  }
0x11c: {  	s9 =	simm.s32 $0x196C0  }
0x11d: {  	[spmem:s1] =	stream.indirect.scatter.add.f32 [tilespmem:s5], [sflag:$0x1], $0x80, s9, s3, $0xb8;
	[tilespmem:$0x1B0C0] =	vst v63  }
0x11e: {  	s10 =	simm.s32 $0x19740  }
0x11f: {  	[spmem:s1] =	stream.indirect.scatter.add.f32 [tilespmem:s5], [sflag:$0x1], $0x80, s10, s3, $0xb8;
	[tilespmem:$0x1B0C0] =	vst v63  }
0x120: {  	s9 =	simm.s32 $0x197C0  }
0x121: {  	[spmem:s1] =	stream.indirect.scatter.add.f32 [tilespmem:s5], [sflag:$0x1], $0x80, s9, s3, $0xb8;
	[tilespmem:$0x1B0C0] =	vst v63  }
0x122: {  	s10 =	simm.s32 $0x19840  }
0x123: {  	[spmem:s1] =	stream.indirect.scatter.add.f32 [tilespmem:s5], [sflag:$0x1], $0x80, s10, s3, $0xb8;
	[tilespmem:$0x1B0C0] =	vst v63  }
0x124: {  	s9 =	simm.s32 $0x198C0  }
0x125: {  	[spmem:s1] =	stream.indirect.scatter.add.f32 [tilespmem:s5], [sflag:$0x1], $0x80, s9, s3, $0xb8;
	[tilespmem:$0x1B0C0] =	vst v63  }
0x126: {  	s10 =	simm.s32 $0x19940  }
0x127: {  	[spmem:s1] =	stream.indirect.scatter.add.f32 [tilespmem:s5], [sflag:$0x1], $0x80, s10, s3, $0xb8;
	[tilespmem:$0x1B0C0] =	vst v63  }
0x128: {  	s9 =	simm.s32 $0x199C0  }
0x129: {  	[spmem:s1] =	stream.indirect.scatter.add.f32 [tilespmem:s5], [sflag:$0x1], $0x80, s9, s3, $0xb8;
	[tilespmem:$0x1B0C0] =	vst v63  }
0x12a: {  	s10 =	simm.s32 $0x19A40  }
0x12b: {  	[spmem:s1] =	stream.indirect.scatter.add.f32 [tilespmem:s5], [sflag:$0x1], $0x80, s10, s3, $0xb8;
	[tilespmem:$0x1B0C0] =	vst v63  }
0x12c: {  	s9 =	simm.s32 $0x19AC0  }
0x12d: {  	[spmem:s1] =	stream.indirect.scatter.add.f32 [tilespmem:s5], [sflag:$0x1], $0x80, s9, s3, $0xb8;
	[tilespmem:$0x1B0C0] =	vst v63  }
0x12e: {  	s10 =	simm.s32 $0x19B40  }
0x12f: {  	[spmem:s1] =	stream.indirect.scatter.add.f32 [tilespmem:s5], [sflag:$0x1], $0x80, s10, s3, $0xb8;
	[tilespmem:$0x1B0C0] =	vst v63  }
0x130: {  	s9 =	simm.s32 $0x19BC0  }
0x131: {  	[spmem:s1] =	stream.indirect.scatter.add.f32 [tilespmem:s5], [sflag:$0x1], $0x80, s9, s3, $0xb8;
	[tilespmem:$0x1B0C0] =	vst v63  }
0x132: {  	s10 =	simm.s32 $0x19C40  }
0x133: {  	[spmem:s1] =	stream.indirect.scatter.add.f32 [tilespmem:s5], [sflag:$0x1], $0x80, s10, s3, $0xb8;
	[tilespmem:$0x1B0C0] =	vst v63  }
0x134: {  	s9 =	simm.s32 $0x19CC0  }
0x135: {  	[spmem:s1] =	stream.indirect.scatter.add.f32 [tilespmem:s5], [sflag:$0x1], $0x80, s9, s3, $0xb8;
	[tilespmem:$0x1B0C0] =	vst v63  }
0x136: {  	s10 =	simm.s32 $0x19D40  }
0x137: {  	[spmem:s1] =	stream.indirect.scatter.add.f32 [tilespmem:s5], [sflag:$0x1], $0x80, s10, s3, $0xb8;
	[tilespmem:$0x1B0C0] =	vst v63  }
0x138: {  	s9 =	simm.s32 $0x19DC0  }
0x139: {  	[spmem:s1] =	stream.indirect.scatter.add.f32 [tilespmem:s5], [sflag:$0x1], $0x80, s9, s3, $0xb8;
	[tilespmem:$0x1B0C0] =	vst v63  }
0x13a: {  	s10 =	simm.s32 $0x19E40  }
0x13b: {  	[spmem:s1] =	stream.indirect.scatter.add.f32 [tilespmem:s5], [sflag:$0x1], $0x80, s10, s3, $0xb8;
	[tilespmem:$0x1B0C0] =	vst v63  }
0x13c: {  	s9 =	simm.s32 $0x19EC0  }
0x13d: {  	[spmem:s1] =	stream.indirect.scatter.add.f32 [tilespmem:s5], [sflag:$0x1], $0x80, s9, s3, $0xb8;
	[tilespmem:$0x1B0C0] =	vst v63  }
0x13e: {  	s10 =	simm.s32 $0x19F40  }
0x13f: {  	[spmem:s1] =	stream.indirect.scatter.add.f32 [tilespmem:s5], [sflag:$0x1], $0x80, s10, s3, $0xb8;
	[tilespmem:$0x1B0C0] =	vst v63  }
0x140: {  	s9 =	simm.s32 $0x19FC0  }
0x141: {  	[spmem:s1] =	stream.indirect.scatter.add.f32 [tilespmem:s5], [sflag:$0x1], $0x80, s9, s3, $0xb8;
	[tilespmem:$0x1B0C0] =	vst v63  }
0x142: {  	s10 =	simm.s32 $0x1A040  }
0x143: {  	[spmem:s1] =	stream.indirect.scatter.add.f32 [tilespmem:s5], [sflag:$0x1], $0x80, s10, s3, $0xb8;
	[tilespmem:$0x1B0C0] =	vst v63  }
0x144: {  	_ =	swait.ge [sflag:s31], $0x4000  }
0x145: {  	[sflag:s31] =	ssyncset.done $0x0  }
0x146: {  	[sflag:s31] =	ssyncadd.s32 $0xFFFFC000  }
0x147: {  	_ =	swait.ge [sflag:s31], $0x4000  }
0x148: {  	[sflag:s31] =	ssyncset.done $0x0  }
0x149: {  	[sflag:s31] =	ssyncadd.s32 $0xFFFFC000  }
0x14a: {  	_ =	swait.ge [sflag:s31], $0x4000  }
0x14b: {  	[sflag:s31] =	ssyncset.done $0x0  }
0x14c: {  	[sflag:s31] =	ssyncadd.s32 $0xFFFFC000  }
0x14d: {  	_ =	swait.ge [sflag:s31], $0x4000  }
0x14e: {  	[sflag:s31] =	ssyncset.done $0x0  }
0x14f: {  	[sflag:s31] =	ssyncadd.s32 $0xFFFFC000  }
0x150: {  	_ =	swait.ge [sflag:s31], $0x4000  }
0x151: {  	[sflag:s31] =	ssyncset.done $0x0  }
0x152: {  	[sflag:s31] =	ssyncadd.s32 $0xFFFFC000  }
0x153: {  	_ =	swait.ge [sflag:s31], $0x4000  }
0x154: {  	[sflag:s31] =	ssyncset.done $0x0  }
0x155: {  	[sflag:s31] =	ssyncadd.s32 $0xFFFFC000  }
0x156: {  	_ =	swait.ge [sflag:s31], $0x4000  }
0x157: {  	[sflag:s31] =	ssyncset.done $0x0  }
0x158: {  	[sflag:s31] =	ssyncadd.s32 $0xFFFFC000  }
0x159: {  	_ =	swait.ge [sflag:s31], $0x4000  }
0x15a: {  	s8 =	simm.s32 $0x9;
	[sflag:s31] =	ssyncset.done $0x0  }
.LBB2_6:
0x15b: {  	p1 =	sne.s32 s8, $0x1;
	s8 =	sadd.s32 $0xFFFFFFFF, s8;
	[sflag:s31] =	ssyncadd.s32 $0xFFFFC000  }
0x15c: {  	_ =	swait.ge [sflag:s31], $0x4000  }
0x15d: {  	[sflag:s31] =	ssyncset.done $0x0  }
0x15e: {  	[sflag:s31] =	ssyncadd.s32 $0xFFFFC000  }
0x15f: {  	_ =	swait.ge [sflag:s31], $0x4000  }
0x160: {  	[sflag:s31] =	ssyncset.done $0x0  }
0x161: {  	[sflag:s31] =	ssyncadd.s32 $0xFFFFC000  }
0x162: {  	_ =	swait.ge [sflag:s31], $0x4000  }
0x163: {  	[sflag:s31] =	ssyncset.done $0x0  }
0x164: {  	[sflag:s31] =	ssyncadd.s32 $0xFFFFC000  }
0x165: {  	_ =	swait.ge [sflag:s31], $0x4000  }
0x166: {  	[sflag:s31] =	ssyncset.done $0x0  }
0x167: {  	[sflag:s31] =	ssyncadd.s32 $0xFFFFC000  }
0x168: {  	_ =	swait.ge [sflag:s31], $0x4000  }
0x169: {  	[sflag:s31] =	ssyncset.done $0x0  }
0x16a: {  	[sflag:s31] =	ssyncadd.s32 $0xFFFFC000  }
0x16b: {  	_ =	swait.ge [sflag:s31], $0x4000  }
0x16c: {  	[sflag:s31] =	ssyncset.done $0x0  }
0x16d: {  	[sflag:s31] =	ssyncadd.s32 $0xFFFFC000  }
.Ltmp2:
0x16e: {  	_ =	swait.ge [sflag:s31], $0x4000;
	(pc) =	sbr.rel @p1 .LBB2_6-.Ltmp2, $4  }
0x16f: {  	[sflag:s31] =	ssyncset.done $0x0  }
0x170: {  	[sflag:s31] =	ssyncadd.s32 $0xFFFFC000  }
0x171: {  	_ =	swait.ge [sflag:s31], $0x4000  }
0x172: {  	[sflag:s31] =	ssyncset.done $0x0  }
0x173: {  	[sflag:s31] =	ssyncadd.s32 $0xFFFFC000;
	s8 =	stileid.u32  }
0x174: {  	s8 =	sshll.u32 s8, $0x6;
	[bflag:$0x0] =	sbarrier.arrive $0xFFFF  }
0x175: {  	s9 =	sshrl.u32 s4, $0x3;
	s8 =	sor.u32 $0x1C02, s8;
	s10 =	rddreg [dreg:$0x4]  }
0x176: {  	[hbm:s10], [sflag:s8] =	dma.local [spmem:s9], $0x2700  }
0x177: {  	_ =	swait.ge [sflag:s2], $0x2700  }
0x178: {  	[sflag:s2] =	ssyncset.done $0x0  }
0x179: {  	s9 =	sshrl.u32 @!p0 s6, $0x3;
	s10 =	rddreg [dreg:$0x5];
	[sflag:s2] =	ssyncadd.s32 $0xFFFFD900  }
0x17a: {  	[hbm:s10], [sflag:s8] =	dma.local @!p0 [spmem:s9], $0x100  }
0x17b: {  	s8 =	simm.s32 @!p0 $0x2  }
0x17c: {  	_ =	swait.ge @!p0 [sflag:s8], $0x100  }
0x17d: {  	s7 =	sadd.s32 $0x1, s7;
	s10 =	rddreg [dreg:$0x6]  }
0x17e: {  	p1 =	sne.s32 s7, s10  }
.Ltmp3:
0x17f: {  	_ = 	snop;
	(pc) =	sbr.rel @p1 .LBB2_1-.Ltmp3, $3  }
0x180: {  	_ =	sdelay $0x1  }
0x181: {  	[sflag:s8] =	ssyncset.done @!p0 $0x0  }
0x182: {  	[sflag:s8] =	ssyncadd.s32 @!p0 $0xFFFFFF00  }
0x183: {  	_ =	sfence.sel $0x180000  }
0x184: {  	[bflag:$0x0] =	sbarrier.arrive $0xFFFF  }
0x185: {  	_ =	strace $0x9000004A  }
0x186: {  	[bflag:$0x2] =	sbarrier.arrive $0xFFFF  }
0x187: {  	s0 =	rddreg [dreg:$0x2]  }
0x188: {  	s0 =	sadd.s32 @!p0 $0x100000, s0  }
0x189: {  	[sflag:s0] =	ssyncadd.tile.s32 @!p0 $0x1;
	_ =	shalt  }
.Lfunc_end2:
_tile_overlayer_lowered:
.L_overlay_start_2:
0x18a: {  	(tag) =	ssettag $0x2  }
0x18b: {  	s0 =	rddreg [dreg:$0x0];
	s2 =	stileid.u32  }
0x18c: {  	s1 =	rddreg [dreg:$0x1];
	p0 =	sne.s32 s2, $0x0  }
0x18d: {  	s3 =	rddreg [dreg:$0x2];
	[bflag:$0x3] =	sbarrier.arrive $0xFFFF;
	s2 =	simm.s32 @!p0 $0x1C02  }
0x18e: {  	[timem:s3], [sflag:s2] =	dma.local @!p0 [hbm:s0], s1  }
0x18f: {  	s0 =	simm.s32 @!p0 $0x2  }
0x190: {  	_ =	swait.ge @!p0 [sflag:s0], s1  }
0x191: {  	s1 =	ssub.s32 @!p0 $0x0, s1;
	[sflag:s0] =	ssyncset.done @!p0 $0x0  }
0x192: {  	[sflag:s0] =	ssyncadd.s32 @!p0 s1  }
0x193: {  	[bflag:$0x3] =	sbarrier.arrive $0xFFFF  }
0x194: {  	_ =	shalt  }

// kernel: kernel.9.cloned.1.call-start
scs
__scs_entry_jumppad:
0x0: {  	(pc) =	sbr.rel $0x88, $3  }
0x1: {  	(tag) =	ssettag $0x0;
	lr =	simm.s32 $0x1  }
0x2: {  	[smem:$0x3F98] =	sst lr;
	_ =	strace $0xD0000000  }
0x3: {  	_ = 	snop  }
0x4: {  	_ = 	snop  }
0x5: {  	_ = 	snop  }
0x6: {  	_ = 	snop  }
0x7: {  	_ = 	snop  }
__scs_overlays_trampoline_lowered:
0x8: {  	[smem:$0x3FA7] =	sst s0  }
0x9: {  	[smem:$0x3FA8] =	sst s1  }
0xa: {  	[smem:$0x3FA9] =	sst s2  }
0xb: {  	[smem:$0x3FAA] =	sst s3  }
0xc: {  	[smem:$0x3FAB] =	sst s4  }
0xd: {  	[smem:$0x3FAC] =	sst s5  }
0xe: {  	[smem:$0x3FAD] =	sst s6  }
0xf: {  	[smem:$0x3FAE] =	sst s7  }
0x10: {  	[smem:$0x3FAF] =	sst s8  }
0x11: {  	[smem:$0x3FB0] =	sst s9;
	s0 =	simm.s32 @!p0 $0x0  }
0x12: {  	s1 =	sld [smem:$0x3F96];
	s0 =	simm.s32 @p0 $0x1  }
0x13: {  	[smem:$0x3FB1] =	sst s0;
	s0 =	simm.s32 @!p1 $0x0  }
0x14: {  	s2 =	sld [smem:$0x3F95];
	s0 =	simm.s32 @p1 $0x1  }
0x15: {  	[smem:$0x3FB2] =	sst s0;
	s0 =	simm.s32 @!p2 $0x0  }
0x16: {  	s3 =	sld [smem:$0x3FDB];
	s0 =	simm.s32 @p2 $0x1  }
0x17: {  	s4 =	simm.s32 $0x1BF5;
	[smem:$0x3FB4] =	sst s0  }
0x18: {  	s0 =	sld [smem:$0x3F97];
	_ =	swait.ge [sflag:s4], $0x0  }
0x19: {  	s7 =	sld [smem:$0x3F98]  }
0x1a: {  	s8 =	sadd.s32 $0xFFFFE003, lr  }
0x1b: {  	s9 =	sadd.s32 $0xFFFFFEF7, lr;
	s5 =	simm.s32 $0xFFFFFFFF;
	p2 =	slt.u32 s8, $0xFFFFF086  }
0x1c: {  	p1 =	slt.u32 s9, $0xF7A;
	s5 =	simm.s32 @!p2 $0x0  }
0x1d: {  	s5 =	simm.s32 @p1 $0x1;
	p0 =	seq.s32 s7, s2  }
0x1e: {  	s7 =	smul.u32 @!p0 $0xF7A, s2;
	p2 =	seq.s32 @!p0 s5, $0x0  }
0x1f: {  	s9 =	smul.u32 $0xF7A, s1;
	s8 =	simm.s32 @!p0 $0x1BF5;
	p2 =	por !p2, p0  }
0x20: {  	[sflag:s8] =	ssyncset.s32 @!p0 $0xFFFFF086;
	s6 =	sadd.s32 @!p0 s3, s7;
	s7 =	simm.s32 @!p0 $0x108  }
0x21: {  	s3 =	sadd.s32 s3, s9;
	s6 =	sadd.s32 @!p0 $0x88, s6;
	s7 =	simm.s32 @p2 $0x1082  }
0x22: {  	[simem:s7], [sflag:s8] =	dma.local @!p0 [hbm:s6], $0xF7A  }
0x23: {  	s9 =	sor.u32 $0xD0000000, s2;
	s6 =	simm.s32 $0x108;
	_ =	swait.ge @!p0 [sflag:s8], $0x0  }
0x24: {  	s3 =	sadd.s32 $0x88, s3;
	s6 =	simm.s32 @!p1 $0x1082;
	[sflag:s4] =	ssyncset.s32 $0xFFFFF086  }
0x25: {  	[simem:s6], [sflag:s4] =	dma.local [hbm:s3], $0xF7A  }
0x26: {  	[smem:$0x3F98] =	sst s1;
	(tag) =	ssettag s2;
	_ =	strace s9  }
0x27: {  	s1 =	sld [smem:$0x3FA8]  }
0x28: {  	s2 =	sld [smem:$0x3FA9]  }
0x29: {  	s4 =	sld [smem:$0x3FAB]  }
0x2a: {  	p0 =	seq.s32 s5, $0x0;
	s5 =	sld [smem:$0x3FAC]  }
0x2b: {  	s6 =	sld [smem:$0x3FAD]  }
0x2c: {  	s7 =	sld [smem:$0x3FAE]  }
0x2d: {  	s3 =	simm.s32 $0x108;
	s8 =	sld [smem:$0x3FAF]  }
0x2e: {  	s3 =	simm.s32 @!p0 $0x1082;
	s9 =	sld [smem:$0x3FB0]  }
0x2f: {  	lr =	sadd.s32 s0, s3;
	s0 =	sld [smem:$0x3FA7]  }
0x30: {  	s3 =	sld [smem:$0x3FAA]  }
0x31: {  	[smem:$0x3FB3] =	sst s10  }
0x32: {  	s10 =	sld [smem:$0x3FB1];
	_ =	sdelay $0x3  }
0x33: {  	p0 =	seq.s32 s10, $0x1;
	s10 =	sld [smem:$0x3FB3];
	_ =	sdelay $0x3  }
0x34: {  	[smem:$0x3FB3] =	sst s10  }
0x35: {  	s10 =	sld [smem:$0x3FB2];
	_ =	sdelay $0x3  }
0x36: {  	p1 =	seq.s32 s10, $0x1;
	s10 =	sld [smem:$0x3FB3];
	_ =	sdelay $0x3  }
0x37: {  	[smem:$0x3FB3] =	sst s10  }
0x38: {  	s10 =	sld [smem:$0x3FB4]  }
0x39: {  	_ = 	snop;
	(pc) =	sbr.ind lr, $3  }
0x3a: {  	_ = 	snop  }
0x3b: {  	_ = 	snop  }
0x3c: {  	p2 =	seq.s32 s10, $0x1;
	s10 =	sld [smem:$0x3FB3]  }
0x3d: {  	_ =	shalt  }
0x3e: {  	_ =	shalt  }
0x3f: {  	_ =	shalt  }
0x40: {  	_ =	shalt  }
0x41: {  	_ =	shalt  }
0x42: {  	_ =	shalt  }
0x43: {  	_ =	shalt  }
0x44: {  	_ =	shalt  }
0x45: {  	_ =	shalt  }
0x46: {  	_ =	shalt  }
0x47: {  	_ =	shalt  }
0x48: {  	_ =	shalt  }
0x49: {  	_ =	shalt  }
0x4a: {  	_ =	shalt  }
0x4b: {  	_ =	shalt  }
0x4c: {  	_ =	shalt  }
0x4d: {  	_ =	shalt  }
0x4e: {  	_ =	shalt  }
0x4f: {  	_ =	shalt  }
0x50: {  	_ =	shalt  }
0x51: {  	_ =	shalt  }
0x52: {  	_ =	shalt  }
0x53: {  	_ =	shalt  }
0x54: {  	_ =	shalt  }
0x55: {  	_ =	shalt  }
0x56: {  	_ =	shalt  }
0x57: {  	_ =	shalt  }
0x58: {  	_ =	shalt  }
0x59: {  	_ =	shalt  }
0x5a: {  	_ =	shalt  }
0x5b: {  	_ =	shalt  }
0x5c: {  	_ =	shalt  }
0x5d: {  	_ =	shalt  }
0x5e: {  	_ =	shalt  }
0x5f: {  	_ =	shalt  }
0x60: {  	_ =	shalt  }
0x61: {  	_ =	shalt  }
0x62: {  	_ =	shalt  }
0x63: {  	_ =	shalt  }
0x64: {  	_ =	shalt  }
0x65: {  	_ =	shalt  }
0x66: {  	_ =	shalt  }
0x67: {  	_ =	shalt  }
0x68: {  	_ =	shalt  }
0x69: {  	_ =	shalt  }
0x6a: {  	_ =	shalt  }
0x6b: {  	_ =	shalt  }
0x6c: {  	_ =	shalt  }
0x6d: {  	_ =	shalt  }
0x6e: {  	_ =	shalt  }
0x6f: {  	_ =	shalt  }
0x70: {  	_ =	shalt  }
0x71: {  	_ =	shalt  }
0x72: {  	_ =	shalt  }
0x73: {  	_ =	shalt  }
0x74: {  	_ =	shalt  }
0x75: {  	_ =	shalt  }
0x76: {  	_ =	shalt  }
0x77: {  	_ =	shalt  }
0x78: {  	_ =	shalt  }
0x79: {  	_ =	shalt  }
0x7a: {  	_ =	shalt  }
0x7b: {  	_ =	shalt  }
0x7c: {  	_ =	shalt  }
0x7d: {  	_ =	shalt  }
0x7e: {  	_ =	shalt  }
0x7f: {  	_ =	shalt  }
0x80: {  	_ =	shalt  }
0x81: {  	_ =	shalt  }
0x82: {  	_ =	shalt  }
0x83: {  	_ =	shalt  }
0x84: {  	_ =	shalt  }
0x85: {  	_ =	shalt  }
0x86: {  	_ =	shalt  }
0x87: {  	_ =	shalt  }
.Lfunc_end0:
.L_simem_size_0:
called_computation.1_lowered:
.L_overlay_start_0:
0x88: {  	s2 =	sld [smem:$0x3FD9]  }
0x89: {  	s3 =	sld [smem:$0x3FFE];
	_ =	sdelay $0x1  }
0x8a: {  	s1 =	srdreg.scid  }
0x8b: {  	s0 =	sand.u32 $0x1, s1  }
0x8c: {  	s17 =	sshll.u32 s0, $0xA;
	s2 =	sadd.s32 s3, s2  }
0x8d: {  	s2 =	sadd.s32 s2, s17  }
0x8e: {  	[smem:$0x3FBF] =	sst s2  }
0x8f: {  	_ = 	snop  }
0x90: {  	s2 =	sld [smem:$0x3FD0];
	(tm) =	ssettm $0x1  }
0x91: {  	s18 =	sld [smem:$0x3FFB];
	_ =	sdelay $0x3  }
0x92: {  	_ =	strace s18  }
0x93: {  	s3 =	sld [smem:$0x3FFC];
	_ =	sdelay $0x3  }
0x94: {  	_ =	strace s3  }
0x95: {  	s3 =	sld [smem:$0x3FFD];
	_ =	sdelay $0x3  }
0x96: {  	_ =	strace s3  }
0x97: {  	_ =	strace $0x8FFFFFFF  }
0x98: {  	s19 =	sld [smem:$0x3FDB];
	_ =	sdelay $0x1  }
0x99: {  	s4 =	simm.s32 $_scs_section_size  }
0x9a: {  	s5 =	simm.s32 $_size__tile_overlayer_lowered;
	s6 =	simm.s32 $_tile_overlayer_lowered  }
0x9b: {  	s22 =	simm.s32 $0x1BFF;
	s21 =	sshll.u32 s6, $0x1;
	s3 =	sadd.s32 s4, s19  }
0x9c: {  	s7 =	simm.s32 $0x0;
	s20 =	sshll.u32 s5, $0x1;
	s5 =	sadd.s32 s21, s3  }
0x9d: {  	[timem:s7], [sflag:s22] =	dma.local [hbm:s5], s20  }
0x9e: {  	_ =	swait.ge [sflag:s22], s20  }
0x9f: {  	s4 =	ssub.s32 $0x0, s20;
	[sflag:s22] =	ssyncset.done $0x0  }
0xa0: {  	[sflag:s22] =	ssyncadd.s32 s4;
	_ =	sdelay $0x1  }
0xa1: {  	s23 =	simm.s32 $0x1B8B  }
0xa2: {  	_ =	swait.ge [sflag:s23], $0x1  }
0xa3: {  	[sflag:s23] =	ssyncset.done $0x0  }
0xa4: {  	s25 =	simm.s32 $0x1B8E;
	s24 =	sld [smem:$0x3FFE];
	[sflag:s23] =	ssyncadd.s32 $0xFFFFFFFF  }
0xa5: {  	s26 =	simm.s32 $execute0_lowered;
	[smem:$0x3FD2] =	sst s25  }
0xa6: {  	s5 =	sshll.u32 s26, $0x1;
	_ =	strace $0x80000046;
	[dreg:$0x1] =	wrdreg $0xFFFFFFFF  }
0xa7: {  	s28 =	simm.s32 $_size_execute0_lowered;
	s3 =	sadd.s32 s3, s5;
	[dreg:$0x0] =	wrdreg $0x0  }
0xa8: {  	s5 =	sshll.u32 s28, $0x1;
	[dreg:$0x2] =	wrdreg s3  }
0xa9: {  	[dreg:$0x3] =	wrdreg s5  }
0xaa: {  	[dreg:$0x4] =	wrdreg $0xC0  }
0xab: {  	_ =	task [dreg:s7], $0x5FFFF  }
0xac: {  	[dreg:$0x1] =	wrdreg $0xFFFFFFFF  }
0xad: {  	[dreg:$0x0] =	wrdreg $0x60  }
0xae: {  	[dreg:$0x2] =	wrdreg s24  }
0xaf: {  	[dreg:$0x3] =	wrdreg s2  }
0xb0: {  	[dreg:$0x4] =	wrdreg $0x0  }
0xb1: {  	[dreg:$0x5] =	wrdreg $0xA  }
0xb2: {  	_ =	task.clear_ibuf [dreg:s7], $0x6FFFF;
	_ =	strace $0x90000046  }
0xb3: {  	s29 =	simm.s32 $0xA;
	_ =	strace $0x80000048  }
0xb4: {  	_ =	swait.ge [sflag:s29], $0x1  }
0xb5: {  	[sflag:s29] =	ssyncadd.s32 $0xFFFFFFFF  }
0xb6: {  	_ =	strace $0x90000048  }
0xb7: {  	_ =	sfence  }
0xb8: {  	s30 =	sld [smem:$0x0];
	_ =	sdelay $0x2  }
0xb9: {  	s31 =	sshll.u32 s1, $0xD;
	s1 =	sshrl.u32 s1, $0x2  }
0xba: {  	s3 =	sand.u32 $0x4000, s31;
	s1 =	sadd.s32 s1, s30  }
0xbb: {  	s0 =	sor.u32 s3, s0;
	s1 =	sshll.u32 s1, $0x11  }
0xbc: {  	s0 =	sor.u32 s1, s0  }
0xbd: {  	s0 =	sadd.s32 $0x8F2B, s0  }
0xbe: {  	[sflag:s0] =	ssyncadd.remote.s32 $0x1  }
0xbf: {  	_ =	sfence.sel $0xFFFF  }
0xc0: {  	[dreg:$0x0] =	wrdreg $0xFFFFFFFF;
	(pc) =	sbr.abs _section_cstart, $3  }
0xc1: {  	[dreg:$0x1] =	wrdreg $0xFFFFFFFF  }
0xc2: {  	_ =	task.clear_ibuf [dreg:s7], $0x2FFFF;
	_ =	strace $0x9FFFFFFF  }
0xc3: {  	(tm) =	ssettm $0x7FFFFFFF  }
tec
execute0_lowered:
.L_overlay_start_1:
0x0: {  	(tag) =	ssettag $0x1  }
0x1: {  	s0 =	rddreg [dreg:$0x0]  }
0x2: {  	s1 =	rddreg [dreg:$0x1]  }
0x3: {  	s2 =	rddreg [dreg:$0x2]  }
0x4: {  	s3 =	simm.s32 $0x0;
	s17 =	stileid.u32;
	s6 =	srdreg.scid  }
0x5: {  	s30 =	simm.s32 $0x16040;
	[smem:$0x7FF] =	sst s3;
	s4 =	sadd.s32 $0x15400, s0  }
0x6: {  	s5 =	sadd.s32 $0x1400, s0;
	s7 =	sadd.s32 $0x6400, s0;
	s9 =	sadd.s32 $0xB400, s0  }
0x7: {  	s10 =	sadd.s32 $0x10400, s0;
	s8 =	smul.u32 $0x4E000, s17;
	s11 =	sadd.s32 $0x63600, s0  }
0x8: {  	s0 =	sadd.s32 $0xB1800, s0;
	s12 =	sand.u32 $0x1, s6;
	s14 =	smul.u32 $0x2800, s17  }
0x9: {  	s15 =	smul.u32 $0x270, s17;
	p0 =	sne.s32 s17, $0x0;
	s17 =	simm.s32 $0x1  }
0xa: {  	_ =	strace $0x80000047;
	s13 =	ssub.s32 $0x2, s12;
	s22 =	smul.u32 $0x2710, s12  }
0xb: {  	s12 =	smul.u32 $0x138800, s12;
	s20 =	sshrl.u32 s8, $0x2;
	s14 =	sshrl.u32 s14, $0x3  }
0xc: {  	s21 =	sshrl.u32 s13, $0x1;
	s8 =	sadd.s32 $0x138000, s2;
	s16 =	sadd.s32 s5, s14  }
0xd: {  	s23 =	sadd.s32 s10, s14;
	s24 =	sadd.s32 $0x280, s14;
	[dreg:$0x4] =	wrdreg s16  }
0xe: {  	s25 =	sadd.s32 s15, s22;
	s15 =	sadd.s32 s7, s14;
	[dreg:$0x5] =	wrdreg s23  }
0xf: {  	s6 =	sadd.s32 s20, s2;
	s5 =	sadd.s32 s5, s24;
	[dreg:$0xb] =	wrdreg s15  }
0x10: {  	s12 =	sshrl.u32 s12, $0x3;
	s10 =	sadd.s32 s10, s24;
	[dreg:$0x6] =	wrdreg s5  }
0x11: {  	s26 =	sadd.s32 $0x27000, s12;
	s12 =	sadd.s32 s9, s14;
	[dreg:$0x7] =	wrdreg s10  }
0x12: {  	s13 =	ssub.s32 s13, s21;
	s9 =	sadd.s32 s9, s24;
	[dreg:$0xa] =	wrdreg s12  }
0x13: {  	s28 =	sadd.s32 $0x13000, s6;
	s7 =	sadd.s32 s7, s24;
	[dreg:$0xc] =	wrdreg s9  }
0x14: {  	s18 =	smax.u32 s13, $0x1;
	s19 =	sadd.s32 $0x1000, s6;
	[dreg:$0xd] =	wrdreg s7  }
0x15: {  	s20 =	sadd.s32 $0x2000, s6;
	s21 =	sadd.s32 $0x3000, s6;
	[dreg:$0x10] =	wrdreg s18  }
0x16: {  	s23 =	sadd.s32 $0x4000, s6;
	s24 =	sadd.s32 $0x5000, s6;
	[dreg:$0x11] =	wrdreg s19  }
0x17: {  	s31 =	sadd.s32 $0x9000, s6;
	s13 =	sadd.s32 $0x10000, s6;
	[dreg:$0x12] =	wrdreg s20  }
0x18: {  	s14 =	sadd.s32 $0x11000, s6;
	s15 =	sadd.s32 $0x12000, s6;
	[dreg:$0x13] =	wrdreg s21  }
0x19: {  	s16 =	simm.s32 $0x160C0;
	s5 =	sshll.u32 s25, $0x4;
	[dreg:$0x14] =	wrdreg s23  }
0x1a: {  	[dreg:$0x15] =	wrdreg s24;
	s25 =	sadd.s32 $0x6000, s6;
	s9 =	sadd.s32 $0xC000, s6  }
0x1b: {  	s10 =	sadd.s32 $0xD000, s6;
	s29 =	sadd.s32 s11, s5;
	[dreg:$0x16] =	wrdreg s25  }
0x1c: {  	s12 =	sadd.s32 $0xF000, s6;
	s11 =	sadd.s32 s11, s26;
	[dreg:$0x8] =	wrdreg s29  }
0x1d: {  	s18 =	simm.s32 $0x138C0;
	s5 =	sadd.s32 s0, s5;
	[dreg:$0x9] =	wrdreg s11  }
0x1e: {  	s19 =	simm.s32 $0x3;
	s0 =	sadd.s32 s0, s26;
	[dreg:$0xe] =	wrdreg s5  }
0x1f: {  	s21 =	simm.s32 $0x80;
	s26 =	sadd.s32 $0x7000, s6;
	[dreg:$0xf] =	wrdreg s0  }
0x20: {  	s20 =	simm.s32 $0x1A0C0;
	s7 =	simm.s32 $0x2;
	[dreg:$0x17] =	wrdreg s26  }
0x21: {  	s29 =	sadd.s32 $0x8000, s6;
	s0 =	sadd.s32 $0xA000, s6;
	s5 =	sadd.s32 $0xB000, s6  }
0x22: {  	v1 =	vimm.f32 $0.0e+00;
	v0 =	vmov s22;
	s11 =	sadd.s32 $0xE000, s6;
	s26 =	simm.s32 $0x15FC0;
	[dreg:$0x18] =	wrdreg s29  }
.LBB2_1:
0x23: {  	s22 =	simm.s32 $0x0;
	s23 =	simm.s32 $0x200  }
.LBB2_2:
0x24: {  	p1 =	sne.s32 s23, $0x3E00;
	[tilespmem:s22+$0x16130] =	vst v1  }
0x25: {  	[tilespmem:s22+$0x160C0] =	vst v1  }
0x26: {  	[tilespmem:s22+$0x160D0] =	vst v1  }
.Ltmp0:
0x27: {  	[tilespmem:s22+$0x160E0] =	vst v1;
	(pc) =	sbr.rel @p1 .LBB2_2-.Ltmp0, $4  }
0x28: {  	[tilespmem:s22+$0x160F0] =	vst v1  }
0x29: {  	[tilespmem:s22+$0x16100] =	vst v1  }
0x2a: {  	[tilespmem:s22+$0x16110] =	vst v1  }
0x2b: {  	[tilespmem:s22+$0x16120] =	vst v1;
	s22 =	sshra.s32 s23, $0x2;
	s23 =	sadd.s32 $0x200, s23  }
0x2c: {  	[tilespmem:s22+$0x16130] =	vst v1  }
0x2d: {  	[tilespmem:s22+$0x160C0] =	vst v1  }
0x2e: {  	[tilespmem:s22+$0x160D0] =	vst v1  }
0x2f: {  	[tilespmem:s22+$0x160E0] =	vst v1  }
0x30: {  	[tilespmem:s22+$0x160F0] =	vst v1  }
0x31: {  	[tilespmem:s22+$0x16100] =	vst v1  }
0x32: {  	[tilespmem:s22+$0x16110] =	vst v1  }
0x33: {  	[tilespmem:s22+$0x16120] =	vst v1  }
0x34: {  	[spmem:s6] =	stream.linear.scatter [tilespmem:s16], [sflag:$0x1], $0x1000, $0x38;
	[tilespmem:$0x1E0C0] =	vst v63  }
0x35: {  	s25 =	rddreg [dreg:$0x11]  }
0x36: {  	[spmem:s25] =	stream.linear.scatter [tilespmem:s16], [sflag:$0x1], $0x1000, $0x38;
	[tilespmem:$0x1E0C0] =	vst v63  }
0x37: {  	s29 =	rddreg [dreg:$0x12]  }
0x38: {  	[spmem:s29] =	stream.linear.scatter [tilespmem:s16], [sflag:$0x1], $0x1000, $0x38;
	[tilespmem:$0x1E0C0] =	vst v63  }
0x39: {  	s23 =	rddreg [dreg:$0x13]  }
0x3a: {  	[spmem:s23] =	stream.linear.scatter [tilespmem:s16], [sflag:$0x1], $0x1000, $0x38;
	[tilespmem:$0x1E0C0] =	vst v63  }
0x3b: {  	s24 =	rddreg [dreg:$0x14]  }
0x3c: {  	[spmem:s24] =	stream.linear.scatter [tilespmem:s16], [sflag:$0x1], $0x1000, $0x38;
	[tilespmem:$0x1E0C0] =	vst v63  }
0x3d: {  	s25 =	rddreg [dreg:$0x15]  }
0x3e: {  	[spmem:s25] =	stream.linear.scatter [tilespmem:s16], [sflag:$0x1], $0x1000, $0x38;
	[tilespmem:$0x1E0C0] =	vst v63  }
0x3f: {  	s29 =	rddreg [dreg:$0x16]  }
0x40: {  	[spmem:s29] =	stream.linear.scatter [tilespmem:s16], [sflag:$0x1], $0x1000, $0x38;
	[tilespmem:$0x1E0C0] =	vst v63  }
0x41: {  	s23 =	rddreg [dreg:$0x17]  }
0x42: {  	[spmem:s23] =	stream.linear.scatter [tilespmem:s16], [sflag:$0x1], $0x1000, $0x38;
	[tilespmem:$0x1E0C0] =	vst v63  }
0x43: {  	s24 =	rddreg [dreg:$0x18]  }
0x44: {  	[spmem:s24] =	stream.linear.scatter [tilespmem:s16], [sflag:$0x1], $0x1000, $0x38;
	[tilespmem:$0x1E0C0] =	vst v63  }
0x45: {  	_ = 	snop  }
0x46: {  	[spmem:s31] =	stream.linear.scatter [tilespmem:s16], [sflag:$0x1], $0x1000, $0x38;
	[tilespmem:$0x1E0C0] =	vst v63  }
0x47: {  	_ = 	snop  }
0x48: {  	[spmem:s0] =	stream.linear.scatter [tilespmem:s16], [sflag:$0x1], $0x1000, $0x38;
	[tilespmem:$0x1E0C0] =	vst v63  }
0x49: {  	_ = 	snop  }
0x4a: {  	[spmem:s5] =	stream.linear.scatter [tilespmem:s16], [sflag:$0x1], $0x1000, $0x38;
	[tilespmem:$0x1E0C0] =	vst v63  }
0x4b: {  	_ = 	snop  }
0x4c: {  	[spmem:s9] =	stream.linear.scatter [tilespmem:s16], [sflag:$0x1], $0x1000, $0x38;
	[tilespmem:$0x1E0C0] =	vst v63  }
0x4d: {  	_ = 	snop  }
0x4e: {  	[spmem:s10] =	stream.linear.scatter [tilespmem:s16], [sflag:$0x1], $0x1000, $0x38;
	[tilespmem:$0x1E0C0] =	vst v63  }
0x4f: {  	_ = 	snop  }
0x50: {  	[spmem:s11] =	stream.linear.scatter [tilespmem:s16], [sflag:$0x1], $0x1000, $0x38;
	[tilespmem:$0x1E0C0] =	vst v63  }
0x51: {  	_ = 	snop  }
0x52: {  	[spmem:s12] =	stream.linear.scatter [tilespmem:s16], [sflag:$0x1], $0x1000, $0x38;
	[tilespmem:$0x1E0C0] =	vst v63  }
0x53: {  	_ = 	snop  }
0x54: {  	[spmem:s13] =	stream.linear.scatter [tilespmem:s16], [sflag:$0x1], $0x1000, $0x38;
	[tilespmem:$0x1E0C0] =	vst v63  }
0x55: {  	_ = 	snop  }
0x56: {  	[spmem:s14] =	stream.linear.scatter [tilespmem:s16], [sflag:$0x1], $0x1000, $0x38;
	[tilespmem:$0x1E0C0] =	vst v63  }
0x57: {  	_ = 	snop  }
0x58: {  	[spmem:s15] =	stream.linear.scatter [tilespmem:s16], [sflag:$0x1], $0x1000, $0x38;
	[tilespmem:$0x1E0C0] =	vst v63  }
0x59: {  	_ = 	snop  }
0x5a: {  	[spmem:s28] =	stream.linear.scatter [tilespmem:s16], [sflag:$0x1], $0x800, $0x38;
	[tilespmem:$0x1E0C0] =	vst v63  }
0x5b: {  	s22 =	simm.s32 @!p0 $0x160C0  }
0x5c: {  	[spmem:s8] =	stream.linear.scatter @!p0 [tilespmem:s22], [sflag:$0x1], $0x800, $0x38;
	[tilespmem:$0x1E0C0] =	vst v63  }
0x5d: {  	_ =	swait.ge [sflag:s17], $0x1000  }
0x5e: {  	[sflag:s17] =	ssyncset.done $0x0  }
0x5f: {  	[sflag:s17] =	ssyncadd.s32 $0xFFFFF000  }
0x60: {  	_ =	swait.ge [sflag:s17], $0x1000  }
0x61: {  	[sflag:s17] =	ssyncset.done $0x0  }
0x62: {  	[sflag:s17] =	ssyncadd.s32 $0xFFFFF000  }
0x63: {  	_ =	swait.ge [sflag:s17], $0x1000  }
0x64: {  	[sflag:s17] =	ssyncset.done $0x0  }
0x65: {  	[sflag:s17] =	ssyncadd.s32 $0xFFFFF000  }
0x66: {  	_ =	swait.ge [sflag:s17], $0x1000  }
0x67: {  	[sflag:s17] =	ssyncset.done $0x0  }
0x68: {  	[sflag:s17] =	ssyncadd.s32 $0xFFFFF000  }
0x69: {  	_ =	swait.ge [sflag:s17], $0x1000  }
0x6a: {  	[sflag:s17] =	ssyncset.done $0x0  }
0x6b: {  	[sflag:s17] =	ssyncadd.s32 $0xFFFFF000  }
0x6c: {  	_ =	swait.ge [sflag:s17], $0x1000  }
0x6d: {  	[sflag:s17] =	ssyncset.done $0x0  }
0x6e: {  	[sflag:s17] =	ssyncadd.s32 $0xFFFFF000  }
0x6f: {  	_ =	swait.ge [sflag:s17], $0x1000  }
0x70: {  	[sflag:s17] =	ssyncset.done $0x0  }
0x71: {  	[sflag:s17] =	ssyncadd.s32 $0xFFFFF000  }
0x72: {  	_ =	swait.ge [sflag:s17], $0x1000  }
0x73: {  	[sflag:s17] =	ssyncset.done $0x0  }
0x74: {  	[sflag:s17] =	ssyncadd.s32 $0xFFFFF000  }
0x75: {  	_ =	swait.ge [sflag:s17], $0x1000  }
0x76: {  	[sflag:s17] =	ssyncset.done $0x0  }
0x77: {  	[sflag:s17] =	ssyncadd.s32 $0xFFFFF000  }
0x78: {  	_ =	swait.ge [sflag:s17], $0x1000  }
0x79: {  	[sflag:s17] =	ssyncset.done $0x0  }
0x7a: {  	[sflag:s17] =	ssyncadd.s32 $0xFFFFF000  }
0x7b: {  	_ =	swait.ge [sflag:s17], $0x1000  }
0x7c: {  	[sflag:s17] =	ssyncset.done $0x0  }
0x7d: {  	[sflag:s17] =	ssyncadd.s32 $0xFFFFF000  }
0x7e: {  	_ =	swait.ge [sflag:s17], $0x1000  }
0x7f: {  	[sflag:s17] =	ssyncset.done $0x0  }
0x80: {  	[sflag:s17] =	ssyncadd.s32 $0xFFFFF000  }
0x81: {  	_ =	swait.ge [sflag:s17], $0x1000  }
0x82: {  	[sflag:s17] =	ssyncset.done $0x0  }
0x83: {  	[sflag:s17] =	ssyncadd.s32 $0xFFFFF000  }
0x84: {  	_ =	swait.ge [sflag:s17], $0x1000  }
0x85: {  	[sflag:s17] =	ssyncset.done $0x0  }
0x86: {  	[sflag:s17] =	ssyncadd.s32 $0xFFFFF000  }
0x87: {  	_ =	swait.ge [sflag:s17], $0x1000  }
0x88: {  	[sflag:s17] =	ssyncset.done $0x0  }
0x89: {  	[sflag:s17] =	ssyncadd.s32 $0xFFFFF000  }
0x8a: {  	_ =	swait.ge [sflag:s17], $0x1000  }
0x8b: {  	[sflag:s17] =	ssyncset.done $0x0  }
0x8c: {  	[sflag:s17] =	ssyncadd.s32 $0xFFFFF000  }
0x8d: {  	_ =	swait.ge [sflag:s17], $0x1000  }
0x8e: {  	[sflag:s17] =	ssyncset.done $0x0  }
0x8f: {  	[sflag:s17] =	ssyncadd.s32 $0xFFFFF000  }
0x90: {  	_ =	swait.ge [sflag:s17], $0x1000  }
0x91: {  	[sflag:s17] =	ssyncset.done $0x0  }
0x92: {  	[sflag:s17] =	ssyncadd.s32 $0xFFFFF000  }
0x93: {  	_ =	swait.ge [sflag:s17], $0x1000  }
0x94: {  	[sflag:s17] =	ssyncset.done $0x0  }
0x95: {  	[sflag:s17] =	ssyncadd.s32 $0xFFFFF000  }
0x96: {  	_ =	swait.ge [sflag:s17], $0x800  }
0x97: {  	[sflag:s17] =	ssyncset.done $0x0  }
0x98: {  	s22 =	simm.s32 @!p0 $0x1;
	[sflag:s17] =	ssyncadd.s32 $0xFFFFF800  }
0x99: {  	_ =	swait.ge @!p0 [sflag:s22], $0x800  }
0x9a: {  	[sflag:s22] =	ssyncset.done @!p0 $0x0  }
0x9b: {  	[sflag:s22] =	ssyncadd.s32 @!p0 $0xFFFFF800  }
0x9c: {  	[bflag:$0x0] =	sbarrier.arrive $0xFFFF  }
0x9d: {  	s25 =	simm.s32 $0x0;
	s23 =	rddreg [dreg:$0x4]  }
0x9e: {  	[tilespmem:s18], [sflag:$0x3] =	stream.linear.gather [hbm4b:s23+s25], $0x1400, $0x38;
	[tilespmem:$0x1E0C0] =	vst v63  }
0x9f: {  	_ =	swait.ge [sflag:s19], $0x1400  }
0xa0: {  	[sflag:s19] =	ssyncset.done $0x0  }
0xa1: {  	s24 =	simm.s32 $0x14CC0;
	s29 =	rddreg [dreg:$0x5];
	[sflag:s19] =	ssyncadd.s32 $0xFFFFEC00  }
0xa2: {  	[tilespmem:s24], [sflag:$0x3] =	stream.linear.gather [hbm4b:s29+s25], $0x1400, $0x38;
	[tilespmem:$0x1E0C0] =	vst v63  }
0xa3: {  	_ =	swait.ge [sflag:s19], $0x1400  }
0xa4: {  	[sflag:s19] =	ssyncset.done $0x0  }
0xa5: {  	s22 =	simm.s32 $0x0;
	[sflag:s19] =	ssyncadd.s32 $0xFFFFEC00  }
0xa6: {  	v4 =	vld [tilespmem:s22+$0x138C0]  }
0xa7: {  	v6 =	vld [tilespmem:s22+$0x138D0]  }
0xa8: {  	v5 =	vld [tilespmem:s22+$0x138E0]  }
0xa9: {  	v3 =	vld [tilespmem:s22+$0x138F0]  }
0xaa: {  	v2 =	vld [tilespmem:s22+$0x13900]  }
0xab: {  	v7 =	vadd.s32 v0, v4;
	v4 =	vld [tilespmem:s22+$0x13910]  }
0xac: {  	s23 =	simm.s32 $0x200;
	[tilespmem:s22+$0x138C0] =	vst v7;
	v7 =	vadd.s32 v0, v6;
	v6 =	vld [tilespmem:s22+$0x13920]  }
.LBB2_4:
0xad: {  	s24 =	sshra.s32 s23, $0x2;
	p1 =	sne.s32 s23, $0x4E00;
	[tilespmem:s22+$0x138D0] =	vst v7;
	v5 =	vadd.s32 v0, v5;
	v7 =	vld [tilespmem:s22+$0x13930]  }
0xae: {  	v8 =	vld [tilespmem:s24+$0x138C0];
	[tilespmem:s22+$0x138E0] =	vst v5;
	v3 =	vadd.s32 v0, v3  }
0xaf: {  	v9 =	vld [tilespmem:s24+$0x138D0];
	[tilespmem:s22+$0x138F0] =	vst v3;
	v2 =	vadd.s32 v0, v2  }
.Ltmp1:
0xb0: {  	v5 =	vld [tilespmem:s24+$0x138E0];
	[tilespmem:s22+$0x13900] =	vst v2;
	v2 =	vadd.s32 v0, v4;
	(pc) =	sbr.rel @p1 .LBB2_4-.Ltmp1, $4  }
0xb1: {  	v3 =	vld [tilespmem:s24+$0x138F0];
	[tilespmem:s22+$0x13910] =	vst v2;
	v4 =	vadd.s32 v0, v6  }
0xb2: {  	v2 =	vld [tilespmem:s24+$0x13900];
	[tilespmem:s22+$0x13920] =	vst v4;
	v6 =	vadd.s32 v0, v7  }
0xb3: {  	v7 =	vadd.s32 v0, v8;
	v4 =	vld [tilespmem:s24+$0x13910];
	[tilespmem:s22+$0x13930] =	vst v6;
	s22 =	smov.u32 s24  }
0xb4: {  	s23 =	sadd.s32 $0x200, s23;
	[tilespmem:s22+$0x138C0] =	vst v7;
	v7 =	vadd.s32 v0, v9;
	v6 =	vld [tilespmem:s22+$0x13920]  }
0xb5: {  	[tilespmem:s22+$0x138D0] =	vst v7;
	v5 =	vadd.s32 v0, v5;
	v63 =	vld [tilespmem:s22+$0x13930]  }
0xb6: {  	[tilespmem:s22+$0x138E0] =	vst v5;
	v3 =	vadd.s32 v0, v3  }
0xb7: {  	[tilespmem:s22+$0x138F0] =	vst v3;
	v2 =	vadd.s32 v0, v2  }
0xb8: {  	[tilespmem:s22+$0x13900] =	vst v2;
	v2 =	vadd.s32 v0, v4  }
0xb9: {  	[tilespmem:s22+$0x13910] =	vst v2;
	v2 =	vadd.s32 v0, v6  }
0xba: {  	[tilespmem:s22+$0x13920] =	vst v2;
	v2 =	vadd.s32 v0, v63  }
0xbb: {  	[tilespmem:s22+$0x13930] =	vst v2  }
0xbc: {  	[tilespmem:s16], [sflag:$0x1] =	stream.indirect.gather [hbm4b:s4+s21], $0x80, s18, s21, $0xb8;
	[tilespmem:$0x1E0C0] =	vst v63  }
0xbd: {  	s23 =	simm.s32 $0x13940  }
0xbe: {  	[tilespmem:s20], [sflag:$0x1] =	stream.indirect.gather [hbm4b:s4+s21], $0x80, s23, s21, $0xb8;
	[tilespmem:$0x1E0C0] =	vst v63  }
0xbf: {  	_ =	swait.ge [sflag:s17], $0x4000  }
0xc0: {  	[sflag:s17] =	ssyncset.done $0x0  }
0xc1: {  	s24 =	simm.s32 $0x14CC0;
	[sflag:s17] =	ssyncadd.s32 $0xFFFFC000  }
0xc2: {  	[spmem:s2] =	stream.indirect.scatter.add.f32 [tilespmem:s16], [sflag:$0x2], $0x80, s24, s21, $0xb8;
	[tilespmem:$0x1E0C0] =	vst v63  }
0xc3: {  	_ =	swait.ge [sflag:s7], $0x4000  }
0xc4: {  	[sflag:s7] =	ssyncset.done $0x0  }
0xc5: {  	s25 =	simm.s32 $0x139C0;
	[sflag:s7] =	ssyncadd.s32 $0xFFFFC000  }
0xc6: {  	[tilespmem:s16], [sflag:$0x1] =	stream.indirect.gather [hbm4b:s4+s21], $0x80, s25, s21, $0xb8;
	[tilespmem:$0x1E0C0] =	vst v63  }
0xc7: {  	_ =	swait.ge [sflag:s17], $0x4000  }
0xc8: {  	[sflag:s17] =	ssyncset.done $0x0  }
0xc9: {  	s29 =	simm.s32 $0x14D40;
	[sflag:s17] =	ssyncadd.s32 $0xFFFFC000  }
0xca: {  	[spmem:s2] =	stream.indirect.scatter.add.f32 [tilespmem:s20], [sflag:$0x2], $0x80, s29, s21, $0xb8;
	[tilespmem:$0x1E0C0] =	vst v63  }
0xcb: {  	_ =	swait.ge [sflag:s7], $0x4000  }
0xcc: {  	[sflag:s7] =	ssyncset.done $0x0  }
0xcd: {  	s22 =	simm.s32 $0x400;
	s23 =	simm.s32 $0x13A40;
	[sflag:s7] =	ssyncadd.s32 $0xFFFFC000  }
.LBB2_6:
0xce: {  	[tilespmem:s20], [sflag:$0x1] =	stream.indirect.gather [hbm4b:s4+s21], $0x80, s23, s21, $0xb8;
	[tilespmem:$0x1E0C0] =	vst v63  }
0xcf: {  	s23 =	smov.u32 s22  }
0xd0: {  	p1 =	sne.s32 s22, $0x4800;
	s22 =	sadd.s32 $0x400, s22;
	_ =	swait.ge [sflag:s17], $0x4000  }
0xd1: {  	s23 =	sshra.s32 s23, $0x2;
	[sflag:s17] =	ssyncset.done $0x0  }
0xd2: {  	s24 =	sadd.s32 $0x14CC0, s23;
	[sflag:s17] =	ssyncadd.s32 $0xFFFFC000  }
0xd3: {  	[spmem:s2] =	stream.indirect.scatter.add.f32 [tilespmem:s16], [sflag:$0x2], $0x80, s24, s21, $0xb8;
	[tilespmem:$0x1E0C0] =	vst v63  }
0xd4: {  	_ =	swait.ge [sflag:s7], $0x4000  }
0xd5: {  	[sflag:s7] =	ssyncset.done $0x0  }
0xd6: {  	s24 =	sadd.s32 $0x139C0, s23;
	[sflag:s7] =	ssyncadd.s32 $0xFFFFC000  }
0xd7: {  	[tilespmem:s16], [sflag:$0x1] =	stream.indirect.gather [hbm4b:s4+s21], $0x80, s24, s21, $0xb8;
	[tilespmem:$0x1E0C0] =	vst v63  }
0xd8: {  	_ =	swait.ge [sflag:s17], $0x4000  }
0xd9: {  	[sflag:s17] =	ssyncset.done $0x0  }
.Ltmp2:
0xda: {  	s24 =	sadd.s32 $0x14D40, s23;
	[sflag:s17] =	ssyncadd.s32 $0xFFFFC000;
	(pc) =	sbr.rel @p1 .LBB2_6-.Ltmp2, $4  }
0xdb: {  	[spmem:s2] =	stream.indirect.scatter.add.f32 [tilespmem:s20], [sflag:$0x2], $0x80, s24, s21, $0xb8;
	[tilespmem:$0x1E0C0] =	vst v63  }
0xdc: {  	_ =	swait.ge [sflag:s7], $0x4000  }
0xdd: {  	[sflag:s7] =	ssyncset.done $0x0  }
0xde: {  	s23 =	sadd.s32 $0x13A40, s23;
	[sflag:s7] =	ssyncadd.s32 $0xFFFFC000  }
0xdf: {  	[tilespmem:s20], [sflag:$0x1] =	stream.indirect.gather [hbm4b:s4+s21], $0x80, s23, s21, $0xb8;
	[tilespmem:$0x1E0C0] =	vst v63  }
0xe0: {  	_ =	swait.ge [sflag:s17], $0x4000  }
0xe1: {  	[sflag:s17] =	ssyncset.done $0x0  }
0xe2: {  	[sflag:s17] =	ssyncadd.s32 $0xFFFFC000  }
0xe3: {  	[spmem:s2] =	stream.indirect.scatter.add.f32 [tilespmem:s16], [sflag:$0x2], $0x80, s26, s21, $0xb8;
	[tilespmem:$0x1E0C0] =	vst v63  }
0xe4: {  	_ =	swait.ge [sflag:s17], $0x4000  }
0xe5: {  	[sflag:s17] =	ssyncset.done $0x0  }
0xe6: {  	[sflag:s17] =	ssyncadd.s32 $0xFFFFC000  }
0xe7: {  	[spmem:s2] =	stream.indirect.scatter.add.f32 [tilespmem:s20], [sflag:$0x2], $0x80, s30, s21, $0xb8;
	[tilespmem:$0x1E0C0] =	vst v63  }
0xe8: {  	_ =	swait.ge [sflag:s7], $0x4000  }
0xe9: {  	[sflag:s7] =	ssyncset.done $0x0  }
0xea: {  	[sflag:s7] =	ssyncadd.s32 $0xFFFFC000  }
0xeb: {  	_ =	swait.ge [sflag:s7], $0x4000  }
0xec: {  	[sflag:s7] =	ssyncset.done $0x0  }
0xed: {  	s22 =	simm.s32 $0x0;
	s29 =	rddreg [dreg:$0x6];
	[sflag:s7] =	ssyncadd.s32 $0xFFFFC000  }
0xee: {  	[tilespmem:s18], [sflag:$0x3] =	stream.linear.gather [hbm4b:s29+s22], $0x1400, $0x38;
	[tilespmem:$0x1E0C0] =	vst v63  }
0xef: {  	_ =	swait.ge [sflag:s19], $0x1400  }
0xf0: {  	[sflag:s19] =	ssyncset.done $0x0  }
0xf1: {  	s24 =	simm.s32 $0x14CC0;
	s30 =	rddreg [dreg:$0x7];
	[sflag:s19] =	ssyncadd.s32 $0xFFFFEC00  }
0xf2: {  	[tilespmem:s24], [sflag:$0x3] =	stream.linear.gather [hbm4b:s30+s22], $0x1400, $0x38;
	[tilespmem:$0x1E0C0] =	vst v63  }
0xf3: {  	_ =	swait.ge [sflag:s19], $0x1400  }
0xf4: {  	[sflag:s19] =	ssyncset.done $0x0  }
0xf5: {  	s22 =	simm.s32 $0x0;
	[sflag:s19] =	ssyncadd.s32 $0xFFFFEC00  }
0xf6: {  	v4 =	vld [tilespmem:s22+$0x138C0]  }
0xf7: {  	v6 =	vld [tilespmem:s22+$0x138D0]  }
0xf8: {  	v5 =	vld [tilespmem:s22+$0x138E0]  }
0xf9: {  	v3 =	vld [tilespmem:s22+$0x138F0]  }
0xfa: {  	v2 =	vld [tilespmem:s22+$0x13900]  }
0xfb: {  	v7 =	vadd.s32 v0, v4;
	v4 =	vld [tilespmem:s22+$0x13910]  }
0xfc: {  	s23 =	simm.s32 $0x200;
	[tilespmem:s22+$0x138C0] =	vst v7;
	v7 =	vadd.s32 v0, v6;
	v6 =	vld [tilespmem:s22+$0x13920]  }
.LBB2_8:
0xfd: {  	s24 =	sshra.s32 s23, $0x2;
	p1 =	sne.s32 s23, $0x4E00;
	[tilespmem:s22+$0x138D0] =	vst v7;
	v5 =	vadd.s32 v0, v5;
	v7 =	vld [tilespmem:s22+$0x13930]  }
0xfe: {  	v8 =	vld [tilespmem:s24+$0x138C0];
	[tilespmem:s22+$0x138E0] =	vst v5;
	v3 =	vadd.s32 v0, v3  }
0xff: {  	v9 =	vld [tilespmem:s24+$0x138D0];
	[tilespmem:s22+$0x138F0] =	vst v3;
	v2 =	vadd.s32 v0, v2  }
.Ltmp3:
0x100: {  	v5 =	vld [tilespmem:s24+$0x138E0];
	[tilespmem:s22+$0x13900] =	vst v2;
	v2 =	vadd.s32 v0, v4;
	(pc) =	sbr.rel @p1 .LBB2_8-.Ltmp3, $4  }
0x101: {  	v3 =	vld [tilespmem:s24+$0x138F0];
	[tilespmem:s22+$0x13910] =	vst v2;
	v4 =	vadd.s32 v0, v6  }
0x102: {  	v2 =	vld [tilespmem:s24+$0x13900];
	[tilespmem:s22+$0x13920] =	vst v4;
	v6 =	vadd.s32 v0, v7  }
0x103: {  	v7 =	vadd.s32 v0, v8;
	v4 =	vld [tilespmem:s24+$0x13910];
	[tilespmem:s22+$0x13930] =	vst v6;
	s22 =	smov.u32 s24  }
0x104: {  	s23 =	sadd.s32 $0x200, s23;
	[tilespmem:s22+$0x138C0] =	vst v7;
	v7 =	vadd.s32 v0, v9;
	v6 =	vld [tilespmem:s22+$0x13920]  }
0x105: {  	[tilespmem:s22+$0x138D0] =	vst v7;
	v5 =	vadd.s32 v0, v5;
	v63 =	vld [tilespmem:s22+$0x13930]  }
0x106: {  	[tilespmem:s22+$0x138E0] =	vst v5;
	v3 =	vadd.s32 v0, v3  }
0x107: {  	[tilespmem:s22+$0x138F0] =	vst v3;
	v2 =	vadd.s32 v0, v2  }
0x108: {  	[tilespmem:s22+$0x13900] =	vst v2;
	v2 =	vadd.s32 v0, v4  }
0x109: {  	[tilespmem:s22+$0x13910] =	vst v2;
	v2 =	vadd.s32 v0, v6  }
0x10a: {  	[tilespmem:s22+$0x13920] =	vst v2;
	v2 =	vadd.s32 v0, v63  }
0x10b: {  	[tilespmem:s22+$0x13930] =	vst v2  }
0x10c: {  	[tilespmem:s16], [sflag:$0x1] =	stream.indirect.gather [hbm4b:s4+s21], $0x80, s18, s21, $0xb8;
	[tilespmem:$0x1E0C0] =	vst v63  }
0x10d: {  	s23 =	simm.s32 $0x13940  }
0x10e: {  	[tilespmem:s20], [sflag:$0x1] =	stream.indirect.gather [hbm4b:s4+s21], $0x80, s23, s21, $0xb8;
	[tilespmem:$0x1E0C0] =	vst v63  }
0x10f: {  	_ =	swait.ge [sflag:s17], $0x4000  }
0x110: {  	[sflag:s17] =	ssyncset.done $0x0  }
0x111: {  	s24 =	simm.s32 $0x14CC0;
	[sflag:s17] =	ssyncadd.s32 $0xFFFFC000  }
0x112: {  	[spmem:s2] =	stream.indirect.scatter.add.f32 [tilespmem:s16], [sflag:$0x2], $0x80, s24, s21, $0xb8;
	[tilespmem:$0x1E0C0] =	vst v63  }
0x113: {  	_ =	swait.ge [sflag:s7], $0x4000  }
0x114: {  	[sflag:s7] =	ssyncset.done $0x0  }
0x115: {  	s29 =	simm.s32 $0x139C0;
	[sflag:s7] =	ssyncadd.s32 $0xFFFFC000  }
0x116: {  	[tilespmem:s16], [sflag:$0x1] =	stream.indirect.gather [hbm4b:s4+s21], $0x80, s29, s21, $0xb8;
	[tilespmem:$0x1E0C0] =	vst v63  }
0x117: {  	_ =	swait.ge [sflag:s17], $0x4000  }
0x118: {  	[sflag:s17] =	ssyncset.done $0x0  }
0x119: {  	s30 =	simm.s32 $0x14D40;
	[sflag:s17] =	ssyncadd.s32 $0xFFFFC000  }
0x11a: {  	[spmem:s2] =	stream.indirect.scatter.add.f32 [tilespmem:s20], [sflag:$0x2], $0x80, s30, s21, $0xb8;
	[tilespmem:$0x1E0C0] =	vst v63  }
0x11b: {  	_ =	swait.ge [sflag:s7], $0x4000  }
0x11c: {  	s25 =	simm.s32 $0x16040;
	[sflag:s7] =	ssyncset.done $0x0  }
0x11d: {  	s22 =	simm.s32 $0x400;
	s23 =	simm.s32 $0x13A40;
	[sflag:s7] =	ssyncadd.s32 $0xFFFFC000  }
.LBB2_10:
0x11e: {  	[tilespmem:s20], [sflag:$0x1] =	stream.indirect.gather [hbm4b:s4+s21], $0x80, s23, s21, $0xb8;
	[tilespmem:$0x1E0C0] =	vst v63  }
0x11f: {  	s23 =	smov.u32 s22  }
0x120: {  	p1 =	sne.s32 s22, $0x4800;
	s22 =	sadd.s32 $0x400, s22;
	_ =	swait.ge [sflag:s17], $0x4000  }
0x121: {  	s23 =	sshra.s32 s23, $0x2;
	[sflag:s17] =	ssyncset.done $0x0  }
0x122: {  	s24 =	sadd.s32 $0x14CC0, s23;
	[sflag:s17] =	ssyncadd.s32 $0xFFFFC000  }
0x123: {  	[spmem:s2] =	stream.indirect.scatter.add.f32 [tilespmem:s16], [sflag:$0x2], $0x80, s24, s21, $0xb8;
	[tilespmem:$0x1E0C0] =	vst v63  }
0x124: {  	_ =	swait.ge [sflag:s7], $0x4000  }
0x125: {  	[sflag:s7] =	ssyncset.done $0x0  }
0x126: {  	s24 =	sadd.s32 $0x139C0, s23;
	[sflag:s7] =	ssyncadd.s32 $0xFFFFC000  }
0x127: {  	[tilespmem:s16], [sflag:$0x1] =	stream.indirect.gather [hbm4b:s4+s21], $0x80, s24, s21, $0xb8;
	[tilespmem:$0x1E0C0] =	vst v63  }
0x128: {  	_ =	swait.ge [sflag:s17], $0x4000  }
0x129: {  	[sflag:s17] =	ssyncset.done $0x0  }
.Ltmp4:
0x12a: {  	s24 =	sadd.s32 $0x14D40, s23;
	[sflag:s17] =	ssyncadd.s32 $0xFFFFC000;
	(pc) =	sbr.rel @p1 .LBB2_10-.Ltmp4, $4  }
0x12b: {  	[spmem:s2] =	stream.indirect.scatter.add.f32 [tilespmem:s20], [sflag:$0x2], $0x80, s24, s21, $0xb8;
	[tilespmem:$0x1E0C0] =	vst v63  }
0x12c: {  	_ =	swait.ge [sflag:s7], $0x4000  }
0x12d: {  	[sflag:s7] =	ssyncset.done $0x0  }
0x12e: {  	s23 =	sadd.s32 $0x13A40, s23;
	[sflag:s7] =	ssyncadd.s32 $0xFFFFC000  }
0x12f: {  	[tilespmem:s20], [sflag:$0x1] =	stream.indirect.gather [hbm4b:s4+s21], $0x80, s23, s21, $0xb8;
	[tilespmem:$0x1E0C0] =	vst v63  }
0x130: {  	_ =	swait.ge [sflag:s17], $0x4000  }
0x131: {  	[sflag:s17] =	ssyncset.done $0x0  }
0x132: {  	[sflag:s17] =	ssyncadd.s32 $0xFFFFC000  }
0x133: {  	[spmem:s2] =	stream.indirect.scatter.add.f32 [tilespmem:s16], [sflag:$0x2], $0x80, s26, s21, $0xb8;
	[tilespmem:$0x1E0C0] =	vst v63  }
0x134: {  	_ =	swait.ge [sflag:s17], $0x4000  }
0x135: {  	[sflag:s17] =	ssyncset.done $0x0  }
0x136: {  	[sflag:s17] =	ssyncadd.s32 $0xFFFFC000  }
0x137: {  	[spmem:s2] =	stream.indirect.scatter.add.f32 [tilespmem:s20], [sflag:$0x2], $0x80, s25, s21, $0xb8;
	[tilespmem:$0x1E0C0] =	vst v63  }
0x138: {  	_ =	swait.ge [sflag:s7], $0x4000  }
0x139: {  	[sflag:s7] =	ssyncset.done $0x0  }
0x13a: {  	[sflag:s7] =	ssyncadd.s32 $0xFFFFC000  }
0x13b: {  	_ =	swait.ge [sflag:s7], $0x4000  }
0x13c: {  	[sflag:s7] =	ssyncset.done $0x0  }
0x13d: {  	s22 =	stileid.u32;
	[sflag:s7] =	ssyncadd.s32 $0xFFFFC000  }
0x13e: {  	s22 =	sshll.u32 s22, $0x6;
	[bflag:$0x0] =	sbarrier.arrive $0xFFFF  }
0x13f: {  	s23 =	sshrl.u32 s6, $0x3;
	s22 =	sor.u32 $0x1C03, s22;
	s24 =	rddreg [dreg:$0x8]  }
0x140: {  	[hbm:s24], [sflag:s22] =	dma.local [spmem:s23], $0x2700  }
0x141: {  	_ =	swait.ge [sflag:s19], $0x2700  }
0x142: {  	[sflag:s19] =	ssyncset.done $0x0  }
0x143: {  	s24 =	sshrl.u32 @!p0 s8, $0x3;
	s25 =	rddreg [dreg:$0x9];
	[sflag:s19] =	ssyncadd.s32 $0xFFFFD900  }
0x144: {  	[hbm:s25], [sflag:s22] =	dma.local @!p0 [spmem:s24], $0x100  }
0x145: {  	s25 =	simm.s32 @!p0 $0x3  }
0x146: {  	_ =	swait.ge @!p0 [sflag:s25], $0x100  }
0x147: {  	s30 =	simm.s32 $0x15FC0;
	[sflag:s25] =	ssyncset.done @!p0 $0x0  }
0x148: {  	s26 =	simm.s32 $0x200;
	[sflag:s25] =	ssyncadd.s32 @!p0 $0xFFFFFF00;
	s25 =	simm.s32 $0x0  }
.LBB2_12:
0x149: {  	p1 =	sne.s32 s26, $0x3E00;
	[tilespmem:s25+$0x16130] =	vst v1  }
0x14a: {  	[tilespmem:s25+$0x160C0] =	vst v1  }
0x14b: {  	[tilespmem:s25+$0x160D0] =	vst v1  }
.Ltmp5:
0x14c: {  	[tilespmem:s25+$0x160E0] =	vst v1;
	(pc) =	sbr.rel @p1 .LBB2_12-.Ltmp5, $4  }
0x14d: {  	[tilespmem:s25+$0x160F0] =	vst v1  }
0x14e: {  	[tilespmem:s25+$0x16100] =	vst v1  }
0x14f: {  	[tilespmem:s25+$0x16110] =	vst v1  }
0x150: {  	[tilespmem:s25+$0x16120] =	vst v1;
	s25 =	sshra.s32 s26, $0x2;
	s26 =	sadd.s32 $0x200, s26  }
0x151: {  	[tilespmem:s25+$0x16130] =	vst v1  }
0x152: {  	[tilespmem:s25+$0x160C0] =	vst v1  }
0x153: {  	[tilespmem:s25+$0x160D0] =	vst v1  }
0x154: {  	[tilespmem:s25+$0x160E0] =	vst v1  }
0x155: {  	[tilespmem:s25+$0x160F0] =	vst v1  }
0x156: {  	[tilespmem:s25+$0x16100] =	vst v1  }
0x157: {  	[tilespmem:s25+$0x16110] =	vst v1  }
0x158: {  	[tilespmem:s25+$0x16120] =	vst v1  }
0x159: {  	[spmem:s6] =	stream.linear.scatter [tilespmem:s16], [sflag:$0x1], $0x1000, $0x38;
	[tilespmem:$0x1E0C0] =	vst v63  }
0x15a: {  	s26 =	rddreg [dreg:$0x11]  }
0x15b: {  	[spmem:s26] =	stream.linear.scatter [tilespmem:s16], [sflag:$0x1], $0x1000, $0x38;
	[tilespmem:$0x1E0C0] =	vst v63  }
0x15c: {  	s26 =	rddreg [dreg:$0x12]  }
0x15d: {  	[spmem:s26] =	stream.linear.scatter [tilespmem:s16], [sflag:$0x1], $0x1000, $0x38;
	[tilespmem:$0x1E0C0] =	vst v63  }
0x15e: {  	s26 =	rddreg [dreg:$0x13]  }
0x15f: {  	[spmem:s26] =	stream.linear.scatter [tilespmem:s16], [sflag:$0x1], $0x1000, $0x38;
	[tilespmem:$0x1E0C0] =	vst v63  }
0x160: {  	s26 =	rddreg [dreg:$0x14]  }
0x161: {  	[spmem:s26] =	stream.linear.scatter [tilespmem:s16], [sflag:$0x1], $0x1000, $0x38;
	[tilespmem:$0x1E0C0] =	vst v63  }
0x162: {  	s26 =	rddreg [dreg:$0x15]  }
0x163: {  	[spmem:s26] =	stream.linear.scatter [tilespmem:s16], [sflag:$0x1], $0x1000, $0x38;
	[tilespmem:$0x1E0C0] =	vst v63  }
0x164: {  	s26 =	rddreg [dreg:$0x16]  }
0x165: {  	[spmem:s26] =	stream.linear.scatter [tilespmem:s16], [sflag:$0x1], $0x1000, $0x38;
	[tilespmem:$0x1E0C0] =	vst v63  }
0x166: {  	s26 =	rddreg [dreg:$0x17]  }
0x167: {  	[spmem:s26] =	stream.linear.scatter [tilespmem:s16], [sflag:$0x1], $0x1000, $0x38;
	[tilespmem:$0x1E0C0] =	vst v63  }
0x168: {  	s26 =	rddreg [dreg:$0x18]  }
0x169: {  	[spmem:s26] =	stream.linear.scatter [tilespmem:s16], [sflag:$0x1], $0x1000, $0x38;
	[tilespmem:$0x1E0C0] =	vst v63  }
0x16a: {  	_ = 	snop  }
0x16b: {  	[spmem:s31] =	stream.linear.scatter [tilespmem:s16], [sflag:$0x1], $0x1000, $0x38;
	[tilespmem:$0x1E0C0] =	vst v63  }
0x16c: {  	_ = 	snop  }
0x16d: {  	[spmem:s0] =	stream.linear.scatter [tilespmem:s16], [sflag:$0x1], $0x1000, $0x38;
	[tilespmem:$0x1E0C0] =	vst v63  }
0x16e: {  	_ = 	snop  }
0x16f: {  	[spmem:s5] =	stream.linear.scatter [tilespmem:s16], [sflag:$0x1], $0x1000, $0x38;
	[tilespmem:$0x1E0C0] =	vst v63  }
0x170: {  	_ = 	snop  }
0x171: {  	[spmem:s9] =	stream.linear.scatter [tilespmem:s16], [sflag:$0x1], $0x1000, $0x38;
	[tilespmem:$0x1E0C0] =	vst v63  }
0x172: {  	_ = 	snop  }
0x173: {  	[spmem:s10] =	stream.linear.scatter [tilespmem:s16], [sflag:$0x1], $0x1000, $0x38;
	[tilespmem:$0x1E0C0] =	vst v63  }
0x174: {  	_ = 	snop  }
0x175: {  	[spmem:s11] =	stream.linear.scatter [tilespmem:s16], [sflag:$0x1], $0x1000, $0x38;
	[tilespmem:$0x1E0C0] =	vst v63  }
0x176: {  	_ = 	snop  }
0x177: {  	[spmem:s12] =	stream.linear.scatter [tilespmem:s16], [sflag:$0x1], $0x1000, $0x38;
	[tilespmem:$0x1E0C0] =	vst v63  }
0x178: {  	_ = 	snop  }
0x179: {  	[spmem:s13] =	stream.linear.scatter [tilespmem:s16], [sflag:$0x1], $0x1000, $0x38;
	[tilespmem:$0x1E0C0] =	vst v63  }
0x17a: {  	_ = 	snop  }
0x17b: {  	[spmem:s14] =	stream.linear.scatter [tilespmem:s16], [sflag:$0x1], $0x1000, $0x38;
	[tilespmem:$0x1E0C0] =	vst v63  }
0x17c: {  	_ = 	snop  }
0x17d: {  	[spmem:s15] =	stream.linear.scatter [tilespmem:s16], [sflag:$0x1], $0x1000, $0x38;
	[tilespmem:$0x1E0C0] =	vst v63  }
0x17e: {  	_ = 	snop  }
0x17f: {  	[spmem:s28] =	stream.linear.scatter [tilespmem:s16], [sflag:$0x1], $0x800, $0x38;
	[tilespmem:$0x1E0C0] =	vst v63  }
0x180: {  	s25 =	simm.s32 @!p0 $0x160C0  }
0x181: {  	[spmem:s8] =	stream.linear.scatter @!p0 [tilespmem:s25], [sflag:$0x1], $0x800, $0x38;
	[tilespmem:$0x1E0C0] =	vst v63  }
0x182: {  	_ =	swait.ge [sflag:s17], $0x1000  }
0x183: {  	[sflag:s17] =	ssyncset.done $0x0  }
0x184: {  	[sflag:s17] =	ssyncadd.s32 $0xFFFFF000  }
0x185: {  	_ =	swait.ge [sflag:s17], $0x1000  }
0x186: {  	[sflag:s17] =	ssyncset.done $0x0  }
0x187: {  	[sflag:s17] =	ssyncadd.s32 $0xFFFFF000  }
0x188: {  	_ =	swait.ge [sflag:s17], $0x1000  }
0x189: {  	[sflag:s17] =	ssyncset.done $0x0  }
0x18a: {  	[sflag:s17] =	ssyncadd.s32 $0xFFFFF000  }
0x18b: {  	_ =	swait.ge [sflag:s17], $0x1000  }
0x18c: {  	[sflag:s17] =	ssyncset.done $0x0  }
0x18d: {  	[sflag:s17] =	ssyncadd.s32 $0xFFFFF000  }
0x18e: {  	_ =	swait.ge [sflag:s17], $0x1000  }
0x18f: {  	[sflag:s17] =	ssyncset.done $0x0  }
0x190: {  	[sflag:s17] =	ssyncadd.s32 $0xFFFFF000  }
0x191: {  	_ =	swait.ge [sflag:s17], $0x1000  }
0x192: {  	[sflag:s17] =	ssyncset.done $0x0  }
0x193: {  	[sflag:s17] =	ssyncadd.s32 $0xFFFFF000  }
0x194: {  	_ =	swait.ge [sflag:s17], $0x1000  }
0x195: {  	[sflag:s17] =	ssyncset.done $0x0  }
0x196: {  	[sflag:s17] =	ssyncadd.s32 $0xFFFFF000  }
0x197: {  	_ =	swait.ge [sflag:s17], $0x1000  }
0x198: {  	[sflag:s17] =	ssyncset.done $0x0  }
0x199: {  	[sflag:s17] =	ssyncadd.s32 $0xFFFFF000  }
0x19a: {  	_ =	swait.ge [sflag:s17], $0x1000  }
0x19b: {  	[sflag:s17] =	ssyncset.done $0x0  }
0x19c: {  	[sflag:s17] =	ssyncadd.s32 $0xFFFFF000  }
0x19d: {  	_ =	swait.ge [sflag:s17], $0x1000  }
0x19e: {  	[sflag:s17] =	ssyncset.done $0x0  }
0x19f: {  	[sflag:s17] =	ssyncadd.s32 $0xFFFFF000  }
0x1a0: {  	_ =	swait.ge [sflag:s17], $0x1000  }
0x1a1: {  	[sflag:s17] =	ssyncset.done $0x0  }
0x1a2: {  	[sflag:s17] =	ssyncadd.s32 $0xFFFFF000  }
0x1a3: {  	_ =	swait.ge [sflag:s17], $0x1000  }
0x1a4: {  	[sflag:s17] =	ssyncset.done $0x0  }
0x1a5: {  	[sflag:s17] =	ssyncadd.s32 $0xFFFFF000  }
0x1a6: {  	_ =	swait.ge [sflag:s17], $0x1000  }
0x1a7: {  	[sflag:s17] =	ssyncset.done $0x0  }
0x1a8: {  	[sflag:s17] =	ssyncadd.s32 $0xFFFFF000  }
0x1a9: {  	_ =	swait.ge [sflag:s17], $0x1000  }
0x1aa: {  	[sflag:s17] =	ssyncset.done $0x0  }
0x1ab: {  	[sflag:s17] =	ssyncadd.s32 $0xFFFFF000  }
0x1ac: {  	_ =	swait.ge [sflag:s17], $0x1000  }
0x1ad: {  	[sflag:s17] =	ssyncset.done $0x0  }
0x1ae: {  	[sflag:s17] =	ssyncadd.s32 $0xFFFFF000  }
0x1af: {  	_ =	swait.ge [sflag:s17], $0x1000  }
0x1b0: {  	[sflag:s17] =	ssyncset.done $0x0  }
0x1b1: {  	[sflag:s17] =	ssyncadd.s32 $0xFFFFF000  }
0x1b2: {  	_ =	swait.ge [sflag:s17], $0x1000  }
0x1b3: {  	[sflag:s17] =	ssyncset.done $0x0  }
0x1b4: {  	[sflag:s17] =	ssyncadd.s32 $0xFFFFF000  }
0x1b5: {  	_ =	swait.ge [sflag:s17], $0x1000  }
0x1b6: {  	[sflag:s17] =	ssyncset.done $0x0  }
0x1b7: {  	[sflag:s17] =	ssyncadd.s32 $0xFFFFF000  }
0x1b8: {  	_ =	swait.ge [sflag:s17], $0x1000  }
0x1b9: {  	[sflag:s17] =	ssyncset.done $0x0  }
0x1ba: {  	[sflag:s17] =	ssyncadd.s32 $0xFFFFF000  }
0x1bb: {  	_ =	swait.ge [sflag:s17], $0x800  }
0x1bc: {  	[sflag:s17] =	ssyncset.done $0x0  }
0x1bd: {  	s25 =	simm.s32 @!p0 $0x1;
	[sflag:s17] =	ssyncadd.s32 $0xFFFFF800  }
0x1be: {  	_ =	swait.ge @!p0 [sflag:s25], $0x800  }
0x1bf: {  	[sflag:s25] =	ssyncset.done @!p0 $0x0  }
0x1c0: {  	[sflag:s25] =	ssyncadd.s32 @!p0 $0xFFFFF800  }
0x1c1: {  	[bflag:$0x0] =	sbarrier.arrive $0xFFFF  }
0x1c2: {  	s25 =	simm.s32 $0x0;
	s26 =	rddreg [dreg:$0xa]  }
0x1c3: {  	[tilespmem:s18], [sflag:$0x3] =	stream.linear.gather [hbm4b:s26+s25], $0x1400, $0x38;
	[tilespmem:$0x1E0C0] =	vst v63  }
0x1c4: {  	_ =	swait.ge [sflag:s19], $0x1400  }
0x1c5: {  	s29 =	smov.u32 s28;
	[sflag:s19] =	ssyncset.done $0x0  }
0x1c6: {  	s28 =	simm.s32 $0x14CC0;
	s26 =	rddreg [dreg:$0xb];
	[sflag:s19] =	ssyncadd.s32 $0xFFFFEC00  }
0x1c7: {  	[tilespmem:s28], [sflag:$0x3] =	stream.linear.gather [hbm4b:s26+s25], $0x1400, $0x38;
	[tilespmem:$0x1E0C0] =	vst v63  }
0x1c8: {  	_ =	swait.ge [sflag:s19], $0x1400  }
0x1c9: {  	[sflag:s19] =	ssyncset.done $0x0  }
0x1ca: {  	s25 =	simm.s32 $0x0;
	[sflag:s19] =	ssyncadd.s32 $0xFFFFEC00  }
0x1cb: {  	v4 =	vld [tilespmem:s25+$0x138C0]  }
0x1cc: {  	v6 =	vld [tilespmem:s25+$0x138D0]  }
0x1cd: {  	v5 =	vld [tilespmem:s25+$0x138E0]  }
0x1ce: {  	v3 =	vld [tilespmem:s25+$0x138F0]  }
0x1cf: {  	v2 =	vld [tilespmem:s25+$0x13900]  }
0x1d0: {  	v7 =	vadd.s32 v0, v4;
	v4 =	vld [tilespmem:s25+$0x13910]  }
0x1d1: {  	s26 =	simm.s32 $0x200;
	[tilespmem:s25+$0x138C0] =	vst v7;
	v7 =	vadd.s32 v0, v6;
	v6 =	vld [tilespmem:s25+$0x13920]  }
.LBB2_14:
0x1d2: {  	s28 =	sshra.s32 s26, $0x2;
	p1 =	sne.s32 s26, $0x4E00;
	[tilespmem:s25+$0x138D0] =	vst v7;
	v5 =	vadd.s32 v0, v5;
	v7 =	vld [tilespmem:s25+$0x13930]  }
0x1d3: {  	v8 =	vld [tilespmem:s28+$0x138C0];
	[tilespmem:s25+$0x138E0] =	vst v5;
	v3 =	vadd.s32 v0, v3  }
0x1d4: {  	v9 =	vld [tilespmem:s28+$0x138D0];
	[tilespmem:s25+$0x138F0] =	vst v3;
	v2 =	vadd.s32 v0, v2  }
.Ltmp6:
0x1d5: {  	v5 =	vld [tilespmem:s28+$0x138E0];
	[tilespmem:s25+$0x13900] =	vst v2;
	v2 =	vadd.s32 v0, v4;
	(pc) =	sbr.rel @p1 .LBB2_14-.Ltmp6, $4  }
0x1d6: {  	v3 =	vld [tilespmem:s28+$0x138F0];
	[tilespmem:s25+$0x13910] =	vst v2;
	v4 =	vadd.s32 v0, v6  }
0x1d7: {  	v2 =	vld [tilespmem:s28+$0x13900];
	[tilespmem:s25+$0x13920] =	vst v4;
	v6 =	vadd.s32 v0, v7  }
0x1d8: {  	v7 =	vadd.s32 v0, v8;
	v4 =	vld [tilespmem:s28+$0x13910];
	[tilespmem:s25+$0x13930] =	vst v6;
	s25 =	smov.u32 s28  }
0x1d9: {  	s26 =	sadd.s32 $0x200, s26;
	[tilespmem:s25+$0x138C0] =	vst v7;
	v7 =	vadd.s32 v0, v9;
	v6 =	vld [tilespmem:s25+$0x13920]  }
0x1da: {  	[tilespmem:s25+$0x138D0] =	vst v7;
	v5 =	vadd.s32 v0, v5;
	v63 =	vld [tilespmem:s25+$0x13930]  }
0x1db: {  	[tilespmem:s25+$0x138E0] =	vst v5;
	v3 =	vadd.s32 v0, v3  }
0x1dc: {  	[tilespmem:s25+$0x138F0] =	vst v3;
	v2 =	vadd.s32 v0, v2  }
0x1dd: {  	[tilespmem:s25+$0x13900] =	vst v2;
	v2 =	vadd.s32 v0, v4  }
0x1de: {  	[tilespmem:s25+$0x13910] =	vst v2;
	v2 =	vadd.s32 v0, v6  }
0x1df: {  	[tilespmem:s25+$0x13920] =	vst v2;
	v2 =	vadd.s32 v0, v63  }
0x1e0: {  	[tilespmem:s25+$0x13930] =	vst v2  }
0x1e1: {  	[tilespmem:s16], [sflag:$0x1] =	stream.indirect.gather [hbm4b:s1+s21], $0x80, s18, s21, $0xb8;
	[tilespmem:$0x1E0C0] =	vst v63  }
0x1e2: {  	s26 =	simm.s32 $0x13940  }
0x1e3: {  	[tilespmem:s20], [sflag:$0x1] =	stream.indirect.gather [hbm4b:s1+s21], $0x80, s26, s21, $0xb8;
	[tilespmem:$0x1E0C0] =	vst v63  }
0x1e4: {  	_ =	swait.ge [sflag:s17], $0x4000  }
0x1e5: {  	[sflag:s17] =	ssyncset.done $0x0  }
0x1e6: {  	s28 =	simm.s32 $0x14CC0;
	[sflag:s17] =	ssyncadd.s32 $0xFFFFC000  }
0x1e7: {  	[spmem:s2] =	stream.indirect.scatter.add.f32 [tilespmem:s16], [sflag:$0x2], $0x80, s28, s21, $0xb8;
	[tilespmem:$0x1E0C0] =	vst v63  }
0x1e8: {  	_ =	swait.ge [sflag:s7], $0x4000  }
0x1e9: {  	[sflag:s7] =	ssyncset.done $0x0  }
0x1ea: {  	s26 =	simm.s32 $0x139C0;
	[sflag:s7] =	ssyncadd.s32 $0xFFFFC000  }
0x1eb: {  	[tilespmem:s16], [sflag:$0x1] =	stream.indirect.gather [hbm4b:s1+s21], $0x80, s26, s21, $0xb8;
	[tilespmem:$0x1E0C0] =	vst v63  }
0x1ec: {  	_ =	swait.ge [sflag:s17], $0x4000  }
0x1ed: {  	[sflag:s17] =	ssyncset.done $0x0  }
0x1ee: {  	s28 =	simm.s32 $0x14D40;
	[sflag:s17] =	ssyncadd.s32 $0xFFFFC000  }
0x1ef: {  	[spmem:s2] =	stream.indirect.scatter.add.f32 [tilespmem:s20], [sflag:$0x2], $0x80, s28, s21, $0xb8;
	[tilespmem:$0x1E0C0] =	vst v63  }
0x1f0: {  	_ =	swait.ge [sflag:s7], $0x4000  }
0x1f1: {  	[sflag:s7] =	ssyncset.done $0x0  }
0x1f2: {  	s25 =	simm.s32 $0x400;
	s26 =	simm.s32 $0x13A40;
	[sflag:s7] =	ssyncadd.s32 $0xFFFFC000  }
.LBB2_16:
0x1f3: {  	[tilespmem:s20], [sflag:$0x1] =	stream.indirect.gather [hbm4b:s1+s21], $0x80, s26, s21, $0xb8;
	[tilespmem:$0x1E0C0] =	vst v63  }
0x1f4: {  	s26 =	smov.u32 s25  }
0x1f5: {  	p1 =	sne.s32 s25, $0x4800;
	s25 =	sadd.s32 $0x400, s25;
	_ =	swait.ge [sflag:s17], $0x4000  }
0x1f6: {  	s26 =	sshra.s32 s26, $0x2;
	[sflag:s17] =	ssyncset.done $0x0  }
0x1f7: {  	s28 =	sadd.s32 $0x14CC0, s26;
	[sflag:s17] =	ssyncadd.s32 $0xFFFFC000  }
0x1f8: {  	[spmem:s2] =	stream.indirect.scatter.add.f32 [tilespmem:s16], [sflag:$0x2], $0x80, s28, s21, $0xb8;
	[tilespmem:$0x1E0C0] =	vst v63  }
0x1f9: {  	_ =	swait.ge [sflag:s7], $0x4000  }
0x1fa: {  	[sflag:s7] =	ssyncset.done $0x0  }
0x1fb: {  	s28 =	sadd.s32 $0x139C0, s26;
	[sflag:s7] =	ssyncadd.s32 $0xFFFFC000  }
0x1fc: {  	[tilespmem:s16], [sflag:$0x1] =	stream.indirect.gather [hbm4b:s1+s21], $0x80, s28, s21, $0xb8;
	[tilespmem:$0x1E0C0] =	vst v63  }
0x1fd: {  	_ =	swait.ge [sflag:s17], $0x4000  }
0x1fe: {  	[sflag:s17] =	ssyncset.done $0x0  }
.Ltmp7:
0x1ff: {  	s28 =	sadd.s32 $0x14D40, s26;
	[sflag:s17] =	ssyncadd.s32 $0xFFFFC000;
	(pc) =	sbr.rel @p1 .LBB2_16-.Ltmp7, $4  }
0x200: {  	[spmem:s2] =	stream.indirect.scatter.add.f32 [tilespmem:s20], [sflag:$0x2], $0x80, s28, s21, $0xb8;
	[tilespmem:$0x1E0C0] =	vst v63  }
0x201: {  	_ =	swait.ge [sflag:s7], $0x4000  }
0x202: {  	[sflag:s7] =	ssyncset.done $0x0  }
0x203: {  	s26 =	sadd.s32 $0x13A40, s26;
	[sflag:s7] =	ssyncadd.s32 $0xFFFFC000  }
0x204: {  	[tilespmem:s20], [sflag:$0x1] =	stream.indirect.gather [hbm4b:s1+s21], $0x80, s26, s21, $0xb8;
	[tilespmem:$0x1E0C0] =	vst v63  }
0x205: {  	_ =	swait.ge [sflag:s17], $0x4000  }
0x206: {  	[sflag:s17] =	ssyncset.done $0x0  }
0x207: {  	[sflag:s17] =	ssyncadd.s32 $0xFFFFC000  }
0x208: {  	[spmem:s2] =	stream.indirect.scatter.add.f32 [tilespmem:s16], [sflag:$0x2], $0x80, s30, s21, $0xb8;
	[tilespmem:$0x1E0C0] =	vst v63  }
0x209: {  	_ =	swait.ge [sflag:s17], $0x4000  }
0x20a: {  	[sflag:s17] =	ssyncset.done $0x0  }
0x20b: {  	s30 =	simm.s32 $0x16040;
	[sflag:s17] =	ssyncadd.s32 $0xFFFFC000  }
0x20c: {  	[spmem:s2] =	stream.indirect.scatter.add.f32 [tilespmem:s20], [sflag:$0x2], $0x80, s30, s21, $0xb8;
	[tilespmem:$0x1E0C0] =	vst v63  }
0x20d: {  	_ =	swait.ge [sflag:s7], $0x4000  }
0x20e: {  	[sflag:s7] =	ssyncset.done $0x0  }
0x20f: {  	[sflag:s7] =	ssyncadd.s32 $0xFFFFC000  }
0x210: {  	_ =	swait.ge [sflag:s7], $0x4000  }
0x211: {  	[sflag:s7] =	ssyncset.done $0x0  }
0x212: {  	s25 =	simm.s32 $0x0;
	s28 =	rddreg [dreg:$0xc];
	[sflag:s7] =	ssyncadd.s32 $0xFFFFC000  }
0x213: {  	[tilespmem:s18], [sflag:$0x3] =	stream.linear.gather [hbm4b:s28+s25], $0x1400, $0x38;
	[tilespmem:$0x1E0C0] =	vst v63  }
0x214: {  	_ =	swait.ge [sflag:s19], $0x1400  }
0x215: {  	[sflag:s19] =	ssyncset.done $0x0  }
0x216: {  	s28 =	simm.s32 $0x14CC0;
	s26 =	rddreg [dreg:$0xd];
	[sflag:s19] =	ssyncadd.s32 $0xFFFFEC00  }
0x217: {  	[tilespmem:s28], [sflag:$0x3] =	stream.linear.gather [hbm4b:s26+s25], $0x1400, $0x38;
	[tilespmem:$0x1E0C0] =	vst v63  }
0x218: {  	_ =	swait.ge [sflag:s19], $0x1400  }
0x219: {  	[sflag:s19] =	ssyncset.done $0x0  }
0x21a: {  	s25 =	simm.s32 $0x0;
	[sflag:s19] =	ssyncadd.s32 $0xFFFFEC00  }
0x21b: {  	v4 =	vld [tilespmem:s25+$0x138C0]  }
0x21c: {  	v6 =	vld [tilespmem:s25+$0x138D0]  }
0x21d: {  	v5 =	vld [tilespmem:s25+$0x138E0]  }
0x21e: {  	v3 =	vld [tilespmem:s25+$0x138F0]  }
0x21f: {  	v2 =	vld [tilespmem:s25+$0x13900]  }
0x220: {  	v7 =	vadd.s32 v0, v4;
	v4 =	vld [tilespmem:s25+$0x13910]  }
0x221: {  	s26 =	simm.s32 $0x200;
	[tilespmem:s25+$0x138C0] =	vst v7;
	v7 =	vadd.s32 v0, v6;
	v6 =	vld [tilespmem:s25+$0x13920]  }
.LBB2_18:
0x222: {  	s28 =	sshra.s32 s26, $0x2;
	p1 =	sne.s32 s26, $0x4E00;
	[tilespmem:s25+$0x138D0] =	vst v7;
	v5 =	vadd.s32 v0, v5;
	v7 =	vld [tilespmem:s25+$0x13930]  }
0x223: {  	v8 =	vld [tilespmem:s28+$0x138C0];
	[tilespmem:s25+$0x138E0] =	vst v5;
	v3 =	vadd.s32 v0, v3  }
0x224: {  	v9 =	vld [tilespmem:s28+$0x138D0];
	[tilespmem:s25+$0x138F0] =	vst v3;
	v2 =	vadd.s32 v0, v2  }
.Ltmp8:
0x225: {  	v5 =	vld [tilespmem:s28+$0x138E0];
	[tilespmem:s25+$0x13900] =	vst v2;
	v2 =	vadd.s32 v0, v4;
	(pc) =	sbr.rel @p1 .LBB2_18-.Ltmp8, $4  }
0x226: {  	v3 =	vld [tilespmem:s28+$0x138F0];
	[tilespmem:s25+$0x13910] =	vst v2;
	v4 =	vadd.s32 v0, v6  }
0x227: {  	v2 =	vld [tilespmem:s28+$0x13900];
	[tilespmem:s25+$0x13920] =	vst v4;
	v6 =	vadd.s32 v0, v7  }
0x228: {  	v7 =	vadd.s32 v0, v8;
	v4 =	vld [tilespmem:s28+$0x13910];
	[tilespmem:s25+$0x13930] =	vst v6;
	s25 =	smov.u32 s28  }
0x229: {  	s26 =	sadd.s32 $0x200, s26;
	[tilespmem:s25+$0x138C0] =	vst v7;
	v7 =	vadd.s32 v0, v9;
	v6 =	vld [tilespmem:s25+$0x13920]  }
0x22a: {  	[tilespmem:s25+$0x138D0] =	vst v7;
	v5 =	vadd.s32 v0, v5;
	v63 =	vld [tilespmem:s25+$0x13930]  }
0x22b: {  	[tilespmem:s25+$0x138E0] =	vst v5;
	v3 =	vadd.s32 v0, v3  }
0x22c: {  	[tilespmem:s25+$0x138F0] =	vst v3;
	v2 =	vadd.s32 v0, v2  }
0x22d: {  	[tilespmem:s25+$0x13900] =	vst v2;
	v2 =	vadd.s32 v0, v4  }
0x22e: {  	[tilespmem:s25+$0x13910] =	vst v2;
	v2 =	vadd.s32 v0, v6  }
0x22f: {  	[tilespmem:s25+$0x13920] =	vst v2;
	v2 =	vadd.s32 v0, v63  }
0x230: {  	[tilespmem:s25+$0x13930] =	vst v2  }
0x231: {  	[tilespmem:s16], [sflag:$0x1] =	stream.indirect.gather [hbm4b:s1+s21], $0x80, s18, s21, $0xb8;
	[tilespmem:$0x1E0C0] =	vst v63  }
0x232: {  	s26 =	simm.s32 $0x13940  }
0x233: {  	[tilespmem:s20], [sflag:$0x1] =	stream.indirect.gather [hbm4b:s1+s21], $0x80, s26, s21, $0xb8;
	[tilespmem:$0x1E0C0] =	vst v63  }
0x234: {  	_ =	swait.ge [sflag:s17], $0x4000  }
0x235: {  	[sflag:s17] =	ssyncset.done $0x0  }
0x236: {  	s28 =	simm.s32 $0x14CC0;
	[sflag:s17] =	ssyncadd.s32 $0xFFFFC000  }
0x237: {  	[spmem:s2] =	stream.indirect.scatter.add.f32 [tilespmem:s16], [sflag:$0x2], $0x80, s28, s21, $0xb8;
	[tilespmem:$0x1E0C0] =	vst v63  }
0x238: {  	_ =	swait.ge [sflag:s7], $0x4000  }
0x239: {  	[sflag:s7] =	ssyncset.done $0x0  }
0x23a: {  	s26 =	simm.s32 $0x139C0;
	[sflag:s7] =	ssyncadd.s32 $0xFFFFC000  }
0x23b: {  	[tilespmem:s16], [sflag:$0x1] =	stream.indirect.gather [hbm4b:s1+s21], $0x80, s26, s21, $0xb8;
	[tilespmem:$0x1E0C0] =	vst v63  }
0x23c: {  	_ =	swait.ge [sflag:s17], $0x4000  }
0x23d: {  	[sflag:s17] =	ssyncset.done $0x0  }
0x23e: {  	s28 =	simm.s32 $0x14D40;
	[sflag:s17] =	ssyncadd.s32 $0xFFFFC000  }
0x23f: {  	[spmem:s2] =	stream.indirect.scatter.add.f32 [tilespmem:s20], [sflag:$0x2], $0x80, s28, s21, $0xb8;
	[tilespmem:$0x1E0C0] =	vst v63  }
0x240: {  	_ =	swait.ge [sflag:s7], $0x4000  }
0x241: {  	[sflag:s7] =	ssyncset.done $0x0  }
0x242: {  	s25 =	simm.s32 $0x400;
	s26 =	simm.s32 $0x13A40;
	[sflag:s7] =	ssyncadd.s32 $0xFFFFC000  }
.LBB2_20:
0x243: {  	[tilespmem:s20], [sflag:$0x1] =	stream.indirect.gather [hbm4b:s1+s21], $0x80, s26, s21, $0xb8;
	[tilespmem:$0x1E0C0] =	vst v63  }
0x244: {  	s26 =	smov.u32 s25  }
0x245: {  	p1 =	sne.s32 s25, $0x4800;
	s25 =	sadd.s32 $0x400, s25;
	_ =	swait.ge [sflag:s17], $0x4000  }
0x246: {  	s26 =	sshra.s32 s26, $0x2;
	[sflag:s17] =	ssyncset.done $0x0  }
0x247: {  	s28 =	sadd.s32 $0x14CC0, s26;
	[sflag:s17] =	ssyncadd.s32 $0xFFFFC000  }
0x248: {  	[spmem:s2] =	stream.indirect.scatter.add.f32 [tilespmem:s16], [sflag:$0x2], $0x80, s28, s21, $0xb8;
	[tilespmem:$0x1E0C0] =	vst v63  }
0x249: {  	_ =	swait.ge [sflag:s7], $0x4000  }
0x24a: {  	[sflag:s7] =	ssyncset.done $0x0  }
0x24b: {  	s28 =	sadd.s32 $0x139C0, s26;
	[sflag:s7] =	ssyncadd.s32 $0xFFFFC000  }
0x24c: {  	[tilespmem:s16], [sflag:$0x1] =	stream.indirect.gather [hbm4b:s1+s21], $0x80, s28, s21, $0xb8;
	[tilespmem:$0x1E0C0] =	vst v63  }
0x24d: {  	_ =	swait.ge [sflag:s17], $0x4000  }
0x24e: {  	[sflag:s17] =	ssyncset.done $0x0  }
.Ltmp9:
0x24f: {  	s28 =	sadd.s32 $0x14D40, s26;
	[sflag:s17] =	ssyncadd.s32 $0xFFFFC000;
	(pc) =	sbr.rel @p1 .LBB2_20-.Ltmp9, $4  }
0x250: {  	[spmem:s2] =	stream.indirect.scatter.add.f32 [tilespmem:s20], [sflag:$0x2], $0x80, s28, s21, $0xb8;
	[tilespmem:$0x1E0C0] =	vst v63  }
0x251: {  	_ =	swait.ge [sflag:s7], $0x4000  }
0x252: {  	[sflag:s7] =	ssyncset.done $0x0  }
0x253: {  	s26 =	sadd.s32 $0x13A40, s26;
	[sflag:s7] =	ssyncadd.s32 $0xFFFFC000  }
0x254: {  	[tilespmem:s20], [sflag:$0x1] =	stream.indirect.gather [hbm4b:s1+s21], $0x80, s26, s21, $0xb8;
	[tilespmem:$0x1E0C0] =	vst v63  }
0x255: {  	_ =	swait.ge [sflag:s17], $0x4000  }
0x256: {  	[sflag:s17] =	ssyncset.done $0x0  }
0x257: {  	s26 =	simm.s32 $0x15FC0;
	[sflag:s17] =	ssyncadd.s32 $0xFFFFC000  }
0x258: {  	[spmem:s2] =	stream.indirect.scatter.add.f32 [tilespmem:s16], [sflag:$0x2], $0x80, s26, s21, $0xb8;
	[tilespmem:$0x1E0C0] =	vst v63  }
0x259: {  	_ =	swait.ge [sflag:s17], $0x4000  }
0x25a: {  	[sflag:s17] =	ssyncset.done $0x0  }
0x25b: {  	[sflag:s17] =	ssyncadd.s32 $0xFFFFC000  }
0x25c: {  	[spmem:s2] =	stream.indirect.scatter.add.f32 [tilespmem:s20], [sflag:$0x2], $0x80, s30, s21, $0xb8;
	[tilespmem:$0x1E0C0] =	vst v63  }
0x25d: {  	_ =	swait.ge [sflag:s7], $0x4000  }
0x25e: {  	[sflag:s7] =	ssyncset.done $0x0  }
0x25f: {  	[sflag:s7] =	ssyncadd.s32 $0xFFFFC000  }
0x260: {  	_ =	swait.ge [sflag:s7], $0x4000  }
0x261: {  	[sflag:s7] =	ssyncset.done $0x0  }
0x262: {  	[sflag:s7] =	ssyncadd.s32 $0xFFFFC000  }
0x263: {  	[bflag:$0x0] =	sbarrier.arrive $0xFFFF  }
0x264: {  	s25 =	rddreg [dreg:$0xe]  }
0x265: {  	[hbm:s25], [sflag:s22] =	dma.local [spmem:s23], $0x2700  }
0x266: {  	_ =	swait.ge [sflag:s19], $0x2700  }
0x267: {  	[sflag:s19] =	ssyncset.done $0x0  }
0x268: {  	s23 =	rddreg [dreg:$0xf];
	[sflag:s19] =	ssyncadd.s32 $0xFFFFD900  }
0x269: {  	[hbm:s23], [sflag:s22] =	dma.local @!p0 [spmem:s24], $0x100  }
0x26a: {  	s22 =	simm.s32 @!p0 $0x3  }
0x26b: {  	_ =	swait.ge @!p0 [sflag:s22], $0x100  }
0x26c: {  	[sflag:s22] =	ssyncset.done @!p0 $0x0  }
0x26d: {  	s23 =	simm.s32 $0x200;
	[sflag:s22] =	ssyncadd.s32 @!p0 $0xFFFFFF00;
	s22 =	simm.s32 $0x0  }
.LBB2_22:
0x26e: {  	p1 =	sne.s32 s23, $0x3E00;
	[tilespmem:s22+$0x16130] =	vst v1  }
0x26f: {  	[tilespmem:s22+$0x160C0] =	vst v1  }
0x270: {  	[tilespmem:s22+$0x160D0] =	vst v1  }
.Ltmp10:
0x271: {  	[tilespmem:s22+$0x160E0] =	vst v1;
	(pc) =	sbr.rel @p1 .LBB2_22-.Ltmp10, $4  }
0x272: {  	[tilespmem:s22+$0x160F0] =	vst v1  }
0x273: {  	[tilespmem:s22+$0x16100] =	vst v1  }
0x274: {  	[tilespmem:s22+$0x16110] =	vst v1  }
0x275: {  	[tilespmem:s22+$0x16120] =	vst v1;
	s22 =	sshra.s32 s23, $0x2;
	s23 =	sadd.s32 $0x200, s23  }
0x276: {  	[tilespmem:s22+$0x16130] =	vst v1  }
0x277: {  	[tilespmem:s22+$0x160C0] =	vst v1  }
0x278: {  	[tilespmem:s22+$0x160D0] =	vst v1  }
0x279: {  	[tilespmem:s22+$0x160E0] =	vst v1  }
0x27a: {  	[tilespmem:s22+$0x160F0] =	vst v1  }
0x27b: {  	[tilespmem:s22+$0x16100] =	vst v1  }
0x27c: {  	[tilespmem:s22+$0x16110] =	vst v1  }
0x27d: {  	[tilespmem:s22+$0x16120] =	vst v1  }
0x27e: {  	[spmem:s6] =	stream.linear.scatter [tilespmem:s16], [sflag:$0x1], $0x1000, $0x38;
	[tilespmem:$0x1E0C0] =	vst v63  }
0x27f: {  	s24 =	rddreg [dreg:$0x11]  }
0x280: {  	[spmem:s24] =	stream.linear.scatter [tilespmem:s16], [sflag:$0x1], $0x1000, $0x38;
	[tilespmem:$0x1E0C0] =	vst v63  }
0x281: {  	s25 =	rddreg [dreg:$0x12]  }
0x282: {  	[spmem:s25] =	stream.linear.scatter [tilespmem:s16], [sflag:$0x1], $0x1000, $0x38;
	[tilespmem:$0x1E0C0] =	vst v63  }
0x283: {  	s23 =	rddreg [dreg:$0x13]  }
0x284: {  	[spmem:s23] =	stream.linear.scatter [tilespmem:s16], [sflag:$0x1], $0x1000, $0x38;
	[tilespmem:$0x1E0C0] =	vst v63  }
0x285: {  	s24 =	rddreg [dreg:$0x14]  }
0x286: {  	[spmem:s24] =	stream.linear.scatter [tilespmem:s16], [sflag:$0x1], $0x1000, $0x38;
	[tilespmem:$0x1E0C0] =	vst v63  }
0x287: {  	s25 =	rddreg [dreg:$0x15]  }
0x288: {  	[spmem:s25] =	stream.linear.scatter [tilespmem:s16], [sflag:$0x1], $0x1000, $0x38;
	[tilespmem:$0x1E0C0] =	vst v63  }
0x289: {  	s23 =	rddreg [dreg:$0x16]  }
0x28a: {  	[spmem:s23] =	stream.linear.scatter [tilespmem:s16], [sflag:$0x1], $0x1000, $0x38;
	[tilespmem:$0x1E0C0] =	vst v63  }
0x28b: {  	s24 =	rddreg [dreg:$0x17]  }
0x28c: {  	[spmem:s24] =	stream.linear.scatter [tilespmem:s16], [sflag:$0x1], $0x1000, $0x38;
	[tilespmem:$0x1E0C0] =	vst v63  }
0x28d: {  	s25 =	rddreg [dreg:$0x18]  }
0x28e: {  	[spmem:s25] =	stream.linear.scatter [tilespmem:s16], [sflag:$0x1], $0x1000, $0x38;
	[tilespmem:$0x1E0C0] =	vst v63  }
0x28f: {  	_ = 	snop  }
0x290: {  	[spmem:s31] =	stream.linear.scatter [tilespmem:s16], [sflag:$0x1], $0x1000, $0x38;
	[tilespmem:$0x1E0C0] =	vst v63  }
0x291: {  	_ = 	snop  }
0x292: {  	[spmem:s0] =	stream.linear.scatter [tilespmem:s16], [sflag:$0x1], $0x1000, $0x38;
	[tilespmem:$0x1E0C0] =	vst v63  }
0x293: {  	_ = 	snop  }
0x294: {  	[spmem:s5] =	stream.linear.scatter [tilespmem:s16], [sflag:$0x1], $0x1000, $0x38;
	[tilespmem:$0x1E0C0] =	vst v63  }
0x295: {  	_ = 	snop  }
0x296: {  	[spmem:s9] =	stream.linear.scatter [tilespmem:s16], [sflag:$0x1], $0x1000, $0x38;
	[tilespmem:$0x1E0C0] =	vst v63  }
0x297: {  	_ = 	snop  }
0x298: {  	[spmem:s10] =	stream.linear.scatter [tilespmem:s16], [sflag:$0x1], $0x1000, $0x38;
	[tilespmem:$0x1E0C0] =	vst v63  }
0x299: {  	_ = 	snop  }
0x29a: {  	[spmem:s11] =	stream.linear.scatter [tilespmem:s16], [sflag:$0x1], $0x1000, $0x38;
	[tilespmem:$0x1E0C0] =	vst v63  }
0x29b: {  	_ = 	snop  }
0x29c: {  	[spmem:s12] =	stream.linear.scatter [tilespmem:s16], [sflag:$0x1], $0x1000, $0x38;
	[tilespmem:$0x1E0C0] =	vst v63  }
0x29d: {  	_ = 	snop  }
0x29e: {  	[spmem:s13] =	stream.linear.scatter [tilespmem:s16], [sflag:$0x1], $0x1000, $0x38;
	[tilespmem:$0x1E0C0] =	vst v63  }
0x29f: {  	_ = 	snop  }
0x2a0: {  	[spmem:s14] =	stream.linear.scatter [tilespmem:s16], [sflag:$0x1], $0x1000, $0x38;
	[tilespmem:$0x1E0C0] =	vst v63  }
0x2a1: {  	_ = 	snop  }
0x2a2: {  	[spmem:s15] =	stream.linear.scatter [tilespmem:s16], [sflag:$0x1], $0x1000, $0x38;
	[tilespmem:$0x1E0C0] =	vst v63  }
0x2a3: {  	_ = 	snop  }
0x2a4: {  	[spmem:s29] =	stream.linear.scatter [tilespmem:s16], [sflag:$0x1], $0x800, $0x38;
	[tilespmem:$0x1E0C0] =	vst v63  }
0x2a5: {  	s22 =	simm.s32 @!p0 $0x160C0  }
0x2a6: {  	[spmem:s8] =	stream.linear.scatter @!p0 [tilespmem:s22], [sflag:$0x1], $0x800, $0x38;
	[tilespmem:$0x1E0C0] =	vst v63  }
0x2a7: {  	_ =	swait.ge [sflag:s17], $0x1000  }
0x2a8: {  	[sflag:s17] =	ssyncset.done $0x0  }
0x2a9: {  	[sflag:s17] =	ssyncadd.s32 $0xFFFFF000  }
0x2aa: {  	_ =	swait.ge [sflag:s17], $0x1000  }
0x2ab: {  	[sflag:s17] =	ssyncset.done $0x0  }
0x2ac: {  	[sflag:s17] =	ssyncadd.s32 $0xFFFFF000  }
0x2ad: {  	_ =	swait.ge [sflag:s17], $0x1000  }
0x2ae: {  	[sflag:s17] =	ssyncset.done $0x0  }
0x2af: {  	[sflag:s17] =	ssyncadd.s32 $0xFFFFF000  }
0x2b0: {  	_ =	swait.ge [sflag:s17], $0x1000  }
0x2b1: {  	[sflag:s17] =	ssyncset.done $0x0  }
0x2b2: {  	[sflag:s17] =	ssyncadd.s32 $0xFFFFF000  }
0x2b3: {  	_ =	swait.ge [sflag:s17], $0x1000  }
0x2b4: {  	[sflag:s17] =	ssyncset.done $0x0  }
0x2b5: {  	[sflag:s17] =	ssyncadd.s32 $0xFFFFF000  }
0x2b6: {  	_ =	swait.ge [sflag:s17], $0x1000  }
0x2b7: {  	[sflag:s17] =	ssyncset.done $0x0  }
0x2b8: {  	[sflag:s17] =	ssyncadd.s32 $0xFFFFF000  }
0x2b9: {  	_ =	swait.ge [sflag:s17], $0x1000  }
0x2ba: {  	[sflag:s17] =	ssyncset.done $0x0  }
0x2bb: {  	[sflag:s17] =	ssyncadd.s32 $0xFFFFF000  }
0x2bc: {  	_ =	swait.ge [sflag:s17], $0x1000  }
0x2bd: {  	[sflag:s17] =	ssyncset.done $0x0  }
0x2be: {  	[sflag:s17] =	ssyncadd.s32 $0xFFFFF000  }
0x2bf: {  	_ =	swait.ge [sflag:s17], $0x1000  }
0x2c0: {  	[sflag:s17] =	ssyncset.done $0x0  }
0x2c1: {  	[sflag:s17] =	ssyncadd.s32 $0xFFFFF000  }
0x2c2: {  	_ =	swait.ge [sflag:s17], $0x1000  }
0x2c3: {  	[sflag:s17] =	ssyncset.done $0x0  }
0x2c4: {  	[sflag:s17] =	ssyncadd.s32 $0xFFFFF000  }
0x2c5: {  	_ =	swait.ge [sflag:s17], $0x1000  }
0x2c6: {  	[sflag:s17] =	ssyncset.done $0x0  }
0x2c7: {  	[sflag:s17] =	ssyncadd.s32 $0xFFFFF000  }
0x2c8: {  	_ =	swait.ge [sflag:s17], $0x1000  }
0x2c9: {  	[sflag:s17] =	ssyncset.done $0x0  }
0x2ca: {  	[sflag:s17] =	ssyncadd.s32 $0xFFFFF000  }
0x2cb: {  	_ =	swait.ge [sflag:s17], $0x1000  }
0x2cc: {  	[sflag:s17] =	ssyncset.done $0x0  }
0x2cd: {  	[sflag:s17] =	ssyncadd.s32 $0xFFFFF000  }
0x2ce: {  	_ =	swait.ge [sflag:s17], $0x1000  }
0x2cf: {  	[sflag:s17] =	ssyncset.done $0x0  }
0x2d0: {  	[sflag:s17] =	ssyncadd.s32 $0xFFFFF000  }
0x2d1: {  	_ =	swait.ge [sflag:s17], $0x1000  }
0x2d2: {  	[sflag:s17] =	ssyncset.done $0x0  }
0x2d3: {  	[sflag:s17] =	ssyncadd.s32 $0xFFFFF000  }
0x2d4: {  	_ =	swait.ge [sflag:s17], $0x1000  }
0x2d5: {  	[sflag:s17] =	ssyncset.done $0x0  }
0x2d6: {  	[sflag:s17] =	ssyncadd.s32 $0xFFFFF000  }
0x2d7: {  	_ =	swait.ge [sflag:s17], $0x1000  }
0x2d8: {  	[sflag:s17] =	ssyncset.done $0x0  }
0x2d9: {  	[sflag:s17] =	ssyncadd.s32 $0xFFFFF000  }
0x2da: {  	_ =	swait.ge [sflag:s17], $0x1000  }
0x2db: {  	[sflag:s17] =	ssyncset.done $0x0  }
0x2dc: {  	[sflag:s17] =	ssyncadd.s32 $0xFFFFF000  }
0x2dd: {  	_ =	swait.ge [sflag:s17], $0x1000  }
0x2de: {  	[sflag:s17] =	ssyncset.done $0x0  }
0x2df: {  	[sflag:s17] =	ssyncadd.s32 $0xFFFFF000  }
0x2e0: {  	_ =	swait.ge [sflag:s17], $0x800  }
0x2e1: {  	[sflag:s17] =	ssyncset.done $0x0  }
0x2e2: {  	s22 =	simm.s32 @!p0 $0x1;
	[sflag:s17] =	ssyncadd.s32 $0xFFFFF800  }
0x2e3: {  	_ =	swait.ge @!p0 [sflag:s22], $0x800  }
0x2e4: {  	s28 =	smov.u32 s29;
	s3 =	sadd.s32 $0x1, s3;
	s29 =	rddreg [dreg:$0x10]  }
0x2e5: {  	p1 =	sne.s32 s3, s29  }
.Ltmp11:
0x2e6: {  	_ = 	snop;
	(pc) =	sbr.rel @p1 .LBB2_1-.Ltmp11, $3  }
0x2e7: {  	[sflag:s22] =	ssyncset.done @!p0 $0x0  }
0x2e8: {  	[sflag:s22] =	ssyncadd.s32 @!p0 $0xFFFFF800  }
0x2e9: {  	[bflag:$0x0] =	sbarrier.arrive $0xFFFF;
	_ =	sdelay $0x1  }
0x2ea: {  	_ =	sfence.sel $0x180000  }
0x2eb: {  	[bflag:$0x0] =	sbarrier.arrive $0xFFFF  }
0x2ec: {  	_ =	strace $0x90000047  }
0x2ed: {  	[bflag:$0x2] =	sbarrier.arrive $0xFFFF  }
0x2ee: {  	s0 =	rddreg [dreg:$0x3]  }
0x2ef: {  	s0 =	sadd.s32 @!p0 $0x100000, s0  }
0x2f0: {  	[sflag:s0] =	ssyncadd.tile.s32 @!p0 $0x1;
	_ =	shalt  }
.Lfunc_end2:
_tile_overlayer_lowered:
.L_overlay_start_2:
0x2f1: {  	(tag) =	ssettag $0x2  }
0x2f2: {  	s0 =	rddreg [dreg:$0x0];
	s2 =	stileid.u32  }
0x2f3: {  	s1 =	rddreg [dreg:$0x1];
	p0 =	sne.s32 s2, $0x0  }
0x2f4: {  	s3 =	rddreg [dreg:$0x2];
	[bflag:$0x3] =	sbarrier.arrive $0xFFFF;
	s2 =	simm.s32 @!p0 $0x1C03  }
0x2f5: {  	[timem:s3], [sflag:s2] =	dma.local @!p0 [hbm:s0], s1  }
0x2f6: {  	s0 =	simm.s32 @!p0 $0x3  }
0x2f7: {  	_ =	swait.ge @!p0 [sflag:s0], s1  }
0x2f8: {  	s1 =	ssub.s32 @!p0 $0x0, s1;
	[sflag:s0] =	ssyncset.done @!p0 $0x0  }
0x2f9: {  	[sflag:s0] =	ssyncadd.s32 @!p0 s1  }
0x2fa: {  	[bflag:$0x3] =	sbarrier.arrive $0xFFFF  }
0x2fb: {  	_ =	shalt  }

</sc_bundles>
